<compile_context>
chip_gen: v7x
topology: tpu7x:2x2x1
jax: 0.10.2.dev20260603
libtpu: 0.0.44.dev20260713+nightly
codegen_flags: <defaults>
</compile_context>

<pallas_src>
import jax
import jax.numpy as jnp
from jax import lax
from jax.experimental import pallas as pl
from jax.experimental.pallas import tpu as pltpu
from jax.experimental.pallas import tpu_sc as plsc

N = 10000
E = 320000
F_IN = 128
H = 128
C_OUT = 47
D2 = 48

NC = 2
NS = 16
NW = NC * NS
LANES = 16

N_PAD = 10240
ROWS_PER_TILE = N_PAD // NS

def _zero_fill(buf, rows, d):
    zero = jnp.zeros((LANES,), jnp.float32)

    @pl.loop(0, rows)
    def _(i):
        @pl.loop(0, d // LANES)
        def _(j):
            buf[i, pl.ds(j * LANES, LANES)] = zero


def _zero_stripe(buf, rows, acc, r0):
    @pl.loop(0, ROWS_PER_TILE // rows)
    def _(k):
        pltpu.sync_copy(buf.at[pl.ds(0, rows)],
                        acc.at[pl.ds(r0 + k * rows, rows)])


def _pack_ei(edge_index, chunk):
    nck = E // chunk
    e3 = edge_index.reshape(2, nck, chunk).transpose(1, 0, 2)
    return jnp.pad(e3.reshape(2 * nck, chunk), ((0, 8), (0, 0)))


UNROLL = 16
NBAT = 4


def _make_sc_agg(d, nbuf, chunk=128):
    assert UNROLL % nbuf == 0 and d % LANES == 0
    nchunks = E // chunk
    base_ch = nchunks // NW
    extra_ch = nchunks - base_ch * NW
    max_ch = base_ch + 1

    mesh = plsc.VectorSubcoreMesh(core_axis_name="c", subcore_axis_name="s")
    out_type = [jax.ShapeDtypeStruct((NC, N_PAD, d), jnp.float32)]
    scratch = (
        [pltpu.VMEM_SHARED((N_PAD, d), jnp.float32)]
        + [pltpu.VMEM((chunk, d), jnp.float32) for _ in range(nbuf)]
        + [pltpu.VMEM((8, chunk), jnp.int32) for _ in range(NBAT)]
        + [pltpu.SemaphoreType.DMA for _ in range(2 * nbuf + NBAT)]
    )

    def body(xw, ei, agg_out, acc, *refs):
        rows = refs[:nbuf]
        idxb = refs[nbuf:nbuf + NBAT]
        sem_g = refs[nbuf + NBAT:2 * nbuf + NBAT]
        sem_s = refs[2 * nbuf + NBAT:3 * nbuf + NBAT]
        sem_i = refs[3 * nbuf + NBAT:]
        c = lax.axis_index("c")
        s = lax.axis_index("s")
        wid = c * NS + s
        nch = (base_ch + jnp.where(wid < extra_ch, 1, 0)
               if extra_ch else base_ch)
        start_w = wid * base_ch + jnp.minimum(wid, extra_ch)

        _zero_fill(rows[0], 128, d)
        r0 = s * ROWS_PER_TILE
        _zero_stripe(rows[0], 128, acc, r0)
        plsc.subcore_barrier()

        def issue_batch(k_first, ring):
            base = 2 * (start_w + k_first)
            pltpu.async_copy(ei.at[pl.ds(base, 8)], idxb[ring], sem_i[ring])

        def wait_batch(k_first, ring):
            base = 2 * (start_w + k_first)
            pltpu.make_async_copy(ei.at[pl.ds(base, 8)], idxb[ring],
                                  sem_i[ring]).wait()

        def _sidx(ring, t):
            return idxb[ring].at[2 * t]

        def _didx(ring, t):
            return idxb[ring].at[2 * t + 1]

        def issue_gather(b, ring, t):
            pltpu.async_copy(xw.at[_sidx(ring, t)], rows[b], sem_g[b])

        def wait_gather(b, ring, t):
            pltpu.make_async_copy(xw.at[_sidx(ring, t)], rows[b],
                                  sem_g[b]).wait()

        def issue_scatter(b, ring, t):
            pltpu.async_copy(rows[b], acc.at[_didx(ring, t)],
                             sem_s[b], add=True)

        def wait_scatter(b, ring, t):
            pltpu.make_async_copy(rows[b], acc.at[_didx(ring, t)],
                                  sem_s[b]).wait()

        issue_batch(0, 0)
        issue_batch(4, 1)
        wait_batch(0, 0)
        issue_gather(0, 0, 0)

        nouter = (max_ch + nbuf + UNROLL - 1) // UNROLL

        @pl.loop(0, nouter)
        def _(io):
            k0 = io * UNROLL
            for j in range(UNROLL):
                k = k0 + j
                b = j % nbuf
                ring = (j // 4) % NBAT
                t = j % 4
                jn = (j + 1) % UNROLL
                jp = (j + 1 - nbuf) % UNROLL

                @pl.when(k < nch)
                def _():
                    wait_gather(b, ring, t)
                    issue_scatter(b, ring, t)

                @pl.when((k + 1 - nbuf >= 0) & (k + 1 - nbuf < nch))
                def _():
                    wait_scatter((j + 1) % nbuf, (jp // 4) % NBAT, jp % 4)

                if (j + 1) % 4 == 0:
                    @pl.when(k + 1 < nch)
                    def _():
                        wait_batch(k + 1, (jn // 4) % NBAT)

                    @pl.when(k + 5 < nch)
                    def _():
                        issue_batch(k + 5, ((j + 1) // 4 + 1) % NBAT)

                @pl.when(k + 1 < nch)
                def _():
                    issue_gather((j + 1) % nbuf, (jn // 4) % NBAT, jn % 4)

        plsc.subcore_barrier()

        pltpu.sync_copy(acc.at[pl.ds(r0, ROWS_PER_TILE)],
                        agg_out.at[c, pl.ds(r0, ROWS_PER_TILE)])

    return pl.kernel(
        body, out_type=out_type, mesh=mesh, scratch_types=scratch,
        compiler_params=pltpu.CompilerParams(use_tc_tiling_on_sc=False))


def _make_sc_deg(chunk=512, nsem=4, nidx=8):
    nchunks = E // chunk
    base_ch = nchunks // NW
    extra_ch = nchunks - base_ch * NW
    max_ch = base_ch + 1
    mesh = plsc.VectorSubcoreMesh(core_axis_name="c", subcore_axis_name="s")
    out_type = [jax.ShapeDtypeStruct((NC, N_PAD, LANES), jnp.float32)]
    scratch = (
        [pltpu.VMEM_SHARED((N_PAD, LANES), jnp.float32)]
        + [pltpu.VMEM((chunk, LANES), jnp.float32)]
        + [pltpu.VMEM((chunk,), jnp.int32) for _ in range(nidx)]
        + [pltpu.SemaphoreType.DMA for _ in range(nsem + nidx)]
    )

    def body(ei, deg_out, dacc, ones, *refs):
        idx = refs[:nidx]
        sem_s = refs[nidx:nidx + nsem]
        sem_i = refs[nidx + nsem:]
        c = lax.axis_index("c")
        s = lax.axis_index("s")
        wid = c * NS + s
        nch = (base_ch + jnp.where(wid < extra_ch, 1, 0)
               if extra_ch else base_ch)
        start_w = wid * base_ch + jnp.minimum(wid, extra_ch)

        _zero_fill(ones, 128, LANES)
        r0 = s * ROWS_PER_TILE
        _zero_stripe(ones, 128, dacc, r0)

        one = jnp.zeros((LANES,), jnp.float32) + 1.0

        @pl.loop(0, chunk)
        def _(i):
            ones[i, pl.ds(0, LANES)] = one

        plsc.subcore_barrier()

        def issue_idx(k, ib):
            pltpu.async_copy(ei.at[2 * (start_w + k) + 1], idx[ib],
                             sem_i[ib])

        def wait_idx(k, ib):
            pltpu.make_async_copy(ei.at[2 * (start_w + k) + 1], idx[ib],
                                  sem_i[ib]).wait()

        def issue_scatter(sb, ib):
            pltpu.async_copy(ones, dacc.at[idx[ib]], sem_s[sb], add=True)

        def wait_scatter(sb, ib):
            pltpu.make_async_copy(ones, dacc.at[idx[ib]], sem_s[sb]).wait()

        issue_idx(0, 0)
        issue_idx(1, 1)

        nouter = (max_ch + nsem + nidx - 1) // nidx

        @pl.loop(0, nouter)
        def _(io):
            k0 = io * nidx
            for j in range(nidx):
                k = k0 + j
                sb = j % nsem

                @pl.when((k >= nsem) & (k - nsem < nch))
                def _():
                    wait_scatter(sb, (j - nsem) % nidx)

                @pl.when(k < nch)
                def _():
                    wait_idx(k, j)
                    issue_scatter(sb, j)

                @pl.when(k + 2 < nch)
                def _():
                    issue_idx(k + 2, (j + 2) % nidx)

        plsc.subcore_barrier()
        pltpu.sync_copy(dacc.at[pl.ds(r0, ROWS_PER_TILE)],
                        deg_out.at[c, pl.ds(r0, ROWS_PER_TILE)])

    return pl.kernel(
        body, out_type=out_type, mesh=mesh, scratch_types=scratch,
        compiler_params=pltpu.CompilerParams(use_tc_tiling_on_sc=False))


_sc_agg1 = _make_sc_agg(H, 2, 128)
_sc_agg2 = _make_sc_agg(D2, 2, 512)
_sc_deg = _make_sc_deg()

TC_BLK = 2000


def _lin2_body(x_ref, wl_ref, wr_ref, b_ref, xl_ref, xr_ref):
    x = x_ref[...]
    xl_ref[...] = jnp.dot(x, wl_ref[...], preferred_element_type=jnp.float32)
    xr_ref[...] = (jnp.dot(x, wr_ref[...], preferred_element_type=jnp.float32)
                   + b_ref[...])


def _lin2(x, wl, wr, b):
    return pl.pallas_call(
        _lin2_body,
        grid=(N // TC_BLK,),
        in_specs=[
            pl.BlockSpec((TC_BLK, F_IN), lambda i: (i, 0)),
            pl.BlockSpec((F_IN, H), lambda i: (0, 0)),
            pl.BlockSpec((F_IN, H), lambda i: (0, 0)),
            pl.BlockSpec((1, H), lambda i: (0, 0)),
        ],
        out_specs=[
            pl.BlockSpec((TC_BLK, H), lambda i: (i, 0)),
            pl.BlockSpec((TC_BLK, H), lambda i: (i, 0)),
        ],
        out_shape=[
            jax.ShapeDtypeStruct((N, H), jnp.float32),
            jax.ShapeDtypeStruct((N, H), jnp.float32),
        ],
    )(x, wl, wr, b)


def _mid_body(aggp_ref, degp_ref, xr_ref, w2l_ref, w2r_ref, b2_ref,
              hl_ref, hr_ref):
    agg = aggp_ref[0] + aggp_ref[1]
    deg = degp_ref[0, :, 0:1] + degp_ref[1, :, 0:1]
    h = jnp.maximum(agg / jnp.maximum(deg, 1.0) + xr_ref[...], 0.0)
    zcol = jnp.zeros((H, 1), jnp.float32)
    w2l = jnp.concatenate([w2l_ref[...], zcol], axis=1)
    w2r = jnp.concatenate([w2r_ref[...], zcol], axis=1)
    b2 = jnp.concatenate([b2_ref[...], jnp.zeros((1, 1), jnp.float32)], axis=1)
    hl_ref[...] = jnp.dot(h, w2l, preferred_element_type=jnp.float32)
    hr_ref[...] = jnp.dot(h, w2r, preferred_element_type=jnp.float32) + b2


def _mid(aggp, degp, xr, w2l, w2r, b2):
    return pl.pallas_call(
        _mid_body,
        grid=(N // TC_BLK,),
        in_specs=[
            pl.BlockSpec((NC, TC_BLK, H), lambda i: (0, i, 0)),
            pl.BlockSpec((NC, TC_BLK, LANES), lambda i: (0, i, 0)),
            pl.BlockSpec((TC_BLK, H), lambda i: (i, 0)),
            pl.BlockSpec((H, C_OUT), lambda i: (0, 0)),
            pl.BlockSpec((H, C_OUT), lambda i: (0, 0)),
            pl.BlockSpec((1, C_OUT), lambda i: (0, 0)),
        ],
        out_specs=[
            pl.BlockSpec((TC_BLK, D2), lambda i: (i, 0)),
            pl.BlockSpec((TC_BLK, D2), lambda i: (i, 0)),
        ],
        out_shape=[
            jax.ShapeDtypeStruct((N, D2), jnp.float32),
            jax.ShapeDtypeStruct((N, D2), jnp.float32),
        ],
    )(aggp, degp, xr, w2l, w2r, b2)


def _out_body(aggp_ref, degp_ref, hr_ref, o_ref):
    agg = aggp_ref[0] + aggp_ref[1]
    deg = degp_ref[0, :, 0:1] + degp_ref[1, :, 0:1]
    res = agg / jnp.maximum(deg, 1.0) + hr_ref[...]
    o_ref[...] = res[:, :C_OUT]


def _outk(agg2p, degp, hr):
    return pl.pallas_call(
        _out_body,
        grid=(N // TC_BLK,),
        in_specs=[
            pl.BlockSpec((NC, TC_BLK, D2), lambda i: (0, i, 0)),
            pl.BlockSpec((NC, TC_BLK, LANES), lambda i: (0, i, 0)),
            pl.BlockSpec((TC_BLK, D2), lambda i: (i, 0)),
        ],
        out_specs=pl.BlockSpec((TC_BLK, C_OUT), lambda i: (i, 0)),
        out_shape=jax.ShapeDtypeStruct((N, C_OUT), jnp.float32),
    )(agg2p, degp, hr)


@jax.jit
def kernel(x, edge_index, W1l, W1r, b1, W2l, W2r, b2):
    ei128 = _pack_ei(edge_index, 128)
    ei512 = _pack_ei(edge_index, 512)
    degp, = _sc_deg(ei512)
    xl, xr = _lin2(x, W1l, W1r, b1.reshape(1, H))
    agg1p, = _sc_agg1(xl, ei128)
    hl, hr = _mid(agg1p, degp, xr, W2l, W2r, b2.reshape(1, C_OUT))
    agg2p, = _sc_agg2(hl, ei512)
    return _outk(agg2p, degp, hr)

# --- scband reference (transcript-rebuilt; emitter-appended) ---
"""Pipeline reference for scband-graph-sage-59004260713169 (READ-ONLY COPY).

The authoritative reference and input builder live on the scoring server;
editing this copy changes nothing except your own understanding.
"""

import jax, jax.numpy as jnp
import numpy as np

N = 10000
E = 320000
F_IN = 128
H = 128
C = 47


def setup_inputs(seed: int = 0) -> dict:
    key = jax.random.key(seed)
    ks = jax.random.split(key, 9)
    x = jax.random.normal(ks[0], (N, F_IN), dtype=jnp.float32)
    edge_index = jax.random.randint(ks[1], (2, E), 0, N, dtype=jnp.int32)
    # SAGEConv layer 1: lin_l (applied to aggregated neighbors, has bias), lin_r (applied to root)
    s1 = 1.0 / np.sqrt(F_IN)
    W1l = jax.random.uniform(ks[2], (F_IN, H), dtype=jnp.float32, minval=-s1, maxval=s1)
    W1r = jax.random.uniform(ks[3], (F_IN, H), dtype=jnp.float32, minval=-s1, maxval=s1)
    b1 = jax.random.uniform(ks[4], (H,), dtype=jnp.float32, minval=-s1, maxval=s1)
    # SAGEConv layer 2
    s2 = 1.0 / np.sqrt(H)
    W2l = jax.random.uniform(ks[5], (H, C), dtype=jnp.float32, minval=-s2, maxval=s2)
    W2r = jax.random.uniform(ks[6], (H, C), dtype=jnp.float32, minval=-s2, maxval=s2)
    b2 = jax.random.uniform(ks[7], (C,), dtype=jnp.float32, minval=-s2, maxval=s2)
    return {"x": x, "edge_index": edge_index, "W1l": W1l, "W1r": W1r, "b1": b1,
            "W2l": W2l, "W2r": W2r, "b2": b2}


def _sage_conv(x, edge_index, Wl, Wr, b):
    # PyG SAGEConv with mean aggregation:
    # out = lin_l(mean_{j in N(i)} x_j) + lin_r(x_i)
    src = edge_index[0]
    dst = edge_index[1]
    msgs = jnp.take(x, src, axis=0)                              # gather  [E, d]
    agg = jax.ops.segment_sum(msgs, dst, num_segments=x.shape[0])  # scatter-add [N, d]
    deg = jax.ops.segment_sum(jnp.ones((edge_index.shape[1],), dtype=x.dtype),
                              dst, num_segments=x.shape[0])
    agg = agg / jnp.clip(deg, 1.0, None)[:, None]
    return agg @ Wl + x @ Wr + b


def reference(x, edge_index, W1l, W1r, b1, W2l, W2r, b2):
    h = _sage_conv(x, edge_index, W1l, W1r, b1)
    h = jax.nn.relu(h)
    # F.dropout with training=False (eval mode) is identity
    out = _sage_conv(h, edge_index, W2l, W2r, b2)
    return out

if __name__ == "__main__":
    import jax
    _d = setup_inputs()
    print(jax.jit(kernel)(*tuple(_d.values())))

</pallas_src>

<mosaic_0001>
#map = affine_map<(d0, d1) -> (0, 0)>
#map1 = affine_map<(d0, d1) -> (0, 0, 0)>
module attributes {stable_mosaic.version = 14 : i64} {
  func.func @body(%arg0: i32, %arg1: i32, %arg2: memref<10000x128xf32, #tpu.memory_space<hbm>>, %arg3: memref<5008x128xi32, #tpu.memory_space<hbm>>, %arg4: memref<2x10240x128xf32, #tpu.memory_space<hbm>>, %arg5: memref<10240x128xf32, #tpu.memory_space<vmem_shared>>, %arg6: memref<128x128xf32, #tpu.memory_space<vmem>>, %arg7: memref<128x128xf32, #tpu.memory_space<vmem>>, %arg8: memref<8x128xi32, #tpu.memory_space<vmem>>, %arg9: memref<8x128xi32, #tpu.memory_space<vmem>>, %arg10: memref<8x128xi32, #tpu.memory_space<vmem>>, %arg11: memref<8x128xi32, #tpu.memory_space<vmem>>, %arg12: memref<!tpu.dma_semaphore, #tpu.memory_space<semaphore_mem>>, %arg13: memref<!tpu.dma_semaphore, #tpu.memory_space<semaphore_mem>>, %arg14: memref<!tpu.dma_semaphore, #tpu.memory_space<semaphore_mem>>, %arg15: memref<!tpu.dma_semaphore, #tpu.memory_space<semaphore_mem>>, %arg16: memref<!tpu.dma_semaphore, #tpu.memory_space<semaphore_mem>>, %arg17: memref<!tpu.dma_semaphore, #tpu.memory_space<semaphore_mem>>, %arg18: memref<!tpu.dma_semaphore, #tpu.memory_space<semaphore_mem>>, %arg19: memref<!tpu.dma_semaphore, #tpu.memory_space<semaphore_mem>>) attributes {dimension_semantics = [#tpu.dimension_semantics<core_parallel>, #tpu.dimension_semantics<subcore_parallel>], iteration_bounds = array<i64: 2, 16>, scalar_prefetch = 0 : i64, scratch_operands = 15 : i64, tpu.core_type = #tpu.core_type<sc_vector_subcore>, window_params = [{transform_indices = #map}, {transform_indices = #map}, {transform_indices = #map1}]} {
    %mul3A = arith.constant 16 : i32
    %mul3A_0 = arith.muli %arg0, %mul3A : i32
    %add3A = arith.addi %mul3A_0, %arg1 : i32
    %lt3A = arith.constant 4 : i32
    %lt3A_1 = arith.cmpi slt, %add3A, %lt3A : i32
    %jit3A = arith.constant 1 : i32
    %jit3A_2 = arith.constant 0 : i32
    %select_n3A = arith.select %lt3A_1, %jit3A, %jit3A_2 : i32
    %add3A_3 = arith.constant 78 : i32
    %add3A_4 = arith.addi %add3A_3, %select_n3A : i32
    %mul3A_5 = arith.constant 78 : i32
    %mul3A_6 = arith.muli %add3A, %mul3A_5 : i32
    %min3A = arith.constant 4 : i32
    %min3A_7 = arith.minsi %add3A, %min3A : i32
    %add3A_8 = arith.addi %mul3A_6, %min3A_7 : i32
    %broadcast_in_dim3A = arith.constant 0.000000e+00 : f32
    %broadcast_in_dim3A_9 = vector.broadcast %broadcast_in_dim3A : f32 to vector<16xf32>
    %scan3A = arith.constant 0 : i32
    %scan3A_10 = arith.constant 128 : i32
    %scan3A_11 = arith.addi %scan3A, %scan3A_10 : i32
    %scan3A_12 = arith.constant 1 : i32
    scf.for %scan3A_56 = %scan3A to %scan3A_11 step %scan3A_12  : i32 {
      %mul3A_57 = arith.constant 1 : i32
      %mul3A_58 = arith.muli %scan3A_56, %mul3A_57 : i32
      %add3A_59 = arith.constant 0 : i32
      %add3A_60 = arith.addi %add3A_59, %mul3A_58 : i32
      %scan3A_61 = arith.constant 0 : i32
      %scan3A_62 = arith.constant 8 : i32
      %scan3A_63 = arith.addi %scan3A_61, %scan3A_62 : i32
      %scan3A_64 = arith.constant 1 : i32
      scf.for %scan3A_66 = %scan3A_61 to %scan3A_63 step %scan3A_64  : i32 {
        %mul3A_67 = arith.constant 1 : i32
        %mul3A_68 = arith.muli %scan3A_66, %mul3A_67 : i32
        %add3A_69 = arith.constant 0 : i32
        %add3A_70 = arith.addi %add3A_69, %mul3A_68 : i32
        %mul3A_71 = arith.constant 16 : i32
        %mul3A_72 = arith.muli %add3A_70, %mul3A_71 : i32
        %swap3A = arith.index_cast %add3A_60 : i32 to index
        %swap3A_73 = arith.index_cast %mul3A_72 : i32 to index
        %swap3A_74 = tpu.vector_load %arg6[%swap3A, %swap3A_73] {strides = array<i32>} : memref<128x128xf32, #tpu.memory_space<vmem>>, vector<1x16xf32>,
        %swap3A_75 = vector.shape_cast %swap3A_74 : vector<1x16xf32> to vector<16xf32>
        %swap3A_76 = vector.shape_cast %broadcast_in_dim3A_9 : vector<16xf32> to vector<1x16xf32>
        tpu.vector_store %arg6[%swap3A, %swap3A_73], %swap3A_76 {strides = array<i32>} : memref<128x128xf32, #tpu.memory_space<vmem>>, vector<1x16xf32>,
      }
      %scan3A_65 = arith.constant 8 : i32
    }
    %scan3A_13 = arith.constant 128 : i32
    %mul3A_14 = arith.constant 640 : i32
    %mul3A_15 = arith.muli %arg1, %mul3A_14 : i32
    %scan3A_16 = arith.constant 0 : i32
    %scan3A_17 = arith.constant 5 : i32
    %scan3A_18 = arith.addi %scan3A_16, %scan3A_17 : i32
    %scan3A_19 = arith.constant 1 : i32
    scf.for %scan3A_56 = %scan3A_16 to %scan3A_18 step %scan3A_19  : i32 {
      %mul3A_57 = arith.constant 1 : i32
      %mul3A_58 = arith.muli %scan3A_56, %mul3A_57 : i32
      %add3A_59 = arith.constant 0 : i32
      %add3A_60 = arith.addi %add3A_59, %mul3A_58 : i32
      %mul3A_61 = arith.constant 128 : i32
      %mul3A_62 = arith.muli %add3A_60, %mul3A_61 : i32
      %add3A_63 = arith.addi %mul3A_15, %mul3A_62 : i32
      "tpu.region"() ({
        %run_scoped3A = tpu.sem_alloc : memref<!tpu.dma_semaphore, #tpu.memory_space<semaphore_mem>>
        %dma_start3A_64 = arith.constant 0 : i32
        %dma_start3A_65 = arith.constant 0 : i32
        %dma_start3A_66 = tpu.memref_slice %arg6[%dma_start3A_64, %dma_start3A_65] : memref<128x128xf32, #tpu.memory_space<vmem>> -> memref<128x128xf32, #tpu.memory_space<vmem>>
        %dma_start3A_67 = arith.constant 0 : i32
        %dma_start3A_68 = tpu.memref_slice %arg5[%add3A_63, %dma_start3A_67] : memref<10240x128xf32, #tpu.memory_space<vmem_shared>> -> memref<128x128xf32, #tpu.memory_space<vmem_shared>>
        %dma_start3A_69 = arith.constant 0 : i32
        %dma_start3A_70 = tpu.memref_slice %arg5[%add3A_63, %dma_start3A_69] : memref<10240x128xf32, #tpu.memory_space<vmem_shared>> -> memref<128x128xf32, #tpu.memory_space<vmem_shared>>
        %dma_start3A_71 = arith.constant 0 : i32
        %dma_start3A_72 = arith.constant 0 : i32
        %dma_start3A_73 = tpu.memref_slice %arg6[%dma_start3A_71, %dma_start3A_72] : memref<128x128xf32, #tpu.memory_space<vmem>> -> memref<128x128xf32, #tpu.memory_space<vmem>>
        tpu.enqueue_dma source(%dma_start3A_73 : memref<128x128xf32, #tpu.memory_space<vmem>>) target(%dma_start3A_70 : memref<128x128xf32, #tpu.memory_space<vmem_shared>>) target_semaphore(%run_scoped3A : memref<!tpu.dma_semaphore, #tpu.memory_space<semaphore_mem>>)
        %dma_wait3A_74 = arith.constant 0 : i32
        %dma_wait3A_75 = arith.constant 0 : i32
        %dma_wait3A_76 = tpu.memref_slice %arg6[%dma_wait3A_74, %dma_wait3A_75] : memref<128x128xf32, #tpu.memory_space<vmem>> -> memref<128x128xf32, #tpu.memory_space<vmem>>
        %dma_wait3A_77 = arith.constant 0 : i32
        %dma_wait3A_78 = tpu.memref_slice %arg5[%add3A_63, %dma_wait3A_77] : memref<10240x128xf32, #tpu.memory_space<vmem_shared>> -> memref<128x128xf32, #tpu.memory_space<vmem_shared>>
        %dma_wait3A_79 = arith.constant 0 : i32
        %dma_wait3A_80 = tpu.memref_slice %arg5[%add3A_63, %dma_wait3A_79] : memref<10240x128xf32, #tpu.memory_space<vmem_shared>> -> memref<128x128xf32, #tpu.memory_space<vmem_shared>>
        %dma_wait3A_81 = arith.constant 0 : i32
        %dma_wait3A_82 = arith.constant 0 : i32
        %dma_wait3A_83 = tpu.memref_slice %arg6[%dma_wait3A_81, %dma_wait3A_82] : memref<128x128xf32, #tpu.memory_space<vmem>> -> memref<128x128xf32, #tpu.memory_space<vmem>>
        tpu.wait_dma2 semaphore(%run_scoped3A : memref<!tpu.dma_semaphore, #tpu.memory_space<semaphore_mem>>) src(%dma_wait3A_83 : memref<128x128xf32, #tpu.memory_space<vmem>>) dst(%dma_wait3A_80 : memref<128x128xf32, #tpu.memory_space<vmem_shared>>)
        tpu.yield
      }) : () -> ()
    }
    %scan3A_20 = arith.constant 5 : i32
    %barrier3A = arith.constant 0 : index
    tpu.barrier barrier_id(%barrier3A)
    %add3A_21 = arith.constant 0 : i32
    %add3A_22 = arith.addi %add3A_8, %add3A_21 : i32
    %mul3A_23 = arith.constant 2 : i32
    %mul3A_24 = arith.muli %mul3A_23, %add3A_22 : i32
    %dma_start3A = arith.constant 0 : i32
    %dma_start3A_25 = tpu.memref_slice %arg3[%mul3A_24, %dma_start3A] : memref<5008x128xi32, #tpu.memory_space<hbm>> -> memref<8x128xi32, #tpu.memory_space<hbm>>
    %dma_start3A_26 = arith.constant 0 : i32
    %dma_start3A_27 = tpu.memref_slice %arg3[%mul3A_24, %dma_start3A_26] : memref<5008x128xi32, #tpu.memory_space<hbm>> -> memref<8x128xi32, #tpu.memory_space<hbm>>
    tpu.enqueue_dma source(%dma_start3A_27 : memref<8x128xi32, #tpu.memory_space<hbm>>) target(%arg8 : memref<8x128xi32, #tpu.memory_space<vmem>>) target_semaphore(%arg16 : memref<!tpu.dma_semaphore, #tpu.memory_space<semaphore_mem>>)
    %add3A_28 = arith.constant 4 : i32
    %add3A_29 = arith.addi %add3A_8, %add3A_28 : i32
    %mul3A_30 = arith.constant 2 : i32
    %mul3A_31 = arith.muli %mul3A_30, %add3A_29 : i32
    %dma_start3A_32 = arith.constant 0 : i32
    %dma_start3A_33 = tpu.memref_slice %arg3[%mul3A_31, %dma_start3A_32] : memref<5008x128xi32, #tpu.memory_space<hbm>> -> memref<8x128xi32, #tpu.memory_space<hbm>>
    %dma_start3A_34 = arith.constant 0 : i32
    %dma_start3A_35 = tpu.memref_slice %arg3[%mul3A_31, %dma_start3A_34] : memref<5008x128xi32, #tpu.memory_space<hbm>> -> memref<8x128xi32, #tpu.memory_space<hbm>>
    tpu.enqueue_dma source(%dma_start3A_35 : memref<8x128xi32, #tpu.memory_space<hbm>>) target(%arg9 : memref<8x128xi32, #tpu.memory_space<vmem>>) target_semaphore(%arg17 : memref<!tpu.dma_semaphore, #tpu.memory_space<semaphore_mem>>)
    %add3A_36 = arith.constant 0 : i32
    %add3A_37 = arith.addi %add3A_8, %add3A_36 : i32
    %mul3A_38 = arith.constant 2 : i32
    %mul3A_39 = arith.muli %mul3A_38, %add3A_37 : i32
    %dma_wait3A = arith.constant 0 : i32
    %dma_wait3A_40 = tpu.memref_slice %arg3[%mul3A_39, %dma_wait3A] : memref<5008x128xi32, #tpu.memory_space<hbm>> -> memref<8x128xi32, #tpu.memory_space<hbm>>
    %dma_wait3A_41 = arith.constant 0 : i32
    %dma_wait3A_42 = tpu.memref_slice %arg3[%mul3A_39, %dma_wait3A_41] : memref<5008x128xi32, #tpu.memory_space<hbm>> -> memref<8x128xi32, #tpu.memory_space<hbm>>
    tpu.wait_dma2 semaphore(%arg16 : memref<!tpu.dma_semaphore, #tpu.memory_space<semaphore_mem>>) src(%dma_wait3A_42 : memref<8x128xi32, #tpu.memory_space<hbm>>) dst(%arg8 : memref<8x128xi32, #tpu.memory_space<vmem>>)
    %dma_start3A_43 = arith.constant 0 : i32
    %dma_start3A_44 = arith.constant 0 : i32
    %dma_start3A_45 = tpu.memref_slice %arg8[%dma_start3A_43, %dma_start3A_44] : memref<8x128xi32, #tpu.memory_space<vmem>> -> memref<1x128xi32, #tpu.memory_space<vmem>>
    %dma_start3A_46 = tpu.memref_squeeze %dma_start3A_45 : memref<1x128xi32, #tpu.memory_space<vmem>> -> memref<128xi32, #tpu.memory_space<vmem>>
    %dma_start3A_47 = arith.constant 0 : i32
    %dma_start3A_48 = arith.constant 0 : i32
    %dma_start3A_49 = tpu.memref_slice %arg2[%dma_start3A_47, %dma_start3A_48] : memref<10000x128xf32, #tpu.memory_space<hbm>> -> memref<10000x128xf32, #tpu.memory_space<hbm>>
    tpu.enqueue_indirect_dma source(%dma_start3A_49 : memref<10000x128xf32, #tpu.memory_space<hbm>>) target(%arg6 : memref<128x128xf32, #tpu.memory_space<vmem>>) offsets(%dma_start3A_46 : memref<128xi32, #tpu.memory_space<vmem>>) semaphore(%arg12 : memref<!tpu.dma_semaphore, #tpu.memory_space<semaphore_mem>>)
    %scan3A_50 = arith.constant 0 : i32
    %scan3A_51 = arith.constant 6 : i32
    %scan3A_52 = arith.addi %scan3A_50, %scan3A_51 : i32
    %scan3A_53 = arith.constant 1 : i32
    scf.for %scan3A_56 = %scan3A_50 to %scan3A_52 step %scan3A_53  : i32 {
      %mul3A_57 = arith.constant 1 : i32
      %mul3A_58 = arith.muli %scan3A_56, %mul3A_57 : i32
      %add3A_59 = arith.constant 0 : i32
      %add3A_60 = arith.addi %add3A_59, %mul3A_58 : i32
      %mul3A_61 = arith.constant 16 : i32
      %mul3A_62 = arith.muli %add3A_60, %mul3A_61 : i32
      %add3A_63 = arith.constant 0 : i32
      %add3A_64 = arith.addi %mul3A_62, %add3A_63 : i32
      %lt3A_65 = arith.cmpi slt, %add3A_64, %add3A_4 : i32
      %convert_element_type3A = arith.extui %lt3A_65 : i1 to i32
      %cond3A = arith.constant 0 : i32
      %cond3A_66 = arith.cmpi ne, %convert_element_type3A, %cond3A : i32
      scf.if %cond3A_66 {
        %dma_wait3A_538 = arith.constant 0 : i32
        %dma_wait3A_539 = arith.constant 0 : i32
        %dma_wait3A_540 = tpu.memref_slice %arg8[%dma_wait3A_538, %dma_wait3A_539] : memref<8x128xi32, #tpu.memory_space<vmem>> -> memref<1x128xi32, #tpu.memory_space<vmem>>
        %dma_wait3A_541 = tpu.memref_squeeze %dma_wait3A_540 : memref<1x128xi32, #tpu.memory_space<vmem>> -> memref<128xi32, #tpu.memory_space<vmem>>
        %dma_wait3A_542 = arith.constant 0 : i32
        %dma_wait3A_543 = arith.constant 0 : i32
        %dma_wait3A_544 = tpu.memref_slice %arg2[%dma_wait3A_542, %dma_wait3A_543] : memref<10000x128xf32, #tpu.memory_space<hbm>> -> memref<10000x128xf32, #tpu.memory_space<hbm>>
        tpu.wait_indirect_dma semaphore(%arg12 : memref<!tpu.dma_semaphore, #tpu.memory_space<semaphore_mem>>) src(%dma_wait3A_544 : memref<10000x128xf32, #tpu.memory_space<hbm>>) dst(%arg6 : memref<128x128xf32, #tpu.memory_space<vmem>>)
        %dma_start3A_545 = arith.constant 1 : i32
        %dma_start3A_546 = arith.constant 0 : i32
        %dma_start3A_547 = tpu.memref_slice %arg8[%dma_start3A_545, %dma_start3A_546] : memref<8x128xi32, #tpu.memory_space<vmem>> -> memref<1x128xi32, #tpu.memory_space<vmem>>
        %dma_start3A_548 = tpu.memref_squeeze %dma_start3A_547 : memref<1x128xi32, #tpu.memory_space<vmem>> -> memref<128xi32, #tpu.memory_space<vmem>>
        %dma_start3A_549 = arith.constant 0 : i32
        %dma_start3A_550 = arith.constant 0 : i32
        %dma_start3A_551 = tpu.memref_slice %arg5[%dma_start3A_549, %dma_start3A_550] : memref<10240x128xf32, #tpu.memory_space<vmem_shared>> -> memref<10240x128xf32, #tpu.memory_space<vmem_shared>>
        tpu.enqueue_indirect_dma source(%arg6 : memref<128x128xf32, #tpu.memory_space<vmem>>) target(%dma_start3A_551 : memref<10240x128xf32, #tpu.memory_space<vmem_shared>>) offsets(%dma_start3A_548 : memref<128xi32, #tpu.memory_space<vmem>>) semaphore(%arg14 : memref<!tpu.dma_semaphore, #tpu.memory_space<semaphore_mem>>) {add = true}
      } else {
      }
      %add3A_67 = arith.constant 1 : i32
      %add3A_68 = arith.addi %add3A_64, %add3A_67 : i32
      %sub3A = arith.constant 2 : i32
      %sub3A_69 = arith.subi %add3A_68, %sub3A : i32
      %ge3A = arith.constant 0 : i32
      %ge3A_70 = arith.cmpi sge, %sub3A_69, %ge3A : i32
      %add3A_71 = arith.constant 1 : i32
      %add3A_72 = arith.addi %add3A_64, %add3A_71 : i32
      %sub3A_73 = arith.constant 2 : i32
      %sub3A_74 = arith.subi %add3A_72, %sub3A_73 : i32
      %lt3A_75 = arith.cmpi slt, %sub3A_74, %add3A_4 : i32
      %and3A = arith.andi %ge3A_70, %lt3A_75 : i1
      %convert_element_type3A_76 = arith.extui %and3A : i1 to i32
      %cond3A_77 = arith.constant 0 : i32
      %cond3A_78 = arith.cmpi ne, %convert_element_type3A_76, %cond3A_77 : i32
      scf.if %cond3A_78 {
        %dma_wait3A_538 = arith.constant 7 : i32
        %dma_wait3A_539 = arith.constant 0 : i32
        %dma_wait3A_540 = tpu.memref_slice %arg11[%dma_wait3A_538, %dma_wait3A_539] : memref<8x128xi32, #tpu.memory_space<vmem>> -> memref<1x128xi32, #tpu.memory_space<vmem>>
        %dma_wait3A_541 = tpu.memref_squeeze %dma_wait3A_540 : memref<1x128xi32, #tpu.memory_space<vmem>> -> memref<128xi32, #tpu.memory_space<vmem>>
        %dma_wait3A_542 = arith.constant 0 : i32
        %dma_wait3A_543 = arith.constant 0 : i32
        %dma_wait3A_544 = tpu.memref_slice %arg5[%dma_wait3A_542, %dma_wait3A_543] : memref<10240x128xf32, #tpu.memory_space<vmem_shared>> -> memref<10240x128xf32, #tpu.memory_space<vmem_shared>>
        tpu.wait_indirect_dma semaphore(%arg15 : memref<!tpu.dma_semaphore, #tpu.memory_space<semaphore_mem>>) src(%arg7 : memref<128x128xf32, #tpu.memory_space<vmem>>) dst(%dma_wait3A_544 : memref<10240x128xf32, #tpu.memory_space<vmem_shared>>)
      } else {
      }
      %add3A_79 = arith.constant 1 : i32
      %add3A_80 = arith.addi %add3A_64, %add3A_79 : i32
      %lt3A_81 = arith.cmpi slt, %add3A_80, %add3A_4 : i32
      %convert_element_type3A_82 = arith.extui %lt3A_81 : i1 to i32
      %cond3A_83 = arith.constant 0 : i32
      %cond3A_84 = arith.cmpi ne, %convert_element_type3A_82, %cond3A_83 : i32
      scf.if %cond3A_84 {
        %dma_start3A_538 = arith.constant 2 : i32
        %dma_start3A_539 = arith.constant 0 : i32
        %dma_start3A_540 = tpu.memref_slice %arg8[%dma_start3A_538, %dma_start3A_539] : memref<8x128xi32, #tpu.memory_space<vmem>> -> memref<1x128xi32, #tpu.memory_space<vmem>>
        %dma_start3A_541 = tpu.memref_squeeze %dma_start3A_540 : memref<1x128xi32, #tpu.memory_space<vmem>> -> memref<128xi32, #tpu.memory_space<vmem>>
        %dma_start3A_542 = arith.constant 0 : i32
        %dma_start3A_543 = arith.constant 0 : i32
        %dma_start3A_544 = tpu.memref_slice %arg2[%dma_start3A_542, %dma_start3A_543] : memref<10000x128xf32, #tpu.memory_space<hbm>> -> memref<10000x128xf32, #tpu.memory_space<hbm>>
        tpu.enqueue_indirect_dma source(%dma_start3A_544 : memref<10000x128xf32, #tpu.memory_space<hbm>>) target(%arg7 : memref<128x128xf32, #tpu.memory_space<vmem>>) offsets(%dma_start3A_541 : memref<128xi32, #tpu.memory_space<vmem>>) semaphore(%arg13 : memref<!tpu.dma_semaphore, #tpu.memory_space<semaphore_mem>>)
      } else {
      }
      %add3A_85 = arith.constant 1 : i32
      %add3A_86 = arith.addi %mul3A_62, %add3A_85 : i32
      %lt3A_87 = arith.cmpi slt, %add3A_86, %add3A_4 : i32
      %convert_element_type3A_88 = arith.extui %lt3A_87 : i1 to i32
      %cond3A_89 = arith.constant 0 : i32
      %cond3A_90 = arith.cmpi ne, %convert_element_type3A_88, %cond3A_89 : i32
      scf.if %cond3A_90 {
        %dma_wait3A_538 = arith.constant 2 : i32
        %dma_wait3A_539 = arith.constant 0 : i32
        %dma_wait3A_540 = tpu.memref_slice %arg8[%dma_wait3A_538, %dma_wait3A_539] : memref<8x128xi32, #tpu.memory_space<vmem>> -> memref<1x128xi32, #tpu.memory_space<vmem>>
        %dma_wait3A_541 = tpu.memref_squeeze %dma_wait3A_540 : memref<1x128xi32, #tpu.memory_space<vmem>> -> memref<128xi32, #tpu.memory_space<vmem>>
        %dma_wait3A_542 = arith.constant 0 : i32
        %dma_wait3A_543 = arith.constant 0 : i32
        %dma_wait3A_544 = tpu.memref_slice %arg2[%dma_wait3A_542, %dma_wait3A_543] : memref<10000x128xf32, #tpu.memory_space<hbm>> -> memref<10000x128xf32, #tpu.memory_space<hbm>>
        tpu.wait_indirect_dma semaphore(%arg13 : memref<!tpu.dma_semaphore, #tpu.memory_space<semaphore_mem>>) src(%dma_wait3A_544 : memref<10000x128xf32, #tpu.memory_space<hbm>>) dst(%arg7 : memref<128x128xf32, #tpu.memory_space<vmem>>)
        %dma_start3A_545 = arith.constant 3 : i32
        %dma_start3A_546 = arith.constant 0 : i32
        %dma_start3A_547 = tpu.memref_slice %arg8[%dma_start3A_545, %dma_start3A_546] : memref<8x128xi32, #tpu.memory_space<vmem>> -> memref<1x128xi32, #tpu.memory_space<vmem>>
        %dma_start3A_548 = tpu.memref_squeeze %dma_start3A_547 : memref<1x128xi32, #tpu.memory_space<vmem>> -> memref<128xi32, #tpu.memory_space<vmem>>
        %dma_start3A_549 = arith.constant 0 : i32
        %dma_start3A_550 = arith.constant 0 : i32
        %dma_start3A_551 = tpu.memref_slice %arg5[%dma_start3A_549, %dma_start3A_550] : memref<10240x128xf32, #tpu.memory_space<vmem_shared>> -> memref<10240x128xf32, #tpu.memory_space<vmem_shared>>
        tpu.enqueue_indirect_dma source(%arg7 : memref<128x128xf32, #tpu.memory_space<vmem>>) target(%dma_start3A_551 : memref<10240x128xf32, #tpu.memory_space<vmem_shared>>) offsets(%dma_start3A_548 : memref<128xi32, #tpu.memory_space<vmem>>) semaphore(%arg15 : memref<!tpu.dma_semaphore, #tpu.memory_space<semaphore_mem>>) {add = true}
      } else {
      }
      %add3A_91 = arith.constant 1 : i32
      %add3A_92 = arith.addi %add3A_86, %add3A_91 : i32
      %sub3A_93 = arith.constant 2 : i32
      %sub3A_94 = arith.subi %add3A_92, %sub3A_93 : i32
      %ge3A_95 = arith.constant 0 : i32
      %ge3A_96 = arith.cmpi sge, %sub3A_94, %ge3A_95 : i32
      %add3A_97 = arith.constant 1 : i32
      %add3A_98 = arith.addi %add3A_86, %add3A_97 : i32
      %sub3A_99 = arith.constant 2 : i32
      %sub3A_100 = arith.subi %add3A_98, %sub3A_99 : i32
      %lt3A_101 = arith.cmpi slt, %sub3A_100, %add3A_4 : i32
      %and3A_102 = arith.andi %ge3A_96, %lt3A_101 : i1
      %convert_element_type3A_103 = arith.extui %and3A_102 : i1 to i32
      %cond3A_104 = arith.constant 0 : i32
      %cond3A_105 = arith.cmpi ne, %convert_element_type3A_103, %cond3A_104 : i32
      scf.if %cond3A_105 {
        %dma_wait3A_538 = arith.constant 1 : i32
        %dma_wait3A_539 = arith.constant 0 : i32
        %dma_wait3A_540 = tpu.memref_slice %arg8[%dma_wait3A_538, %dma_wait3A_539] : memref<8x128xi32, #tpu.memory_space<vmem>> -> memref<1x128xi32, #tpu.memory_space<vmem>>
        %dma_wait3A_541 = tpu.memref_squeeze %dma_wait3A_540 : memref<1x128xi32, #tpu.memory_space<vmem>> -> memref<128xi32, #tpu.memory_space<vmem>>
        %dma_wait3A_542 = arith.constant 0 : i32
        %dma_wait3A_543 = arith.constant 0 : i32
        %dma_wait3A_544 = tpu.memref_slice %arg5[%dma_wait3A_542, %dma_wait3A_543] : memref<10240x128xf32, #tpu.memory_space<vmem_shared>> -> memref<10240x128xf32, #tpu.memory_space<vmem_shared>>
        tpu.wait_indirect_dma semaphore(%arg14 : memref<!tpu.dma_semaphore, #tpu.memory_space<semaphore_mem>>) src(%arg6 : memref<128x128xf32, #tpu.memory_space<vmem>>) dst(%dma_wait3A_544 : memref<10240x128xf32, #tpu.memory_space<vmem_shared>>)
      } else {
      }
      %add3A_106 = arith.constant 1 : i32
      %add3A_107 = arith.addi %add3A_86, %add3A_106 : i32
      %lt3A_108 = arith.cmpi slt, %add3A_107, %add3A_4 : i32
      %convert_element_type3A_109 = arith.extui %lt3A_108 : i1 to i32
      %cond3A_110 = arith.constant 0 : i32
      %cond3A_111 = arith.cmpi ne, %convert_element_type3A_109, %cond3A_110 : i32
      scf.if %cond3A_111 {
        %dma_start3A_538 = arith.constant 4 : i32
        %dma_start3A_539 = arith.constant 0 : i32
        %dma_start3A_540 = tpu.memref_slice %arg8[%dma_start3A_538, %dma_start3A_539] : memref<8x128xi32, #tpu.memory_space<vmem>> -> memref<1x128xi32, #tpu.memory_space<vmem>>
        %dma_start3A_541 = tpu.memref_squeeze %dma_start3A_540 : memref<1x128xi32, #tpu.memory_space<vmem>> -> memref<128xi32, #tpu.memory_space<vmem>>
        %dma_start3A_542 = arith.constant 0 : i32
        %dma_start3A_543 = arith.constant 0 : i32
        %dma_start3A_544 = tpu.memref_slice %arg2[%dma_start3A_542, %dma_start3A_543] : memref<10000x128xf32, #tpu.memory_space<hbm>> -> memref<10000x128xf32, #tpu.memory_space<hbm>>
        tpu.enqueue_indirect_dma source(%dma_start3A_544 : memref<10000x128xf32, #tpu.memory_space<hbm>>) target(%arg6 : memref<128x128xf32, #tpu.memory_space<vmem>>) offsets(%dma_start3A_541 : memref<128xi32, #tpu.memory_space<vmem>>) semaphore(%arg12 : memref<!tpu.dma_semaphore, #tpu.memory_space<semaphore_mem>>)
      } else {
      }
      %add3A_112 = arith.constant 2 : i32
      %add3A_113 = arith.addi %mul3A_62, %add3A_112 : i32
      %lt3A_114 = arith.cmpi slt, %add3A_113, %add3A_4 : i32
      %convert_element_type3A_115 = arith.extui %lt3A_114 : i1 to i32
      %cond3A_116 = arith.constant 0 : i32
      %cond3A_117 = arith.cmpi ne, %convert_element_type3A_115, %cond3A_116 : i32
      scf.if %cond3A_117 {
        %dma_wait3A_538 = arith.constant 4 : i32
        %dma_wait3A_539 = arith.constant 0 : i32
        %dma_wait3A_540 = tpu.memref_slice %arg8[%dma_wait3A_538, %dma_wait3A_539] : memref<8x128xi32, #tpu.memory_space<vmem>> -> memref<1x128xi32, #tpu.memory_space<vmem>>
        %dma_wait3A_541 = tpu.memref_squeeze %dma_wait3A_540 : memref<1x128xi32, #tpu.memory_space<vmem>> -> memref<128xi32, #tpu.memory_space<vmem>>
        %dma_wait3A_542 = arith.constant 0 : i32
        %dma_wait3A_543 = arith.constant 0 : i32
        %dma_wait3A_544 = tpu.memref_slice %arg2[%dma_wait3A_542, %dma_wait3A_543] : memref<10000x128xf32, #tpu.memory_space<hbm>> -> memref<10000x128xf32, #tpu.memory_space<hbm>>
        tpu.wait_indirect_dma semaphore(%arg12 : memref<!tpu.dma_semaphore, #tpu.memory_space<semaphore_mem>>) src(%dma_wait3A_544 : memref<10000x128xf32, #tpu.memory_space<hbm>>) dst(%arg6 : memref<128x128xf32, #tpu.memory_space<vmem>>)
        %dma_start3A_545 = arith.constant 5 : i32
        %dma_start3A_546 = arith.constant 0 : i32
        %dma_start3A_547 = tpu.memref_slice %arg8[%dma_start3A_545, %dma_start3A_546] : memref<8x128xi32, #tpu.memory_space<vmem>> -> memref<1x128xi32, #tpu.memory_space<vmem>>
        %dma_start3A_548 = tpu.memref_squeeze %dma_start3A_547 : memref<1x128xi32, #tpu.memory_space<vmem>> -> memref<128xi32, #tpu.memory_space<vmem>>
        %dma_start3A_549 = arith.constant 0 : i32
        %dma_start3A_550 = arith.constant 0 : i32
        %dma_start3A_551 = tpu.memref_slice %arg5[%dma_start3A_549, %dma_start3A_550] : memref<10240x128xf32, #tpu.memory_space<vmem_shared>> -> memref<10240x128xf32, #tpu.memory_space<vmem_shared>>
        tpu.enqueue_indirect_dma source(%arg6 : memref<128x128xf32, #tpu.memory_space<vmem>>) target(%dma_start3A_551 : memref<10240x128xf32, #tpu.memory_space<vmem_shared>>) offsets(%dma_start3A_548 : memref<128xi32, #tpu.memory_space<vmem>>) semaphore(%arg14 : memref<!tpu.dma_semaphore, #tpu.memory_space<semaphore_mem>>) {add = true}
      } else {
      }
      %add3A_118 = arith.constant 1 : i32
      %add3A_119 = arith.addi %add3A_113, %add3A_118 : i32
      %sub3A_120 = arith.constant 2 : i32
      %sub3A_121 = arith.subi %add3A_119, %sub3A_120 : i32
      %ge3A_122 = arith.constant 0 : i32
      %ge3A_123 = arith.cmpi sge, %sub3A_121, %ge3A_122 : i32
      %add3A_124 = arith.constant 1 : i32
      %add3A_125 = arith.addi %add3A_113, %add3A_124 : i32
      %sub3A_126 = arith.constant 2 : i32
      %sub3A_127 = arith.subi %add3A_125, %sub3A_126 : i32
      %lt3A_128 = arith.cmpi slt, %sub3A_127, %add3A_4 : i32
      %and3A_129 = arith.andi %ge3A_123, %lt3A_128 : i1
      %convert_element_type3A_130 = arith.extui %and3A_129 : i1 to i32
      %cond3A_131 = arith.constant 0 : i32
      %cond3A_132 = arith.cmpi ne, %convert_element_type3A_130, %cond3A_131 : i32
      scf.if %cond3A_132 {
        %dma_wait3A_538 = arith.constant 3 : i32
        %dma_wait3A_539 = arith.constant 0 : i32
        %dma_wait3A_540 = tpu.memref_slice %arg8[%dma_wait3A_538, %dma_wait3A_539] : memref<8x128xi32, #tpu.memory_space<vmem>> -> memref<1x128xi32, #tpu.memory_space<vmem>>
        %dma_wait3A_541 = tpu.memref_squeeze %dma_wait3A_540 : memref<1x128xi32, #tpu.memory_space<vmem>> -> memref<128xi32, #tpu.memory_space<vmem>>
        %dma_wait3A_542 = arith.constant 0 : i32
        %dma_wait3A_543 = arith.constant 0 : i32
        %dma_wait3A_544 = tpu.memref_slice %arg5[%dma_wait3A_542, %dma_wait3A_543] : memref<10240x128xf32, #tpu.memory_space<vmem_shared>> -> memref<10240x128xf32, #tpu.memory_space<vmem_shared>>
        tpu.wait_indirect_dma semaphore(%arg15 : memref<!tpu.dma_semaphore, #tpu.memory_space<semaphore_mem>>) src(%arg7 : memref<128x128xf32, #tpu.memory_space<vmem>>) dst(%dma_wait3A_544 : memref<10240x128xf32, #tpu.memory_space<vmem_shared>>)
      } else {
      }
      %add3A_133 = arith.constant 1 : i32
      %add3A_134 = arith.addi %add3A_113, %add3A_133 : i32
      %lt3A_135 = arith.cmpi slt, %add3A_134, %add3A_4 : i32
      %convert_element_type3A_136 = arith.extui %lt3A_135 : i1 to i32
      %cond3A_137 = arith.constant 0 : i32
      %cond3A_138 = arith.cmpi ne, %convert_element_type3A_136, %cond3A_137 : i32
      scf.if %cond3A_138 {
        %dma_start3A_538 = arith.constant 6 : i32
        %dma_start3A_539 = arith.constant 0 : i32
        %dma_start3A_540 = tpu.memref_slice %arg8[%dma_start3A_538, %dma_start3A_539] : memref<8x128xi32, #tpu.memory_space<vmem>> -> memref<1x128xi32, #tpu.memory_space<vmem>>
        %dma_start3A_541 = tpu.memref_squeeze %dma_start3A_540 : memref<1x128xi32, #tpu.memory_space<vmem>> -> memref<128xi32, #tpu.memory_space<vmem>>
        %dma_start3A_542 = arith.constant 0 : i32
        %dma_start3A_543 = arith.constant 0 : i32
        %dma_start3A_544 = tpu.memref_slice %arg2[%dma_start3A_542, %dma_start3A_543] : memref<10000x128xf32, #tpu.memory_space<hbm>> -> memref<10000x128xf32, #tpu.memory_space<hbm>>
        tpu.enqueue_indirect_dma source(%dma_start3A_544 : memref<10000x128xf32, #tpu.memory_space<hbm>>) target(%arg7 : memref<128x128xf32, #tpu.memory_space<vmem>>) offsets(%dma_start3A_541 : memref<128xi32, #tpu.memory_space<vmem>>) semaphore(%arg13 : memref<!tpu.dma_semaphore, #tpu.memory_space<semaphore_mem>>)
      } else {
      }
      %add3A_139 = arith.constant 3 : i32
      %add3A_140 = arith.addi %mul3A_62, %add3A_139 : i32
      %lt3A_141 = arith.cmpi slt, %add3A_140, %add3A_4 : i32
      %convert_element_type3A_142 = arith.extui %lt3A_141 : i1 to i32
      %cond3A_143 = arith.constant 0 : i32
      %cond3A_144 = arith.cmpi ne, %convert_element_type3A_142, %cond3A_143 : i32
      scf.if %cond3A_144 {
        %dma_wait3A_538 = arith.constant 6 : i32
        %dma_wait3A_539 = arith.constant 0 : i32
        %dma_wait3A_540 = tpu.memref_slice %arg8[%dma_wait3A_538, %dma_wait3A_539] : memref<8x128xi32, #tpu.memory_space<vmem>> -> memref<1x128xi32, #tpu.memory_space<vmem>>
        %dma_wait3A_541 = tpu.memref_squeeze %dma_wait3A_540 : memref<1x128xi32, #tpu.memory_space<vmem>> -> memref<128xi32, #tpu.memory_space<vmem>>
        %dma_wait3A_542 = arith.constant 0 : i32
        %dma_wait3A_543 = arith.constant 0 : i32
        %dma_wait3A_544 = tpu.memref_slice %arg2[%dma_wait3A_542, %dma_wait3A_543] : memref<10000x128xf32, #tpu.memory_space<hbm>> -> memref<10000x128xf32, #tpu.memory_space<hbm>>
        tpu.wait_indirect_dma semaphore(%arg13 : memref<!tpu.dma_semaphore, #tpu.memory_space<semaphore_mem>>) src(%dma_wait3A_544 : memref<10000x128xf32, #tpu.memory_space<hbm>>) dst(%arg7 : memref<128x128xf32, #tpu.memory_space<vmem>>)
        %dma_start3A_545 = arith.constant 7 : i32
        %dma_start3A_546 = arith.constant 0 : i32
        %dma_start3A_547 = tpu.memref_slice %arg8[%dma_start3A_545, %dma_start3A_546] : memref<8x128xi32, #tpu.memory_space<vmem>> -> memref<1x128xi32, #tpu.memory_space<vmem>>
        %dma_start3A_548 = tpu.memref_squeeze %dma_start3A_547 : memref<1x128xi32, #tpu.memory_space<vmem>> -> memref<128xi32, #tpu.memory_space<vmem>>
        %dma_start3A_549 = arith.constant 0 : i32
        %dma_start3A_550 = arith.constant 0 : i32
        %dma_start3A_551 = tpu.memref_slice %arg5[%dma_start3A_549, %dma_start3A_550] : memref<10240x128xf32, #tpu.memory_space<vmem_shared>> -> memref<10240x128xf32, #tpu.memory_space<vmem_shared>>
        tpu.enqueue_indirect_dma source(%arg7 : memref<128x128xf32, #tpu.memory_space<vmem>>) target(%dma_start3A_551 : memref<10240x128xf32, #tpu.memory_space<vmem_shared>>) offsets(%dma_start3A_548 : memref<128xi32, #tpu.memory_space<vmem>>) semaphore(%arg15 : memref<!tpu.dma_semaphore, #tpu.memory_space<semaphore_mem>>) {add = true}
      } else {
      }
      %add3A_145 = arith.constant 1 : i32
      %add3A_146 = arith.addi %add3A_140, %add3A_145 : i32
      %sub3A_147 = arith.constant 2 : i32
      %sub3A_148 = arith.subi %add3A_146, %sub3A_147 : i32
      %ge3A_149 = arith.constant 0 : i32
      %ge3A_150 = arith.cmpi sge, %sub3A_148, %ge3A_149 : i32
      %add3A_151 = arith.constant 1 : i32
      %add3A_152 = arith.addi %add3A_140, %add3A_151 : i32
      %sub3A_153 = arith.constant 2 : i32
      %sub3A_154 = arith.subi %add3A_152, %sub3A_153 : i32
      %lt3A_155 = arith.cmpi slt, %sub3A_154, %add3A_4 : i32
      %and3A_156 = arith.andi %ge3A_150, %lt3A_155 : i1
      %convert_element_type3A_157 = arith.extui %and3A_156 : i1 to i32
      %cond3A_158 = arith.constant 0 : i32
      %cond3A_159 = arith.cmpi ne, %convert_element_type3A_157, %cond3A_158 : i32
      scf.if %cond3A_159 {
        %dma_wait3A_538 = arith.constant 5 : i32
        %dma_wait3A_539 = arith.constant 0 : i32
        %dma_wait3A_540 = tpu.memref_slice %arg8[%dma_wait3A_538, %dma_wait3A_539] : memref<8x128xi32, #tpu.memory_space<vmem>> -> memref<1x128xi32, #tpu.memory_space<vmem>>
        %dma_wait3A_541 = tpu.memref_squeeze %dma_wait3A_540 : memref<1x128xi32, #tpu.memory_space<vmem>> -> memref<128xi32, #tpu.memory_space<vmem>>
        %dma_wait3A_542 = arith.constant 0 : i32
        %dma_wait3A_543 = arith.constant 0 : i32
        %dma_wait3A_544 = tpu.memref_slice %arg5[%dma_wait3A_542, %dma_wait3A_543] : memref<10240x128xf32, #tpu.memory_space<vmem_shared>> -> memref<10240x128xf32, #tpu.memory_space<vmem_shared>>
        tpu.wait_indirect_dma semaphore(%arg14 : memref<!tpu.dma_semaphore, #tpu.memory_space<semaphore_mem>>) src(%arg6 : memref<128x128xf32, #tpu.memory_space<vmem>>) dst(%dma_wait3A_544 : memref<10240x128xf32, #tpu.memory_space<vmem_shared>>)
      } else {
      }
      %add3A_160 = arith.constant 1 : i32
      %add3A_161 = arith.addi %add3A_140, %add3A_160 : i32
      %lt3A_162 = arith.cmpi slt, %add3A_161, %add3A_4 : i32
      %convert_element_type3A_163 = arith.extui %lt3A_162 : i1 to i32
      %cond3A_164 = arith.constant 0 : i32
      %cond3A_165 = arith.cmpi ne, %convert_element_type3A_163, %cond3A_164 : i32
      scf.if %cond3A_165 {
        %add3A_538 = arith.constant 1 : i32
        %add3A_539 = arith.addi %add3A_140, %add3A_538 : i32
        %add3A_540 = arith.addi %add3A_8, %add3A_539 : i32
        %mul3A_541 = arith.constant 2 : i32
        %mul3A_542 = arith.muli %mul3A_541, %add3A_540 : i32
        %dma_wait3A_543 = arith.constant 0 : i32
        %dma_wait3A_544 = tpu.memref_slice %arg3[%mul3A_542, %dma_wait3A_543] : memref<5008x128xi32, #tpu.memory_space<hbm>> -> memref<8x128xi32, #tpu.memory_space<hbm>>
        %dma_wait3A_545 = arith.constant 0 : i32
        %dma_wait3A_546 = tpu.memref_slice %arg3[%mul3A_542, %dma_wait3A_545] : memref<5008x128xi32, #tpu.memory_space<hbm>> -> memref<8x128xi32, #tpu.memory_space<hbm>>
        tpu.wait_dma2 semaphore(%arg17 : memref<!tpu.dma_semaphore, #tpu.memory_space<semaphore_mem>>) src(%dma_wait3A_546 : memref<8x128xi32, #tpu.memory_space<hbm>>) dst(%arg9 : memref<8x128xi32, #tpu.memory_space<vmem>>)
      } else {
      }
      %add3A_166 = arith.constant 5 : i32
      %add3A_167 = arith.addi %add3A_140, %add3A_166 : i32
      %lt3A_168 = arith.cmpi slt, %add3A_167, %add3A_4 : i32
      %convert_element_type3A_169 = arith.extui %lt3A_168 : i1 to i32
      %cond3A_170 = arith.constant 0 : i32
      %cond3A_171 = arith.cmpi ne, %convert_element_type3A_169, %cond3A_170 : i32
      scf.if %cond3A_171 {
        %add3A_538 = arith.constant 5 : i32
        %add3A_539 = arith.addi %add3A_140, %add3A_538 : i32
        %add3A_540 = arith.addi %add3A_8, %add3A_539 : i32
        %mul3A_541 = arith.constant 2 : i32
        %mul3A_542 = arith.muli %mul3A_541, %add3A_540 : i32
        %dma_start3A_543 = arith.constant 0 : i32
        %dma_start3A_544 = tpu.memref_slice %arg3[%mul3A_542, %dma_start3A_543] : memref<5008x128xi32, #tpu.memory_space<hbm>> -> memref<8x128xi32, #tpu.memory_space<hbm>>
        %dma_start3A_545 = arith.constant 0 : i32
        %dma_start3A_546 = tpu.memref_slice %arg3[%mul3A_542, %dma_start3A_545] : memref<5008x128xi32, #tpu.memory_space<hbm>> -> memref<8x128xi32, #tpu.memory_space<hbm>>
        tpu.enqueue_dma source(%dma_start3A_546 : memref<8x128xi32, #tpu.memory_space<hbm>>) target(%arg10 : memref<8x128xi32, #tpu.memory_space<vmem>>) target_semaphore(%arg18 : memref<!tpu.dma_semaphore, #tpu.memory_space<semaphore_mem>>)
      } else {
      }
      %add3A_172 = arith.constant 1 : i32
      %add3A_173 = arith.addi %add3A_140, %add3A_172 : i32
      %lt3A_174 = arith.cmpi slt, %add3A_173, %add3A_4 : i32
      %convert_element_type3A_175 = arith.extui %lt3A_174 : i1 to i32
      %cond3A_176 = arith.constant 0 : i32
      %cond3A_177 = arith.cmpi ne, %convert_element_type3A_175, %cond3A_176 : i32
      scf.if %cond3A_177 {
        %dma_start3A_538 = arith.constant 0 : i32
        %dma_start3A_539 = arith.constant 0 : i32
        %dma_start3A_540 = tpu.memref_slice %arg9[%dma_start3A_538, %dma_start3A_539] : memref<8x128xi32, #tpu.memory_space<vmem>> -> memref<1x128xi32, #tpu.memory_space<vmem>>
        %dma_start3A_541 = tpu.memref_squeeze %dma_start3A_540 : memref<1x128xi32, #tpu.memory_space<vmem>> -> memref<128xi32, #tpu.memory_space<vmem>>
        %dma_start3A_542 = arith.constant 0 : i32
        %dma_start3A_543 = arith.constant 0 : i32
        %dma_start3A_544 = tpu.memref_slice %arg2[%dma_start3A_542, %dma_start3A_543] : memref<10000x128xf32, #tpu.memory_space<hbm>> -> memref<10000x128xf32, #tpu.memory_space<hbm>>
        tpu.enqueue_indirect_dma source(%dma_start3A_544 : memref<10000x128xf32, #tpu.memory_space<hbm>>) target(%arg6 : memref<128x128xf32, #tpu.memory_space<vmem>>) offsets(%dma_start3A_541 : memref<128xi32, #tpu.memory_space<vmem>>) semaphore(%arg12 : memref<!tpu.dma_semaphore, #tpu.memory_space<semaphore_mem>>)
      } else {
      }
      %add3A_178 = arith.constant 4 : i32
      %add3A_179 = arith.addi %mul3A_62, %add3A_178 : i32
      %lt3A_180 = arith.cmpi slt, %add3A_179, %add3A_4 : i32
      %convert_element_type3A_181 = arith.extui %lt3A_180 : i1 to i32
      %cond3A_182 = arith.constant 0 : i32
      %cond3A_183 = arith.cmpi ne, %convert_element_type3A_181, %cond3A_182 : i32
      scf.if %cond3A_183 {
        %dma_wait3A_538 = arith.constant 0 : i32
        %dma_wait3A_539 = arith.constant 0 : i32
        %dma_wait3A_540 = tpu.memref_slice %arg9[%dma_wait3A_538, %dma_wait3A_539] : memref<8x128xi32, #tpu.memory_space<vmem>> -> memref<1x128xi32, #tpu.memory_space<vmem>>
        %dma_wait3A_541 = tpu.memref_squeeze %dma_wait3A_540 : memref<1x128xi32, #tpu.memory_space<vmem>> -> memref<128xi32, #tpu.memory_space<vmem>>
        %dma_wait3A_542 = arith.constant 0 : i32
        %dma_wait3A_543 = arith.constant 0 : i32
        %dma_wait3A_544 = tpu.memref_slice %arg2[%dma_wait3A_542, %dma_wait3A_543] : memref<10000x128xf32, #tpu.memory_space<hbm>> -> memref<10000x128xf32, #tpu.memory_space<hbm>>
        tpu.wait_indirect_dma semaphore(%arg12 : memref<!tpu.dma_semaphore, #tpu.memory_space<semaphore_mem>>) src(%dma_wait3A_544 : memref<10000x128xf32, #tpu.memory_space<hbm>>) dst(%arg6 : memref<128x128xf32, #tpu.memory_space<vmem>>)
        %dma_start3A_545 = arith.constant 1 : i32
        %dma_start3A_546 = arith.constant 0 : i32
        %dma_start3A_547 = tpu.memref_slice %arg9[%dma_start3A_545, %dma_start3A_546] : memref<8x128xi32, #tpu.memory_space<vmem>> -> memref<1x128xi32, #tpu.memory_space<vmem>>
        %dma_start3A_548 = tpu.memref_squeeze %dma_start3A_547 : memref<1x128xi32, #tpu.memory_space<vmem>> -> memref<128xi32, #tpu.memory_space<vmem>>
        %dma_start3A_549 = arith.constant 0 : i32
        %dma_start3A_550 = arith.constant 0 : i32
        %dma_start3A_551 = tpu.memref_slice %arg5[%dma_start3A_549, %dma_start3A_550] : memref<10240x128xf32, #tpu.memory_space<vmem_shared>> -> memref<10240x128xf32, #tpu.memory_space<vmem_shared>>
        tpu.enqueue_indirect_dma source(%arg6 : memref<128x128xf32, #tpu.memory_space<vmem>>) target(%dma_start3A_551 : memref<10240x128xf32, #tpu.memory_space<vmem_shared>>) offsets(%dma_start3A_548 : memref<128xi32, #tpu.memory_space<vmem>>) semaphore(%arg14 : memref<!tpu.dma_semaphore, #tpu.memory_space<semaphore_mem>>) {add = true}
      } else {
      }
      %add3A_184 = arith.constant 1 : i32
      %add3A_185 = arith.addi %add3A_179, %add3A_184 : i32
      %sub3A_186 = arith.constant 2 : i32
      %sub3A_187 = arith.subi %add3A_185, %sub3A_186 : i32
      %ge3A_188 = arith.constant 0 : i32
      %ge3A_189 = arith.cmpi sge, %sub3A_187, %ge3A_188 : i32
      %add3A_190 = arith.constant 1 : i32
      %add3A_191 = arith.addi %add3A_179, %add3A_190 : i32
      %sub3A_192 = arith.constant 2 : i32
      %sub3A_193 = arith.subi %add3A_191, %sub3A_192 : i32
      %lt3A_194 = arith.cmpi slt, %sub3A_193, %add3A_4 : i32
      %and3A_195 = arith.andi %ge3A_189, %lt3A_194 : i1
      %convert_element_type3A_196 = arith.extui %and3A_195 : i1 to i32
      %cond3A_197 = arith.constant 0 : i32
      %cond3A_198 = arith.cmpi ne, %convert_element_type3A_196, %cond3A_197 : i32
      scf.if %cond3A_198 {
        %dma_wait3A_538 = arith.constant 7 : i32
        %dma_wait3A_539 = arith.constant 0 : i32
        %dma_wait3A_540 = tpu.memref_slice %arg8[%dma_wait3A_538, %dma_wait3A_539] : memref<8x128xi32, #tpu.memory_space<vmem>> -> memref<1x128xi32, #tpu.memory_space<vmem>>
        %dma_wait3A_541 = tpu.memref_squeeze %dma_wait3A_540 : memref<1x128xi32, #tpu.memory_space<vmem>> -> memref<128xi32, #tpu.memory_space<vmem>>
        %dma_wait3A_542 = arith.constant 0 : i32
        %dma_wait3A_543 = arith.constant 0 : i32
        %dma_wait3A_544 = tpu.memref_slice %arg5[%dma_wait3A_542, %dma_wait3A_543] : memref<10240x128xf32, #tpu.memory_space<vmem_shared>> -> memref<10240x128xf32, #tpu.memory_space<vmem_shared>>
        tpu.wait_indirect_dma semaphore(%arg15 : memref<!tpu.dma_semaphore, #tpu.memory_space<semaphore_mem>>) src(%arg7 : memref<128x128xf32, #tpu.memory_space<vmem>>) dst(%dma_wait3A_544 : memref<10240x128xf32, #tpu.memory_space<vmem_shared>>)
      } else {
      }
      %add3A_199 = arith.constant 1 : i32
      %add3A_200 = arith.addi %add3A_179, %add3A_199 : i32
      %lt3A_201 = arith.cmpi slt, %add3A_200, %add3A_4 : i32
      %convert_element_type3A_202 = arith.extui %lt3A_201 : i1 to i32
      %cond3A_203 = arith.constant 0 : i32
      %cond3A_204 = arith.cmpi ne, %convert_element_type3A_202, %cond3A_203 : i32
      scf.if %cond3A_204 {
        %dma_start3A_538 = arith.constant 2 : i32
        %dma_start3A_539 = arith.constant 0 : i32
        %dma_start3A_540 = tpu.memref_slice %arg9[%dma_start3A_538, %dma_start3A_539] : memref<8x128xi32, #tpu.memory_space<vmem>> -> memref<1x128xi32, #tpu.memory_space<vmem>>
        %dma_start3A_541 = tpu.memref_squeeze %dma_start3A_540 : memref<1x128xi32, #tpu.memory_space<vmem>> -> memref<128xi32, #tpu.memory_space<vmem>>
        %dma_start3A_542 = arith.constant 0 : i32
        %dma_start3A_543 = arith.constant 0 : i32
        %dma_start3A_544 = tpu.memref_slice %arg2[%dma_start3A_542, %dma_start3A_543] : memref<10000x128xf32, #tpu.memory_space<hbm>> -> memref<10000x128xf32, #tpu.memory_space<hbm>>
        tpu.enqueue_indirect_dma source(%dma_start3A_544 : memref<10000x128xf32, #tpu.memory_space<hbm>>) target(%arg7 : memref<128x128xf32, #tpu.memory_space<vmem>>) offsets(%dma_start3A_541 : memref<128xi32, #tpu.memory_space<vmem>>) semaphore(%arg13 : memref<!tpu.dma_semaphore, #tpu.memory_space<semaphore_mem>>)
      } else {
      }
      %add3A_205 = arith.constant 5 : i32
      %add3A_206 = arith.addi %mul3A_62, %add3A_205 : i32
      %lt3A_207 = arith.cmpi slt, %add3A_206, %add3A_4 : i32
      %convert_element_type3A_208 = arith.extui %lt3A_207 : i1 to i32
      %cond3A_209 = arith.constant 0 : i32
      %cond3A_210 = arith.cmpi ne, %convert_element_type3A_208, %cond3A_209 : i32
      scf.if %cond3A_210 {
        %dma_wait3A_538 = arith.constant 2 : i32
        %dma_wait3A_539 = arith.constant 0 : i32
        %dma_wait3A_540 = tpu.memref_slice %arg9[%dma_wait3A_538, %dma_wait3A_539] : memref<8x128xi32, #tpu.memory_space<vmem>> -> memref<1x128xi32, #tpu.memory_space<vmem>>
        %dma_wait3A_541 = tpu.memref_squeeze %dma_wait3A_540 : memref<1x128xi32, #tpu.memory_space<vmem>> -> memref<128xi32, #tpu.memory_space<vmem>>
        %dma_wait3A_542 = arith.constant 0 : i32
        %dma_wait3A_543 = arith.constant 0 : i32
        %dma_wait3A_544 = tpu.memref_slice %arg2[%dma_wait3A_542, %dma_wait3A_543] : memref<10000x128xf32, #tpu.memory_space<hbm>> -> memref<10000x128xf32, #tpu.memory_space<hbm>>
        tpu.wait_indirect_dma semaphore(%arg13 : memref<!tpu.dma_semaphore, #tpu.memory_space<semaphore_mem>>) src(%dma_wait3A_544 : memref<10000x128xf32, #tpu.memory_space<hbm>>) dst(%arg7 : memref<128x128xf32, #tpu.memory_space<vmem>>)
        %dma_start3A_545 = arith.constant 3 : i32
        %dma_start3A_546 = arith.constant 0 : i32
        %dma_start3A_547 = tpu.memref_slice %arg9[%dma_start3A_545, %dma_start3A_546] : memref<8x128xi32, #tpu.memory_space<vmem>> -> memref<1x128xi32, #tpu.memory_space<vmem>>
        %dma_start3A_548 = tpu.memref_squeeze %dma_start3A_547 : memref<1x128xi32, #tpu.memory_space<vmem>> -> memref<128xi32, #tpu.memory_space<vmem>>
        %dma_start3A_549 = arith.constant 0 : i32
        %dma_start3A_550 = arith.constant 0 : i32
        %dma_start3A_551 = tpu.memref_slice %arg5[%dma_start3A_549, %dma_start3A_550] : memref<10240x128xf32, #tpu.memory_space<vmem_shared>> -> memref<10240x128xf32, #tpu.memory_space<vmem_shared>>
        tpu.enqueue_indirect_dma source(%arg7 : memref<128x128xf32, #tpu.memory_space<vmem>>) target(%dma_start3A_551 : memref<10240x128xf32, #tpu.memory_space<vmem_shared>>) offsets(%dma_start3A_548 : memref<128xi32, #tpu.memory_space<vmem>>) semaphore(%arg15 : memref<!tpu.dma_semaphore, #tpu.memory_space<semaphore_mem>>) {add = true}
      } else {
      }
      %add3A_211 = arith.constant 1 : i32
      %add3A_212 = arith.addi %add3A_206, %add3A_211 : i32
      %sub3A_213 = arith.constant 2 : i32
      %sub3A_214 = arith.subi %add3A_212, %sub3A_213 : i32
      %ge3A_215 = arith.constant 0 : i32
      %ge3A_216 = arith.cmpi sge, %sub3A_214, %ge3A_215 : i32
      %add3A_217 = arith.constant 1 : i32
      %add3A_218 = arith.addi %add3A_206, %add3A_217 : i32
      %sub3A_219 = arith.constant 2 : i32
      %sub3A_220 = arith.subi %add3A_218, %sub3A_219 : i32
      %lt3A_221 = arith.cmpi slt, %sub3A_220, %add3A_4 : i32
      %and3A_222 = arith.andi %ge3A_216, %lt3A_221 : i1
      %convert_element_type3A_223 = arith.extui %and3A_222 : i1 to i32
      %cond3A_224 = arith.constant 0 : i32
      %cond3A_225 = arith.cmpi ne, %convert_element_type3A_223, %cond3A_224 : i32
      scf.if %cond3A_225 {
        %dma_wait3A_538 = arith.constant 1 : i32
        %dma_wait3A_539 = arith.constant 0 : i32
        %dma_wait3A_540 = tpu.memref_slice %arg9[%dma_wait3A_538, %dma_wait3A_539] : memref<8x128xi32, #tpu.memory_space<vmem>> -> memref<1x128xi32, #tpu.memory_space<vmem>>
        %dma_wait3A_541 = tpu.memref_squeeze %dma_wait3A_540 : memref<1x128xi32, #tpu.memory_space<vmem>> -> memref<128xi32, #tpu.memory_space<vmem>>
        %dma_wait3A_542 = arith.constant 0 : i32
        %dma_wait3A_543 = arith.constant 0 : i32
        %dma_wait3A_544 = tpu.memref_slice %arg5[%dma_wait3A_542, %dma_wait3A_543] : memref<10240x128xf32, #tpu.memory_space<vmem_shared>> -> memref<10240x128xf32, #tpu.memory_space<vmem_shared>>
        tpu.wait_indirect_dma semaphore(%arg14 : memref<!tpu.dma_semaphore, #tpu.memory_space<semaphore_mem>>) src(%arg6 : memref<128x128xf32, #tpu.memory_space<vmem>>) dst(%dma_wait3A_544 : memref<10240x128xf32, #tpu.memory_space<vmem_shared>>)
      } else {
      }
      %add3A_226 = arith.constant 1 : i32
      %add3A_227 = arith.addi %add3A_206, %add3A_226 : i32
      %lt3A_228 = arith.cmpi slt, %add3A_227, %add3A_4 : i32
      %convert_element_type3A_229 = arith.extui %lt3A_228 : i1 to i32
      %cond3A_230 = arith.constant 0 : i32
      %cond3A_231 = arith.cmpi ne, %convert_element_type3A_229, %cond3A_230 : i32
      scf.if %cond3A_231 {
        %dma_start3A_538 = arith.constant 4 : i32
        %dma_start3A_539 = arith.constant 0 : i32
        %dma_start3A_540 = tpu.memref_slice %arg9[%dma_start3A_538, %dma_start3A_539] : memref<8x128xi32, #tpu.memory_space<vmem>> -> memref<1x128xi32, #tpu.memory_space<vmem>>
        %dma_start3A_541 = tpu.memref_squeeze %dma_start3A_540 : memref<1x128xi32, #tpu.memory_space<vmem>> -> memref<128xi32, #tpu.memory_space<vmem>>
        %dma_start3A_542 = arith.constant 0 : i32
        %dma_start3A_543 = arith.constant 0 : i32
        %dma_start3A_544 = tpu.memref_slice %arg2[%dma_start3A_542, %dma_start3A_543] : memref<10000x128xf32, #tpu.memory_space<hbm>> -> memref<10000x128xf32, #tpu.memory_space<hbm>>
        tpu.enqueue_indirect_dma source(%dma_start3A_544 : memref<10000x128xf32, #tpu.memory_space<hbm>>) target(%arg6 : memref<128x128xf32, #tpu.memory_space<vmem>>) offsets(%dma_start3A_541 : memref<128xi32, #tpu.memory_space<vmem>>) semaphore(%arg12 : memref<!tpu.dma_semaphore, #tpu.memory_space<semaphore_mem>>)
      } else {
      }
      %add3A_232 = arith.constant 6 : i32
      %add3A_233 = arith.addi %mul3A_62, %add3A_232 : i32
      %lt3A_234 = arith.cmpi slt, %add3A_233, %add3A_4 : i32
      %convert_element_type3A_235 = arith.extui %lt3A_234 : i1 to i32
      %cond3A_236 = arith.constant 0 : i32
      %cond3A_237 = arith.cmpi ne, %convert_element_type3A_235, %cond3A_236 : i32
      scf.if %cond3A_237 {
        %dma_wait3A_538 = arith.constant 4 : i32
        %dma_wait3A_539 = arith.constant 0 : i32
        %dma_wait3A_540 = tpu.memref_slice %arg9[%dma_wait3A_538, %dma_wait3A_539] : memref<8x128xi32, #tpu.memory_space<vmem>> -> memref<1x128xi32, #tpu.memory_space<vmem>>
        %dma_wait3A_541 = tpu.memref_squeeze %dma_wait3A_540 : memref<1x128xi32, #tpu.memory_space<vmem>> -> memref<128xi32, #tpu.memory_space<vmem>>
        %dma_wait3A_542 = arith.constant 0 : i32
        %dma_wait3A_543 = arith.constant 0 : i32
        %dma_wait3A_544 = tpu.memref_slice %arg2[%dma_wait3A_542, %dma_wait3A_543] : memref<10000x128xf32, #tpu.memory_space<hbm>> -> memref<10000x128xf32, #tpu.memory_space<hbm>>
        tpu.wait_indirect_dma semaphore(%arg12 : memref<!tpu.dma_semaphore, #tpu.memory_space<semaphore_mem>>) src(%dma_wait3A_544 : memref<10000x128xf32, #tpu.memory_space<hbm>>) dst(%arg6 : memref<128x128xf32, #tpu.memory_space<vmem>>)
        %dma_start3A_545 = arith.constant 5 : i32
        %dma_start3A_546 = arith.constant 0 : i32
        %dma_start3A_547 = tpu.memref_slice %arg9[%dma_start3A_545, %dma_start3A_546] : memref<8x128xi32, #tpu.memory_space<vmem>> -> memref<1x128xi32, #tpu.memory_space<vmem>>
        %dma_start3A_548 = tpu.memref_squeeze %dma_start3A_547 : memref<1x128xi32, #tpu.memory_space<vmem>> -> memref<128xi32, #tpu.memory_space<vmem>>
        %dma_start3A_549 = arith.constant 0 : i32
        %dma_start3A_550 = arith.constant 0 : i32
        %dma_start3A_551 = tpu.memref_slice %arg5[%dma_start3A_549, %dma_start3A_550] : memref<10240x128xf32, #tpu.memory_space<vmem_shared>> -> memref<10240x128xf32, #tpu.memory_space<vmem_shared>>
        tpu.enqueue_indirect_dma source(%arg6 : memref<128x128xf32, #tpu.memory_space<vmem>>) target(%dma_start3A_551 : memref<10240x128xf32, #tpu.memory_space<vmem_shared>>) offsets(%dma_start3A_548 : memref<128xi32, #tpu.memory_space<vmem>>) semaphore(%arg14 : memref<!tpu.dma_semaphore, #tpu.memory_space<semaphore_mem>>) {add = true}
      } else {
      }
      %add3A_238 = arith.constant 1 : i32
      %add3A_239 = arith.addi %add3A_233, %add3A_238 : i32
      %sub3A_240 = arith.constant 2 : i32
      %sub3A_241 = arith.subi %add3A_239, %sub3A_240 : i32
      %ge3A_242 = arith.constant 0 : i32
      %ge3A_243 = arith.cmpi sge, %sub3A_241, %ge3A_242 : i32
      %add3A_244 = arith.constant 1 : i32
      %add3A_245 = arith.addi %add3A_233, %add3A_244 : i32
      %sub3A_246 = arith.constant 2 : i32
      %sub3A_247 = arith.subi %add3A_245, %sub3A_246 : i32
      %lt3A_248 = arith.cmpi slt, %sub3A_247, %add3A_4 : i32
      %and3A_249 = arith.andi %ge3A_243, %lt3A_248 : i1
      %convert_element_type3A_250 = arith.extui %and3A_249 : i1 to i32
      %cond3A_251 = arith.constant 0 : i32
      %cond3A_252 = arith.cmpi ne, %convert_element_type3A_250, %cond3A_251 : i32
      scf.if %cond3A_252 {
        %dma_wait3A_538 = arith.constant 3 : i32
        %dma_wait3A_539 = arith.constant 0 : i32
        %dma_wait3A_540 = tpu.memref_slice %arg9[%dma_wait3A_538, %dma_wait3A_539] : memref<8x128xi32, #tpu.memory_space<vmem>> -> memref<1x128xi32, #tpu.memory_space<vmem>>
        %dma_wait3A_541 = tpu.memref_squeeze %dma_wait3A_540 : memref<1x128xi32, #tpu.memory_space<vmem>> -> memref<128xi32, #tpu.memory_space<vmem>>
        %dma_wait3A_542 = arith.constant 0 : i32
        %dma_wait3A_543 = arith.constant 0 : i32
        %dma_wait3A_544 = tpu.memref_slice %arg5[%dma_wait3A_542, %dma_wait3A_543] : memref<10240x128xf32, #tpu.memory_space<vmem_shared>> -> memref<10240x128xf32, #tpu.memory_space<vmem_shared>>
        tpu.wait_indirect_dma semaphore(%arg15 : memref<!tpu.dma_semaphore, #tpu.memory_space<semaphore_mem>>) src(%arg7 : memref<128x128xf32, #tpu.memory_space<vmem>>) dst(%dma_wait3A_544 : memref<10240x128xf32, #tpu.memory_space<vmem_shared>>)
      } else {
      }
      %add3A_253 = arith.constant 1 : i32
      %add3A_254 = arith.addi %add3A_233, %add3A_253 : i32
      %lt3A_255 = arith.cmpi slt, %add3A_254, %add3A_4 : i32
      %convert_element_type3A_256 = arith.extui %lt3A_255 : i1 to i32
      %cond3A_257 = arith.constant 0 : i32
      %cond3A_258 = arith.cmpi ne, %convert_element_type3A_256, %cond3A_257 : i32
      scf.if %cond3A_258 {
        %dma_start3A_538 = arith.constant 6 : i32
        %dma_start3A_539 = arith.constant 0 : i32
        %dma_start3A_540 = tpu.memref_slice %arg9[%dma_start3A_538, %dma_start3A_539] : memref<8x128xi32, #tpu.memory_space<vmem>> -> memref<1x128xi32, #tpu.memory_space<vmem>>
        %dma_start3A_541 = tpu.memref_squeeze %dma_start3A_540 : memref<1x128xi32, #tpu.memory_space<vmem>> -> memref<128xi32, #tpu.memory_space<vmem>>
        %dma_start3A_542 = arith.constant 0 : i32
        %dma_start3A_543 = arith.constant 0 : i32
        %dma_start3A_544 = tpu.memref_slice %arg2[%dma_start3A_542, %dma_start3A_543] : memref<10000x128xf32, #tpu.memory_space<hbm>> -> memref<10000x128xf32, #tpu.memory_space<hbm>>
        tpu.enqueue_indirect_dma source(%dma_start3A_544 : memref<10000x128xf32, #tpu.memory_space<hbm>>) target(%arg7 : memref<128x128xf32, #tpu.memory_space<vmem>>) offsets(%dma_start3A_541 : memref<128xi32, #tpu.memory_space<vmem>>) semaphore(%arg13 : memref<!tpu.dma_semaphore, #tpu.memory_space<semaphore_mem>>)
      } else {
      }
      %add3A_259 = arith.constant 7 : i32
      %add3A_260 = arith.addi %mul3A_62, %add3A_259 : i32
      %lt3A_261 = arith.cmpi slt, %add3A_260, %add3A_4 : i32
      %convert_element_type3A_262 = arith.extui %lt3A_261 : i1 to i32
      %cond3A_263 = arith.constant 0 : i32
      %cond3A_264 = arith.cmpi ne, %convert_element_type3A_262, %cond3A_263 : i32
      scf.if %cond3A_264 {
        %dma_wait3A_538 = arith.constant 6 : i32
        %dma_wait3A_539 = arith.constant 0 : i32
        %dma_wait3A_540 = tpu.memref_slice %arg9[%dma_wait3A_538, %dma_wait3A_539] : memref<8x128xi32, #tpu.memory_space<vmem>> -> memref<1x128xi32, #tpu.memory_space<vmem>>
        %dma_wait3A_541 = tpu.memref_squeeze %dma_wait3A_540 : memref<1x128xi32, #tpu.memory_space<vmem>> -> memref<128xi32, #tpu.memory_space<vmem>>
        %dma_wait3A_542 = arith.constant 0 : i32
        %dma_wait3A_543 = arith.constant 0 : i32
        %dma_wait3A_544 = tpu.memref_slice %arg2[%dma_wait3A_542, %dma_wait3A_543] : memref<10000x128xf32, #tpu.memory_space<hbm>> -> memref<10000x128xf32, #tpu.memory_space<hbm>>
        tpu.wait_indirect_dma semaphore(%arg13 : memref<!tpu.dma_semaphore, #tpu.memory_space<semaphore_mem>>) src(%dma_wait3A_544 : memref<10000x128xf32, #tpu.memory_space<hbm>>) dst(%arg7 : memref<128x128xf32, #tpu.memory_space<vmem>>)
        %dma_start3A_545 = arith.constant 7 : i32
        %dma_start3A_546 = arith.constant 0 : i32
        %dma_start3A_547 = tpu.memref_slice %arg9[%dma_start3A_545, %dma_start3A_546] : memref<8x128xi32, #tpu.memory_space<vmem>> -> memref<1x128xi32, #tpu.memory_space<vmem>>
        %dma_start3A_548 = tpu.memref_squeeze %dma_start3A_547 : memref<1x128xi32, #tpu.memory_space<vmem>> -> memref<128xi32, #tpu.memory_space<vmem>>
        %dma_start3A_549 = arith.constant 0 : i32
        %dma_start3A_550 = arith.constant 0 : i32
        %dma_start3A_551 = tpu.memref_slice %arg5[%dma_start3A_549, %dma_start3A_550] : memref<10240x128xf32, #tpu.memory_space<vmem_shared>> -> memref<10240x128xf32, #tpu.memory_space<vmem_shared>>
        tpu.enqueue_indirect_dma source(%arg7 : memref<128x128xf32, #tpu.memory_space<vmem>>) target(%dma_start3A_551 : memref<10240x128xf32, #tpu.memory_space<vmem_shared>>) offsets(%dma_start3A_548 : memref<128xi32, #tpu.memory_space<vmem>>) semaphore(%arg15 : memref<!tpu.dma_semaphore, #tpu.memory_space<semaphore_mem>>) {add = true}
      } else {
      }
      %add3A_265 = arith.constant 1 : i32
      %add3A_266 = arith.addi %add3A_260, %add3A_265 : i32
      %sub3A_267 = arith.constant 2 : i32
      %sub3A_268 = arith.subi %add3A_266, %sub3A_267 : i32
      %ge3A_269 = arith.constant 0 : i32
      %ge3A_270 = arith.cmpi sge, %sub3A_268, %ge3A_269 : i32
      %add3A_271 = arith.constant 1 : i32
      %add3A_272 = arith.addi %add3A_260, %add3A_271 : i32
      %sub3A_273 = arith.constant 2 : i32
      %sub3A_274 = arith.subi %add3A_272, %sub3A_273 : i32
      %lt3A_275 = arith.cmpi slt, %sub3A_274, %add3A_4 : i32
      %and3A_276 = arith.andi %ge3A_270, %lt3A_275 : i1
      %convert_element_type3A_277 = arith.extui %and3A_276 : i1 to i32
      %cond3A_278 = arith.constant 0 : i32
      %cond3A_279 = arith.cmpi ne, %convert_element_type3A_277, %cond3A_278 : i32
      scf.if %cond3A_279 {
        %dma_wait3A_538 = arith.constant 5 : i32
        %dma_wait3A_539 = arith.constant 0 : i32
        %dma_wait3A_540 = tpu.memref_slice %arg9[%dma_wait3A_538, %dma_wait3A_539] : memref<8x128xi32, #tpu.memory_space<vmem>> -> memref<1x128xi32, #tpu.memory_space<vmem>>
        %dma_wait3A_541 = tpu.memref_squeeze %dma_wait3A_540 : memref<1x128xi32, #tpu.memory_space<vmem>> -> memref<128xi32, #tpu.memory_space<vmem>>
        %dma_wait3A_542 = arith.constant 0 : i32
        %dma_wait3A_543 = arith.constant 0 : i32
        %dma_wait3A_544 = tpu.memref_slice %arg5[%dma_wait3A_542, %dma_wait3A_543] : memref<10240x128xf32, #tpu.memory_space<vmem_shared>> -> memref<10240x128xf32, #tpu.memory_space<vmem_shared>>
        tpu.wait_indirect_dma semaphore(%arg14 : memref<!tpu.dma_semaphore, #tpu.memory_space<semaphore_mem>>) src(%arg6 : memref<128x128xf32, #tpu.memory_space<vmem>>) dst(%dma_wait3A_544 : memref<10240x128xf32, #tpu.memory_space<vmem_shared>>)
      } else {
      }
      %add3A_280 = arith.constant 1 : i32
      %add3A_281 = arith.addi %add3A_260, %add3A_280 : i32
      %lt3A_282 = arith.cmpi slt, %add3A_281, %add3A_4 : i32
      %convert_element_type3A_283 = arith.extui %lt3A_282 : i1 to i32
      %cond3A_284 = arith.constant 0 : i32
      %cond3A_285 = arith.cmpi ne, %convert_element_type3A_283, %cond3A_284 : i32
      scf.if %cond3A_285 {
        %add3A_538 = arith.constant 1 : i32
        %add3A_539 = arith.addi %add3A_260, %add3A_538 : i32
        %add3A_540 = arith.addi %add3A_8, %add3A_539 : i32
        %mul3A_541 = arith.constant 2 : i32
        %mul3A_542 = arith.muli %mul3A_541, %add3A_540 : i32
        %dma_wait3A_543 = arith.constant 0 : i32
        %dma_wait3A_544 = tpu.memref_slice %arg3[%mul3A_542, %dma_wait3A_543] : memref<5008x128xi32, #tpu.memory_space<hbm>> -> memref<8x128xi32, #tpu.memory_space<hbm>>
        %dma_wait3A_545 = arith.constant 0 : i32
        %dma_wait3A_546 = tpu.memref_slice %arg3[%mul3A_542, %dma_wait3A_545] : memref<5008x128xi32, #tpu.memory_space<hbm>> -> memref<8x128xi32, #tpu.memory_space<hbm>>
        tpu.wait_dma2 semaphore(%arg18 : memref<!tpu.dma_semaphore, #tpu.memory_space<semaphore_mem>>) src(%dma_wait3A_546 : memref<8x128xi32, #tpu.memory_space<hbm>>) dst(%arg10 : memref<8x128xi32, #tpu.memory_space<vmem>>)
      } else {
      }
      %add3A_286 = arith.constant 5 : i32
      %add3A_287 = arith.addi %add3A_260, %add3A_286 : i32
      %lt3A_288 = arith.cmpi slt, %add3A_287, %add3A_4 : i32
      %convert_element_type3A_289 = arith.extui %lt3A_288 : i1 to i32
      %cond3A_290 = arith.constant 0 : i32
      %cond3A_291 = arith.cmpi ne, %convert_element_type3A_289, %cond3A_290 : i32
      scf.if %cond3A_291 {
        %add3A_538 = arith.constant 5 : i32
        %add3A_539 = arith.addi %add3A_260, %add3A_538 : i32
        %add3A_540 = arith.addi %add3A_8, %add3A_539 : i32
        %mul3A_541 = arith.constant 2 : i32
        %mul3A_542 = arith.muli %mul3A_541, %add3A_540 : i32
        %dma_start3A_543 = arith.constant 0 : i32
        %dma_start3A_544 = tpu.memref_slice %arg3[%mul3A_542, %dma_start3A_543] : memref<5008x128xi32, #tpu.memory_space<hbm>> -> memref<8x128xi32, #tpu.memory_space<hbm>>
        %dma_start3A_545 = arith.constant 0 : i32
        %dma_start3A_546 = tpu.memref_slice %arg3[%mul3A_542, %dma_start3A_545] : memref<5008x128xi32, #tpu.memory_space<hbm>> -> memref<8x128xi32, #tpu.memory_space<hbm>>
        tpu.enqueue_dma source(%dma_start3A_546 : memref<8x128xi32, #tpu.memory_space<hbm>>) target(%arg11 : memref<8x128xi32, #tpu.memory_space<vmem>>) target_semaphore(%arg19 : memref<!tpu.dma_semaphore, #tpu.memory_space<semaphore_mem>>)
      } else {
      }
      %add3A_292 = arith.constant 1 : i32
      %add3A_293 = arith.addi %add3A_260, %add3A_292 : i32
      %lt3A_294 = arith.cmpi slt, %add3A_293, %add3A_4 : i32
      %convert_element_type3A_295 = arith.extui %lt3A_294 : i1 to i32
      %cond3A_296 = arith.constant 0 : i32
      %cond3A_297 = arith.cmpi ne, %convert_element_type3A_295, %cond3A_296 : i32
      scf.if %cond3A_297 {
        %dma_start3A_538 = arith.constant 0 : i32
        %dma_start3A_539 = arith.constant 0 : i32
        %dma_start3A_540 = tpu.memref_slice %arg10[%dma_start3A_538, %dma_start3A_539] : memref<8x128xi32, #tpu.memory_space<vmem>> -> memref<1x128xi32, #tpu.memory_space<vmem>>
        %dma_start3A_541 = tpu.memref_squeeze %dma_start3A_540 : memref<1x128xi32, #tpu.memory_space<vmem>> -> memref<128xi32, #tpu.memory_space<vmem>>
        %dma_start3A_542 = arith.constant 0 : i32
        %dma_start3A_543 = arith.constant 0 : i32
        %dma_start3A_544 = tpu.memref_slice %arg2[%dma_start3A_542, %dma_start3A_543] : memref<10000x128xf32, #tpu.memory_space<hbm>> -> memref<10000x128xf32, #tpu.memory_space<hbm>>
        tpu.enqueue_indirect_dma source(%dma_start3A_544 : memref<10000x128xf32, #tpu.memory_space<hbm>>) target(%arg6 : memref<128x128xf32, #tpu.memory_space<vmem>>) offsets(%dma_start3A_541 : memref<128xi32, #tpu.memory_space<vmem>>) semaphore(%arg12 : memref<!tpu.dma_semaphore, #tpu.memory_space<semaphore_mem>>)
      } else {
      }
      %add3A_298 = arith.constant 8 : i32
      %add3A_299 = arith.addi %mul3A_62, %add3A_298 : i32
      %lt3A_300 = arith.cmpi slt, %add3A_299, %add3A_4 : i32
      %convert_element_type3A_301 = arith.extui %lt3A_300 : i1 to i32
      %cond3A_302 = arith.constant 0 : i32
      %cond3A_303 = arith.cmpi ne, %convert_element_type3A_301, %cond3A_302 : i32
      scf.if %cond3A_303 {
        %dma_wait3A_538 = arith.constant 0 : i32
        %dma_wait3A_539 = arith.constant 0 : i32
        %dma_wait3A_540 = tpu.memref_slice %arg10[%dma_wait3A_538, %dma_wait3A_539] : memref<8x128xi32, #tpu.memory_space<vmem>> -> memref<1x128xi32, #tpu.memory_space<vmem>>
        %dma_wait3A_541 = tpu.memref_squeeze %dma_wait3A_540 : memref<1x128xi32, #tpu.memory_space<vmem>> -> memref<128xi32, #tpu.memory_space<vmem>>
        %dma_wait3A_542 = arith.constant 0 : i32
        %dma_wait3A_543 = arith.constant 0 : i32
        %dma_wait3A_544 = tpu.memref_slice %arg2[%dma_wait3A_542, %dma_wait3A_543] : memref<10000x128xf32, #tpu.memory_space<hbm>> -> memref<10000x128xf32, #tpu.memory_space<hbm>>
        tpu.wait_indirect_dma semaphore(%arg12 : memref<!tpu.dma_semaphore, #tpu.memory_space<semaphore_mem>>) src(%dma_wait3A_544 : memref<10000x128xf32, #tpu.memory_space<hbm>>) dst(%arg6 : memref<128x128xf32, #tpu.memory_space<vmem>>)
        %dma_start3A_545 = arith.constant 1 : i32
        %dma_start3A_546 = arith.constant 0 : i32
        %dma_start3A_547 = tpu.memref_slice %arg10[%dma_start3A_545, %dma_start3A_546] : memref<8x128xi32, #tpu.memory_space<vmem>> -> memref<1x128xi32, #tpu.memory_space<vmem>>
        %dma_start3A_548 = tpu.memref_squeeze %dma_start3A_547 : memref<1x128xi32, #tpu.memory_space<vmem>> -> memref<128xi32, #tpu.memory_space<vmem>>
        %dma_start3A_549 = arith.constant 0 : i32
        %dma_start3A_550 = arith.constant 0 : i32
        %dma_start3A_551 = tpu.memref_slice %arg5[%dma_start3A_549, %dma_start3A_550] : memref<10240x128xf32, #tpu.memory_space<vmem_shared>> -> memref<10240x128xf32, #tpu.memory_space<vmem_shared>>
        tpu.enqueue_indirect_dma source(%arg6 : memref<128x128xf32, #tpu.memory_space<vmem>>) target(%dma_start3A_551 : memref<10240x128xf32, #tpu.memory_space<vmem_shared>>) offsets(%dma_start3A_548 : memref<128xi32, #tpu.memory_space<vmem>>) semaphore(%arg14 : memref<!tpu.dma_semaphore, #tpu.memory_space<semaphore_mem>>) {add = true}
      } else {
      }
      %add3A_304 = arith.constant 1 : i32
      %add3A_305 = arith.addi %add3A_299, %add3A_304 : i32
      %sub3A_306 = arith.constant 2 : i32
      %sub3A_307 = arith.subi %add3A_305, %sub3A_306 : i32
      %ge3A_308 = arith.constant 0 : i32
      %ge3A_309 = arith.cmpi sge, %sub3A_307, %ge3A_308 : i32
      %add3A_310 = arith.constant 1 : i32
      %add3A_311 = arith.addi %add3A_299, %add3A_310 : i32
      %sub3A_312 = arith.constant 2 : i32
      %sub3A_313 = arith.subi %add3A_311, %sub3A_312 : i32
      %lt3A_314 = arith.cmpi slt, %sub3A_313, %add3A_4 : i32
      %and3A_315 = arith.andi %ge3A_309, %lt3A_314 : i1
      %convert_element_type3A_316 = arith.extui %and3A_315 : i1 to i32
      %cond3A_317 = arith.constant 0 : i32
      %cond3A_318 = arith.cmpi ne, %convert_element_type3A_316, %cond3A_317 : i32
      scf.if %cond3A_318 {
        %dma_wait3A_538 = arith.constant 7 : i32
        %dma_wait3A_539 = arith.constant 0 : i32
        %dma_wait3A_540 = tpu.memref_slice %arg9[%dma_wait3A_538, %dma_wait3A_539] : memref<8x128xi32, #tpu.memory_space<vmem>> -> memref<1x128xi32, #tpu.memory_space<vmem>>
        %dma_wait3A_541 = tpu.memref_squeeze %dma_wait3A_540 : memref<1x128xi32, #tpu.memory_space<vmem>> -> memref<128xi32, #tpu.memory_space<vmem>>
        %dma_wait3A_542 = arith.constant 0 : i32
        %dma_wait3A_543 = arith.constant 0 : i32
        %dma_wait3A_544 = tpu.memref_slice %arg5[%dma_wait3A_542, %dma_wait3A_543] : memref<10240x128xf32, #tpu.memory_space<vmem_shared>> -> memref<10240x128xf32, #tpu.memory_space<vmem_shared>>
        tpu.wait_indirect_dma semaphore(%arg15 : memref<!tpu.dma_semaphore, #tpu.memory_space<semaphore_mem>>) src(%arg7 : memref<128x128xf32, #tpu.memory_space<vmem>>) dst(%dma_wait3A_544 : memref<10240x128xf32, #tpu.memory_space<vmem_shared>>)
      } else {
      }
      %add3A_319 = arith.constant 1 : i32
      %add3A_320 = arith.addi %add3A_299, %add3A_319 : i32
      %lt3A_321 = arith.cmpi slt, %add3A_320, %add3A_4 : i32
      %convert_element_type3A_322 = arith.extui %lt3A_321 : i1 to i32
      %cond3A_323 = arith.constant 0 : i32
      %cond3A_324 = arith.cmpi ne, %convert_element_type3A_322, %cond3A_323 : i32
      scf.if %cond3A_324 {
        %dma_start3A_538 = arith.constant 2 : i32
        %dma_start3A_539 = arith.constant 0 : i32
        %dma_start3A_540 = tpu.memref_slice %arg10[%dma_start3A_538, %dma_start3A_539] : memref<8x128xi32, #tpu.memory_space<vmem>> -> memref<1x128xi32, #tpu.memory_space<vmem>>
        %dma_start3A_541 = tpu.memref_squeeze %dma_start3A_540 : memref<1x128xi32, #tpu.memory_space<vmem>> -> memref<128xi32, #tpu.memory_space<vmem>>
        %dma_start3A_542 = arith.constant 0 : i32
        %dma_start3A_543 = arith.constant 0 : i32
        %dma_start3A_544 = tpu.memref_slice %arg2[%dma_start3A_542, %dma_start3A_543] : memref<10000x128xf32, #tpu.memory_space<hbm>> -> memref<10000x128xf32, #tpu.memory_space<hbm>>
        tpu.enqueue_indirect_dma source(%dma_start3A_544 : memref<10000x128xf32, #tpu.memory_space<hbm>>) target(%arg7 : memref<128x128xf32, #tpu.memory_space<vmem>>) offsets(%dma_start3A_541 : memref<128xi32, #tpu.memory_space<vmem>>) semaphore(%arg13 : memref<!tpu.dma_semaphore, #tpu.memory_space<semaphore_mem>>)
      } else {
      }
      %add3A_325 = arith.constant 9 : i32
      %add3A_326 = arith.addi %mul3A_62, %add3A_325 : i32
      %lt3A_327 = arith.cmpi slt, %add3A_326, %add3A_4 : i32
      %convert_element_type3A_328 = arith.extui %lt3A_327 : i1 to i32
      %cond3A_329 = arith.constant 0 : i32
      %cond3A_330 = arith.cmpi ne, %convert_element_type3A_328, %cond3A_329 : i32
      scf.if %cond3A_330 {
        %dma_wait3A_538 = arith.constant 2 : i32
        %dma_wait3A_539 = arith.constant 0 : i32
        %dma_wait3A_540 = tpu.memref_slice %arg10[%dma_wait3A_538, %dma_wait3A_539] : memref<8x128xi32, #tpu.memory_space<vmem>> -> memref<1x128xi32, #tpu.memory_space<vmem>>
        %dma_wait3A_541 = tpu.memref_squeeze %dma_wait3A_540 : memref<1x128xi32, #tpu.memory_space<vmem>> -> memref<128xi32, #tpu.memory_space<vmem>>
        %dma_wait3A_542 = arith.constant 0 : i32
        %dma_wait3A_543 = arith.constant 0 : i32
        %dma_wait3A_544 = tpu.memref_slice %arg2[%dma_wait3A_542, %dma_wait3A_543] : memref<10000x128xf32, #tpu.memory_space<hbm>> -> memref<10000x128xf32, #tpu.memory_space<hbm>>
        tpu.wait_indirect_dma semaphore(%arg13 : memref<!tpu.dma_semaphore, #tpu.memory_space<semaphore_mem>>) src(%dma_wait3A_544 : memref<10000x128xf32, #tpu.memory_space<hbm>>) dst(%arg7 : memref<128x128xf32, #tpu.memory_space<vmem>>)
        %dma_start3A_545 = arith.constant 3 : i32
        %dma_start3A_546 = arith.constant 0 : i32
        %dma_start3A_547 = tpu.memref_slice %arg10[%dma_start3A_545, %dma_start3A_546] : memref<8x128xi32, #tpu.memory_space<vmem>> -> memref<1x128xi32, #tpu.memory_space<vmem>>
        %dma_start3A_548 = tpu.memref_squeeze %dma_start3A_547 : memref<1x128xi32, #tpu.memory_space<vmem>> -> memref<128xi32, #tpu.memory_space<vmem>>
        %dma_start3A_549 = arith.constant 0 : i32
        %dma_start3A_550 = arith.constant 0 : i32
        %dma_start3A_551 = tpu.memref_slice %arg5[%dma_start3A_549, %dma_start3A_550] : memref<10240x128xf32, #tpu.memory_space<vmem_shared>> -> memref<10240x128xf32, #tpu.memory_space<vmem_shared>>
        tpu.enqueue_indirect_dma source(%arg7 : memref<128x128xf32, #tpu.memory_space<vmem>>) target(%dma_start3A_551 : memref<10240x128xf32, #tpu.memory_space<vmem_shared>>) offsets(%dma_start3A_548 : memref<128xi32, #tpu.memory_space<vmem>>) semaphore(%arg15 : memref<!tpu.dma_semaphore, #tpu.memory_space<semaphore_mem>>) {add = true}
      } else {
      }
      %add3A_331 = arith.constant 1 : i32
      %add3A_332 = arith.addi %add3A_326, %add3A_331 : i32
      %sub3A_333 = arith.constant 2 : i32
      %sub3A_334 = arith.subi %add3A_332, %sub3A_333 : i32
      %ge3A_335 = arith.constant 0 : i32
      %ge3A_336 = arith.cmpi sge, %sub3A_334, %ge3A_335 : i32
      %add3A_337 = arith.constant 1 : i32
      %add3A_338 = arith.addi %add3A_326, %add3A_337 : i32
      %sub3A_339 = arith.constant 2 : i32
      %sub3A_340 = arith.subi %add3A_338, %sub3A_339 : i32
      %lt3A_341 = arith.cmpi slt, %sub3A_340, %add3A_4 : i32
      %and3A_342 = arith.andi %ge3A_336, %lt3A_341 : i1
      %convert_element_type3A_343 = arith.extui %and3A_342 : i1 to i32
      %cond3A_344 = arith.constant 0 : i32
      %cond3A_345 = arith.cmpi ne, %convert_element_type3A_343, %cond3A_344 : i32
      scf.if %cond3A_345 {
        %dma_wait3A_538 = arith.constant 1 : i32
        %dma_wait3A_539 = arith.constant 0 : i32
        %dma_wait3A_540 = tpu.memref_slice %arg10[%dma_wait3A_538, %dma_wait3A_539] : memref<8x128xi32, #tpu.memory_space<vmem>> -> memref<1x128xi32, #tpu.memory_space<vmem>>
        %dma_wait3A_541 = tpu.memref_squeeze %dma_wait3A_540 : memref<1x128xi32, #tpu.memory_space<vmem>> -> memref<128xi32, #tpu.memory_space<vmem>>
        %dma_wait3A_542 = arith.constant 0 : i32
        %dma_wait3A_543 = arith.constant 0 : i32
        %dma_wait3A_544 = tpu.memref_slice %arg5[%dma_wait3A_542, %dma_wait3A_543] : memref<10240x128xf32, #tpu.memory_space<vmem_shared>> -> memref<10240x128xf32, #tpu.memory_space<vmem_shared>>
        tpu.wait_indirect_dma semaphore(%arg14 : memref<!tpu.dma_semaphore, #tpu.memory_space<semaphore_mem>>) src(%arg6 : memref<128x128xf32, #tpu.memory_space<vmem>>) dst(%dma_wait3A_544 : memref<10240x128xf32, #tpu.memory_space<vmem_shared>>)
      } else {
      }
      %add3A_346 = arith.constant 1 : i32
      %add3A_347 = arith.addi %add3A_326, %add3A_346 : i32
      %lt3A_348 = arith.cmpi slt, %add3A_347, %add3A_4 : i32
      %convert_element_type3A_349 = arith.extui %lt3A_348 : i1 to i32
      %cond3A_350 = arith.constant 0 : i32
      %cond3A_351 = arith.cmpi ne, %convert_element_type3A_349, %cond3A_350 : i32
      scf.if %cond3A_351 {
        %dma_start3A_538 = arith.constant 4 : i32
        %dma_start3A_539 = arith.constant 0 : i32
        %dma_start3A_540 = tpu.memref_slice %arg10[%dma_start3A_538, %dma_start3A_539] : memref<8x128xi32, #tpu.memory_space<vmem>> -> memref<1x128xi32, #tpu.memory_space<vmem>>
        %dma_start3A_541 = tpu.memref_squeeze %dma_start3A_540 : memref<1x128xi32, #tpu.memory_space<vmem>> -> memref<128xi32, #tpu.memory_space<vmem>>
        %dma_start3A_542 = arith.constant 0 : i32
        %dma_start3A_543 = arith.constant 0 : i32
        %dma_start3A_544 = tpu.memref_slice %arg2[%dma_start3A_542, %dma_start3A_543] : memref<10000x128xf32, #tpu.memory_space<hbm>> -> memref<10000x128xf32, #tpu.memory_space<hbm>>
        tpu.enqueue_indirect_dma source(%dma_start3A_544 : memref<10000x128xf32, #tpu.memory_space<hbm>>) target(%arg6 : memref<128x128xf32, #tpu.memory_space<vmem>>) offsets(%dma_start3A_541 : memref<128xi32, #tpu.memory_space<vmem>>) semaphore(%arg12 : memref<!tpu.dma_semaphore, #tpu.memory_space<semaphore_mem>>)
      } else {
      }
      %add3A_352 = arith.constant 10 : i32
      %add3A_353 = arith.addi %mul3A_62, %add3A_352 : i32
      %lt3A_354 = arith.cmpi slt, %add3A_353, %add3A_4 : i32
      %convert_element_type3A_355 = arith.extui %lt3A_354 : i1 to i32
      %cond3A_356 = arith.constant 0 : i32
      %cond3A_357 = arith.cmpi ne, %convert_element_type3A_355, %cond3A_356 : i32
      scf.if %cond3A_357 {
        %dma_wait3A_538 = arith.constant 4 : i32
        %dma_wait3A_539 = arith.constant 0 : i32
        %dma_wait3A_540 = tpu.memref_slice %arg10[%dma_wait3A_538, %dma_wait3A_539] : memref<8x128xi32, #tpu.memory_space<vmem>> -> memref<1x128xi32, #tpu.memory_space<vmem>>
        %dma_wait3A_541 = tpu.memref_squeeze %dma_wait3A_540 : memref<1x128xi32, #tpu.memory_space<vmem>> -> memref<128xi32, #tpu.memory_space<vmem>>
        %dma_wait3A_542 = arith.constant 0 : i32
        %dma_wait3A_543 = arith.constant 0 : i32
        %dma_wait3A_544 = tpu.memref_slice %arg2[%dma_wait3A_542, %dma_wait3A_543] : memref<10000x128xf32, #tpu.memory_space<hbm>> -> memref<10000x128xf32, #tpu.memory_space<hbm>>
        tpu.wait_indirect_dma semaphore(%arg12 : memref<!tpu.dma_semaphore, #tpu.memory_space<semaphore_mem>>) src(%dma_wait3A_544 : memref<10000x128xf32, #tpu.memory_space<hbm>>) dst(%arg6 : memref<128x128xf32, #tpu.memory_space<vmem>>)
        %dma_start3A_545 = arith.constant 5 : i32
        %dma_start3A_546 = arith.constant 0 : i32
        %dma_start3A_547 = tpu.memref_slice %arg10[%dma_start3A_545, %dma_start3A_546] : memref<8x128xi32, #tpu.memory_space<vmem>> -> memref<1x128xi32, #tpu.memory_space<vmem>>
        %dma_start3A_548 = tpu.memref_squeeze %dma_start3A_547 : memref<1x128xi32, #tpu.memory_space<vmem>> -> memref<128xi32, #tpu.memory_space<vmem>>
        %dma_start3A_549 = arith.constant 0 : i32
        %dma_start3A_550 = arith.constant 0 : i32
        %dma_start3A_551 = tpu.memref_slice %arg5[%dma_start3A_549, %dma_start3A_550] : memref<10240x128xf32, #tpu.memory_space<vmem_shared>> -> memref<10240x128xf32, #tpu.memory_space<vmem_shared>>
        tpu.enqueue_indirect_dma source(%arg6 : memref<128x128xf32, #tpu.memory_space<vmem>>) target(%dma_start3A_551 : memref<10240x128xf32, #tpu.memory_space<vmem_shared>>) offsets(%dma_start3A_548 : memref<128xi32, #tpu.memory_space<vmem>>) semaphore(%arg14 : memref<!tpu.dma_semaphore, #tpu.memory_space<semaphore_mem>>) {add = true}
      } else {
      }
      %add3A_358 = arith.constant 1 : i32
      %add3A_359 = arith.addi %add3A_353, %add3A_358 : i32
      %sub3A_360 = arith.constant 2 : i32
      %sub3A_361 = arith.subi %add3A_359, %sub3A_360 : i32
      %ge3A_362 = arith.constant 0 : i32
      %ge3A_363 = arith.cmpi sge, %sub3A_361, %ge3A_362 : i32
      %add3A_364 = arith.constant 1 : i32
      %add3A_365 = arith.addi %add3A_353, %add3A_364 : i32
      %sub3A_366 = arith.constant 2 : i32
      %sub3A_367 = arith.subi %add3A_365, %sub3A_366 : i32
      %lt3A_368 = arith.cmpi slt, %sub3A_367, %add3A_4 : i32
      %and3A_369 = arith.andi %ge3A_363, %lt3A_368 : i1
      %convert_element_type3A_370 = arith.extui %and3A_369 : i1 to i32
      %cond3A_371 = arith.constant 0 : i32
      %cond3A_372 = arith.cmpi ne, %convert_element_type3A_370, %cond3A_371 : i32
      scf.if %cond3A_372 {
        %dma_wait3A_538 = arith.constant 3 : i32
        %dma_wait3A_539 = arith.constant 0 : i32
        %dma_wait3A_540 = tpu.memref_slice %arg10[%dma_wait3A_538, %dma_wait3A_539] : memref<8x128xi32, #tpu.memory_space<vmem>> -> memref<1x128xi32, #tpu.memory_space<vmem>>
        %dma_wait3A_541 = tpu.memref_squeeze %dma_wait3A_540 : memref<1x128xi32, #tpu.memory_space<vmem>> -> memref<128xi32, #tpu.memory_space<vmem>>
        %dma_wait3A_542 = arith.constant 0 : i32
        %dma_wait3A_543 = arith.constant 0 : i32
        %dma_wait3A_544 = tpu.memref_slice %arg5[%dma_wait3A_542, %dma_wait3A_543] : memref<10240x128xf32, #tpu.memory_space<vmem_shared>> -> memref<10240x128xf32, #tpu.memory_space<vmem_shared>>
        tpu.wait_indirect_dma semaphore(%arg15 : memref<!tpu.dma_semaphore, #tpu.memory_space<semaphore_mem>>) src(%arg7 : memref<128x128xf32, #tpu.memory_space<vmem>>) dst(%dma_wait3A_544 : memref<10240x128xf32, #tpu.memory_space<vmem_shared>>)
      } else {
      }
      %add3A_373 = arith.constant 1 : i32
      %add3A_374 = arith.addi %add3A_353, %add3A_373 : i32
      %lt3A_375 = arith.cmpi slt, %add3A_374, %add3A_4 : i32
      %convert_element_type3A_376 = arith.extui %lt3A_375 : i1 to i32
      %cond3A_377 = arith.constant 0 : i32
      %cond3A_378 = arith.cmpi ne, %convert_element_type3A_376, %cond3A_377 : i32
      scf.if %cond3A_378 {
        %dma_start3A_538 = arith.constant 6 : i32
        %dma_start3A_539 = arith.constant 0 : i32
        %dma_start3A_540 = tpu.memref_slice %arg10[%dma_start3A_538, %dma_start3A_539] : memref<8x128xi32, #tpu.memory_space<vmem>> -> memref<1x128xi32, #tpu.memory_space<vmem>>
        %dma_start3A_541 = tpu.memref_squeeze %dma_start3A_540 : memref<1x128xi32, #tpu.memory_space<vmem>> -> memref<128xi32, #tpu.memory_space<vmem>>
        %dma_start3A_542 = arith.constant 0 : i32
        %dma_start3A_543 = arith.constant 0 : i32
        %dma_start3A_544 = tpu.memref_slice %arg2[%dma_start3A_542, %dma_start3A_543] : memref<10000x128xf32, #tpu.memory_space<hbm>> -> memref<10000x128xf32, #tpu.memory_space<hbm>>
        tpu.enqueue_indirect_dma source(%dma_start3A_544 : memref<10000x128xf32, #tpu.memory_space<hbm>>) target(%arg7 : memref<128x128xf32, #tpu.memory_space<vmem>>) offsets(%dma_start3A_541 : memref<128xi32, #tpu.memory_space<vmem>>) semaphore(%arg13 : memref<!tpu.dma_semaphore, #tpu.memory_space<semaphore_mem>>)
      } else {
      }
      %add3A_379 = arith.constant 11 : i32
      %add3A_380 = arith.addi %mul3A_62, %add3A_379 : i32
      %lt3A_381 = arith.cmpi slt, %add3A_380, %add3A_4 : i32
      %convert_element_type3A_382 = arith.extui %lt3A_381 : i1 to i32
      %cond3A_383 = arith.constant 0 : i32
      %cond3A_384 = arith.cmpi ne, %convert_element_type3A_382, %cond3A_383 : i32
      scf.if %cond3A_384 {
        %dma_wait3A_538 = arith.constant 6 : i32
        %dma_wait3A_539 = arith.constant 0 : i32
        %dma_wait3A_540 = tpu.memref_slice %arg10[%dma_wait3A_538, %dma_wait3A_539] : memref<8x128xi32, #tpu.memory_space<vmem>> -> memref<1x128xi32, #tpu.memory_space<vmem>>
        %dma_wait3A_541 = tpu.memref_squeeze %dma_wait3A_540 : memref<1x128xi32, #tpu.memory_space<vmem>> -> memref<128xi32, #tpu.memory_space<vmem>>
        %dma_wait3A_542 = arith.constant 0 : i32
        %dma_wait3A_543 = arith.constant 0 : i32
        %dma_wait3A_544 = tpu.memref_slice %arg2[%dma_wait3A_542, %dma_wait3A_543] : memref<10000x128xf32, #tpu.memory_space<hbm>> -> memref<10000x128xf32, #tpu.memory_space<hbm>>
        tpu.wait_indirect_dma semaphore(%arg13 : memref<!tpu.dma_semaphore, #tpu.memory_space<semaphore_mem>>) src(%dma_wait3A_544 : memref<10000x128xf32, #tpu.memory_space<hbm>>) dst(%arg7 : memref<128x128xf32, #tpu.memory_space<vmem>>)
        %dma_start3A_545 = arith.constant 7 : i32
        %dma_start3A_546 = arith.constant 0 : i32
        %dma_start3A_547 = tpu.memref_slice %arg10[%dma_start3A_545, %dma_start3A_546] : memref<8x128xi32, #tpu.memory_space<vmem>> -> memref<1x128xi32, #tpu.memory_space<vmem>>
        %dma_start3A_548 = tpu.memref_squeeze %dma_start3A_547 : memref<1x128xi32, #tpu.memory_space<vmem>> -> memref<128xi32, #tpu.memory_space<vmem>>
        %dma_start3A_549 = arith.constant 0 : i32
        %dma_start3A_550 = arith.constant 0 : i32
        %dma_start3A_551 = tpu.memref_slice %arg5[%dma_start3A_549, %dma_start3A_550] : memref<10240x128xf32, #tpu.memory_space<vmem_shared>> -> memref<10240x128xf32, #tpu.memory_space<vmem_shared>>
        tpu.enqueue_indirect_dma source(%arg7 : memref<128x128xf32, #tpu.memory_space<vmem>>) target(%dma_start3A_551 : memref<10240x128xf32, #tpu.memory_space<vmem_shared>>) offsets(%dma_start3A_548 : memref<128xi32, #tpu.memory_space<vmem>>) semaphore(%arg15 : memref<!tpu.dma_semaphore, #tpu.memory_space<semaphore_mem>>) {add = true}
      } else {
      }
      %add3A_385 = arith.constant 1 : i32
      %add3A_386 = arith.addi %add3A_380, %add3A_385 : i32
      %sub3A_387 = arith.constant 2 : i32
      %sub3A_388 = arith.subi %add3A_386, %sub3A_387 : i32
      %ge3A_389 = arith.constant 0 : i32
      %ge3A_390 = arith.cmpi sge, %sub3A_388, %ge3A_389 : i32
      %add3A_391 = arith.constant 1 : i32
      %add3A_392 = arith.addi %add3A_380, %add3A_391 : i32
      %sub3A_393 = arith.constant 2 : i32
      %sub3A_394 = arith.subi %add3A_392, %sub3A_393 : i32
      %lt3A_395 = arith.cmpi slt, %sub3A_394, %add3A_4 : i32
      %and3A_396 = arith.andi %ge3A_390, %lt3A_395 : i1
      %convert_element_type3A_397 = arith.extui %and3A_396 : i1 to i32
      %cond3A_398 = arith.constant 0 : i32
      %cond3A_399 = arith.cmpi ne, %convert_element_type3A_397, %cond3A_398 : i32
      scf.if %cond3A_399 {
        %dma_wait3A_538 = arith.constant 5 : i32
        %dma_wait3A_539 = arith.constant 0 : i32
        %dma_wait3A_540 = tpu.memref_slice %arg10[%dma_wait3A_538, %dma_wait3A_539] : memref<8x128xi32, #tpu.memory_space<vmem>> -> memref<1x128xi32, #tpu.memory_space<vmem>>
        %dma_wait3A_541 = tpu.memref_squeeze %dma_wait3A_540 : memref<1x128xi32, #tpu.memory_space<vmem>> -> memref<128xi32, #tpu.memory_space<vmem>>
        %dma_wait3A_542 = arith.constant 0 : i32
        %dma_wait3A_543 = arith.constant 0 : i32
        %dma_wait3A_544 = tpu.memref_slice %arg5[%dma_wait3A_542, %dma_wait3A_543] : memref<10240x128xf32, #tpu.memory_space<vmem_shared>> -> memref<10240x128xf32, #tpu.memory_space<vmem_shared>>
        tpu.wait_indirect_dma semaphore(%arg14 : memref<!tpu.dma_semaphore, #tpu.memory_space<semaphore_mem>>) src(%arg6 : memref<128x128xf32, #tpu.memory_space<vmem>>) dst(%dma_wait3A_544 : memref<10240x128xf32, #tpu.memory_space<vmem_shared>>)
      } else {
      }
      %add3A_400 = arith.constant 1 : i32
      %add3A_401 = arith.addi %add3A_380, %add3A_400 : i32
      %lt3A_402 = arith.cmpi slt, %add3A_401, %add3A_4 : i32
      %convert_element_type3A_403 = arith.extui %lt3A_402 : i1 to i32
      %cond3A_404 = arith.constant 0 : i32
      %cond3A_405 = arith.cmpi ne, %convert_element_type3A_403, %cond3A_404 : i32
      scf.if %cond3A_405 {
        %add3A_538 = arith.constant 1 : i32
        %add3A_539 = arith.addi %add3A_380, %add3A_538 : i32
        %add3A_540 = arith.addi %add3A_8, %add3A_539 : i32
        %mul3A_541 = arith.constant 2 : i32
        %mul3A_542 = arith.muli %mul3A_541, %add3A_540 : i32
        %dma_wait3A_543 = arith.constant 0 : i32
        %dma_wait3A_544 = tpu.memref_slice %arg3[%mul3A_542, %dma_wait3A_543] : memref<5008x128xi32, #tpu.memory_space<hbm>> -> memref<8x128xi32, #tpu.memory_space<hbm>>
        %dma_wait3A_545 = arith.constant 0 : i32
        %dma_wait3A_546 = tpu.memref_slice %arg3[%mul3A_542, %dma_wait3A_545] : memref<5008x128xi32, #tpu.memory_space<hbm>> -> memref<8x128xi32, #tpu.memory_space<hbm>>
        tpu.wait_dma2 semaphore(%arg19 : memref<!tpu.dma_semaphore, #tpu.memory_space<semaphore_mem>>) src(%dma_wait3A_546 : memref<8x128xi32, #tpu.memory_space<hbm>>) dst(%arg11 : memref<8x128xi32, #tpu.memory_space<vmem>>)
      } else {
      }
      %add3A_406 = arith.constant 5 : i32
      %add3A_407 = arith.addi %add3A_380, %add3A_406 : i32
      %lt3A_408 = arith.cmpi slt, %add3A_407, %add3A_4 : i32
      %convert_element_type3A_409 = arith.extui %lt3A_408 : i1 to i32
      %cond3A_410 = arith.constant 0 : i32
      %cond3A_411 = arith.cmpi ne, %convert_element_type3A_409, %cond3A_410 : i32
      scf.if %cond3A_411 {
        %add3A_538 = arith.constant 5 : i32
        %add3A_539 = arith.addi %add3A_380, %add3A_538 : i32
        %add3A_540 = arith.addi %add3A_8, %add3A_539 : i32
        %mul3A_541 = arith.constant 2 : i32
        %mul3A_542 = arith.muli %mul3A_541, %add3A_540 : i32
        %dma_start3A_543 = arith.constant 0 : i32
        %dma_start3A_544 = tpu.memref_slice %arg3[%mul3A_542, %dma_start3A_543] : memref<5008x128xi32, #tpu.memory_space<hbm>> -> memref<8x128xi32, #tpu.memory_space<hbm>>
        %dma_start3A_545 = arith.constant 0 : i32
        %dma_start3A_546 = tpu.memref_slice %arg3[%mul3A_542, %dma_start3A_545] : memref<5008x128xi32, #tpu.memory_space<hbm>> -> memref<8x128xi32, #tpu.memory_space<hbm>>
        tpu.enqueue_dma source(%dma_start3A_546 : memref<8x128xi32, #tpu.memory_space<hbm>>) target(%arg8 : memref<8x128xi32, #tpu.memory_space<vmem>>) target_semaphore(%arg16 : memref<!tpu.dma_semaphore, #tpu.memory_space<semaphore_mem>>)
      } else {
      }
      %add3A_412 = arith.constant 1 : i32
      %add3A_413 = arith.addi %add3A_380, %add3A_412 : i32
      %lt3A_414 = arith.cmpi slt, %add3A_413, %add3A_4 : i32
      %convert_element_type3A_415 = arith.extui %lt3A_414 : i1 to i32
      %cond3A_416 = arith.constant 0 : i32
      %cond3A_417 = arith.cmpi ne, %convert_element_type3A_415, %cond3A_416 : i32
      scf.if %cond3A_417 {
        %dma_start3A_538 = arith.constant 0 : i32
        %dma_start3A_539 = arith.constant 0 : i32
        %dma_start3A_540 = tpu.memref_slice %arg11[%dma_start3A_538, %dma_start3A_539] : memref<8x128xi32, #tpu.memory_space<vmem>> -> memref<1x128xi32, #tpu.memory_space<vmem>>
        %dma_start3A_541 = tpu.memref_squeeze %dma_start3A_540 : memref<1x128xi32, #tpu.memory_space<vmem>> -> memref<128xi32, #tpu.memory_space<vmem>>
        %dma_start3A_542 = arith.constant 0 : i32
        %dma_start3A_543 = arith.constant 0 : i32
        %dma_start3A_544 = tpu.memref_slice %arg2[%dma_start3A_542, %dma_start3A_543] : memref<10000x128xf32, #tpu.memory_space<hbm>> -> memref<10000x128xf32, #tpu.memory_space<hbm>>
        tpu.enqueue_indirect_dma source(%dma_start3A_544 : memref<10000x128xf32, #tpu.memory_space<hbm>>) target(%arg6 : memref<128x128xf32, #tpu.memory_space<vmem>>) offsets(%dma_start3A_541 : memref<128xi32, #tpu.memory_space<vmem>>) semaphore(%arg12 : memref<!tpu.dma_semaphore, #tpu.memory_space<semaphore_mem>>)
      } else {
      }
      %add3A_418 = arith.constant 12 : i32
      %add3A_419 = arith.addi %mul3A_62, %add3A_418 : i32
      %lt3A_420 = arith.cmpi slt, %add3A_419, %add3A_4 : i32
      %convert_element_type3A_421 = arith.extui %lt3A_420 : i1 to i32
      %cond3A_422 = arith.constant 0 : i32
      %cond3A_423 = arith.cmpi ne, %convert_element_type3A_421, %cond3A_422 : i32
      scf.if %cond3A_423 {
        %dma_wait3A_538 = arith.constant 0 : i32
        %dma_wait3A_539 = arith.constant 0 : i32
        %dma_wait3A_540 = tpu.memref_slice %arg11[%dma_wait3A_538, %dma_wait3A_539] : memref<8x128xi32, #tpu.memory_space<vmem>> -> memref<1x128xi32, #tpu.memory_space<vmem>>
        %dma_wait3A_541 = tpu.memref_squeeze %dma_wait3A_540 : memref<1x128xi32, #tpu.memory_space<vmem>> -> memref<128xi32, #tpu.memory_space<vmem>>
        %dma_wait3A_542 = arith.constant 0 : i32
        %dma_wait3A_543 = arith.constant 0 : i32
        %dma_wait3A_544 = tpu.memref_slice %arg2[%dma_wait3A_542, %dma_wait3A_543] : memref<10000x128xf32, #tpu.memory_space<hbm>> -> memref<10000x128xf32, #tpu.memory_space<hbm>>
        tpu.wait_indirect_dma semaphore(%arg12 : memref<!tpu.dma_semaphore, #tpu.memory_space<semaphore_mem>>) src(%dma_wait3A_544 : memref<10000x128xf32, #tpu.memory_space<hbm>>) dst(%arg6 : memref<128x128xf32, #tpu.memory_space<vmem>>)
        %dma_start3A_545 = arith.constant 1 : i32
        %dma_start3A_546 = arith.constant 0 : i32
        %dma_start3A_547 = tpu.memref_slice %arg11[%dma_start3A_545, %dma_start3A_546] : memref<8x128xi32, #tpu.memory_space<vmem>> -> memref<1x128xi32, #tpu.memory_space<vmem>>
        %dma_start3A_548 = tpu.memref_squeeze %dma_start3A_547 : memref<1x128xi32, #tpu.memory_space<vmem>> -> memref<128xi32, #tpu.memory_space<vmem>>
        %dma_start3A_549 = arith.constant 0 : i32
        %dma_start3A_550 = arith.constant 0 : i32
        %dma_start3A_551 = tpu.memref_slice %arg5[%dma_start3A_549, %dma_start3A_550] : memref<10240x128xf32, #tpu.memory_space<vmem_shared>> -> memref<10240x128xf32, #tpu.memory_space<vmem_shared>>
        tpu.enqueue_indirect_dma source(%arg6 : memref<128x128xf32, #tpu.memory_space<vmem>>) target(%dma_start3A_551 : memref<10240x128xf32, #tpu.memory_space<vmem_shared>>) offsets(%dma_start3A_548 : memref<128xi32, #tpu.memory_space<vmem>>) semaphore(%arg14 : memref<!tpu.dma_semaphore, #tpu.memory_space<semaphore_mem>>) {add = true}
      } else {
      }
      %add3A_424 = arith.constant 1 : i32
      %add3A_425 = arith.addi %add3A_419, %add3A_424 : i32
      %sub3A_426 = arith.constant 2 : i32
      %sub3A_427 = arith.subi %add3A_425, %sub3A_426 : i32
      %ge3A_428 = arith.constant 0 : i32
      %ge3A_429 = arith.cmpi sge, %sub3A_427, %ge3A_428 : i32
      %add3A_430 = arith.constant 1 : i32
      %add3A_431 = arith.addi %add3A_419, %add3A_430 : i32
      %sub3A_432 = arith.constant 2 : i32
      %sub3A_433 = arith.subi %add3A_431, %sub3A_432 : i32
      %lt3A_434 = arith.cmpi slt, %sub3A_433, %add3A_4 : i32
      %and3A_435 = arith.andi %ge3A_429, %lt3A_434 : i1
      %convert_element_type3A_436 = arith.extui %and3A_435 : i1 to i32
      %cond3A_437 = arith.constant 0 : i32
      %cond3A_438 = arith.cmpi ne, %convert_element_type3A_436, %cond3A_437 : i32
      scf.if %cond3A_438 {
        %dma_wait3A_538 = arith.constant 7 : i32
        %dma_wait3A_539 = arith.constant 0 : i32
        %dma_wait3A_540 = tpu.memref_slice %arg10[%dma_wait3A_538, %dma_wait3A_539] : memref<8x128xi32, #tpu.memory_space<vmem>> -> memref<1x128xi32, #tpu.memory_space<vmem>>
        %dma_wait3A_541 = tpu.memref_squeeze %dma_wait3A_540 : memref<1x128xi32, #tpu.memory_space<vmem>> -> memref<128xi32, #tpu.memory_space<vmem>>
        %dma_wait3A_542 = arith.constant 0 : i32
        %dma_wait3A_543 = arith.constant 0 : i32
        %dma_wait3A_544 = tpu.memref_slice %arg5[%dma_wait3A_542, %dma_wait3A_543] : memref<10240x128xf32, #tpu.memory_space<vmem_shared>> -> memref<10240x128xf32, #tpu.memory_space<vmem_shared>>
        tpu.wait_indirect_dma semaphore(%arg15 : memref<!tpu.dma_semaphore, #tpu.memory_space<semaphore_mem>>) src(%arg7 : memref<128x128xf32, #tpu.memory_space<vmem>>) dst(%dma_wait3A_544 : memref<10240x128xf32, #tpu.memory_space<vmem_shared>>)
      } else {
      }
      %add3A_439 = arith.constant 1 : i32
      %add3A_440 = arith.addi %add3A_419, %add3A_439 : i32
      %lt3A_441 = arith.cmpi slt, %add3A_440, %add3A_4 : i32
      %convert_element_type3A_442 = arith.extui %lt3A_441 : i1 to i32
      %cond3A_443 = arith.constant 0 : i32
      %cond3A_444 = arith.cmpi ne, %convert_element_type3A_442, %cond3A_443 : i32
      scf.if %cond3A_444 {
        %dma_start3A_538 = arith.constant 2 : i32
        %dma_start3A_539 = arith.constant 0 : i32
        %dma_start3A_540 = tpu.memref_slice %arg11[%dma_start3A_538, %dma_start3A_539] : memref<8x128xi32, #tpu.memory_space<vmem>> -> memref<1x128xi32, #tpu.memory_space<vmem>>
        %dma_start3A_541 = tpu.memref_squeeze %dma_start3A_540 : memref<1x128xi32, #tpu.memory_space<vmem>> -> memref<128xi32, #tpu.memory_space<vmem>>
        %dma_start3A_542 = arith.constant 0 : i32
        %dma_start3A_543 = arith.constant 0 : i32
        %dma_start3A_544 = tpu.memref_slice %arg2[%dma_start3A_542, %dma_start3A_543] : memref<10000x128xf32, #tpu.memory_space<hbm>> -> memref<10000x128xf32, #tpu.memory_space<hbm>>
        tpu.enqueue_indirect_dma source(%dma_start3A_544 : memref<10000x128xf32, #tpu.memory_space<hbm>>) target(%arg7 : memref<128x128xf32, #tpu.memory_space<vmem>>) offsets(%dma_start3A_541 : memref<128xi32, #tpu.memory_space<vmem>>) semaphore(%arg13 : memref<!tpu.dma_semaphore, #tpu.memory_space<semaphore_mem>>)
      } else {
      }
      %add3A_445 = arith.constant 13 : i32
      %add3A_446 = arith.addi %mul3A_62, %add3A_445 : i32
      %lt3A_447 = arith.cmpi slt, %add3A_446, %add3A_4 : i32
      %convert_element_type3A_448 = arith.extui %lt3A_447 : i1 to i32
      %cond3A_449 = arith.constant 0 : i32
      %cond3A_450 = arith.cmpi ne, %convert_element_type3A_448, %cond3A_449 : i32
      scf.if %cond3A_450 {
        %dma_wait3A_538 = arith.constant 2 : i32
        %dma_wait3A_539 = arith.constant 0 : i32
        %dma_wait3A_540 = tpu.memref_slice %arg11[%dma_wait3A_538, %dma_wait3A_539] : memref<8x128xi32, #tpu.memory_space<vmem>> -> memref<1x128xi32, #tpu.memory_space<vmem>>
        %dma_wait3A_541 = tpu.memref_squeeze %dma_wait3A_540 : memref<1x128xi32, #tpu.memory_space<vmem>> -> memref<128xi32, #tpu.memory_space<vmem>>
        %dma_wait3A_542 = arith.constant 0 : i32
        %dma_wait3A_543 = arith.constant 0 : i32
        %dma_wait3A_544 = tpu.memref_slice %arg2[%dma_wait3A_542, %dma_wait3A_543] : memref<10000x128xf32, #tpu.memory_space<hbm>> -> memref<10000x128xf32, #tpu.memory_space<hbm>>
        tpu.wait_indirect_dma semaphore(%arg13 : memref<!tpu.dma_semaphore, #tpu.memory_space<semaphore_mem>>) src(%dma_wait3A_544 : memref<10000x128xf32, #tpu.memory_space<hbm>>) dst(%arg7 : memref<128x128xf32, #tpu.memory_space<vmem>>)
        %dma_start3A_545 = arith.constant 3 : i32
        %dma_start3A_546 = arith.constant 0 : i32
        %dma_start3A_547 = tpu.memref_slice %arg11[%dma_start3A_545, %dma_start3A_546] : memref<8x128xi32, #tpu.memory_space<vmem>> -> memref<1x128xi32, #tpu.memory_space<vmem>>
        %dma_start3A_548 = tpu.memref_squeeze %dma_start3A_547 : memref<1x128xi32, #tpu.memory_space<vmem>> -> memref<128xi32, #tpu.memory_space<vmem>>
        %dma_start3A_549 = arith.constant 0 : i32
        %dma_start3A_550 = arith.constant 0 : i32
        %dma_start3A_551 = tpu.memref_slice %arg5[%dma_start3A_549, %dma_start3A_550] : memref<10240x128xf32, #tpu.memory_space<vmem_shared>> -> memref<10240x128xf32, #tpu.memory_space<vmem_shared>>
        tpu.enqueue_indirect_dma source(%arg7 : memref<128x128xf32, #tpu.memory_space<vmem>>) target(%dma_start3A_551 : memref<10240x128xf32, #tpu.memory_space<vmem_shared>>) offsets(%dma_start3A_548 : memref<128xi32, #tpu.memory_space<vmem>>) semaphore(%arg15 : memref<!tpu.dma_semaphore, #tpu.memory_space<semaphore_mem>>) {add = true}
      } else {
      }
      %add3A_451 = arith.constant 1 : i32
      %add3A_452 = arith.addi %add3A_446, %add3A_451 : i32
      %sub3A_453 = arith.constant 2 : i32
      %sub3A_454 = arith.subi %add3A_452, %sub3A_453 : i32
      %ge3A_455 = arith.constant 0 : i32
      %ge3A_456 = arith.cmpi sge, %sub3A_454, %ge3A_455 : i32
      %add3A_457 = arith.constant 1 : i32
      %add3A_458 = arith.addi %add3A_446, %add3A_457 : i32
      %sub3A_459 = arith.constant 2 : i32
      %sub3A_460 = arith.subi %add3A_458, %sub3A_459 : i32
      %lt3A_461 = arith.cmpi slt, %sub3A_460, %add3A_4 : i32
      %and3A_462 = arith.andi %ge3A_456, %lt3A_461 : i1
      %convert_element_type3A_463 = arith.extui %and3A_462 : i1 to i32
      %cond3A_464 = arith.constant 0 : i32
      %cond3A_465 = arith.cmpi ne, %convert_element_type3A_463, %cond3A_464 : i32
      scf.if %cond3A_465 {
        %dma_wait3A_538 = arith.constant 1 : i32
        %dma_wait3A_539 = arith.constant 0 : i32
        %dma_wait3A_540 = tpu.memref_slice %arg11[%dma_wait3A_538, %dma_wait3A_539] : memref<8x128xi32, #tpu.memory_space<vmem>> -> memref<1x128xi32, #tpu.memory_space<vmem>>
        %dma_wait3A_541 = tpu.memref_squeeze %dma_wait3A_540 : memref<1x128xi32, #tpu.memory_space<vmem>> -> memref<128xi32, #tpu.memory_space<vmem>>
        %dma_wait3A_542 = arith.constant 0 : i32
        %dma_wait3A_543 = arith.constant 0 : i32
        %dma_wait3A_544 = tpu.memref_slice %arg5[%dma_wait3A_542, %dma_wait3A_543] : memref<10240x128xf32, #tpu.memory_space<vmem_shared>> -> memref<10240x128xf32, #tpu.memory_space<vmem_shared>>
        tpu.wait_indirect_dma semaphore(%arg14 : memref<!tpu.dma_semaphore, #tpu.memory_space<semaphore_mem>>) src(%arg6 : memref<128x128xf32, #tpu.memory_space<vmem>>) dst(%dma_wait3A_544 : memref<10240x128xf32, #tpu.memory_space<vmem_shared>>)
      } else {
      }
      %add3A_466 = arith.constant 1 : i32
      %add3A_467 = arith.addi %add3A_446, %add3A_466 : i32
      %lt3A_468 = arith.cmpi slt, %add3A_467, %add3A_4 : i32
      %convert_element_type3A_469 = arith.extui %lt3A_468 : i1 to i32
      %cond3A_470 = arith.constant 0 : i32
      %cond3A_471 = arith.cmpi ne, %convert_element_type3A_469, %cond3A_470 : i32
      scf.if %cond3A_471 {
        %dma_start3A_538 = arith.constant 4 : i32
        %dma_start3A_539 = arith.constant 0 : i32
        %dma_start3A_540 = tpu.memref_slice %arg11[%dma_start3A_538, %dma_start3A_539] : memref<8x128xi32, #tpu.memory_space<vmem>> -> memref<1x128xi32, #tpu.memory_space<vmem>>
        %dma_start3A_541 = tpu.memref_squeeze %dma_start3A_540 : memref<1x128xi32, #tpu.memory_space<vmem>> -> memref<128xi32, #tpu.memory_space<vmem>>
        %dma_start3A_542 = arith.constant 0 : i32
        %dma_start3A_543 = arith.constant 0 : i32
        %dma_start3A_544 = tpu.memref_slice %arg2[%dma_start3A_542, %dma_start3A_543] : memref<10000x128xf32, #tpu.memory_space<hbm>> -> memref<10000x128xf32, #tpu.memory_space<hbm>>
        tpu.enqueue_indirect_dma source(%dma_start3A_544 : memref<10000x128xf32, #tpu.memory_space<hbm>>) target(%arg6 : memref<128x128xf32, #tpu.memory_space<vmem>>) offsets(%dma_start3A_541 : memref<128xi32, #tpu.memory_space<vmem>>) semaphore(%arg12 : memref<!tpu.dma_semaphore, #tpu.memory_space<semaphore_mem>>)
      } else {
      }
      %add3A_472 = arith.constant 14 : i32
      %add3A_473 = arith.addi %mul3A_62, %add3A_472 : i32
      %lt3A_474 = arith.cmpi slt, %add3A_473, %add3A_4 : i32
      %convert_element_type3A_475 = arith.extui %lt3A_474 : i1 to i32
      %cond3A_476 = arith.constant 0 : i32
      %cond3A_477 = arith.cmpi ne, %convert_element_type3A_475, %cond3A_476 : i32
      scf.if %cond3A_477 {
        %dma_wait3A_538 = arith.constant 4 : i32
        %dma_wait3A_539 = arith.constant 0 : i32
        %dma_wait3A_540 = tpu.memref_slice %arg11[%dma_wait3A_538, %dma_wait3A_539] : memref<8x128xi32, #tpu.memory_space<vmem>> -> memref<1x128xi32, #tpu.memory_space<vmem>>
        %dma_wait3A_541 = tpu.memref_squeeze %dma_wait3A_540 : memref<1x128xi32, #tpu.memory_space<vmem>> -> memref<128xi32, #tpu.memory_space<vmem>>
        %dma_wait3A_542 = arith.constant 0 : i32
        %dma_wait3A_543 = arith.constant 0 : i32
        %dma_wait3A_544 = tpu.memref_slice %arg2[%dma_wait3A_542, %dma_wait3A_543] : memref<10000x128xf32, #tpu.memory_space<hbm>> -> memref<10000x128xf32, #tpu.memory_space<hbm>>
        tpu.wait_indirect_dma semaphore(%arg12 : memref<!tpu.dma_semaphore, #tpu.memory_space<semaphore_mem>>) src(%dma_wait3A_544 : memref<10000x128xf32, #tpu.memory_space<hbm>>) dst(%arg6 : memref<128x128xf32, #tpu.memory_space<vmem>>)
        %dma_start3A_545 = arith.constant 5 : i32
        %dma_start3A_546 = arith.constant 0 : i32
        %dma_start3A_547 = tpu.memref_slice %arg11[%dma_start3A_545, %dma_start3A_546] : memref<8x128xi32, #tpu.memory_space<vmem>> -> memref<1x128xi32, #tpu.memory_space<vmem>>
        %dma_start3A_548 = tpu.memref_squeeze %dma_start3A_547 : memref<1x128xi32, #tpu.memory_space<vmem>> -> memref<128xi32, #tpu.memory_space<vmem>>
        %dma_start3A_549 = arith.constant 0 : i32
        %dma_start3A_550 = arith.constant 0 : i32
        %dma_start3A_551 = tpu.memref_slice %arg5[%dma_start3A_549, %dma_start3A_550] : memref<10240x128xf32, #tpu.memory_space<vmem_shared>> -> memref<10240x128xf32, #tpu.memory_space<vmem_shared>>
        tpu.enqueue_indirect_dma source(%arg6 : memref<128x128xf32, #tpu.memory_space<vmem>>) target(%dma_start3A_551 : memref<10240x128xf32, #tpu.memory_space<vmem_shared>>) offsets(%dma_start3A_548 : memref<128xi32, #tpu.memory_space<vmem>>) semaphore(%arg14 : memref<!tpu.dma_semaphore, #tpu.memory_space<semaphore_mem>>) {add = true}
      } else {
      }
      %add3A_478 = arith.constant 1 : i32
      %add3A_479 = arith.addi %add3A_473, %add3A_478 : i32
      %sub3A_480 = arith.constant 2 : i32
      %sub3A_481 = arith.subi %add3A_479, %sub3A_480 : i32
      %ge3A_482 = arith.constant 0 : i32
      %ge3A_483 = arith.cmpi sge, %sub3A_481, %ge3A_482 : i32
      %add3A_484 = arith.constant 1 : i32
      %add3A_485 = arith.addi %add3A_473, %add3A_484 : i32
      %sub3A_486 = arith.constant 2 : i32
      %sub3A_487 = arith.subi %add3A_485, %sub3A_486 : i32
      %lt3A_488 = arith.cmpi slt, %sub3A_487, %add3A_4 : i32
      %and3A_489 = arith.andi %ge3A_483, %lt3A_488 : i1
      %convert_element_type3A_490 = arith.extui %and3A_489 : i1 to i32
      %cond3A_491 = arith.constant 0 : i32
      %cond3A_492 = arith.cmpi ne, %convert_element_type3A_490, %cond3A_491 : i32
      scf.if %cond3A_492 {
        %dma_wait3A_538 = arith.constant 3 : i32
        %dma_wait3A_539 = arith.constant 0 : i32
        %dma_wait3A_540 = tpu.memref_slice %arg11[%dma_wait3A_538, %dma_wait3A_539] : memref<8x128xi32, #tpu.memory_space<vmem>> -> memref<1x128xi32, #tpu.memory_space<vmem>>
        %dma_wait3A_541 = tpu.memref_squeeze %dma_wait3A_540 : memref<1x128xi32, #tpu.memory_space<vmem>> -> memref<128xi32, #tpu.memory_space<vmem>>
        %dma_wait3A_542 = arith.constant 0 : i32
        %dma_wait3A_543 = arith.constant 0 : i32
        %dma_wait3A_544 = tpu.memref_slice %arg5[%dma_wait3A_542, %dma_wait3A_543] : memref<10240x128xf32, #tpu.memory_space<vmem_shared>> -> memref<10240x128xf32, #tpu.memory_space<vmem_shared>>
        tpu.wait_indirect_dma semaphore(%arg15 : memref<!tpu.dma_semaphore, #tpu.memory_space<semaphore_mem>>) src(%arg7 : memref<128x128xf32, #tpu.memory_space<vmem>>) dst(%dma_wait3A_544 : memref<10240x128xf32, #tpu.memory_space<vmem_shared>>)
      } else {
      }
      %add3A_493 = arith.constant 1 : i32
      %add3A_494 = arith.addi %add3A_473, %add3A_493 : i32
      %lt3A_495 = arith.cmpi slt, %add3A_494, %add3A_4 : i32
      %convert_element_type3A_496 = arith.extui %lt3A_495 : i1 to i32
      %cond3A_497 = arith.constant 0 : i32
      %cond3A_498 = arith.cmpi ne, %convert_element_type3A_496, %cond3A_497 : i32
      scf.if %cond3A_498 {
        %dma_start3A_538 = arith.constant 6 : i32
        %dma_start3A_539 = arith.constant 0 : i32
        %dma_start3A_540 = tpu.memref_slice %arg11[%dma_start3A_538, %dma_start3A_539] : memref<8x128xi32, #tpu.memory_space<vmem>> -> memref<1x128xi32, #tpu.memory_space<vmem>>
        %dma_start3A_541 = tpu.memref_squeeze %dma_start3A_540 : memref<1x128xi32, #tpu.memory_space<vmem>> -> memref<128xi32, #tpu.memory_space<vmem>>
        %dma_start3A_542 = arith.constant 0 : i32
        %dma_start3A_543 = arith.constant 0 : i32
        %dma_start3A_544 = tpu.memref_slice %arg2[%dma_start3A_542, %dma_start3A_543] : memref<10000x128xf32, #tpu.memory_space<hbm>> -> memref<10000x128xf32, #tpu.memory_space<hbm>>
        tpu.enqueue_indirect_dma source(%dma_start3A_544 : memref<10000x128xf32, #tpu.memory_space<hbm>>) target(%arg7 : memref<128x128xf32, #tpu.memory_space<vmem>>) offsets(%dma_start3A_541 : memref<128xi32, #tpu.memory_space<vmem>>) semaphore(%arg13 : memref<!tpu.dma_semaphore, #tpu.memory_space<semaphore_mem>>)
      } else {
      }
      %add3A_499 = arith.constant 15 : i32
      %add3A_500 = arith.addi %mul3A_62, %add3A_499 : i32
      %lt3A_501 = arith.cmpi slt, %add3A_500, %add3A_4 : i32
      %convert_element_type3A_502 = arith.extui %lt3A_501 : i1 to i32
      %cond3A_503 = arith.constant 0 : i32
      %cond3A_504 = arith.cmpi ne, %convert_element_type3A_502, %cond3A_503 : i32
      scf.if %cond3A_504 {
        %dma_wait3A_538 = arith.constant 6 : i32
        %dma_wait3A_539 = arith.constant 0 : i32
        %dma_wait3A_540 = tpu.memref_slice %arg11[%dma_wait3A_538, %dma_wait3A_539] : memref<8x128xi32, #tpu.memory_space<vmem>> -> memref<1x128xi32, #tpu.memory_space<vmem>>
        %dma_wait3A_541 = tpu.memref_squeeze %dma_wait3A_540 : memref<1x128xi32, #tpu.memory_space<vmem>> -> memref<128xi32, #tpu.memory_space<vmem>>
        %dma_wait3A_542 = arith.constant 0 : i32
        %dma_wait3A_543 = arith.constant 0 : i32
        %dma_wait3A_544 = tpu.memref_slice %arg2[%dma_wait3A_542, %dma_wait3A_543] : memref<10000x128xf32, #tpu.memory_space<hbm>> -> memref<10000x128xf32, #tpu.memory_space<hbm>>
        tpu.wait_indirect_dma semaphore(%arg13 : memref<!tpu.dma_semaphore, #tpu.memory_space<semaphore_mem>>) src(%dma_wait3A_544 : memref<10000x128xf32, #tpu.memory_space<hbm>>) dst(%arg7 : memref<128x128xf32, #tpu.memory_space<vmem>>)
        %dma_start3A_545 = arith.constant 7 : i32
        %dma_start3A_546 = arith.constant 0 : i32
        %dma_start3A_547 = tpu.memref_slice %arg11[%dma_start3A_545, %dma_start3A_546] : memref<8x128xi32, #tpu.memory_space<vmem>> -> memref<1x128xi32, #tpu.memory_space<vmem>>
        %dma_start3A_548 = tpu.memref_squeeze %dma_start3A_547 : memref<1x128xi32, #tpu.memory_space<vmem>> -> memref<128xi32, #tpu.memory_space<vmem>>
        %dma_start3A_549 = arith.constant 0 : i32
        %dma_start3A_550 = arith.constant 0 : i32
        %dma_start3A_551 = tpu.memref_slice %arg5[%dma_start3A_549, %dma_start3A_550] : memref<10240x128xf32, #tpu.memory_space<vmem_shared>> -> memref<10240x128xf32, #tpu.memory_space<vmem_shared>>
        tpu.enqueue_indirect_dma source(%arg7 : memref<128x128xf32, #tpu.memory_space<vmem>>) target(%dma_start3A_551 : memref<10240x128xf32, #tpu.memory_space<vmem_shared>>) offsets(%dma_start3A_548 : memref<128xi32, #tpu.memory_space<vmem>>) semaphore(%arg15 : memref<!tpu.dma_semaphore, #tpu.memory_space<semaphore_mem>>) {add = true}
      } else {
      }
      %add3A_505 = arith.constant 1 : i32
      %add3A_506 = arith.addi %add3A_500, %add3A_505 : i32
      %sub3A_507 = arith.constant 2 : i32
      %sub3A_508 = arith.subi %add3A_506, %sub3A_507 : i32
      %ge3A_509 = arith.constant 0 : i32
      %ge3A_510 = arith.cmpi sge, %sub3A_508, %ge3A_509 : i32
      %add3A_511 = arith.constant 1 : i32
      %add3A_512 = arith.addi %add3A_500, %add3A_511 : i32
      %sub3A_513 = arith.constant 2 : i32
      %sub3A_514 = arith.subi %add3A_512, %sub3A_513 : i32
      %lt3A_515 = arith.cmpi slt, %sub3A_514, %add3A_4 : i32
      %and3A_516 = arith.andi %ge3A_510, %lt3A_515 : i1
      %convert_element_type3A_517 = arith.extui %and3A_516 : i1 to i32
      %cond3A_518 = arith.constant 0 : i32
      %cond3A_519 = arith.cmpi ne, %convert_element_type3A_517, %cond3A_518 : i32
      scf.if %cond3A_519 {
        %dma_wait3A_538 = arith.constant 5 : i32
        %dma_wait3A_539 = arith.constant 0 : i32
        %dma_wait3A_540 = tpu.memref_slice %arg11[%dma_wait3A_538, %dma_wait3A_539] : memref<8x128xi32, #tpu.memory_space<vmem>> -> memref<1x128xi32, #tpu.memory_space<vmem>>
        %dma_wait3A_541 = tpu.memref_squeeze %dma_wait3A_540 : memref<1x128xi32, #tpu.memory_space<vmem>> -> memref<128xi32, #tpu.memory_space<vmem>>
        %dma_wait3A_542 = arith.constant 0 : i32
        %dma_wait3A_543 = arith.constant 0 : i32
        %dma_wait3A_544 = tpu.memref_slice %arg5[%dma_wait3A_542, %dma_wait3A_543] : memref<10240x128xf32, #tpu.memory_space<vmem_shared>> -> memref<10240x128xf32, #tpu.memory_space<vmem_shared>>
        tpu.wait_indirect_dma semaphore(%arg14 : memref<!tpu.dma_semaphore, #tpu.memory_space<semaphore_mem>>) src(%arg6 : memref<128x128xf32, #tpu.memory_space<vmem>>) dst(%dma_wait3A_544 : memref<10240x128xf32, #tpu.memory_space<vmem_shared>>)
      } else {
      }
      %add3A_520 = arith.constant 1 : i32
      %add3A_521 = arith.addi %add3A_500, %add3A_520 : i32
      %lt3A_522 = arith.cmpi slt, %add3A_521, %add3A_4 : i32
      %convert_element_type3A_523 = arith.extui %lt3A_522 : i1 to i32
      %cond3A_524 = arith.constant 0 : i32
      %cond3A_525 = arith.cmpi ne, %convert_element_type3A_523, %cond3A_524 : i32
      scf.if %cond3A_525 {
        %add3A_538 = arith.constant 1 : i32
        %add3A_539 = arith.addi %add3A_500, %add3A_538 : i32
        %add3A_540 = arith.addi %add3A_8, %add3A_539 : i32
        %mul3A_541 = arith.constant 2 : i32
        %mul3A_542 = arith.muli %mul3A_541, %add3A_540 : i32
        %dma_wait3A_543 = arith.constant 0 : i32
        %dma_wait3A_544 = tpu.memref_slice %arg3[%mul3A_542, %dma_wait3A_543] : memref<5008x128xi32, #tpu.memory_space<hbm>> -> memref<8x128xi32, #tpu.memory_space<hbm>>
        %dma_wait3A_545 = arith.constant 0 : i32
        %dma_wait3A_546 = tpu.memref_slice %arg3[%mul3A_542, %dma_wait3A_545] : memref<5008x128xi32, #tpu.memory_space<hbm>> -> memref<8x128xi32, #tpu.memory_space<hbm>>
        tpu.wait_dma2 semaphore(%arg16 : memref<!tpu.dma_semaphore, #tpu.memory_space<semaphore_mem>>) src(%dma_wait3A_546 : memref<8x128xi32, #tpu.memory_space<hbm>>) dst(%arg8 : memref<8x128xi32, #tpu.memory_space<vmem>>)
      } else {
      }
      %add3A_526 = arith.constant 5 : i32
      %add3A_527 = arith.addi %add3A_500, %add3A_526 : i32
      %lt3A_528 = arith.cmpi slt, %add3A_527, %add3A_4 : i32
      %convert_element_type3A_529 = arith.extui %lt3A_528 : i1 to i32
      %cond3A_530 = arith.constant 0 : i32
      %cond3A_531 = arith.cmpi ne, %convert_element_type3A_529, %cond3A_530 : i32
      scf.if %cond3A_531 {
        %add3A_538 = arith.constant 5 : i32
        %add3A_539 = arith.addi %add3A_500, %add3A_538 : i32
        %add3A_540 = arith.addi %add3A_8, %add3A_539 : i32
        %mul3A_541 = arith.constant 2 : i32
        %mul3A_542 = arith.muli %mul3A_541, %add3A_540 : i32
        %dma_start3A_543 = arith.constant 0 : i32
        %dma_start3A_544 = tpu.memref_slice %arg3[%mul3A_542, %dma_start3A_543] : memref<5008x128xi32, #tpu.memory_space<hbm>> -> memref<8x128xi32, #tpu.memory_space<hbm>>
        %dma_start3A_545 = arith.constant 0 : i32
        %dma_start3A_546 = tpu.memref_slice %arg3[%mul3A_542, %dma_start3A_545] : memref<5008x128xi32, #tpu.memory_space<hbm>> -> memref<8x128xi32, #tpu.memory_space<hbm>>
        tpu.enqueue_dma source(%dma_start3A_546 : memref<8x128xi32, #tpu.memory_space<hbm>>) target(%arg9 : memref<8x128xi32, #tpu.memory_space<vmem>>) target_semaphore(%arg17 : memref<!tpu.dma_semaphore, #tpu.memory_space<semaphore_mem>>)
      } else {
      }
      %add3A_532 = arith.constant 1 : i32
      %add3A_533 = arith.addi %add3A_500, %add3A_532 : i32
      %lt3A_534 = arith.cmpi slt, %add3A_533, %add3A_4 : i32
      %convert_element_type3A_535 = arith.extui %lt3A_534 : i1 to i32
      %cond3A_536 = arith.constant 0 : i32
      %cond3A_537 = arith.cmpi ne, %convert_element_type3A_535, %cond3A_536 : i32
      scf.if %cond3A_537 {
        %dma_start3A_538 = arith.constant 0 : i32
        %dma_start3A_539 = arith.constant 0 : i32
        %dma_start3A_540 = tpu.memref_slice %arg8[%dma_start3A_538, %dma_start3A_539] : memref<8x128xi32, #tpu.memory_space<vmem>> -> memref<1x128xi32, #tpu.memory_space<vmem>>
        %dma_start3A_541 = tpu.memref_squeeze %dma_start3A_540 : memref<1x128xi32, #tpu.memory_space<vmem>> -> memref<128xi32, #tpu.memory_space<vmem>>
        %dma_start3A_542 = arith.constant 0 : i32
        %dma_start3A_543 = arith.constant 0 : i32
        %dma_start3A_544 = tpu.memref_slice %arg2[%dma_start3A_542, %dma_start3A_543] : memref<10000x128xf32, #tpu.memory_space<hbm>> -> memref<10000x128xf32, #tpu.memory_space<hbm>>
        tpu.enqueue_indirect_dma source(%dma_start3A_544 : memref<10000x128xf32, #tpu.memory_space<hbm>>) target(%arg6 : memref<128x128xf32, #tpu.memory_space<vmem>>) offsets(%dma_start3A_541 : memref<128xi32, #tpu.memory_space<vmem>>) semaphore(%arg12 : memref<!tpu.dma_semaphore, #tpu.memory_space<semaphore_mem>>)
      } else {
      }
    }
    %scan3A_54 = arith.constant 6 : i32
    %barrier3A_55 = arith.constant 0 : index
    tpu.barrier barrier_id(%barrier3A_55)
    "tpu.region"() ({
      %run_scoped3A = tpu.sem_alloc : memref<!tpu.dma_semaphore, #tpu.memory_space<semaphore_mem>>
      %dma_start3A_56 = arith.constant 0 : i32
      %dma_start3A_57 = tpu.memref_slice %arg4[%arg0, %mul3A_15, %dma_start3A_56] : memref<2x10240x128xf32, #tpu.memory_space<hbm>> -> memref<1x640x128xf32, #tpu.memory_space<hbm>>
      %dma_start3A_58 = tpu.memref_squeeze %dma_start3A_57 : memref<1x640x128xf32, #tpu.memory_space<hbm>> -> memref<640x128xf32, #tpu.memory_space<hbm>>
      %dma_start3A_59 = arith.constant 0 : i32
      %dma_start3A_60 = tpu.memref_slice %arg5[%mul3A_15, %dma_start3A_59] : memref<10240x128xf32, #tpu.memory_space<vmem_shared>> -> memref<640x128xf32, #tpu.memory_space<vmem_shared>>
      tpu.enqueue_dma source(%dma_start3A_60 : memref<640x128xf32, #tpu.memory_space<vmem_shared>>) target(%dma_start3A_58 : memref<640x128xf32, #tpu.memory_space<hbm>>) target_semaphore(%run_scoped3A : memref<!tpu.dma_semaphore, #tpu.memory_space<semaphore_mem>>)
      %dma_wait3A_61 = arith.constant 0 : i32
      %dma_wait3A_62 = tpu.memref_slice %arg4[%arg0, %mul3A_15, %dma_wait3A_61] : memref<2x10240x128xf32, #tpu.memory_space<hbm>> -> memref<1x640x128xf32, #tpu.memory_space<hbm>>
      %dma_wait3A_63 = tpu.memref_squeeze %dma_wait3A_62 : memref<1x640x128xf32, #tpu.memory_space<hbm>> -> memref<640x128xf32, #tpu.memory_space<hbm>>
      %dma_wait3A_64 = arith.constant 0 : i32
      %dma_wait3A_65 = tpu.memref_slice %arg5[%mul3A_15, %dma_wait3A_64] : memref<10240x128xf32, #tpu.memory_space<vmem_shared>> -> memref<640x128xf32, #tpu.memory_space<vmem_shared>>
      tpu.wait_dma2 semaphore(%run_scoped3A : memref<!tpu.dma_semaphore, #tpu.memory_space<semaphore_mem>>) src(%dma_wait3A_65 : memref<640x128xf32, #tpu.memory_space<vmem_shared>>) dst(%dma_wait3A_63 : memref<640x128xf32, #tpu.memory_space<hbm>>)
      tpu.yield
    }) : () -> ()
    return
  }
}

#map = affine_map<(d0, d1) -> (0, 0)>
#map1 = affine_map<(d0, d1) -> (0, 0, 0)>
module attributes {stable_mosaic.version = 14 : i64} {
  func.func @body(%arg0: i32, %arg1: i32, %arg2: memref<10000x48xf32, #tpu.memory_space<hbm>>, %arg3: memref<1258x512xi32, #tpu.memory_space<hbm>>, %arg4: memref<2x10240x48xf32, #tpu.memory_space<hbm>>, %arg5: memref<10240x48xf32, #tpu.memory_space<vmem_shared>>, %arg6: memref<512x48xf32, #tpu.memory_space<vmem>>, %arg7: memref<512x48xf32, #tpu.memory_space<vmem>>, %arg8: memref<8x512xi32, #tpu.memory_space<vmem>>, %arg9: memref<8x512xi32, #tpu.memory_space<vmem>>, %arg10: memref<8x512xi32, #tpu.memory_space<vmem>>, %arg11: memref<8x512xi32, #tpu.memory_space<vmem>>, %arg12: memref<!tpu.dma_semaphore, #tpu.memory_space<semaphore_mem>>, %arg13: memref<!tpu.dma_semaphore, #tpu.memory_space<semaphore_mem>>, %arg14: memref<!tpu.dma_semaphore, #tpu.memory_space<semaphore_mem>>, %arg15: memref<!tpu.dma_semaphore, #tpu.memory_space<semaphore_mem>>, %arg16: memref<!tpu.dma_semaphore, #tpu.memory_space<semaphore_mem>>, %arg17: memref<!tpu.dma_semaphore, #tpu.memory_space<semaphore_mem>>, %arg18: memref<!tpu.dma_semaphore, #tpu.memory_space<semaphore_mem>>, %arg19: memref<!tpu.dma_semaphore, #tpu.memory_space<semaphore_mem>>) attributes {dimension_semantics = [#tpu.dimension_semantics<core_parallel>, #tpu.dimension_semantics<subcore_parallel>], iteration_bounds = array<i64: 2, 16>, scalar_prefetch = 0 : i64, scratch_operands = 15 : i64, tpu.core_type = #tpu.core_type<sc_vector_subcore>, window_params = [{transform_indices = #map}, {transform_indices = #map}, {transform_indices = #map1}]} {
    %mul3A = arith.constant 16 : i32
    %mul3A_0 = arith.muli %arg0, %mul3A : i32
    %add3A = arith.addi %mul3A_0, %arg1 : i32
    %lt3A = arith.constant 17 : i32
    %lt3A_1 = arith.cmpi slt, %add3A, %lt3A : i32
    %jit3A = arith.constant 1 : i32
    %jit3A_2 = arith.constant 0 : i32
    %select_n3A = arith.select %lt3A_1, %jit3A, %jit3A_2 : i32
    %add3A_3 = arith.constant 19 : i32
    %add3A_4 = arith.addi %add3A_3, %select_n3A : i32
    %mul3A_5 = arith.constant 19 : i32
    %mul3A_6 = arith.muli %add3A, %mul3A_5 : i32
    %min3A = arith.constant 17 : i32
    %min3A_7 = arith.minsi %add3A, %min3A : i32
    %add3A_8 = arith.addi %mul3A_6, %min3A_7 : i32
    %broadcast_in_dim3A = arith.constant 0.000000e+00 : f32
    %broadcast_in_dim3A_9 = vector.broadcast %broadcast_in_dim3A : f32 to vector<16xf32>
    %scan3A = arith.constant 0 : i32
    %scan3A_10 = arith.constant 128 : i32
    %scan3A_11 = arith.addi %scan3A, %scan3A_10 : i32
    %scan3A_12 = arith.constant 1 : i32
    scf.for %scan3A_56 = %scan3A to %scan3A_11 step %scan3A_12  : i32 {
      %mul3A_57 = arith.constant 1 : i32
      %mul3A_58 = arith.muli %scan3A_56, %mul3A_57 : i32
      %add3A_59 = arith.constant 0 : i32
      %add3A_60 = arith.addi %add3A_59, %mul3A_58 : i32
      %scan3A_61 = arith.constant 0 : i32
      %scan3A_62 = arith.constant 3 : i32
      %scan3A_63 = arith.addi %scan3A_61, %scan3A_62 : i32
      %scan3A_64 = arith.constant 1 : i32
      scf.for %scan3A_66 = %scan3A_61 to %scan3A_63 step %scan3A_64  : i32 {
        %mul3A_67 = arith.constant 1 : i32
        %mul3A_68 = arith.muli %scan3A_66, %mul3A_67 : i32
        %add3A_69 = arith.constant 0 : i32
        %add3A_70 = arith.addi %add3A_69, %mul3A_68 : i32
        %mul3A_71 = arith.constant 16 : i32
        %mul3A_72 = arith.muli %add3A_70, %mul3A_71 : i32
        %swap3A = arith.index_cast %add3A_60 : i32 to index
        %swap3A_73 = arith.index_cast %mul3A_72 : i32 to index
        %swap3A_74 = tpu.vector_load %arg6[%swap3A, %swap3A_73] {strides = array<i32>} : memref<512x48xf32, #tpu.memory_space<vmem>>, vector<1x16xf32>,
        %swap3A_75 = vector.shape_cast %swap3A_74 : vector<1x16xf32> to vector<16xf32>
        %swap3A_76 = vector.shape_cast %broadcast_in_dim3A_9 : vector<16xf32> to vector<1x16xf32>
        tpu.vector_store %arg6[%swap3A, %swap3A_73], %swap3A_76 {strides = array<i32>} : memref<512x48xf32, #tpu.memory_space<vmem>>, vector<1x16xf32>,
      }
      %scan3A_65 = arith.constant 3 : i32
    }
    %scan3A_13 = arith.constant 128 : i32
    %mul3A_14 = arith.constant 640 : i32
    %mul3A_15 = arith.muli %arg1, %mul3A_14 : i32
    %scan3A_16 = arith.constant 0 : i32
    %scan3A_17 = arith.constant 5 : i32
    %scan3A_18 = arith.addi %scan3A_16, %scan3A_17 : i32
    %scan3A_19 = arith.constant 1 : i32
    scf.for %scan3A_56 = %scan3A_16 to %scan3A_18 step %scan3A_19  : i32 {
      %mul3A_57 = arith.constant 1 : i32
      %mul3A_58 = arith.muli %scan3A_56, %mul3A_57 : i32
      %add3A_59 = arith.constant 0 : i32
      %add3A_60 = arith.addi %add3A_59, %mul3A_58 : i32
      %mul3A_61 = arith.constant 128 : i32
      %mul3A_62 = arith.muli %add3A_60, %mul3A_61 : i32
      %add3A_63 = arith.addi %mul3A_15, %mul3A_62 : i32
      "tpu.region"() ({
        %run_scoped3A = tpu.sem_alloc : memref<!tpu.dma_semaphore, #tpu.memory_space<semaphore_mem>>
        %dma_start3A_64 = arith.constant 0 : i32
        %dma_start3A_65 = arith.constant 0 : i32
        %dma_start3A_66 = tpu.memref_slice %arg6[%dma_start3A_64, %dma_start3A_65] : memref<512x48xf32, #tpu.memory_space<vmem>> -> memref<128x48xf32, #tpu.memory_space<vmem>>
        %dma_start3A_67 = arith.constant 0 : i32
        %dma_start3A_68 = tpu.memref_slice %arg5[%add3A_63, %dma_start3A_67] : memref<10240x48xf32, #tpu.memory_space<vmem_shared>> -> memref<128x48xf32, #tpu.memory_space<vmem_shared>>
        %dma_start3A_69 = arith.constant 0 : i32
        %dma_start3A_70 = tpu.memref_slice %arg5[%add3A_63, %dma_start3A_69] : memref<10240x48xf32, #tpu.memory_space<vmem_shared>> -> memref<128x48xf32, #tpu.memory_space<vmem_shared>>
        %dma_start3A_71 = arith.constant 0 : i32
        %dma_start3A_72 = arith.constant 0 : i32
        %dma_start3A_73 = tpu.memref_slice %arg6[%dma_start3A_71, %dma_start3A_72] : memref<512x48xf32, #tpu.memory_space<vmem>> -> memref<128x48xf32, #tpu.memory_space<vmem>>
        tpu.enqueue_dma source(%dma_start3A_73 : memref<128x48xf32, #tpu.memory_space<vmem>>) target(%dma_start3A_70 : memref<128x48xf32, #tpu.memory_space<vmem_shared>>) target_semaphore(%run_scoped3A : memref<!tpu.dma_semaphore, #tpu.memory_space<semaphore_mem>>)
        %dma_wait3A_74 = arith.constant 0 : i32
        %dma_wait3A_75 = arith.constant 0 : i32
        %dma_wait3A_76 = tpu.memref_slice %arg6[%dma_wait3A_74, %dma_wait3A_75] : memref<512x48xf32, #tpu.memory_space<vmem>> -> memref<128x48xf32, #tpu.memory_space<vmem>>
        %dma_wait3A_77 = arith.constant 0 : i32
        %dma_wait3A_78 = tpu.memref_slice %arg5[%add3A_63, %dma_wait3A_77] : memref<10240x48xf32, #tpu.memory_space<vmem_shared>> -> memref<128x48xf32, #tpu.memory_space<vmem_shared>>
        %dma_wait3A_79 = arith.constant 0 : i32
        %dma_wait3A_80 = tpu.memref_slice %arg5[%add3A_63, %dma_wait3A_79] : memref<10240x48xf32, #tpu.memory_space<vmem_shared>> -> memref<128x48xf32, #tpu.memory_space<vmem_shared>>
        %dma_wait3A_81 = arith.constant 0 : i32
        %dma_wait3A_82 = arith.constant 0 : i32
        %dma_wait3A_83 = tpu.memref_slice %arg6[%dma_wait3A_81, %dma_wait3A_82] : memref<512x48xf32, #tpu.memory_space<vmem>> -> memref<128x48xf32, #tpu.memory_space<vmem>>
        tpu.wait_dma2 semaphore(%run_scoped3A : memref<!tpu.dma_semaphore, #tpu.memory_space<semaphore_mem>>) src(%dma_wait3A_83 : memref<128x48xf32, #tpu.memory_space<vmem>>) dst(%dma_wait3A_80 : memref<128x48xf32, #tpu.memory_space<vmem_shared>>)
        tpu.yield
      }) : () -> ()
    }
    %scan3A_20 = arith.constant 5 : i32
    %barrier3A = arith.constant 0 : index
    tpu.barrier barrier_id(%barrier3A)
    %add3A_21 = arith.constant 0 : i32
    %add3A_22 = arith.addi %add3A_8, %add3A_21 : i32
    %mul3A_23 = arith.constant 2 : i32
    %mul3A_24 = arith.muli %mul3A_23, %add3A_22 : i32
    %dma_start3A = arith.constant 0 : i32
    %dma_start3A_25 = tpu.memref_slice %arg3[%mul3A_24, %dma_start3A] : memref<1258x512xi32, #tpu.memory_space<hbm>> -> memref<8x512xi32, #tpu.memory_space<hbm>>
    %dma_start3A_26 = arith.constant 0 : i32
    %dma_start3A_27 = tpu.memref_slice %arg3[%mul3A_24, %dma_start3A_26] : memref<1258x512xi32, #tpu.memory_space<hbm>> -> memref<8x512xi32, #tpu.memory_space<hbm>>
    tpu.enqueue_dma source(%dma_start3A_27 : memref<8x512xi32, #tpu.memory_space<hbm>>) target(%arg8 : memref<8x512xi32, #tpu.memory_space<vmem>>) target_semaphore(%arg16 : memref<!tpu.dma_semaphore, #tpu.memory_space<semaphore_mem>>)
    %add3A_28 = arith.constant 4 : i32
    %add3A_29 = arith.addi %add3A_8, %add3A_28 : i32
    %mul3A_30 = arith.constant 2 : i32
    %mul3A_31 = arith.muli %mul3A_30, %add3A_29 : i32
    %dma_start3A_32 = arith.constant 0 : i32
    %dma_start3A_33 = tpu.memref_slice %arg3[%mul3A_31, %dma_start3A_32] : memref<1258x512xi32, #tpu.memory_space<hbm>> -> memref<8x512xi32, #tpu.memory_space<hbm>>
    %dma_start3A_34 = arith.constant 0 : i32
    %dma_start3A_35 = tpu.memref_slice %arg3[%mul3A_31, %dma_start3A_34] : memref<1258x512xi32, #tpu.memory_space<hbm>> -> memref<8x512xi32, #tpu.memory_space<hbm>>
    tpu.enqueue_dma source(%dma_start3A_35 : memref<8x512xi32, #tpu.memory_space<hbm>>) target(%arg9 : memref<8x512xi32, #tpu.memory_space<vmem>>) target_semaphore(%arg17 : memref<!tpu.dma_semaphore, #tpu.memory_space<semaphore_mem>>)
    %add3A_36 = arith.constant 0 : i32
    %add3A_37 = arith.addi %add3A_8, %add3A_36 : i32
    %mul3A_38 = arith.constant 2 : i32
    %mul3A_39 = arith.muli %mul3A_38, %add3A_37 : i32
    %dma_wait3A = arith.constant 0 : i32
    %dma_wait3A_40 = tpu.memref_slice %arg3[%mul3A_39, %dma_wait3A] : memref<1258x512xi32, #tpu.memory_space<hbm>> -> memref<8x512xi32, #tpu.memory_space<hbm>>
    %dma_wait3A_41 = arith.constant 0 : i32
    %dma_wait3A_42 = tpu.memref_slice %arg3[%mul3A_39, %dma_wait3A_41] : memref<1258x512xi32, #tpu.memory_space<hbm>> -> memref<8x512xi32, #tpu.memory_space<hbm>>
    tpu.wait_dma2 semaphore(%arg16 : memref<!tpu.dma_semaphore, #tpu.memory_space<semaphore_mem>>) src(%dma_wait3A_42 : memref<8x512xi32, #tpu.memory_space<hbm>>) dst(%arg8 : memref<8x512xi32, #tpu.memory_space<vmem>>)
    %dma_start3A_43 = arith.constant 0 : i32
    %dma_start3A_44 = arith.constant 0 : i32
    %dma_start3A_45 = tpu.memref_slice %arg8[%dma_start3A_43, %dma_start3A_44] : memref<8x512xi32, #tpu.memory_space<vmem>> -> memref<1x512xi32, #tpu.memory_space<vmem>>
    %dma_start3A_46 = tpu.memref_squeeze %dma_start3A_45 : memref<1x512xi32, #tpu.memory_space<vmem>> -> memref<512xi32, #tpu.memory_space<vmem>>
    %dma_start3A_47 = arith.constant 0 : i32
    %dma_start3A_48 = arith.constant 0 : i32
    %dma_start3A_49 = tpu.memref_slice %arg2[%dma_start3A_47, %dma_start3A_48] : memref<10000x48xf32, #tpu.memory_space<hbm>> -> memref<10000x48xf32, #tpu.memory_space<hbm>>
    tpu.enqueue_indirect_dma source(%dma_start3A_49 : memref<10000x48xf32, #tpu.memory_space<hbm>>) target(%arg6 : memref<512x48xf32, #tpu.memory_space<vmem>>) offsets(%dma_start3A_46 : memref<512xi32, #tpu.memory_space<vmem>>) semaphore(%arg12 : memref<!tpu.dma_semaphore, #tpu.memory_space<semaphore_mem>>)
    %scan3A_50 = arith.constant 0 : i32
    %scan3A_51 = arith.constant 2 : i32
    %scan3A_52 = arith.addi %scan3A_50, %scan3A_51 : i32
    %scan3A_53 = arith.constant 1 : i32
    scf.for %scan3A_56 = %scan3A_50 to %scan3A_52 step %scan3A_53  : i32 {
      %mul3A_57 = arith.constant 1 : i32
      %mul3A_58 = arith.muli %scan3A_56, %mul3A_57 : i32
      %add3A_59 = arith.constant 0 : i32
      %add3A_60 = arith.addi %add3A_59, %mul3A_58 : i32
      %mul3A_61 = arith.constant 16 : i32
      %mul3A_62 = arith.muli %add3A_60, %mul3A_61 : i32
      %add3A_63 = arith.constant 0 : i32
      %add3A_64 = arith.addi %mul3A_62, %add3A_63 : i32
      %lt3A_65 = arith.cmpi slt, %add3A_64, %add3A_4 : i32
      %convert_element_type3A = arith.extui %lt3A_65 : i1 to i32
      %cond3A = arith.constant 0 : i32
      %cond3A_66 = arith.cmpi ne, %convert_element_type3A, %cond3A : i32
      scf.if %cond3A_66 {
        %dma_wait3A_538 = arith.constant 0 : i32
        %dma_wait3A_539 = arith.constant 0 : i32
        %dma_wait3A_540 = tpu.memref_slice %arg8[%dma_wait3A_538, %dma_wait3A_539] : memref<8x512xi32, #tpu.memory_space<vmem>> -> memref<1x512xi32, #tpu.memory_space<vmem>>
        %dma_wait3A_541 = tpu.memref_squeeze %dma_wait3A_540 : memref<1x512xi32, #tpu.memory_space<vmem>> -> memref<512xi32, #tpu.memory_space<vmem>>
        %dma_wait3A_542 = arith.constant 0 : i32
        %dma_wait3A_543 = arith.constant 0 : i32
        %dma_wait3A_544 = tpu.memref_slice %arg2[%dma_wait3A_542, %dma_wait3A_543] : memref<10000x48xf32, #tpu.memory_space<hbm>> -> memref<10000x48xf32, #tpu.memory_space<hbm>>
        tpu.wait_indirect_dma semaphore(%arg12 : memref<!tpu.dma_semaphore, #tpu.memory_space<semaphore_mem>>) src(%dma_wait3A_544 : memref<10000x48xf32, #tpu.memory_space<hbm>>) dst(%arg6 : memref<512x48xf32, #tpu.memory_space<vmem>>)
        %dma_start3A_545 = arith.constant 1 : i32
        %dma_start3A_546 = arith.constant 0 : i32
        %dma_start3A_547 = tpu.memref_slice %arg8[%dma_start3A_545, %dma_start3A_546] : memref<8x512xi32, #tpu.memory_space<vmem>> -> memref<1x512xi32, #tpu.memory_space<vmem>>
        %dma_start3A_548 = tpu.memref_squeeze %dma_start3A_547 : memref<1x512xi32, #tpu.memory_space<vmem>> -> memref<512xi32, #tpu.memory_space<vmem>>
        %dma_start3A_549 = arith.constant 0 : i32
        %dma_start3A_550 = arith.constant 0 : i32
        %dma_start3A_551 = tpu.memref_slice %arg5[%dma_start3A_549, %dma_start3A_550] : memref<10240x48xf32, #tpu.memory_space<vmem_shared>> -> memref<10240x48xf32, #tpu.memory_space<vmem_shared>>
        tpu.enqueue_indirect_dma source(%arg6 : memref<512x48xf32, #tpu.memory_space<vmem>>) target(%dma_start3A_551 : memref<10240x48xf32, #tpu.memory_space<vmem_shared>>) offsets(%dma_start3A_548 : memref<512xi32, #tpu.memory_space<vmem>>) semaphore(%arg14 : memref<!tpu.dma_semaphore, #tpu.memory_space<semaphore_mem>>) {add = true}
      } else {
      }
      %add3A_67 = arith.constant 1 : i32
      %add3A_68 = arith.addi %add3A_64, %add3A_67 : i32
      %sub3A = arith.constant 2 : i32
      %sub3A_69 = arith.subi %add3A_68, %sub3A : i32
      %ge3A = arith.constant 0 : i32
      %ge3A_70 = arith.cmpi sge, %sub3A_69, %ge3A : i32
      %add3A_71 = arith.constant 1 : i32
      %add3A_72 = arith.addi %add3A_64, %add3A_71 : i32
      %sub3A_73 = arith.constant 2 : i32
      %sub3A_74 = arith.subi %add3A_72, %sub3A_73 : i32
      %lt3A_75 = arith.cmpi slt, %sub3A_74, %add3A_4 : i32
      %and3A = arith.andi %ge3A_70, %lt3A_75 : i1
      %convert_element_type3A_76 = arith.extui %and3A : i1 to i32
      %cond3A_77 = arith.constant 0 : i32
      %cond3A_78 = arith.cmpi ne, %convert_element_type3A_76, %cond3A_77 : i32
      scf.if %cond3A_78 {
        %dma_wait3A_538 = arith.constant 7 : i32
        %dma_wait3A_539 = arith.constant 0 : i32
        %dma_wait3A_540 = tpu.memref_slice %arg11[%dma_wait3A_538, %dma_wait3A_539] : memref<8x512xi32, #tpu.memory_space<vmem>> -> memref<1x512xi32, #tpu.memory_space<vmem>>
        %dma_wait3A_541 = tpu.memref_squeeze %dma_wait3A_540 : memref<1x512xi32, #tpu.memory_space<vmem>> -> memref<512xi32, #tpu.memory_space<vmem>>
        %dma_wait3A_542 = arith.constant 0 : i32
        %dma_wait3A_543 = arith.constant 0 : i32
        %dma_wait3A_544 = tpu.memref_slice %arg5[%dma_wait3A_542, %dma_wait3A_543] : memref<10240x48xf32, #tpu.memory_space<vmem_shared>> -> memref<10240x48xf32, #tpu.memory_space<vmem_shared>>
        tpu.wait_indirect_dma semaphore(%arg15 : memref<!tpu.dma_semaphore, #tpu.memory_space<semaphore_mem>>) src(%arg7 : memref<512x48xf32, #tpu.memory_space<vmem>>) dst(%dma_wait3A_544 : memref<10240x48xf32, #tpu.memory_space<vmem_shared>>)
      } else {
      }
      %add3A_79 = arith.constant 1 : i32
      %add3A_80 = arith.addi %add3A_64, %add3A_79 : i32
      %lt3A_81 = arith.cmpi slt, %add3A_80, %add3A_4 : i32
      %convert_element_type3A_82 = arith.extui %lt3A_81 : i1 to i32
      %cond3A_83 = arith.constant 0 : i32
      %cond3A_84 = arith.cmpi ne, %convert_element_type3A_82, %cond3A_83 : i32
      scf.if %cond3A_84 {
        %dma_start3A_538 = arith.constant 2 : i32
        %dma_start3A_539 = arith.constant 0 : i32
        %dma_start3A_540 = tpu.memref_slice %arg8[%dma_start3A_538, %dma_start3A_539] : memref<8x512xi32, #tpu.memory_space<vmem>> -> memref<1x512xi32, #tpu.memory_space<vmem>>
        %dma_start3A_541 = tpu.memref_squeeze %dma_start3A_540 : memref<1x512xi32, #tpu.memory_space<vmem>> -> memref<512xi32, #tpu.memory_space<vmem>>
        %dma_start3A_542 = arith.constant 0 : i32
        %dma_start3A_543 = arith.constant 0 : i32
        %dma_start3A_544 = tpu.memref_slice %arg2[%dma_start3A_542, %dma_start3A_543] : memref<10000x48xf32, #tpu.memory_space<hbm>> -> memref<10000x48xf32, #tpu.memory_space<hbm>>
        tpu.enqueue_indirect_dma source(%dma_start3A_544 : memref<10000x48xf32, #tpu.memory_space<hbm>>) target(%arg7 : memref<512x48xf32, #tpu.memory_space<vmem>>) offsets(%dma_start3A_541 : memref<512xi32, #tpu.memory_space<vmem>>) semaphore(%arg13 : memref<!tpu.dma_semaphore, #tpu.memory_space<semaphore_mem>>)
      } else {
      }
      %add3A_85 = arith.constant 1 : i32
      %add3A_86 = arith.addi %mul3A_62, %add3A_85 : i32
      %lt3A_87 = arith.cmpi slt, %add3A_86, %add3A_4 : i32
      %convert_element_type3A_88 = arith.extui %lt3A_87 : i1 to i32
      %cond3A_89 = arith.constant 0 : i32
      %cond3A_90 = arith.cmpi ne, %convert_element_type3A_88, %cond3A_89 : i32
      scf.if %cond3A_90 {
        %dma_wait3A_538 = arith.constant 2 : i32
        %dma_wait3A_539 = arith.constant 0 : i32
        %dma_wait3A_540 = tpu.memref_slice %arg8[%dma_wait3A_538, %dma_wait3A_539] : memref<8x512xi32, #tpu.memory_space<vmem>> -> memref<1x512xi32, #tpu.memory_space<vmem>>
        %dma_wait3A_541 = tpu.memref_squeeze %dma_wait3A_540 : memref<1x512xi32, #tpu.memory_space<vmem>> -> memref<512xi32, #tpu.memory_space<vmem>>
        %dma_wait3A_542 = arith.constant 0 : i32
        %dma_wait3A_543 = arith.constant 0 : i32
        %dma_wait3A_544 = tpu.memref_slice %arg2[%dma_wait3A_542, %dma_wait3A_543] : memref<10000x48xf32, #tpu.memory_space<hbm>> -> memref<10000x48xf32, #tpu.memory_space<hbm>>
        tpu.wait_indirect_dma semaphore(%arg13 : memref<!tpu.dma_semaphore, #tpu.memory_space<semaphore_mem>>) src(%dma_wait3A_544 : memref<10000x48xf32, #tpu.memory_space<hbm>>) dst(%arg7 : memref<512x48xf32, #tpu.memory_space<vmem>>)
        %dma_start3A_545 = arith.constant 3 : i32
        %dma_start3A_546 = arith.constant 0 : i32
        %dma_start3A_547 = tpu.memref_slice %arg8[%dma_start3A_545, %dma_start3A_546] : memref<8x512xi32, #tpu.memory_space<vmem>> -> memref<1x512xi32, #tpu.memory_space<vmem>>
        %dma_start3A_548 = tpu.memref_squeeze %dma_start3A_547 : memref<1x512xi32, #tpu.memory_space<vmem>> -> memref<512xi32, #tpu.memory_space<vmem>>
        %dma_start3A_549 = arith.constant 0 : i32
        %dma_start3A_550 = arith.constant 0 : i32
        %dma_start3A_551 = tpu.memref_slice %arg5[%dma_start3A_549, %dma_start3A_550] : memref<10240x48xf32, #tpu.memory_space<vmem_shared>> -> memref<10240x48xf32, #tpu.memory_space<vmem_shared>>
        tpu.enqueue_indirect_dma source(%arg7 : memref<512x48xf32, #tpu.memory_space<vmem>>) target(%dma_start3A_551 : memref<10240x48xf32, #tpu.memory_space<vmem_shared>>) offsets(%dma_start3A_548 : memref<512xi32, #tpu.memory_space<vmem>>) semaphore(%arg15 : memref<!tpu.dma_semaphore, #tpu.memory_space<semaphore_mem>>) {add = true}
      } else {
      }
      %add3A_91 = arith.constant 1 : i32
      %add3A_92 = arith.addi %add3A_86, %add3A_91 : i32
      %sub3A_93 = arith.constant 2 : i32
      %sub3A_94 = arith.subi %add3A_92, %sub3A_93 : i32
      %ge3A_95 = arith.constant 0 : i32
      %ge3A_96 = arith.cmpi sge, %sub3A_94, %ge3A_95 : i32
      %add3A_97 = arith.constant 1 : i32
      %add3A_98 = arith.addi %add3A_86, %add3A_97 : i32
      %sub3A_99 = arith.constant 2 : i32
      %sub3A_100 = arith.subi %add3A_98, %sub3A_99 : i32
      %lt3A_101 = arith.cmpi slt, %sub3A_100, %add3A_4 : i32
      %and3A_102 = arith.andi %ge3A_96, %lt3A_101 : i1
      %convert_element_type3A_103 = arith.extui %and3A_102 : i1 to i32
      %cond3A_104 = arith.constant 0 : i32
      %cond3A_105 = arith.cmpi ne, %convert_element_type3A_103, %cond3A_104 : i32
      scf.if %cond3A_105 {
        %dma_wait3A_538 = arith.constant 1 : i32
        %dma_wait3A_539 = arith.constant 0 : i32
        %dma_wait3A_540 = tpu.memref_slice %arg8[%dma_wait3A_538, %dma_wait3A_539] : memref<8x512xi32, #tpu.memory_space<vmem>> -> memref<1x512xi32, #tpu.memory_space<vmem>>
        %dma_wait3A_541 = tpu.memref_squeeze %dma_wait3A_540 : memref<1x512xi32, #tpu.memory_space<vmem>> -> memref<512xi32, #tpu.memory_space<vmem>>
        %dma_wait3A_542 = arith.constant 0 : i32
        %dma_wait3A_543 = arith.constant 0 : i32
        %dma_wait3A_544 = tpu.memref_slice %arg5[%dma_wait3A_542, %dma_wait3A_543] : memref<10240x48xf32, #tpu.memory_space<vmem_shared>> -> memref<10240x48xf32, #tpu.memory_space<vmem_shared>>
        tpu.wait_indirect_dma semaphore(%arg14 : memref<!tpu.dma_semaphore, #tpu.memory_space<semaphore_mem>>) src(%arg6 : memref<512x48xf32, #tpu.memory_space<vmem>>) dst(%dma_wait3A_544 : memref<10240x48xf32, #tpu.memory_space<vmem_shared>>)
      } else {
      }
      %add3A_106 = arith.constant 1 : i32
      %add3A_107 = arith.addi %add3A_86, %add3A_106 : i32
      %lt3A_108 = arith.cmpi slt, %add3A_107, %add3A_4 : i32
      %convert_element_type3A_109 = arith.extui %lt3A_108 : i1 to i32
      %cond3A_110 = arith.constant 0 : i32
      %cond3A_111 = arith.cmpi ne, %convert_element_type3A_109, %cond3A_110 : i32
      scf.if %cond3A_111 {
        %dma_start3A_538 = arith.constant 4 : i32
        %dma_start3A_539 = arith.constant 0 : i32
        %dma_start3A_540 = tpu.memref_slice %arg8[%dma_start3A_538, %dma_start3A_539] : memref<8x512xi32, #tpu.memory_space<vmem>> -> memref<1x512xi32, #tpu.memory_space<vmem>>
        %dma_start3A_541 = tpu.memref_squeeze %dma_start3A_540 : memref<1x512xi32, #tpu.memory_space<vmem>> -> memref<512xi32, #tpu.memory_space<vmem>>
        %dma_start3A_542 = arith.constant 0 : i32
        %dma_start3A_543 = arith.constant 0 : i32
        %dma_start3A_544 = tpu.memref_slice %arg2[%dma_start3A_542, %dma_start3A_543] : memref<10000x48xf32, #tpu.memory_space<hbm>> -> memref<10000x48xf32, #tpu.memory_space<hbm>>
        tpu.enqueue_indirect_dma source(%dma_start3A_544 : memref<10000x48xf32, #tpu.memory_space<hbm>>) target(%arg6 : memref<512x48xf32, #tpu.memory_space<vmem>>) offsets(%dma_start3A_541 : memref<512xi32, #tpu.memory_space<vmem>>) semaphore(%arg12 : memref<!tpu.dma_semaphore, #tpu.memory_space<semaphore_mem>>)
      } else {
      }
      %add3A_112 = arith.constant 2 : i32
      %add3A_113 = arith.addi %mul3A_62, %add3A_112 : i32
      %lt3A_114 = arith.cmpi slt, %add3A_113, %add3A_4 : i32
      %convert_element_type3A_115 = arith.extui %lt3A_114 : i1 to i32
      %cond3A_116 = arith.constant 0 : i32
      %cond3A_117 = arith.cmpi ne, %convert_element_type3A_115, %cond3A_116 : i32
      scf.if %cond3A_117 {
        %dma_wait3A_538 = arith.constant 4 : i32
        %dma_wait3A_539 = arith.constant 0 : i32
        %dma_wait3A_540 = tpu.memref_slice %arg8[%dma_wait3A_538, %dma_wait3A_539] : memref<8x512xi32, #tpu.memory_space<vmem>> -> memref<1x512xi32, #tpu.memory_space<vmem>>
        %dma_wait3A_541 = tpu.memref_squeeze %dma_wait3A_540 : memref<1x512xi32, #tpu.memory_space<vmem>> -> memref<512xi32, #tpu.memory_space<vmem>>
        %dma_wait3A_542 = arith.constant 0 : i32
        %dma_wait3A_543 = arith.constant 0 : i32
        %dma_wait3A_544 = tpu.memref_slice %arg2[%dma_wait3A_542, %dma_wait3A_543] : memref<10000x48xf32, #tpu.memory_space<hbm>> -> memref<10000x48xf32, #tpu.memory_space<hbm>>
        tpu.wait_indirect_dma semaphore(%arg12 : memref<!tpu.dma_semaphore, #tpu.memory_space<semaphore_mem>>) src(%dma_wait3A_544 : memref<10000x48xf32, #tpu.memory_space<hbm>>) dst(%arg6 : memref<512x48xf32, #tpu.memory_space<vmem>>)
        %dma_start3A_545 = arith.constant 5 : i32
        %dma_start3A_546 = arith.constant 0 : i32
        %dma_start3A_547 = tpu.memref_slice %arg8[%dma_start3A_545, %dma_start3A_546] : memref<8x512xi32, #tpu.memory_space<vmem>> -> memref<1x512xi32, #tpu.memory_space<vmem>>
        %dma_start3A_548 = tpu.memref_squeeze %dma_start3A_547 : memref<1x512xi32, #tpu.memory_space<vmem>> -> memref<512xi32, #tpu.memory_space<vmem>>
        %dma_start3A_549 = arith.constant 0 : i32
        %dma_start3A_550 = arith.constant 0 : i32
        %dma_start3A_551 = tpu.memref_slice %arg5[%dma_start3A_549, %dma_start3A_550] : memref<10240x48xf32, #tpu.memory_space<vmem_shared>> -> memref<10240x48xf32, #tpu.memory_space<vmem_shared>>
        tpu.enqueue_indirect_dma source(%arg6 : memref<512x48xf32, #tpu.memory_space<vmem>>) target(%dma_start3A_551 : memref<10240x48xf32, #tpu.memory_space<vmem_shared>>) offsets(%dma_start3A_548 : memref<512xi32, #tpu.memory_space<vmem>>) semaphore(%arg14 : memref<!tpu.dma_semaphore, #tpu.memory_space<semaphore_mem>>) {add = true}
      } else {
      }
      %add3A_118 = arith.constant 1 : i32
      %add3A_119 = arith.addi %add3A_113, %add3A_118 : i32
      %sub3A_120 = arith.constant 2 : i32
      %sub3A_121 = arith.subi %add3A_119, %sub3A_120 : i32
      %ge3A_122 = arith.constant 0 : i32
      %ge3A_123 = arith.cmpi sge, %sub3A_121, %ge3A_122 : i32
      %add3A_124 = arith.constant 1 : i32
      %add3A_125 = arith.addi %add3A_113, %add3A_124 : i32
      %sub3A_126 = arith.constant 2 : i32
      %sub3A_127 = arith.subi %add3A_125, %sub3A_126 : i32
      %lt3A_128 = arith.cmpi slt, %sub3A_127, %add3A_4 : i32
      %and3A_129 = arith.andi %ge3A_123, %lt3A_128 : i1
      %convert_element_type3A_130 = arith.extui %and3A_129 : i1 to i32
      %cond3A_131 = arith.constant 0 : i32
      %cond3A_132 = arith.cmpi ne, %convert_element_type3A_130, %cond3A_131 : i32
      scf.if %cond3A_132 {
        %dma_wait3A_538 = arith.constant 3 : i32
        %dma_wait3A_539 = arith.constant 0 : i32
        %dma_wait3A_540 = tpu.memref_slice %arg8[%dma_wait3A_538, %dma_wait3A_539] : memref<8x512xi32, #tpu.memory_space<vmem>> -> memref<1x512xi32, #tpu.memory_space<vmem>>
        %dma_wait3A_541 = tpu.memref_squeeze %dma_wait3A_540 : memref<1x512xi32, #tpu.memory_space<vmem>> -> memref<512xi32, #tpu.memory_space<vmem>>
        %dma_wait3A_542 = arith.constant 0 : i32
        %dma_wait3A_543 = arith.constant 0 : i32
        %dma_wait3A_544 = tpu.memref_slice %arg5[%dma_wait3A_542, %dma_wait3A_543] : memref<10240x48xf32, #tpu.memory_space<vmem_shared>> -> memref<10240x48xf32, #tpu.memory_space<vmem_shared>>
        tpu.wait_indirect_dma semaphore(%arg15 : memref<!tpu.dma_semaphore, #tpu.memory_space<semaphore_mem>>) src(%arg7 : memref<512x48xf32, #tpu.memory_space<vmem>>) dst(%dma_wait3A_544 : memref<10240x48xf32, #tpu.memory_space<vmem_shared>>)
      } else {
      }
      %add3A_133 = arith.constant 1 : i32
      %add3A_134 = arith.addi %add3A_113, %add3A_133 : i32
      %lt3A_135 = arith.cmpi slt, %add3A_134, %add3A_4 : i32
      %convert_element_type3A_136 = arith.extui %lt3A_135 : i1 to i32
      %cond3A_137 = arith.constant 0 : i32
      %cond3A_138 = arith.cmpi ne, %convert_element_type3A_136, %cond3A_137 : i32
      scf.if %cond3A_138 {
        %dma_start3A_538 = arith.constant 6 : i32
        %dma_start3A_539 = arith.constant 0 : i32
        %dma_start3A_540 = tpu.memref_slice %arg8[%dma_start3A_538, %dma_start3A_539] : memref<8x512xi32, #tpu.memory_space<vmem>> -> memref<1x512xi32, #tpu.memory_space<vmem>>
        %dma_start3A_541 = tpu.memref_squeeze %dma_start3A_540 : memref<1x512xi32, #tpu.memory_space<vmem>> -> memref<512xi32, #tpu.memory_space<vmem>>
        %dma_start3A_542 = arith.constant 0 : i32
        %dma_start3A_543 = arith.constant 0 : i32
        %dma_start3A_544 = tpu.memref_slice %arg2[%dma_start3A_542, %dma_start3A_543] : memref<10000x48xf32, #tpu.memory_space<hbm>> -> memref<10000x48xf32, #tpu.memory_space<hbm>>
        tpu.enqueue_indirect_dma source(%dma_start3A_544 : memref<10000x48xf32, #tpu.memory_space<hbm>>) target(%arg7 : memref<512x48xf32, #tpu.memory_space<vmem>>) offsets(%dma_start3A_541 : memref<512xi32, #tpu.memory_space<vmem>>) semaphore(%arg13 : memref<!tpu.dma_semaphore, #tpu.memory_space<semaphore_mem>>)
      } else {
      }
      %add3A_139 = arith.constant 3 : i32
      %add3A_140 = arith.addi %mul3A_62, %add3A_139 : i32
      %lt3A_141 = arith.cmpi slt, %add3A_140, %add3A_4 : i32
      %convert_element_type3A_142 = arith.extui %lt3A_141 : i1 to i32
      %cond3A_143 = arith.constant 0 : i32
      %cond3A_144 = arith.cmpi ne, %convert_element_type3A_142, %cond3A_143 : i32
      scf.if %cond3A_144 {
        %dma_wait3A_538 = arith.constant 6 : i32
        %dma_wait3A_539 = arith.constant 0 : i32
        %dma_wait3A_540 = tpu.memref_slice %arg8[%dma_wait3A_538, %dma_wait3A_539] : memref<8x512xi32, #tpu.memory_space<vmem>> -> memref<1x512xi32, #tpu.memory_space<vmem>>
        %dma_wait3A_541 = tpu.memref_squeeze %dma_wait3A_540 : memref<1x512xi32, #tpu.memory_space<vmem>> -> memref<512xi32, #tpu.memory_space<vmem>>
        %dma_wait3A_542 = arith.constant 0 : i32
        %dma_wait3A_543 = arith.constant 0 : i32
        %dma_wait3A_544 = tpu.memref_slice %arg2[%dma_wait3A_542, %dma_wait3A_543] : memref<10000x48xf32, #tpu.memory_space<hbm>> -> memref<10000x48xf32, #tpu.memory_space<hbm>>
        tpu.wait_indirect_dma semaphore(%arg13 : memref<!tpu.dma_semaphore, #tpu.memory_space<semaphore_mem>>) src(%dma_wait3A_544 : memref<10000x48xf32, #tpu.memory_space<hbm>>) dst(%arg7 : memref<512x48xf32, #tpu.memory_space<vmem>>)
        %dma_start3A_545 = arith.constant 7 : i32
        %dma_start3A_546 = arith.constant 0 : i32
        %dma_start3A_547 = tpu.memref_slice %arg8[%dma_start3A_545, %dma_start3A_546] : memref<8x512xi32, #tpu.memory_space<vmem>> -> memref<1x512xi32, #tpu.memory_space<vmem>>
        %dma_start3A_548 = tpu.memref_squeeze %dma_start3A_547 : memref<1x512xi32, #tpu.memory_space<vmem>> -> memref<512xi32, #tpu.memory_space<vmem>>
        %dma_start3A_549 = arith.constant 0 : i32
        %dma_start3A_550 = arith.constant 0 : i32
        %dma_start3A_551 = tpu.memref_slice %arg5[%dma_start3A_549, %dma_start3A_550] : memref<10240x48xf32, #tpu.memory_space<vmem_shared>> -> memref<10240x48xf32, #tpu.memory_space<vmem_shared>>
        tpu.enqueue_indirect_dma source(%arg7 : memref<512x48xf32, #tpu.memory_space<vmem>>) target(%dma_start3A_551 : memref<10240x48xf32, #tpu.memory_space<vmem_shared>>) offsets(%dma_start3A_548 : memref<512xi32, #tpu.memory_space<vmem>>) semaphore(%arg15 : memref<!tpu.dma_semaphore, #tpu.memory_space<semaphore_mem>>) {add = true}
      } else {
      }
      %add3A_145 = arith.constant 1 : i32
      %add3A_146 = arith.addi %add3A_140, %add3A_145 : i32
      %sub3A_147 = arith.constant 2 : i32
      %sub3A_148 = arith.subi %add3A_146, %sub3A_147 : i32
      %ge3A_149 = arith.constant 0 : i32
      %ge3A_150 = arith.cmpi sge, %sub3A_148, %ge3A_149 : i32
      %add3A_151 = arith.constant 1 : i32
      %add3A_152 = arith.addi %add3A_140, %add3A_151 : i32
      %sub3A_153 = arith.constant 2 : i32
      %sub3A_154 = arith.subi %add3A_152, %sub3A_153 : i32
      %lt3A_155 = arith.cmpi slt, %sub3A_154, %add3A_4 : i32
      %and3A_156 = arith.andi %ge3A_150, %lt3A_155 : i1
      %convert_element_type3A_157 = arith.extui %and3A_156 : i1 to i32
      %cond3A_158 = arith.constant 0 : i32
      %cond3A_159 = arith.cmpi ne, %convert_element_type3A_157, %cond3A_158 : i32
      scf.if %cond3A_159 {
        %dma_wait3A_538 = arith.constant 5 : i32
        %dma_wait3A_539 = arith.constant 0 : i32
        %dma_wait3A_540 = tpu.memref_slice %arg8[%dma_wait3A_538, %dma_wait3A_539] : memref<8x512xi32, #tpu.memory_space<vmem>> -> memref<1x512xi32, #tpu.memory_space<vmem>>
        %dma_wait3A_541 = tpu.memref_squeeze %dma_wait3A_540 : memref<1x512xi32, #tpu.memory_space<vmem>> -> memref<512xi32, #tpu.memory_space<vmem>>
        %dma_wait3A_542 = arith.constant 0 : i32
        %dma_wait3A_543 = arith.constant 0 : i32
        %dma_wait3A_544 = tpu.memref_slice %arg5[%dma_wait3A_542, %dma_wait3A_543] : memref<10240x48xf32, #tpu.memory_space<vmem_shared>> -> memref<10240x48xf32, #tpu.memory_space<vmem_shared>>
        tpu.wait_indirect_dma semaphore(%arg14 : memref<!tpu.dma_semaphore, #tpu.memory_space<semaphore_mem>>) src(%arg6 : memref<512x48xf32, #tpu.memory_space<vmem>>) dst(%dma_wait3A_544 : memref<10240x48xf32, #tpu.memory_space<vmem_shared>>)
      } else {
      }
      %add3A_160 = arith.constant 1 : i32
      %add3A_161 = arith.addi %add3A_140, %add3A_160 : i32
      %lt3A_162 = arith.cmpi slt, %add3A_161, %add3A_4 : i32
      %convert_element_type3A_163 = arith.extui %lt3A_162 : i1 to i32
      %cond3A_164 = arith.constant 0 : i32
      %cond3A_165 = arith.cmpi ne, %convert_element_type3A_163, %cond3A_164 : i32
      scf.if %cond3A_165 {
        %add3A_538 = arith.constant 1 : i32
        %add3A_539 = arith.addi %add3A_140, %add3A_538 : i32
        %add3A_540 = arith.addi %add3A_8, %add3A_539 : i32
        %mul3A_541 = arith.constant 2 : i32
        %mul3A_542 = arith.muli %mul3A_541, %add3A_540 : i32
        %dma_wait3A_543 = arith.constant 0 : i32
        %dma_wait3A_544 = tpu.memref_slice %arg3[%mul3A_542, %dma_wait3A_543] : memref<1258x512xi32, #tpu.memory_space<hbm>> -> memref<8x512xi32, #tpu.memory_space<hbm>>
        %dma_wait3A_545 = arith.constant 0 : i32
        %dma_wait3A_546 = tpu.memref_slice %arg3[%mul3A_542, %dma_wait3A_545] : memref<1258x512xi32, #tpu.memory_space<hbm>> -> memref<8x512xi32, #tpu.memory_space<hbm>>
        tpu.wait_dma2 semaphore(%arg17 : memref<!tpu.dma_semaphore, #tpu.memory_space<semaphore_mem>>) src(%dma_wait3A_546 : memref<8x512xi32, #tpu.memory_space<hbm>>) dst(%arg9 : memref<8x512xi32, #tpu.memory_space<vmem>>)
      } else {
      }
      %add3A_166 = arith.constant 5 : i32
      %add3A_167 = arith.addi %add3A_140, %add3A_166 : i32
      %lt3A_168 = arith.cmpi slt, %add3A_167, %add3A_4 : i32
      %convert_element_type3A_169 = arith.extui %lt3A_168 : i1 to i32
      %cond3A_170 = arith.constant 0 : i32
      %cond3A_171 = arith.cmpi ne, %convert_element_type3A_169, %cond3A_170 : i32
      scf.if %cond3A_171 {
        %add3A_538 = arith.constant 5 : i32
        %add3A_539 = arith.addi %add3A_140, %add3A_538 : i32
        %add3A_540 = arith.addi %add3A_8, %add3A_539 : i32
        %mul3A_541 = arith.constant 2 : i32
        %mul3A_542 = arith.muli %mul3A_541, %add3A_540 : i32
        %dma_start3A_543 = arith.constant 0 : i32
        %dma_start3A_544 = tpu.memref_slice %arg3[%mul3A_542, %dma_start3A_543] : memref<1258x512xi32, #tpu.memory_space<hbm>> -> memref<8x512xi32, #tpu.memory_space<hbm>>
        %dma_start3A_545 = arith.constant 0 : i32
        %dma_start3A_546 = tpu.memref_slice %arg3[%mul3A_542, %dma_start3A_545] : memref<1258x512xi32, #tpu.memory_space<hbm>> -> memref<8x512xi32, #tpu.memory_space<hbm>>
        tpu.enqueue_dma source(%dma_start3A_546 : memref<8x512xi32, #tpu.memory_space<hbm>>) target(%arg10 : memref<8x512xi32, #tpu.memory_space<vmem>>) target_semaphore(%arg18 : memref<!tpu.dma_semaphore, #tpu.memory_space<semaphore_mem>>)
      } else {
      }
      %add3A_172 = arith.constant 1 : i32
      %add3A_173 = arith.addi %add3A_140, %add3A_172 : i32
      %lt3A_174 = arith.cmpi slt, %add3A_173, %add3A_4 : i32
      %convert_element_type3A_175 = arith.extui %lt3A_174 : i1 to i32
      %cond3A_176 = arith.constant 0 : i32
      %cond3A_177 = arith.cmpi ne, %convert_element_type3A_175, %cond3A_176 : i32
      scf.if %cond3A_177 {
        %dma_start3A_538 = arith.constant 0 : i32
        %dma_start3A_539 = arith.constant 0 : i32
        %dma_start3A_540 = tpu.memref_slice %arg9[%dma_start3A_538, %dma_start3A_539] : memref<8x512xi32, #tpu.memory_space<vmem>> -> memref<1x512xi32, #tpu.memory_space<vmem>>
        %dma_start3A_541 = tpu.memref_squeeze %dma_start3A_540 : memref<1x512xi32, #tpu.memory_space<vmem>> -> memref<512xi32, #tpu.memory_space<vmem>>
        %dma_start3A_542 = arith.constant 0 : i32
        %dma_start3A_543 = arith.constant 0 : i32
        %dma_start3A_544 = tpu.memref_slice %arg2[%dma_start3A_542, %dma_start3A_543] : memref<10000x48xf32, #tpu.memory_space<hbm>> -> memref<10000x48xf32, #tpu.memory_space<hbm>>
        tpu.enqueue_indirect_dma source(%dma_start3A_544 : memref<10000x48xf32, #tpu.memory_space<hbm>>) target(%arg6 : memref<512x48xf32, #tpu.memory_space<vmem>>) offsets(%dma_start3A_541 : memref<512xi32, #tpu.memory_space<vmem>>) semaphore(%arg12 : memref<!tpu.dma_semaphore, #tpu.memory_space<semaphore_mem>>)
      } else {
      }
      %add3A_178 = arith.constant 4 : i32
      %add3A_179 = arith.addi %mul3A_62, %add3A_178 : i32
      %lt3A_180 = arith.cmpi slt, %add3A_179, %add3A_4 : i32
      %convert_element_type3A_181 = arith.extui %lt3A_180 : i1 to i32
      %cond3A_182 = arith.constant 0 : i32
      %cond3A_183 = arith.cmpi ne, %convert_element_type3A_181, %cond3A_182 : i32
      scf.if %cond3A_183 {
        %dma_wait3A_538 = arith.constant 0 : i32
        %dma_wait3A_539 = arith.constant 0 : i32
        %dma_wait3A_540 = tpu.memref_slice %arg9[%dma_wait3A_538, %dma_wait3A_539] : memref<8x512xi32, #tpu.memory_space<vmem>> -> memref<1x512xi32, #tpu.memory_space<vmem>>
        %dma_wait3A_541 = tpu.memref_squeeze %dma_wait3A_540 : memref<1x512xi32, #tpu.memory_space<vmem>> -> memref<512xi32, #tpu.memory_space<vmem>>
        %dma_wait3A_542 = arith.constant 0 : i32
        %dma_wait3A_543 = arith.constant 0 : i32
        %dma_wait3A_544 = tpu.memref_slice %arg2[%dma_wait3A_542, %dma_wait3A_543] : memref<10000x48xf32, #tpu.memory_space<hbm>> -> memref<10000x48xf32, #tpu.memory_space<hbm>>
        tpu.wait_indirect_dma semaphore(%arg12 : memref<!tpu.dma_semaphore, #tpu.memory_space<semaphore_mem>>) src(%dma_wait3A_544 : memref<10000x48xf32, #tpu.memory_space<hbm>>) dst(%arg6 : memref<512x48xf32, #tpu.memory_space<vmem>>)
        %dma_start3A_545 = arith.constant 1 : i32
        %dma_start3A_546 = arith.constant 0 : i32
        %dma_start3A_547 = tpu.memref_slice %arg9[%dma_start3A_545, %dma_start3A_546] : memref<8x512xi32, #tpu.memory_space<vmem>> -> memref<1x512xi32, #tpu.memory_space<vmem>>
        %dma_start3A_548 = tpu.memref_squeeze %dma_start3A_547 : memref<1x512xi32, #tpu.memory_space<vmem>> -> memref<512xi32, #tpu.memory_space<vmem>>
        %dma_start3A_549 = arith.constant 0 : i32
        %dma_start3A_550 = arith.constant 0 : i32
        %dma_start3A_551 = tpu.memref_slice %arg5[%dma_start3A_549, %dma_start3A_550] : memref<10240x48xf32, #tpu.memory_space<vmem_shared>> -> memref<10240x48xf32, #tpu.memory_space<vmem_shared>>
        tpu.enqueue_indirect_dma source(%arg6 : memref<512x48xf32, #tpu.memory_space<vmem>>) target(%dma_start3A_551 : memref<10240x48xf32, #tpu.memory_space<vmem_shared>>) offsets(%dma_start3A_548 : memref<512xi32, #tpu.memory_space<vmem>>) semaphore(%arg14 : memref<!tpu.dma_semaphore, #tpu.memory_space<semaphore_mem>>) {add = true}
      } else {
      }
      %add3A_184 = arith.constant 1 : i32
      %add3A_185 = arith.addi %add3A_179, %add3A_184 : i32
      %sub3A_186 = arith.constant 2 : i32
      %sub3A_187 = arith.subi %add3A_185, %sub3A_186 : i32
      %ge3A_188 = arith.constant 0 : i32
      %ge3A_189 = arith.cmpi sge, %sub3A_187, %ge3A_188 : i32
      %add3A_190 = arith.constant 1 : i32
      %add3A_191 = arith.addi %add3A_179, %add3A_190 : i32
      %sub3A_192 = arith.constant 2 : i32
      %sub3A_193 = arith.subi %add3A_191, %sub3A_192 : i32
      %lt3A_194 = arith.cmpi slt, %sub3A_193, %add3A_4 : i32
      %and3A_195 = arith.andi %ge3A_189, %lt3A_194 : i1
      %convert_element_type3A_196 = arith.extui %and3A_195 : i1 to i32
      %cond3A_197 = arith.constant 0 : i32
      %cond3A_198 = arith.cmpi ne, %convert_element_type3A_196, %cond3A_197 : i32
      scf.if %cond3A_198 {
        %dma_wait3A_538 = arith.constant 7 : i32
        %dma_wait3A_539 = arith.constant 0 : i32
        %dma_wait3A_540 = tpu.memref_slice %arg8[%dma_wait3A_538, %dma_wait3A_539] : memref<8x512xi32, #tpu.memory_space<vmem>> -> memref<1x512xi32, #tpu.memory_space<vmem>>
        %dma_wait3A_541 = tpu.memref_squeeze %dma_wait3A_540 : memref<1x512xi32, #tpu.memory_space<vmem>> -> memref<512xi32, #tpu.memory_space<vmem>>
        %dma_wait3A_542 = arith.constant 0 : i32
        %dma_wait3A_543 = arith.constant 0 : i32
        %dma_wait3A_544 = tpu.memref_slice %arg5[%dma_wait3A_542, %dma_wait3A_543] : memref<10240x48xf32, #tpu.memory_space<vmem_shared>> -> memref<10240x48xf32, #tpu.memory_space<vmem_shared>>
        tpu.wait_indirect_dma semaphore(%arg15 : memref<!tpu.dma_semaphore, #tpu.memory_space<semaphore_mem>>) src(%arg7 : memref<512x48xf32, #tpu.memory_space<vmem>>) dst(%dma_wait3A_544 : memref<10240x48xf32, #tpu.memory_space<vmem_shared>>)
      } else {
      }
      %add3A_199 = arith.constant 1 : i32
      %add3A_200 = arith.addi %add3A_179, %add3A_199 : i32
      %lt3A_201 = arith.cmpi slt, %add3A_200, %add3A_4 : i32
      %convert_element_type3A_202 = arith.extui %lt3A_201 : i1 to i32
      %cond3A_203 = arith.constant 0 : i32
      %cond3A_204 = arith.cmpi ne, %convert_element_type3A_202, %cond3A_203 : i32
      scf.if %cond3A_204 {
        %dma_start3A_538 = arith.constant 2 : i32
        %dma_start3A_539 = arith.constant 0 : i32
        %dma_start3A_540 = tpu.memref_slice %arg9[%dma_start3A_538, %dma_start3A_539] : memref<8x512xi32, #tpu.memory_space<vmem>> -> memref<1x512xi32, #tpu.memory_space<vmem>>
        %dma_start3A_541 = tpu.memref_squeeze %dma_start3A_540 : memref<1x512xi32, #tpu.memory_space<vmem>> -> memref<512xi32, #tpu.memory_space<vmem>>
        %dma_start3A_542 = arith.constant 0 : i32
        %dma_start3A_543 = arith.constant 0 : i32
        %dma_start3A_544 = tpu.memref_slice %arg2[%dma_start3A_542, %dma_start3A_543] : memref<10000x48xf32, #tpu.memory_space<hbm>> -> memref<10000x48xf32, #tpu.memory_space<hbm>>
        tpu.enqueue_indirect_dma source(%dma_start3A_544 : memref<10000x48xf32, #tpu.memory_space<hbm>>) target(%arg7 : memref<512x48xf32, #tpu.memory_space<vmem>>) offsets(%dma_start3A_541 : memref<512xi32, #tpu.memory_space<vmem>>) semaphore(%arg13 : memref<!tpu.dma_semaphore, #tpu.memory_space<semaphore_mem>>)
      } else {
      }
      %add3A_205 = arith.constant 5 : i32
      %add3A_206 = arith.addi %mul3A_62, %add3A_205 : i32
      %lt3A_207 = arith.cmpi slt, %add3A_206, %add3A_4 : i32
      %convert_element_type3A_208 = arith.extui %lt3A_207 : i1 to i32
      %cond3A_209 = arith.constant 0 : i32
      %cond3A_210 = arith.cmpi ne, %convert_element_type3A_208, %cond3A_209 : i32
      scf.if %cond3A_210 {
        %dma_wait3A_538 = arith.constant 2 : i32
        %dma_wait3A_539 = arith.constant 0 : i32
        %dma_wait3A_540 = tpu.memref_slice %arg9[%dma_wait3A_538, %dma_wait3A_539] : memref<8x512xi32, #tpu.memory_space<vmem>> -> memref<1x512xi32, #tpu.memory_space<vmem>>
        %dma_wait3A_541 = tpu.memref_squeeze %dma_wait3A_540 : memref<1x512xi32, #tpu.memory_space<vmem>> -> memref<512xi32, #tpu.memory_space<vmem>>
        %dma_wait3A_542 = arith.constant 0 : i32
        %dma_wait3A_543 = arith.constant 0 : i32
        %dma_wait3A_544 = tpu.memref_slice %arg2[%dma_wait3A_542, %dma_wait3A_543] : memref<10000x48xf32, #tpu.memory_space<hbm>> -> memref<10000x48xf32, #tpu.memory_space<hbm>>
        tpu.wait_indirect_dma semaphore(%arg13 : memref<!tpu.dma_semaphore, #tpu.memory_space<semaphore_mem>>) src(%dma_wait3A_544 : memref<10000x48xf32, #tpu.memory_space<hbm>>) dst(%arg7 : memref<512x48xf32, #tpu.memory_space<vmem>>)
        %dma_start3A_545 = arith.constant 3 : i32
        %dma_start3A_546 = arith.constant 0 : i32
        %dma_start3A_547 = tpu.memref_slice %arg9[%dma_start3A_545, %dma_start3A_546] : memref<8x512xi32, #tpu.memory_space<vmem>> -> memref<1x512xi32, #tpu.memory_space<vmem>>
        %dma_start3A_548 = tpu.memref_squeeze %dma_start3A_547 : memref<1x512xi32, #tpu.memory_space<vmem>> -> memref<512xi32, #tpu.memory_space<vmem>>
        %dma_start3A_549 = arith.constant 0 : i32
        %dma_start3A_550 = arith.constant 0 : i32
        %dma_start3A_551 = tpu.memref_slice %arg5[%dma_start3A_549, %dma_start3A_550] : memref<10240x48xf32, #tpu.memory_space<vmem_shared>> -> memref<10240x48xf32, #tpu.memory_space<vmem_shared>>
        tpu.enqueue_indirect_dma source(%arg7 : memref<512x48xf32, #tpu.memory_space<vmem>>) target(%dma_start3A_551 : memref<10240x48xf32, #tpu.memory_space<vmem_shared>>) offsets(%dma_start3A_548 : memref<512xi32, #tpu.memory_space<vmem>>) semaphore(%arg15 : memref<!tpu.dma_semaphore, #tpu.memory_space<semaphore_mem>>) {add = true}
      } else {
      }
      %add3A_211 = arith.constant 1 : i32
      %add3A_212 = arith.addi %add3A_206, %add3A_211 : i32
      %sub3A_213 = arith.constant 2 : i32
      %sub3A_214 = arith.subi %add3A_212, %sub3A_213 : i32
      %ge3A_215 = arith.constant 0 : i32
      %ge3A_216 = arith.cmpi sge, %sub3A_214, %ge3A_215 : i32
      %add3A_217 = arith.constant 1 : i32
      %add3A_218 = arith.addi %add3A_206, %add3A_217 : i32
      %sub3A_219 = arith.constant 2 : i32
      %sub3A_220 = arith.subi %add3A_218, %sub3A_219 : i32
      %lt3A_221 = arith.cmpi slt, %sub3A_220, %add3A_4 : i32
      %and3A_222 = arith.andi %ge3A_216, %lt3A_221 : i1
      %convert_element_type3A_223 = arith.extui %and3A_222 : i1 to i32
      %cond3A_224 = arith.constant 0 : i32
      %cond3A_225 = arith.cmpi ne, %convert_element_type3A_223, %cond3A_224 : i32
      scf.if %cond3A_225 {
        %dma_wait3A_538 = arith.constant 1 : i32
        %dma_wait3A_539 = arith.constant 0 : i32
        %dma_wait3A_540 = tpu.memref_slice %arg9[%dma_wait3A_538, %dma_wait3A_539] : memref<8x512xi32, #tpu.memory_space<vmem>> -> memref<1x512xi32, #tpu.memory_space<vmem>>
        %dma_wait3A_541 = tpu.memref_squeeze %dma_wait3A_540 : memref<1x512xi32, #tpu.memory_space<vmem>> -> memref<512xi32, #tpu.memory_space<vmem>>
        %dma_wait3A_542 = arith.constant 0 : i32
        %dma_wait3A_543 = arith.constant 0 : i32
        %dma_wait3A_544 = tpu.memref_slice %arg5[%dma_wait3A_542, %dma_wait3A_543] : memref<10240x48xf32, #tpu.memory_space<vmem_shared>> -> memref<10240x48xf32, #tpu.memory_space<vmem_shared>>
        tpu.wait_indirect_dma semaphore(%arg14 : memref<!tpu.dma_semaphore, #tpu.memory_space<semaphore_mem>>) src(%arg6 : memref<512x48xf32, #tpu.memory_space<vmem>>) dst(%dma_wait3A_544 : memref<10240x48xf32, #tpu.memory_space<vmem_shared>>)
      } else {
      }
      %add3A_226 = arith.constant 1 : i32
      %add3A_227 = arith.addi %add3A_206, %add3A_226 : i32
      %lt3A_228 = arith.cmpi slt, %add3A_227, %add3A_4 : i32
      %convert_element_type3A_229 = arith.extui %lt3A_228 : i1 to i32
      %cond3A_230 = arith.constant 0 : i32
      %cond3A_231 = arith.cmpi ne, %convert_element_type3A_229, %cond3A_230 : i32
      scf.if %cond3A_231 {
        %dma_start3A_538 = arith.constant 4 : i32
        %dma_start3A_539 = arith.constant 0 : i32
        %dma_start3A_540 = tpu.memref_slice %arg9[%dma_start3A_538, %dma_start3A_539] : memref<8x512xi32, #tpu.memory_space<vmem>> -> memref<1x512xi32, #tpu.memory_space<vmem>>
        %dma_start3A_541 = tpu.memref_squeeze %dma_start3A_540 : memref<1x512xi32, #tpu.memory_space<vmem>> -> memref<512xi32, #tpu.memory_space<vmem>>
        %dma_start3A_542 = arith.constant 0 : i32
        %dma_start3A_543 = arith.constant 0 : i32
        %dma_start3A_544 = tpu.memref_slice %arg2[%dma_start3A_542, %dma_start3A_543] : memref<10000x48xf32, #tpu.memory_space<hbm>> -> memref<10000x48xf32, #tpu.memory_space<hbm>>
        tpu.enqueue_indirect_dma source(%dma_start3A_544 : memref<10000x48xf32, #tpu.memory_space<hbm>>) target(%arg6 : memref<512x48xf32, #tpu.memory_space<vmem>>) offsets(%dma_start3A_541 : memref<512xi32, #tpu.memory_space<vmem>>) semaphore(%arg12 : memref<!tpu.dma_semaphore, #tpu.memory_space<semaphore_mem>>)
      } else {
      }
      %add3A_232 = arith.constant 6 : i32
      %add3A_233 = arith.addi %mul3A_62, %add3A_232 : i32
      %lt3A_234 = arith.cmpi slt, %add3A_233, %add3A_4 : i32
      %convert_element_type3A_235 = arith.extui %lt3A_234 : i1 to i32
      %cond3A_236 = arith.constant 0 : i32
      %cond3A_237 = arith.cmpi ne, %convert_element_type3A_235, %cond3A_236 : i32
      scf.if %cond3A_237 {
        %dma_wait3A_538 = arith.constant 4 : i32
        %dma_wait3A_539 = arith.constant 0 : i32
        %dma_wait3A_540 = tpu.memref_slice %arg9[%dma_wait3A_538, %dma_wait3A_539] : memref<8x512xi32, #tpu.memory_space<vmem>> -> memref<1x512xi32, #tpu.memory_space<vmem>>
        %dma_wait3A_541 = tpu.memref_squeeze %dma_wait3A_540 : memref<1x512xi32, #tpu.memory_space<vmem>> -> memref<512xi32, #tpu.memory_space<vmem>>
        %dma_wait3A_542 = arith.constant 0 : i32
        %dma_wait3A_543 = arith.constant 0 : i32
        %dma_wait3A_544 = tpu.memref_slice %arg2[%dma_wait3A_542, %dma_wait3A_543] : memref<10000x48xf32, #tpu.memory_space<hbm>> -> memref<10000x48xf32, #tpu.memory_space<hbm>>
        tpu.wait_indirect_dma semaphore(%arg12 : memref<!tpu.dma_semaphore, #tpu.memory_space<semaphore_mem>>) src(%dma_wait3A_544 : memref<10000x48xf32, #tpu.memory_space<hbm>>) dst(%arg6 : memref<512x48xf32, #tpu.memory_space<vmem>>)
        %dma_start3A_545 = arith.constant 5 : i32
        %dma_start3A_546 = arith.constant 0 : i32
        %dma_start3A_547 = tpu.memref_slice %arg9[%dma_start3A_545, %dma_start3A_546] : memref<8x512xi32, #tpu.memory_space<vmem>> -> memref<1x512xi32, #tpu.memory_space<vmem>>
        %dma_start3A_548 = tpu.memref_squeeze %dma_start3A_547 : memref<1x512xi32, #tpu.memory_space<vmem>> -> memref<512xi32, #tpu.memory_space<vmem>>
        %dma_start3A_549 = arith.constant 0 : i32
        %dma_start3A_550 = arith.constant 0 : i32
        %dma_start3A_551 = tpu.memref_slice %arg5[%dma_start3A_549, %dma_start3A_550] : memref<10240x48xf32, #tpu.memory_space<vmem_shared>> -> memref<10240x48xf32, #tpu.memory_space<vmem_shared>>
        tpu.enqueue_indirect_dma source(%arg6 : memref<512x48xf32, #tpu.memory_space<vmem>>) target(%dma_start3A_551 : memref<10240x48xf32, #tpu.memory_space<vmem_shared>>) offsets(%dma_start3A_548 : memref<512xi32, #tpu.memory_space<vmem>>) semaphore(%arg14 : memref<!tpu.dma_semaphore, #tpu.memory_space<semaphore_mem>>) {add = true}
      } else {
      }
      %add3A_238 = arith.constant 1 : i32
      %add3A_239 = arith.addi %add3A_233, %add3A_238 : i32
      %sub3A_240 = arith.constant 2 : i32
      %sub3A_241 = arith.subi %add3A_239, %sub3A_240 : i32
      %ge3A_242 = arith.constant 0 : i32
      %ge3A_243 = arith.cmpi sge, %sub3A_241, %ge3A_242 : i32
      %add3A_244 = arith.constant 1 : i32
      %add3A_245 = arith.addi %add3A_233, %add3A_244 : i32
      %sub3A_246 = arith.constant 2 : i32
      %sub3A_247 = arith.subi %add3A_245, %sub3A_246 : i32
      %lt3A_248 = arith.cmpi slt, %sub3A_247, %add3A_4 : i32
      %and3A_249 = arith.andi %ge3A_243, %lt3A_248 : i1
      %convert_element_type3A_250 = arith.extui %and3A_249 : i1 to i32
      %cond3A_251 = arith.constant 0 : i32
      %cond3A_252 = arith.cmpi ne, %convert_element_type3A_250, %cond3A_251 : i32
      scf.if %cond3A_252 {
        %dma_wait3A_538 = arith.constant 3 : i32
        %dma_wait3A_539 = arith.constant 0 : i32
        %dma_wait3A_540 = tpu.memref_slice %arg9[%dma_wait3A_538, %dma_wait3A_539] : memref<8x512xi32, #tpu.memory_space<vmem>> -> memref<1x512xi32, #tpu.memory_space<vmem>>
        %dma_wait3A_541 = tpu.memref_squeeze %dma_wait3A_540 : memref<1x512xi32, #tpu.memory_space<vmem>> -> memref<512xi32, #tpu.memory_space<vmem>>
        %dma_wait3A_542 = arith.constant 0 : i32
        %dma_wait3A_543 = arith.constant 0 : i32
        %dma_wait3A_544 = tpu.memref_slice %arg5[%dma_wait3A_542, %dma_wait3A_543] : memref<10240x48xf32, #tpu.memory_space<vmem_shared>> -> memref<10240x48xf32, #tpu.memory_space<vmem_shared>>
        tpu.wait_indirect_dma semaphore(%arg15 : memref<!tpu.dma_semaphore, #tpu.memory_space<semaphore_mem>>) src(%arg7 : memref<512x48xf32, #tpu.memory_space<vmem>>) dst(%dma_wait3A_544 : memref<10240x48xf32, #tpu.memory_space<vmem_shared>>)
      } else {
      }
      %add3A_253 = arith.constant 1 : i32
      %add3A_254 = arith.addi %add3A_233, %add3A_253 : i32
      %lt3A_255 = arith.cmpi slt, %add3A_254, %add3A_4 : i32
      %convert_element_type3A_256 = arith.extui %lt3A_255 : i1 to i32
      %cond3A_257 = arith.constant 0 : i32
      %cond3A_258 = arith.cmpi ne, %convert_element_type3A_256, %cond3A_257 : i32
      scf.if %cond3A_258 {
        %dma_start3A_538 = arith.constant 6 : i32
        %dma_start3A_539 = arith.constant 0 : i32
        %dma_start3A_540 = tpu.memref_slice %arg9[%dma_start3A_538, %dma_start3A_539] : memref<8x512xi32, #tpu.memory_space<vmem>> -> memref<1x512xi32, #tpu.memory_space<vmem>>
        %dma_start3A_541 = tpu.memref_squeeze %dma_start3A_540 : memref<1x512xi32, #tpu.memory_space<vmem>> -> memref<512xi32, #tpu.memory_space<vmem>>
        %dma_start3A_542 = arith.constant 0 : i32
        %dma_start3A_543 = arith.constant 0 : i32
        %dma_start3A_544 = tpu.memref_slice %arg2[%dma_start3A_542, %dma_start3A_543] : memref<10000x48xf32, #tpu.memory_space<hbm>> -> memref<10000x48xf32, #tpu.memory_space<hbm>>
        tpu.enqueue_indirect_dma source(%dma_start3A_544 : memref<10000x48xf32, #tpu.memory_space<hbm>>) target(%arg7 : memref<512x48xf32, #tpu.memory_space<vmem>>) offsets(%dma_start3A_541 : memref<512xi32, #tpu.memory_space<vmem>>) semaphore(%arg13 : memref<!tpu.dma_semaphore, #tpu.memory_space<semaphore_mem>>)
      } else {
      }
      %add3A_259 = arith.constant 7 : i32
      %add3A_260 = arith.addi %mul3A_62, %add3A_259 : i32
      %lt3A_261 = arith.cmpi slt, %add3A_260, %add3A_4 : i32
      %convert_element_type3A_262 = arith.extui %lt3A_261 : i1 to i32
      %cond3A_263 = arith.constant 0 : i32
      %cond3A_264 = arith.cmpi ne, %convert_element_type3A_262, %cond3A_263 : i32
      scf.if %cond3A_264 {
        %dma_wait3A_538 = arith.constant 6 : i32
        %dma_wait3A_539 = arith.constant 0 : i32
        %dma_wait3A_540 = tpu.memref_slice %arg9[%dma_wait3A_538, %dma_wait3A_539] : memref<8x512xi32, #tpu.memory_space<vmem>> -> memref<1x512xi32, #tpu.memory_space<vmem>>
        %dma_wait3A_541 = tpu.memref_squeeze %dma_wait3A_540 : memref<1x512xi32, #tpu.memory_space<vmem>> -> memref<512xi32, #tpu.memory_space<vmem>>
        %dma_wait3A_542 = arith.constant 0 : i32
        %dma_wait3A_543 = arith.constant 0 : i32
        %dma_wait3A_544 = tpu.memref_slice %arg2[%dma_wait3A_542, %dma_wait3A_543] : memref<10000x48xf32, #tpu.memory_space<hbm>> -> memref<10000x48xf32, #tpu.memory_space<hbm>>
        tpu.wait_indirect_dma semaphore(%arg13 : memref<!tpu.dma_semaphore, #tpu.memory_space<semaphore_mem>>) src(%dma_wait3A_544 : memref<10000x48xf32, #tpu.memory_space<hbm>>) dst(%arg7 : memref<512x48xf32, #tpu.memory_space<vmem>>)
        %dma_start3A_545 = arith.constant 7 : i32
        %dma_start3A_546 = arith.constant 0 : i32
        %dma_start3A_547 = tpu.memref_slice %arg9[%dma_start3A_545, %dma_start3A_546] : memref<8x512xi32, #tpu.memory_space<vmem>> -> memref<1x512xi32, #tpu.memory_space<vmem>>
        %dma_start3A_548 = tpu.memref_squeeze %dma_start3A_547 : memref<1x512xi32, #tpu.memory_space<vmem>> -> memref<512xi32, #tpu.memory_space<vmem>>
        %dma_start3A_549 = arith.constant 0 : i32
        %dma_start3A_550 = arith.constant 0 : i32
        %dma_start3A_551 = tpu.memref_slice %arg5[%dma_start3A_549, %dma_start3A_550] : memref<10240x48xf32, #tpu.memory_space<vmem_shared>> -> memref<10240x48xf32, #tpu.memory_space<vmem_shared>>
        tpu.enqueue_indirect_dma source(%arg7 : memref<512x48xf32, #tpu.memory_space<vmem>>) target(%dma_start3A_551 : memref<10240x48xf32, #tpu.memory_space<vmem_shared>>) offsets(%dma_start3A_548 : memref<512xi32, #tpu.memory_space<vmem>>) semaphore(%arg15 : memref<!tpu.dma_semaphore, #tpu.memory_space<semaphore_mem>>) {add = true}
      } else {
      }
      %add3A_265 = arith.constant 1 : i32
      %add3A_266 = arith.addi %add3A_260, %add3A_265 : i32
      %sub3A_267 = arith.constant 2 : i32
      %sub3A_268 = arith.subi %add3A_266, %sub3A_267 : i32
      %ge3A_269 = arith.constant 0 : i32
      %ge3A_270 = arith.cmpi sge, %sub3A_268, %ge3A_269 : i32
      %add3A_271 = arith.constant 1 : i32
      %add3A_272 = arith.addi %add3A_260, %add3A_271 : i32
      %sub3A_273 = arith.constant 2 : i32
      %sub3A_274 = arith.subi %add3A_272, %sub3A_273 : i32
      %lt3A_275 = arith.cmpi slt, %sub3A_274, %add3A_4 : i32
      %and3A_276 = arith.andi %ge3A_270, %lt3A_275 : i1
      %convert_element_type3A_277 = arith.extui %and3A_276 : i1 to i32
      %cond3A_278 = arith.constant 0 : i32
      %cond3A_279 = arith.cmpi ne, %convert_element_type3A_277, %cond3A_278 : i32
      scf.if %cond3A_279 {
        %dma_wait3A_538 = arith.constant 5 : i32
        %dma_wait3A_539 = arith.constant 0 : i32
        %dma_wait3A_540 = tpu.memref_slice %arg9[%dma_wait3A_538, %dma_wait3A_539] : memref<8x512xi32, #tpu.memory_space<vmem>> -> memref<1x512xi32, #tpu.memory_space<vmem>>
        %dma_wait3A_541 = tpu.memref_squeeze %dma_wait3A_540 : memref<1x512xi32, #tpu.memory_space<vmem>> -> memref<512xi32, #tpu.memory_space<vmem>>
        %dma_wait3A_542 = arith.constant 0 : i32
        %dma_wait3A_543 = arith.constant 0 : i32
        %dma_wait3A_544 = tpu.memref_slice %arg5[%dma_wait3A_542, %dma_wait3A_543] : memref<10240x48xf32, #tpu.memory_space<vmem_shared>> -> memref<10240x48xf32, #tpu.memory_space<vmem_shared>>
        tpu.wait_indirect_dma semaphore(%arg14 : memref<!tpu.dma_semaphore, #tpu.memory_space<semaphore_mem>>) src(%arg6 : memref<512x48xf32, #tpu.memory_space<vmem>>) dst(%dma_wait3A_544 : memref<10240x48xf32, #tpu.memory_space<vmem_shared>>)
      } else {
      }
      %add3A_280 = arith.constant 1 : i32
      %add3A_281 = arith.addi %add3A_260, %add3A_280 : i32
      %lt3A_282 = arith.cmpi slt, %add3A_281, %add3A_4 : i32
      %convert_element_type3A_283 = arith.extui %lt3A_282 : i1 to i32
      %cond3A_284 = arith.constant 0 : i32
      %cond3A_285 = arith.cmpi ne, %convert_element_type3A_283, %cond3A_284 : i32
      scf.if %cond3A_285 {
        %add3A_538 = arith.constant 1 : i32
        %add3A_539 = arith.addi %add3A_260, %add3A_538 : i32
        %add3A_540 = arith.addi %add3A_8, %add3A_539 : i32
        %mul3A_541 = arith.constant 2 : i32
        %mul3A_542 = arith.muli %mul3A_541, %add3A_540 : i32
        %dma_wait3A_543 = arith.constant 0 : i32
        %dma_wait3A_544 = tpu.memref_slice %arg3[%mul3A_542, %dma_wait3A_543] : memref<1258x512xi32, #tpu.memory_space<hbm>> -> memref<8x512xi32, #tpu.memory_space<hbm>>
        %dma_wait3A_545 = arith.constant 0 : i32
        %dma_wait3A_546 = tpu.memref_slice %arg3[%mul3A_542, %dma_wait3A_545] : memref<1258x512xi32, #tpu.memory_space<hbm>> -> memref<8x512xi32, #tpu.memory_space<hbm>>
        tpu.wait_dma2 semaphore(%arg18 : memref<!tpu.dma_semaphore, #tpu.memory_space<semaphore_mem>>) src(%dma_wait3A_546 : memref<8x512xi32, #tpu.memory_space<hbm>>) dst(%arg10 : memref<8x512xi32, #tpu.memory_space<vmem>>)
      } else {
      }
      %add3A_286 = arith.constant 5 : i32
      %add3A_287 = arith.addi %add3A_260, %add3A_286 : i32
      %lt3A_288 = arith.cmpi slt, %add3A_287, %add3A_4 : i32
      %convert_element_type3A_289 = arith.extui %lt3A_288 : i1 to i32
      %cond3A_290 = arith.constant 0 : i32
      %cond3A_291 = arith.cmpi ne, %convert_element_type3A_289, %cond3A_290 : i32
      scf.if %cond3A_291 {
        %add3A_538 = arith.constant 5 : i32
        %add3A_539 = arith.addi %add3A_260, %add3A_538 : i32
        %add3A_540 = arith.addi %add3A_8, %add3A_539 : i32
        %mul3A_541 = arith.constant 2 : i32
        %mul3A_542 = arith.muli %mul3A_541, %add3A_540 : i32
        %dma_start3A_543 = arith.constant 0 : i32
        %dma_start3A_544 = tpu.memref_slice %arg3[%mul3A_542, %dma_start3A_543] : memref<1258x512xi32, #tpu.memory_space<hbm>> -> memref<8x512xi32, #tpu.memory_space<hbm>>
        %dma_start3A_545 = arith.constant 0 : i32
        %dma_start3A_546 = tpu.memref_slice %arg3[%mul3A_542, %dma_start3A_545] : memref<1258x512xi32, #tpu.memory_space<hbm>> -> memref<8x512xi32, #tpu.memory_space<hbm>>
        tpu.enqueue_dma source(%dma_start3A_546 : memref<8x512xi32, #tpu.memory_space<hbm>>) target(%arg11 : memref<8x512xi32, #tpu.memory_space<vmem>>) target_semaphore(%arg19 : memref<!tpu.dma_semaphore, #tpu.memory_space<semaphore_mem>>)
      } else {
      }
      %add3A_292 = arith.constant 1 : i32
      %add3A_293 = arith.addi %add3A_260, %add3A_292 : i32
      %lt3A_294 = arith.cmpi slt, %add3A_293, %add3A_4 : i32
      %convert_element_type3A_295 = arith.extui %lt3A_294 : i1 to i32
      %cond3A_296 = arith.constant 0 : i32
      %cond3A_297 = arith.cmpi ne, %convert_element_type3A_295, %cond3A_296 : i32
      scf.if %cond3A_297 {
        %dma_start3A_538 = arith.constant 0 : i32
        %dma_start3A_539 = arith.constant 0 : i32
        %dma_start3A_540 = tpu.memref_slice %arg10[%dma_start3A_538, %dma_start3A_539] : memref<8x512xi32, #tpu.memory_space<vmem>> -> memref<1x512xi32, #tpu.memory_space<vmem>>
        %dma_start3A_541 = tpu.memref_squeeze %dma_start3A_540 : memref<1x512xi32, #tpu.memory_space<vmem>> -> memref<512xi32, #tpu.memory_space<vmem>>
        %dma_start3A_542 = arith.constant 0 : i32
        %dma_start3A_543 = arith.constant 0 : i32
        %dma_start3A_544 = tpu.memref_slice %arg2[%dma_start3A_542, %dma_start3A_543] : memref<10000x48xf32, #tpu.memory_space<hbm>> -> memref<10000x48xf32, #tpu.memory_space<hbm>>
        tpu.enqueue_indirect_dma source(%dma_start3A_544 : memref<10000x48xf32, #tpu.memory_space<hbm>>) target(%arg6 : memref<512x48xf32, #tpu.memory_space<vmem>>) offsets(%dma_start3A_541 : memref<512xi32, #tpu.memory_space<vmem>>) semaphore(%arg12 : memref<!tpu.dma_semaphore, #tpu.memory_space<semaphore_mem>>)
      } else {
      }
      %add3A_298 = arith.constant 8 : i32
      %add3A_299 = arith.addi %mul3A_62, %add3A_298 : i32
      %lt3A_300 = arith.cmpi slt, %add3A_299, %add3A_4 : i32
      %convert_element_type3A_301 = arith.extui %lt3A_300 : i1 to i32
      %cond3A_302 = arith.constant 0 : i32
      %cond3A_303 = arith.cmpi ne, %convert_element_type3A_301, %cond3A_302 : i32
      scf.if %cond3A_303 {
        %dma_wait3A_538 = arith.constant 0 : i32
        %dma_wait3A_539 = arith.constant 0 : i32
        %dma_wait3A_540 = tpu.memref_slice %arg10[%dma_wait3A_538, %dma_wait3A_539] : memref<8x512xi32, #tpu.memory_space<vmem>> -> memref<1x512xi32, #tpu.memory_space<vmem>>
        %dma_wait3A_541 = tpu.memref_squeeze %dma_wait3A_540 : memref<1x512xi32, #tpu.memory_space<vmem>> -> memref<512xi32, #tpu.memory_space<vmem>>
        %dma_wait3A_542 = arith.constant 0 : i32
        %dma_wait3A_543 = arith.constant 0 : i32
        %dma_wait3A_544 = tpu.memref_slice %arg2[%dma_wait3A_542, %dma_wait3A_543] : memref<10000x48xf32, #tpu.memory_space<hbm>> -> memref<10000x48xf32, #tpu.memory_space<hbm>>
        tpu.wait_indirect_dma semaphore(%arg12 : memref<!tpu.dma_semaphore, #tpu.memory_space<semaphore_mem>>) src(%dma_wait3A_544 : memref<10000x48xf32, #tpu.memory_space<hbm>>) dst(%arg6 : memref<512x48xf32, #tpu.memory_space<vmem>>)
        %dma_start3A_545 = arith.constant 1 : i32
        %dma_start3A_546 = arith.constant 0 : i32
        %dma_start3A_547 = tpu.memref_slice %arg10[%dma_start3A_545, %dma_start3A_546] : memref<8x512xi32, #tpu.memory_space<vmem>> -> memref<1x512xi32, #tpu.memory_space<vmem>>
        %dma_start3A_548 = tpu.memref_squeeze %dma_start3A_547 : memref<1x512xi32, #tpu.memory_space<vmem>> -> memref<512xi32, #tpu.memory_space<vmem>>
        %dma_start3A_549 = arith.constant 0 : i32
        %dma_start3A_550 = arith.constant 0 : i32
        %dma_start3A_551 = tpu.memref_slice %arg5[%dma_start3A_549, %dma_start3A_550] : memref<10240x48xf32, #tpu.memory_space<vmem_shared>> -> memref<10240x48xf32, #tpu.memory_space<vmem_shared>>
        tpu.enqueue_indirect_dma source(%arg6 : memref<512x48xf32, #tpu.memory_space<vmem>>) target(%dma_start3A_551 : memref<10240x48xf32, #tpu.memory_space<vmem_shared>>) offsets(%dma_start3A_548 : memref<512xi32, #tpu.memory_space<vmem>>) semaphore(%arg14 : memref<!tpu.dma_semaphore, #tpu.memory_space<semaphore_mem>>) {add = true}
      } else {
      }
      %add3A_304 = arith.constant 1 : i32
      %add3A_305 = arith.addi %add3A_299, %add3A_304 : i32
      %sub3A_306 = arith.constant 2 : i32
      %sub3A_307 = arith.subi %add3A_305, %sub3A_306 : i32
      %ge3A_308 = arith.constant 0 : i32
      %ge3A_309 = arith.cmpi sge, %sub3A_307, %ge3A_308 : i32
      %add3A_310 = arith.constant 1 : i32
      %add3A_311 = arith.addi %add3A_299, %add3A_310 : i32
      %sub3A_312 = arith.constant 2 : i32
      %sub3A_313 = arith.subi %add3A_311, %sub3A_312 : i32
      %lt3A_314 = arith.cmpi slt, %sub3A_313, %add3A_4 : i32
      %and3A_315 = arith.andi %ge3A_309, %lt3A_314 : i1
      %convert_element_type3A_316 = arith.extui %and3A_315 : i1 to i32
      %cond3A_317 = arith.constant 0 : i32
      %cond3A_318 = arith.cmpi ne, %convert_element_type3A_316, %cond3A_317 : i32
      scf.if %cond3A_318 {
        %dma_wait3A_538 = arith.constant 7 : i32
        %dma_wait3A_539 = arith.constant 0 : i32
        %dma_wait3A_540 = tpu.memref_slice %arg9[%dma_wait3A_538, %dma_wait3A_539] : memref<8x512xi32, #tpu.memory_space<vmem>> -> memref<1x512xi32, #tpu.memory_space<vmem>>
        %dma_wait3A_541 = tpu.memref_squeeze %dma_wait3A_540 : memref<1x512xi32, #tpu.memory_space<vmem>> -> memref<512xi32, #tpu.memory_space<vmem>>
        %dma_wait3A_542 = arith.constant 0 : i32
        %dma_wait3A_543 = arith.constant 0 : i32
        %dma_wait3A_544 = tpu.memref_slice %arg5[%dma_wait3A_542, %dma_wait3A_543] : memref<10240x48xf32, #tpu.memory_space<vmem_shared>> -> memref<10240x48xf32, #tpu.memory_space<vmem_shared>>
        tpu.wait_indirect_dma semaphore(%arg15 : memref<!tpu.dma_semaphore, #tpu.memory_space<semaphore_mem>>) src(%arg7 : memref<512x48xf32, #tpu.memory_space<vmem>>) dst(%dma_wait3A_544 : memref<10240x48xf32, #tpu.memory_space<vmem_shared>>)
      } else {
      }
      %add3A_319 = arith.constant 1 : i32
      %add3A_320 = arith.addi %add3A_299, %add3A_319 : i32
      %lt3A_321 = arith.cmpi slt, %add3A_320, %add3A_4 : i32
      %convert_element_type3A_322 = arith.extui %lt3A_321 : i1 to i32
      %cond3A_323 = arith.constant 0 : i32
      %cond3A_324 = arith.cmpi ne, %convert_element_type3A_322, %cond3A_323 : i32
      scf.if %cond3A_324 {
        %dma_start3A_538 = arith.constant 2 : i32
        %dma_start3A_539 = arith.constant 0 : i32
        %dma_start3A_540 = tpu.memref_slice %arg10[%dma_start3A_538, %dma_start3A_539] : memref<8x512xi32, #tpu.memory_space<vmem>> -> memref<1x512xi32, #tpu.memory_space<vmem>>
        %dma_start3A_541 = tpu.memref_squeeze %dma_start3A_540 : memref<1x512xi32, #tpu.memory_space<vmem>> -> memref<512xi32, #tpu.memory_space<vmem>>
        %dma_start3A_542 = arith.constant 0 : i32
        %dma_start3A_543 = arith.constant 0 : i32
        %dma_start3A_544 = tpu.memref_slice %arg2[%dma_start3A_542, %dma_start3A_543] : memref<10000x48xf32, #tpu.memory_space<hbm>> -> memref<10000x48xf32, #tpu.memory_space<hbm>>
        tpu.enqueue_indirect_dma source(%dma_start3A_544 : memref<10000x48xf32, #tpu.memory_space<hbm>>) target(%arg7 : memref<512x48xf32, #tpu.memory_space<vmem>>) offsets(%dma_start3A_541 : memref<512xi32, #tpu.memory_space<vmem>>) semaphore(%arg13 : memref<!tpu.dma_semaphore, #tpu.memory_space<semaphore_mem>>)
      } else {
      }
      %add3A_325 = arith.constant 9 : i32
      %add3A_326 = arith.addi %mul3A_62, %add3A_325 : i32
      %lt3A_327 = arith.cmpi slt, %add3A_326, %add3A_4 : i32
      %convert_element_type3A_328 = arith.extui %lt3A_327 : i1 to i32
      %cond3A_329 = arith.constant 0 : i32
      %cond3A_330 = arith.cmpi ne, %convert_element_type3A_328, %cond3A_329 : i32
      scf.if %cond3A_330 {
        %dma_wait3A_538 = arith.constant 2 : i32
        %dma_wait3A_539 = arith.constant 0 : i32
        %dma_wait3A_540 = tpu.memref_slice %arg10[%dma_wait3A_538, %dma_wait3A_539] : memref<8x512xi32, #tpu.memory_space<vmem>> -> memref<1x512xi32, #tpu.memory_space<vmem>>
        %dma_wait3A_541 = tpu.memref_squeeze %dma_wait3A_540 : memref<1x512xi32, #tpu.memory_space<vmem>> -> memref<512xi32, #tpu.memory_space<vmem>>
        %dma_wait3A_542 = arith.constant 0 : i32
        %dma_wait3A_543 = arith.constant 0 : i32
        %dma_wait3A_544 = tpu.memref_slice %arg2[%dma_wait3A_542, %dma_wait3A_543] : memref<10000x48xf32, #tpu.memory_space<hbm>> -> memref<10000x48xf32, #tpu.memory_space<hbm>>
        tpu.wait_indirect_dma semaphore(%arg13 : memref<!tpu.dma_semaphore, #tpu.memory_space<semaphore_mem>>) src(%dma_wait3A_544 : memref<10000x48xf32, #tpu.memory_space<hbm>>) dst(%arg7 : memref<512x48xf32, #tpu.memory_space<vmem>>)
        %dma_start3A_545 = arith.constant 3 : i32
        %dma_start3A_546 = arith.constant 0 : i32
        %dma_start3A_547 = tpu.memref_slice %arg10[%dma_start3A_545, %dma_start3A_546] : memref<8x512xi32, #tpu.memory_space<vmem>> -> memref<1x512xi32, #tpu.memory_space<vmem>>
        %dma_start3A_548 = tpu.memref_squeeze %dma_start3A_547 : memref<1x512xi32, #tpu.memory_space<vmem>> -> memref<512xi32, #tpu.memory_space<vmem>>
        %dma_start3A_549 = arith.constant 0 : i32
        %dma_start3A_550 = arith.constant 0 : i32
        %dma_start3A_551 = tpu.memref_slice %arg5[%dma_start3A_549, %dma_start3A_550] : memref<10240x48xf32, #tpu.memory_space<vmem_shared>> -> memref<10240x48xf32, #tpu.memory_space<vmem_shared>>
        tpu.enqueue_indirect_dma source(%arg7 : memref<512x48xf32, #tpu.memory_space<vmem>>) target(%dma_start3A_551 : memref<10240x48xf32, #tpu.memory_space<vmem_shared>>) offsets(%dma_start3A_548 : memref<512xi32, #tpu.memory_space<vmem>>) semaphore(%arg15 : memref<!tpu.dma_semaphore, #tpu.memory_space<semaphore_mem>>) {add = true}
      } else {
      }
      %add3A_331 = arith.constant 1 : i32
      %add3A_332 = arith.addi %add3A_326, %add3A_331 : i32
      %sub3A_333 = arith.constant 2 : i32
      %sub3A_334 = arith.subi %add3A_332, %sub3A_333 : i32
      %ge3A_335 = arith.constant 0 : i32
      %ge3A_336 = arith.cmpi sge, %sub3A_334, %ge3A_335 : i32
      %add3A_337 = arith.constant 1 : i32
      %add3A_338 = arith.addi %add3A_326, %add3A_337 : i32
      %sub3A_339 = arith.constant 2 : i32
      %sub3A_340 = arith.subi %add3A_338, %sub3A_339 : i32
      %lt3A_341 = arith.cmpi slt, %sub3A_340, %add3A_4 : i32
      %and3A_342 = arith.andi %ge3A_336, %lt3A_341 : i1
      %convert_element_type3A_343 = arith.extui %and3A_342 : i1 to i32
      %cond3A_344 = arith.constant 0 : i32
      %cond3A_345 = arith.cmpi ne, %convert_element_type3A_343, %cond3A_344 : i32
      scf.if %cond3A_345 {
        %dma_wait3A_538 = arith.constant 1 : i32
        %dma_wait3A_539 = arith.constant 0 : i32
        %dma_wait3A_540 = tpu.memref_slice %arg10[%dma_wait3A_538, %dma_wait3A_539] : memref<8x512xi32, #tpu.memory_space<vmem>> -> memref<1x512xi32, #tpu.memory_space<vmem>>
        %dma_wait3A_541 = tpu.memref_squeeze %dma_wait3A_540 : memref<1x512xi32, #tpu.memory_space<vmem>> -> memref<512xi32, #tpu.memory_space<vmem>>
        %dma_wait3A_542 = arith.constant 0 : i32
        %dma_wait3A_543 = arith.constant 0 : i32
        %dma_wait3A_544 = tpu.memref_slice %arg5[%dma_wait3A_542, %dma_wait3A_543] : memref<10240x48xf32, #tpu.memory_space<vmem_shared>> -> memref<10240x48xf32, #tpu.memory_space<vmem_shared>>
        tpu.wait_indirect_dma semaphore(%arg14 : memref<!tpu.dma_semaphore, #tpu.memory_space<semaphore_mem>>) src(%arg6 : memref<512x48xf32, #tpu.memory_space<vmem>>) dst(%dma_wait3A_544 : memref<10240x48xf32, #tpu.memory_space<vmem_shared>>)
      } else {
      }
      %add3A_346 = arith.constant 1 : i32
      %add3A_347 = arith.addi %add3A_326, %add3A_346 : i32
      %lt3A_348 = arith.cmpi slt, %add3A_347, %add3A_4 : i32
      %convert_element_type3A_349 = arith.extui %lt3A_348 : i1 to i32
      %cond3A_350 = arith.constant 0 : i32
      %cond3A_351 = arith.cmpi ne, %convert_element_type3A_349, %cond3A_350 : i32
      scf.if %cond3A_351 {
        %dma_start3A_538 = arith.constant 4 : i32
        %dma_start3A_539 = arith.constant 0 : i32
        %dma_start3A_540 = tpu.memref_slice %arg10[%dma_start3A_538, %dma_start3A_539] : memref<8x512xi32, #tpu.memory_space<vmem>> -> memref<1x512xi32, #tpu.memory_space<vmem>>
        %dma_start3A_541 = tpu.memref_squeeze %dma_start3A_540 : memref<1x512xi32, #tpu.memory_space<vmem>> -> memref<512xi32, #tpu.memory_space<vmem>>
        %dma_start3A_542 = arith.constant 0 : i32
        %dma_start3A_543 = arith.constant 0 : i32
        %dma_start3A_544 = tpu.memref_slice %arg2[%dma_start3A_542, %dma_start3A_543] : memref<10000x48xf32, #tpu.memory_space<hbm>> -> memref<10000x48xf32, #tpu.memory_space<hbm>>
        tpu.enqueue_indirect_dma source(%dma_start3A_544 : memref<10000x48xf32, #tpu.memory_space<hbm>>) target(%arg6 : memref<512x48xf32, #tpu.memory_space<vmem>>) offsets(%dma_start3A_541 : memref<512xi32, #tpu.memory_space<vmem>>) semaphore(%arg12 : memref<!tpu.dma_semaphore, #tpu.memory_space<semaphore_mem>>)
      } else {
      }
      %add3A_352 = arith.constant 10 : i32
      %add3A_353 = arith.addi %mul3A_62, %add3A_352 : i32
      %lt3A_354 = arith.cmpi slt, %add3A_353, %add3A_4 : i32
      %convert_element_type3A_355 = arith.extui %lt3A_354 : i1 to i32
      %cond3A_356 = arith.constant 0 : i32
      %cond3A_357 = arith.cmpi ne, %convert_element_type3A_355, %cond3A_356 : i32
      scf.if %cond3A_357 {
        %dma_wait3A_538 = arith.constant 4 : i32
        %dma_wait3A_539 = arith.constant 0 : i32
        %dma_wait3A_540 = tpu.memref_slice %arg10[%dma_wait3A_538, %dma_wait3A_539] : memref<8x512xi32, #tpu.memory_space<vmem>> -> memref<1x512xi32, #tpu.memory_space<vmem>>
        %dma_wait3A_541 = tpu.memref_squeeze %dma_wait3A_540 : memref<1x512xi32, #tpu.memory_space<vmem>> -> memref<512xi32, #tpu.memory_space<vmem>>
        %dma_wait3A_542 = arith.constant 0 : i32
        %dma_wait3A_543 = arith.constant 0 : i32
        %dma_wait3A_544 = tpu.memref_slice %arg2[%dma_wait3A_542, %dma_wait3A_543] : memref<10000x48xf32, #tpu.memory_space<hbm>> -> memref<10000x48xf32, #tpu.memory_space<hbm>>
        tpu.wait_indirect_dma semaphore(%arg12 : memref<!tpu.dma_semaphore, #tpu.memory_space<semaphore_mem>>) src(%dma_wait3A_544 : memref<10000x48xf32, #tpu.memory_space<hbm>>) dst(%arg6 : memref<512x48xf32, #tpu.memory_space<vmem>>)
        %dma_start3A_545 = arith.constant 5 : i32
        %dma_start3A_546 = arith.constant 0 : i32
        %dma_start3A_547 = tpu.memref_slice %arg10[%dma_start3A_545, %dma_start3A_546] : memref<8x512xi32, #tpu.memory_space<vmem>> -> memref<1x512xi32, #tpu.memory_space<vmem>>
        %dma_start3A_548 = tpu.memref_squeeze %dma_start3A_547 : memref<1x512xi32, #tpu.memory_space<vmem>> -> memref<512xi32, #tpu.memory_space<vmem>>
        %dma_start3A_549 = arith.constant 0 : i32
        %dma_start3A_550 = arith.constant 0 : i32
        %dma_start3A_551 = tpu.memref_slice %arg5[%dma_start3A_549, %dma_start3A_550] : memref<10240x48xf32, #tpu.memory_space<vmem_shared>> -> memref<10240x48xf32, #tpu.memory_space<vmem_shared>>
        tpu.enqueue_indirect_dma source(%arg6 : memref<512x48xf32, #tpu.memory_space<vmem>>) target(%dma_start3A_551 : memref<10240x48xf32, #tpu.memory_space<vmem_shared>>) offsets(%dma_start3A_548 : memref<512xi32, #tpu.memory_space<vmem>>) semaphore(%arg14 : memref<!tpu.dma_semaphore, #tpu.memory_space<semaphore_mem>>) {add = true}
      } else {
      }
      %add3A_358 = arith.constant 1 : i32
      %add3A_359 = arith.addi %add3A_353, %add3A_358 : i32
      %sub3A_360 = arith.constant 2 : i32
      %sub3A_361 = arith.subi %add3A_359, %sub3A_360 : i32
      %ge3A_362 = arith.constant 0 : i32
      %ge3A_363 = arith.cmpi sge, %sub3A_361, %ge3A_362 : i32
      %add3A_364 = arith.constant 1 : i32
      %add3A_365 = arith.addi %add3A_353, %add3A_364 : i32
      %sub3A_366 = arith.constant 2 : i32
      %sub3A_367 = arith.subi %add3A_365, %sub3A_366 : i32
      %lt3A_368 = arith.cmpi slt, %sub3A_367, %add3A_4 : i32
      %and3A_369 = arith.andi %ge3A_363, %lt3A_368 : i1
      %convert_element_type3A_370 = arith.extui %and3A_369 : i1 to i32
      %cond3A_371 = arith.constant 0 : i32
      %cond3A_372 = arith.cmpi ne, %convert_element_type3A_370, %cond3A_371 : i32
      scf.if %cond3A_372 {
        %dma_wait3A_538 = arith.constant 3 : i32
        %dma_wait3A_539 = arith.constant 0 : i32
        %dma_wait3A_540 = tpu.memref_slice %arg10[%dma_wait3A_538, %dma_wait3A_539] : memref<8x512xi32, #tpu.memory_space<vmem>> -> memref<1x512xi32, #tpu.memory_space<vmem>>
        %dma_wait3A_541 = tpu.memref_squeeze %dma_wait3A_540 : memref<1x512xi32, #tpu.memory_space<vmem>> -> memref<512xi32, #tpu.memory_space<vmem>>
        %dma_wait3A_542 = arith.constant 0 : i32
        %dma_wait3A_543 = arith.constant 0 : i32
        %dma_wait3A_544 = tpu.memref_slice %arg5[%dma_wait3A_542, %dma_wait3A_543] : memref<10240x48xf32, #tpu.memory_space<vmem_shared>> -> memref<10240x48xf32, #tpu.memory_space<vmem_shared>>
        tpu.wait_indirect_dma semaphore(%arg15 : memref<!tpu.dma_semaphore, #tpu.memory_space<semaphore_mem>>) src(%arg7 : memref<512x48xf32, #tpu.memory_space<vmem>>) dst(%dma_wait3A_544 : memref<10240x48xf32, #tpu.memory_space<vmem_shared>>)
      } else {
      }
      %add3A_373 = arith.constant 1 : i32
      %add3A_374 = arith.addi %add3A_353, %add3A_373 : i32
      %lt3A_375 = arith.cmpi slt, %add3A_374, %add3A_4 : i32
      %convert_element_type3A_376 = arith.extui %lt3A_375 : i1 to i32
      %cond3A_377 = arith.constant 0 : i32
      %cond3A_378 = arith.cmpi ne, %convert_element_type3A_376, %cond3A_377 : i32
      scf.if %cond3A_378 {
        %dma_start3A_538 = arith.constant 6 : i32
        %dma_start3A_539 = arith.constant 0 : i32
        %dma_start3A_540 = tpu.memref_slice %arg10[%dma_start3A_538, %dma_start3A_539] : memref<8x512xi32, #tpu.memory_space<vmem>> -> memref<1x512xi32, #tpu.memory_space<vmem>>
        %dma_start3A_541 = tpu.memref_squeeze %dma_start3A_540 : memref<1x512xi32, #tpu.memory_space<vmem>> -> memref<512xi32, #tpu.memory_space<vmem>>
        %dma_start3A_542 = arith.constant 0 : i32
        %dma_start3A_543 = arith.constant 0 : i32
        %dma_start3A_544 = tpu.memref_slice %arg2[%dma_start3A_542, %dma_start3A_543] : memref<10000x48xf32, #tpu.memory_space<hbm>> -> memref<10000x48xf32, #tpu.memory_space<hbm>>
        tpu.enqueue_indirect_dma source(%dma_start3A_544 : memref<10000x48xf32, #tpu.memory_space<hbm>>) target(%arg7 : memref<512x48xf32, #tpu.memory_space<vmem>>) offsets(%dma_start3A_541 : memref<512xi32, #tpu.memory_space<vmem>>) semaphore(%arg13 : memref<!tpu.dma_semaphore, #tpu.memory_space<semaphore_mem>>)
      } else {
      }
      %add3A_379 = arith.constant 11 : i32
      %add3A_380 = arith.addi %mul3A_62, %add3A_379 : i32
      %lt3A_381 = arith.cmpi slt, %add3A_380, %add3A_4 : i32
      %convert_element_type3A_382 = arith.extui %lt3A_381 : i1 to i32
      %cond3A_383 = arith.constant 0 : i32
      %cond3A_384 = arith.cmpi ne, %convert_element_type3A_382, %cond3A_383 : i32
      scf.if %cond3A_384 {
        %dma_wait3A_538 = arith.constant 6 : i32
        %dma_wait3A_539 = arith.constant 0 : i32
        %dma_wait3A_540 = tpu.memref_slice %arg10[%dma_wait3A_538, %dma_wait3A_539] : memref<8x512xi32, #tpu.memory_space<vmem>> -> memref<1x512xi32, #tpu.memory_space<vmem>>
        %dma_wait3A_541 = tpu.memref_squeeze %dma_wait3A_540 : memref<1x512xi32, #tpu.memory_space<vmem>> -> memref<512xi32, #tpu.memory_space<vmem>>
        %dma_wait3A_542 = arith.constant 0 : i32
        %dma_wait3A_543 = arith.constant 0 : i32
        %dma_wait3A_544 = tpu.memref_slice %arg2[%dma_wait3A_542, %dma_wait3A_543] : memref<10000x48xf32, #tpu.memory_space<hbm>> -> memref<10000x48xf32, #tpu.memory_space<hbm>>
        tpu.wait_indirect_dma semaphore(%arg13 : memref<!tpu.dma_semaphore, #tpu.memory_space<semaphore_mem>>) src(%dma_wait3A_544 : memref<10000x48xf32, #tpu.memory_space<hbm>>) dst(%arg7 : memref<512x48xf32, #tpu.memory_space<vmem>>)
        %dma_start3A_545 = arith.constant 7 : i32
        %dma_start3A_546 = arith.constant 0 : i32
        %dma_start3A_547 = tpu.memref_slice %arg10[%dma_start3A_545, %dma_start3A_546] : memref<8x512xi32, #tpu.memory_space<vmem>> -> memref<1x512xi32, #tpu.memory_space<vmem>>
        %dma_start3A_548 = tpu.memref_squeeze %dma_start3A_547 : memref<1x512xi32, #tpu.memory_space<vmem>> -> memref<512xi32, #tpu.memory_space<vmem>>
        %dma_start3A_549 = arith.constant 0 : i32
        %dma_start3A_550 = arith.constant 0 : i32
        %dma_start3A_551 = tpu.memref_slice %arg5[%dma_start3A_549, %dma_start3A_550] : memref<10240x48xf32, #tpu.memory_space<vmem_shared>> -> memref<10240x48xf32, #tpu.memory_space<vmem_shared>>
        tpu.enqueue_indirect_dma source(%arg7 : memref<512x48xf32, #tpu.memory_space<vmem>>) target(%dma_start3A_551 : memref<10240x48xf32, #tpu.memory_space<vmem_shared>>) offsets(%dma_start3A_548 : memref<512xi32, #tpu.memory_space<vmem>>) semaphore(%arg15 : memref<!tpu.dma_semaphore, #tpu.memory_space<semaphore_mem>>) {add = true}
      } else {
      }
      %add3A_385 = arith.constant 1 : i32
      %add3A_386 = arith.addi %add3A_380, %add3A_385 : i32
      %sub3A_387 = arith.constant 2 : i32
      %sub3A_388 = arith.subi %add3A_386, %sub3A_387 : i32
      %ge3A_389 = arith.constant 0 : i32
      %ge3A_390 = arith.cmpi sge, %sub3A_388, %ge3A_389 : i32
      %add3A_391 = arith.constant 1 : i32
      %add3A_392 = arith.addi %add3A_380, %add3A_391 : i32
      %sub3A_393 = arith.constant 2 : i32
      %sub3A_394 = arith.subi %add3A_392, %sub3A_393 : i32
      %lt3A_395 = arith.cmpi slt, %sub3A_394, %add3A_4 : i32
      %and3A_396 = arith.andi %ge3A_390, %lt3A_395 : i1
      %convert_element_type3A_397 = arith.extui %and3A_396 : i1 to i32
      %cond3A_398 = arith.constant 0 : i32
      %cond3A_399 = arith.cmpi ne, %convert_element_type3A_397, %cond3A_398 : i32
      scf.if %cond3A_399 {
        %dma_wait3A_538 = arith.constant 5 : i32
        %dma_wait3A_539 = arith.constant 0 : i32
        %dma_wait3A_540 = tpu.memref_slice %arg10[%dma_wait3A_538, %dma_wait3A_539] : memref<8x512xi32, #tpu.memory_space<vmem>> -> memref<1x512xi32, #tpu.memory_space<vmem>>
        %dma_wait3A_541 = tpu.memref_squeeze %dma_wait3A_540 : memref<1x512xi32, #tpu.memory_space<vmem>> -> memref<512xi32, #tpu.memory_space<vmem>>
        %dma_wait3A_542 = arith.constant 0 : i32
        %dma_wait3A_543 = arith.constant 0 : i32
        %dma_wait3A_544 = tpu.memref_slice %arg5[%dma_wait3A_542, %dma_wait3A_543] : memref<10240x48xf32, #tpu.memory_space<vmem_shared>> -> memref<10240x48xf32, #tpu.memory_space<vmem_shared>>
        tpu.wait_indirect_dma semaphore(%arg14 : memref<!tpu.dma_semaphore, #tpu.memory_space<semaphore_mem>>) src(%arg6 : memref<512x48xf32, #tpu.memory_space<vmem>>) dst(%dma_wait3A_544 : memref<10240x48xf32, #tpu.memory_space<vmem_shared>>)
      } else {
      }
      %add3A_400 = arith.constant 1 : i32
      %add3A_401 = arith.addi %add3A_380, %add3A_400 : i32
      %lt3A_402 = arith.cmpi slt, %add3A_401, %add3A_4 : i32
      %convert_element_type3A_403 = arith.extui %lt3A_402 : i1 to i32
      %cond3A_404 = arith.constant 0 : i32
      %cond3A_405 = arith.cmpi ne, %convert_element_type3A_403, %cond3A_404 : i32
      scf.if %cond3A_405 {
        %add3A_538 = arith.constant 1 : i32
        %add3A_539 = arith.addi %add3A_380, %add3A_538 : i32
        %add3A_540 = arith.addi %add3A_8, %add3A_539 : i32
        %mul3A_541 = arith.constant 2 : i32
        %mul3A_542 = arith.muli %mul3A_541, %add3A_540 : i32
        %dma_wait3A_543 = arith.constant 0 : i32
        %dma_wait3A_544 = tpu.memref_slice %arg3[%mul3A_542, %dma_wait3A_543] : memref<1258x512xi32, #tpu.memory_space<hbm>> -> memref<8x512xi32, #tpu.memory_space<hbm>>
        %dma_wait3A_545 = arith.constant 0 : i32
        %dma_wait3A_546 = tpu.memref_slice %arg3[%mul3A_542, %dma_wait3A_545] : memref<1258x512xi32, #tpu.memory_space<hbm>> -> memref<8x512xi32, #tpu.memory_space<hbm>>
        tpu.wait_dma2 semaphore(%arg19 : memref<!tpu.dma_semaphore, #tpu.memory_space<semaphore_mem>>) src(%dma_wait3A_546 : memref<8x512xi32, #tpu.memory_space<hbm>>) dst(%arg11 : memref<8x512xi32, #tpu.memory_space<vmem>>)
      } else {
      }
      %add3A_406 = arith.constant 5 : i32
      %add3A_407 = arith.addi %add3A_380, %add3A_406 : i32
      %lt3A_408 = arith.cmpi slt, %add3A_407, %add3A_4 : i32
      %convert_element_type3A_409 = arith.extui %lt3A_408 : i1 to i32
      %cond3A_410 = arith.constant 0 : i32
      %cond3A_411 = arith.cmpi ne, %convert_element_type3A_409, %cond3A_410 : i32
      scf.if %cond3A_411 {
        %add3A_538 = arith.constant 5 : i32
        %add3A_539 = arith.addi %add3A_380, %add3A_538 : i32
        %add3A_540 = arith.addi %add3A_8, %add3A_539 : i32
        %mul3A_541 = arith.constant 2 : i32
        %mul3A_542 = arith.muli %mul3A_541, %add3A_540 : i32
        %dma_start3A_543 = arith.constant 0 : i32
        %dma_start3A_544 = tpu.memref_slice %arg3[%mul3A_542, %dma_start3A_543] : memref<1258x512xi32, #tpu.memory_space<hbm>> -> memref<8x512xi32, #tpu.memory_space<hbm>>
        %dma_start3A_545 = arith.constant 0 : i32
        %dma_start3A_546 = tpu.memref_slice %arg3[%mul3A_542, %dma_start3A_545] : memref<1258x512xi32, #tpu.memory_space<hbm>> -> memref<8x512xi32, #tpu.memory_space<hbm>>
        tpu.enqueue_dma source(%dma_start3A_546 : memref<8x512xi32, #tpu.memory_space<hbm>>) target(%arg8 : memref<8x512xi32, #tpu.memory_space<vmem>>) target_semaphore(%arg16 : memref<!tpu.dma_semaphore, #tpu.memory_space<semaphore_mem>>)
      } else {
      }
      %add3A_412 = arith.constant 1 : i32
      %add3A_413 = arith.addi %add3A_380, %add3A_412 : i32
      %lt3A_414 = arith.cmpi slt, %add3A_413, %add3A_4 : i32
      %convert_element_type3A_415 = arith.extui %lt3A_414 : i1 to i32
      %cond3A_416 = arith.constant 0 : i32
      %cond3A_417 = arith.cmpi ne, %convert_element_type3A_415, %cond3A_416 : i32
      scf.if %cond3A_417 {
        %dma_start3A_538 = arith.constant 0 : i32
        %dma_start3A_539 = arith.constant 0 : i32
        %dma_start3A_540 = tpu.memref_slice %arg11[%dma_start3A_538, %dma_start3A_539] : memref<8x512xi32, #tpu.memory_space<vmem>> -> memref<1x512xi32, #tpu.memory_space<vmem>>
        %dma_start3A_541 = tpu.memref_squeeze %dma_start3A_540 : memref<1x512xi32, #tpu.memory_space<vmem>> -> memref<512xi32, #tpu.memory_space<vmem>>
        %dma_start3A_542 = arith.constant 0 : i32
        %dma_start3A_543 = arith.constant 0 : i32
        %dma_start3A_544 = tpu.memref_slice %arg2[%dma_start3A_542, %dma_start3A_543] : memref<10000x48xf32, #tpu.memory_space<hbm>> -> memref<10000x48xf32, #tpu.memory_space<hbm>>
        tpu.enqueue_indirect_dma source(%dma_start3A_544 : memref<10000x48xf32, #tpu.memory_space<hbm>>) target(%arg6 : memref<512x48xf32, #tpu.memory_space<vmem>>) offsets(%dma_start3A_541 : memref<512xi32, #tpu.memory_space<vmem>>) semaphore(%arg12 : memref<!tpu.dma_semaphore, #tpu.memory_space<semaphore_mem>>)
      } else {
      }
      %add3A_418 = arith.constant 12 : i32
      %add3A_419 = arith.addi %mul3A_62, %add3A_418 : i32
      %lt3A_420 = arith.cmpi slt, %add3A_419, %add3A_4 : i32
      %convert_element_type3A_421 = arith.extui %lt3A_420 : i1 to i32
      %cond3A_422 = arith.constant 0 : i32
      %cond3A_423 = arith.cmpi ne, %convert_element_type3A_421, %cond3A_422 : i32
      scf.if %cond3A_423 {
        %dma_wait3A_538 = arith.constant 0 : i32
        %dma_wait3A_539 = arith.constant 0 : i32
        %dma_wait3A_540 = tpu.memref_slice %arg11[%dma_wait3A_538, %dma_wait3A_539] : memref<8x512xi32, #tpu.memory_space<vmem>> -> memref<1x512xi32, #tpu.memory_space<vmem>>
        %dma_wait3A_541 = tpu.memref_squeeze %dma_wait3A_540 : memref<1x512xi32, #tpu.memory_space<vmem>> -> memref<512xi32, #tpu.memory_space<vmem>>
        %dma_wait3A_542 = arith.constant 0 : i32
        %dma_wait3A_543 = arith.constant 0 : i32
        %dma_wait3A_544 = tpu.memref_slice %arg2[%dma_wait3A_542, %dma_wait3A_543] : memref<10000x48xf32, #tpu.memory_space<hbm>> -> memref<10000x48xf32, #tpu.memory_space<hbm>>
        tpu.wait_indirect_dma semaphore(%arg12 : memref<!tpu.dma_semaphore, #tpu.memory_space<semaphore_mem>>) src(%dma_wait3A_544 : memref<10000x48xf32, #tpu.memory_space<hbm>>) dst(%arg6 : memref<512x48xf32, #tpu.memory_space<vmem>>)
        %dma_start3A_545 = arith.constant 1 : i32
        %dma_start3A_546 = arith.constant 0 : i32
        %dma_start3A_547 = tpu.memref_slice %arg11[%dma_start3A_545, %dma_start3A_546] : memref<8x512xi32, #tpu.memory_space<vmem>> -> memref<1x512xi32, #tpu.memory_space<vmem>>
        %dma_start3A_548 = tpu.memref_squeeze %dma_start3A_547 : memref<1x512xi32, #tpu.memory_space<vmem>> -> memref<512xi32, #tpu.memory_space<vmem>>
        %dma_start3A_549 = arith.constant 0 : i32
        %dma_start3A_550 = arith.constant 0 : i32
        %dma_start3A_551 = tpu.memref_slice %arg5[%dma_start3A_549, %dma_start3A_550] : memref<10240x48xf32, #tpu.memory_space<vmem_shared>> -> memref<10240x48xf32, #tpu.memory_space<vmem_shared>>
        tpu.enqueue_indirect_dma source(%arg6 : memref<512x48xf32, #tpu.memory_space<vmem>>) target(%dma_start3A_551 : memref<10240x48xf32, #tpu.memory_space<vmem_shared>>) offsets(%dma_start3A_548 : memref<512xi32, #tpu.memory_space<vmem>>) semaphore(%arg14 : memref<!tpu.dma_semaphore, #tpu.memory_space<semaphore_mem>>) {add = true}
      } else {
      }
      %add3A_424 = arith.constant 1 : i32
      %add3A_425 = arith.addi %add3A_419, %add3A_424 : i32
      %sub3A_426 = arith.constant 2 : i32
      %sub3A_427 = arith.subi %add3A_425, %sub3A_426 : i32
      %ge3A_428 = arith.constant 0 : i32
      %ge3A_429 = arith.cmpi sge, %sub3A_427, %ge3A_428 : i32
      %add3A_430 = arith.constant 1 : i32
      %add3A_431 = arith.addi %add3A_419, %add3A_430 : i32
      %sub3A_432 = arith.constant 2 : i32
      %sub3A_433 = arith.subi %add3A_431, %sub3A_432 : i32
      %lt3A_434 = arith.cmpi slt, %sub3A_433, %add3A_4 : i32
      %and3A_435 = arith.andi %ge3A_429, %lt3A_434 : i1
      %convert_element_type3A_436 = arith.extui %and3A_435 : i1 to i32
      %cond3A_437 = arith.constant 0 : i32
      %cond3A_438 = arith.cmpi ne, %convert_element_type3A_436, %cond3A_437 : i32
      scf.if %cond3A_438 {
        %dma_wait3A_538 = arith.constant 7 : i32
        %dma_wait3A_539 = arith.constant 0 : i32
        %dma_wait3A_540 = tpu.memref_slice %arg10[%dma_wait3A_538, %dma_wait3A_539] : memref<8x512xi32, #tpu.memory_space<vmem>> -> memref<1x512xi32, #tpu.memory_space<vmem>>
        %dma_wait3A_541 = tpu.memref_squeeze %dma_wait3A_540 : memref<1x512xi32, #tpu.memory_space<vmem>> -> memref<512xi32, #tpu.memory_space<vmem>>
        %dma_wait3A_542 = arith.constant 0 : i32
        %dma_wait3A_543 = arith.constant 0 : i32
        %dma_wait3A_544 = tpu.memref_slice %arg5[%dma_wait3A_542, %dma_wait3A_543] : memref<10240x48xf32, #tpu.memory_space<vmem_shared>> -> memref<10240x48xf32, #tpu.memory_space<vmem_shared>>
        tpu.wait_indirect_dma semaphore(%arg15 : memref<!tpu.dma_semaphore, #tpu.memory_space<semaphore_mem>>) src(%arg7 : memref<512x48xf32, #tpu.memory_space<vmem>>) dst(%dma_wait3A_544 : memref<10240x48xf32, #tpu.memory_space<vmem_shared>>)
      } else {
      }
      %add3A_439 = arith.constant 1 : i32
      %add3A_440 = arith.addi %add3A_419, %add3A_439 : i32
      %lt3A_441 = arith.cmpi slt, %add3A_440, %add3A_4 : i32
      %convert_element_type3A_442 = arith.extui %lt3A_441 : i1 to i32
      %cond3A_443 = arith.constant 0 : i32
      %cond3A_444 = arith.cmpi ne, %convert_element_type3A_442, %cond3A_443 : i32
      scf.if %cond3A_444 {
        %dma_start3A_538 = arith.constant 2 : i32
        %dma_start3A_539 = arith.constant 0 : i32
        %dma_start3A_540 = tpu.memref_slice %arg11[%dma_start3A_538, %dma_start3A_539] : memref<8x512xi32, #tpu.memory_space<vmem>> -> memref<1x512xi32, #tpu.memory_space<vmem>>
        %dma_start3A_541 = tpu.memref_squeeze %dma_start3A_540 : memref<1x512xi32, #tpu.memory_space<vmem>> -> memref<512xi32, #tpu.memory_space<vmem>>
        %dma_start3A_542 = arith.constant 0 : i32
        %dma_start3A_543 = arith.constant 0 : i32
        %dma_start3A_544 = tpu.memref_slice %arg2[%dma_start3A_542, %dma_start3A_543] : memref<10000x48xf32, #tpu.memory_space<hbm>> -> memref<10000x48xf32, #tpu.memory_space<hbm>>
        tpu.enqueue_indirect_dma source(%dma_start3A_544 : memref<10000x48xf32, #tpu.memory_space<hbm>>) target(%arg7 : memref<512x48xf32, #tpu.memory_space<vmem>>) offsets(%dma_start3A_541 : memref<512xi32, #tpu.memory_space<vmem>>) semaphore(%arg13 : memref<!tpu.dma_semaphore, #tpu.memory_space<semaphore_mem>>)
      } else {
      }
      %add3A_445 = arith.constant 13 : i32
      %add3A_446 = arith.addi %mul3A_62, %add3A_445 : i32
      %lt3A_447 = arith.cmpi slt, %add3A_446, %add3A_4 : i32
      %convert_element_type3A_448 = arith.extui %lt3A_447 : i1 to i32
      %cond3A_449 = arith.constant 0 : i32
      %cond3A_450 = arith.cmpi ne, %convert_element_type3A_448, %cond3A_449 : i32
      scf.if %cond3A_450 {
        %dma_wait3A_538 = arith.constant 2 : i32
        %dma_wait3A_539 = arith.constant 0 : i32
        %dma_wait3A_540 = tpu.memref_slice %arg11[%dma_wait3A_538, %dma_wait3A_539] : memref<8x512xi32, #tpu.memory_space<vmem>> -> memref<1x512xi32, #tpu.memory_space<vmem>>
        %dma_wait3A_541 = tpu.memref_squeeze %dma_wait3A_540 : memref<1x512xi32, #tpu.memory_space<vmem>> -> memref<512xi32, #tpu.memory_space<vmem>>
        %dma_wait3A_542 = arith.constant 0 : i32
        %dma_wait3A_543 = arith.constant 0 : i32
        %dma_wait3A_544 = tpu.memref_slice %arg2[%dma_wait3A_542, %dma_wait3A_543] : memref<10000x48xf32, #tpu.memory_space<hbm>> -> memref<10000x48xf32, #tpu.memory_space<hbm>>
        tpu.wait_indirect_dma semaphore(%arg13 : memref<!tpu.dma_semaphore, #tpu.memory_space<semaphore_mem>>) src(%dma_wait3A_544 : memref<10000x48xf32, #tpu.memory_space<hbm>>) dst(%arg7 : memref<512x48xf32, #tpu.memory_space<vmem>>)
        %dma_start3A_545 = arith.constant 3 : i32
        %dma_start3A_546 = arith.constant 0 : i32
        %dma_start3A_547 = tpu.memref_slice %arg11[%dma_start3A_545, %dma_start3A_546] : memref<8x512xi32, #tpu.memory_space<vmem>> -> memref<1x512xi32, #tpu.memory_space<vmem>>
        %dma_start3A_548 = tpu.memref_squeeze %dma_start3A_547 : memref<1x512xi32, #tpu.memory_space<vmem>> -> memref<512xi32, #tpu.memory_space<vmem>>
        %dma_start3A_549 = arith.constant 0 : i32
        %dma_start3A_550 = arith.constant 0 : i32
        %dma_start3A_551 = tpu.memref_slice %arg5[%dma_start3A_549, %dma_start3A_550] : memref<10240x48xf32, #tpu.memory_space<vmem_shared>> -> memref<10240x48xf32, #tpu.memory_space<vmem_shared>>
        tpu.enqueue_indirect_dma source(%arg7 : memref<512x48xf32, #tpu.memory_space<vmem>>) target(%dma_start3A_551 : memref<10240x48xf32, #tpu.memory_space<vmem_shared>>) offsets(%dma_start3A_548 : memref<512xi32, #tpu.memory_space<vmem>>) semaphore(%arg15 : memref<!tpu.dma_semaphore, #tpu.memory_space<semaphore_mem>>) {add = true}
      } else {
      }
      %add3A_451 = arith.constant 1 : i32
      %add3A_452 = arith.addi %add3A_446, %add3A_451 : i32
      %sub3A_453 = arith.constant 2 : i32
      %sub3A_454 = arith.subi %add3A_452, %sub3A_453 : i32
      %ge3A_455 = arith.constant 0 : i32
      %ge3A_456 = arith.cmpi sge, %sub3A_454, %ge3A_455 : i32
      %add3A_457 = arith.constant 1 : i32
      %add3A_458 = arith.addi %add3A_446, %add3A_457 : i32
      %sub3A_459 = arith.constant 2 : i32
      %sub3A_460 = arith.subi %add3A_458, %sub3A_459 : i32
      %lt3A_461 = arith.cmpi slt, %sub3A_460, %add3A_4 : i32
      %and3A_462 = arith.andi %ge3A_456, %lt3A_461 : i1
      %convert_element_type3A_463 = arith.extui %and3A_462 : i1 to i32
      %cond3A_464 = arith.constant 0 : i32
      %cond3A_465 = arith.cmpi ne, %convert_element_type3A_463, %cond3A_464 : i32
      scf.if %cond3A_465 {
        %dma_wait3A_538 = arith.constant 1 : i32
        %dma_wait3A_539 = arith.constant 0 : i32
        %dma_wait3A_540 = tpu.memref_slice %arg11[%dma_wait3A_538, %dma_wait3A_539] : memref<8x512xi32, #tpu.memory_space<vmem>> -> memref<1x512xi32, #tpu.memory_space<vmem>>
        %dma_wait3A_541 = tpu.memref_squeeze %dma_wait3A_540 : memref<1x512xi32, #tpu.memory_space<vmem>> -> memref<512xi32, #tpu.memory_space<vmem>>
        %dma_wait3A_542 = arith.constant 0 : i32
        %dma_wait3A_543 = arith.constant 0 : i32
        %dma_wait3A_544 = tpu.memref_slice %arg5[%dma_wait3A_542, %dma_wait3A_543] : memref<10240x48xf32, #tpu.memory_space<vmem_shared>> -> memref<10240x48xf32, #tpu.memory_space<vmem_shared>>
        tpu.wait_indirect_dma semaphore(%arg14 : memref<!tpu.dma_semaphore, #tpu.memory_space<semaphore_mem>>) src(%arg6 : memref<512x48xf32, #tpu.memory_space<vmem>>) dst(%dma_wait3A_544 : memref<10240x48xf32, #tpu.memory_space<vmem_shared>>)
      } else {
      }
      %add3A_466 = arith.constant 1 : i32
      %add3A_467 = arith.addi %add3A_446, %add3A_466 : i32
      %lt3A_468 = arith.cmpi slt, %add3A_467, %add3A_4 : i32
      %convert_element_type3A_469 = arith.extui %lt3A_468 : i1 to i32
      %cond3A_470 = arith.constant 0 : i32
      %cond3A_471 = arith.cmpi ne, %convert_element_type3A_469, %cond3A_470 : i32
      scf.if %cond3A_471 {
        %dma_start3A_538 = arith.constant 4 : i32
        %dma_start3A_539 = arith.constant 0 : i32
        %dma_start3A_540 = tpu.memref_slice %arg11[%dma_start3A_538, %dma_start3A_539] : memref<8x512xi32, #tpu.memory_space<vmem>> -> memref<1x512xi32, #tpu.memory_space<vmem>>
        %dma_start3A_541 = tpu.memref_squeeze %dma_start3A_540 : memref<1x512xi32, #tpu.memory_space<vmem>> -> memref<512xi32, #tpu.memory_space<vmem>>
        %dma_start3A_542 = arith.constant 0 : i32
        %dma_start3A_543 = arith.constant 0 : i32
        %dma_start3A_544 = tpu.memref_slice %arg2[%dma_start3A_542, %dma_start3A_543] : memref<10000x48xf32, #tpu.memory_space<hbm>> -> memref<10000x48xf32, #tpu.memory_space<hbm>>
        tpu.enqueue_indirect_dma source(%dma_start3A_544 : memref<10000x48xf32, #tpu.memory_space<hbm>>) target(%arg6 : memref<512x48xf32, #tpu.memory_space<vmem>>) offsets(%dma_start3A_541 : memref<512xi32, #tpu.memory_space<vmem>>) semaphore(%arg12 : memref<!tpu.dma_semaphore, #tpu.memory_space<semaphore_mem>>)
      } else {
      }
      %add3A_472 = arith.constant 14 : i32
      %add3A_473 = arith.addi %mul3A_62, %add3A_472 : i32
      %lt3A_474 = arith.cmpi slt, %add3A_473, %add3A_4 : i32
      %convert_element_type3A_475 = arith.extui %lt3A_474 : i1 to i32
      %cond3A_476 = arith.constant 0 : i32
      %cond3A_477 = arith.cmpi ne, %convert_element_type3A_475, %cond3A_476 : i32
      scf.if %cond3A_477 {
        %dma_wait3A_538 = arith.constant 4 : i32
        %dma_wait3A_539 = arith.constant 0 : i32
        %dma_wait3A_540 = tpu.memref_slice %arg11[%dma_wait3A_538, %dma_wait3A_539] : memref<8x512xi32, #tpu.memory_space<vmem>> -> memref<1x512xi32, #tpu.memory_space<vmem>>
        %dma_wait3A_541 = tpu.memref_squeeze %dma_wait3A_540 : memref<1x512xi32, #tpu.memory_space<vmem>> -> memref<512xi32, #tpu.memory_space<vmem>>
        %dma_wait3A_542 = arith.constant 0 : i32
        %dma_wait3A_543 = arith.constant 0 : i32
        %dma_wait3A_544 = tpu.memref_slice %arg2[%dma_wait3A_542, %dma_wait3A_543] : memref<10000x48xf32, #tpu.memory_space<hbm>> -> memref<10000x48xf32, #tpu.memory_space<hbm>>
        tpu.wait_indirect_dma semaphore(%arg12 : memref<!tpu.dma_semaphore, #tpu.memory_space<semaphore_mem>>) src(%dma_wait3A_544 : memref<10000x48xf32, #tpu.memory_space<hbm>>) dst(%arg6 : memref<512x48xf32, #tpu.memory_space<vmem>>)
        %dma_start3A_545 = arith.constant 5 : i32
        %dma_start3A_546 = arith.constant 0 : i32
        %dma_start3A_547 = tpu.memref_slice %arg11[%dma_start3A_545, %dma_start3A_546] : memref<8x512xi32, #tpu.memory_space<vmem>> -> memref<1x512xi32, #tpu.memory_space<vmem>>
        %dma_start3A_548 = tpu.memref_squeeze %dma_start3A_547 : memref<1x512xi32, #tpu.memory_space<vmem>> -> memref<512xi32, #tpu.memory_space<vmem>>
        %dma_start3A_549 = arith.constant 0 : i32
        %dma_start3A_550 = arith.constant 0 : i32
        %dma_start3A_551 = tpu.memref_slice %arg5[%dma_start3A_549, %dma_start3A_550] : memref<10240x48xf32, #tpu.memory_space<vmem_shared>> -> memref<10240x48xf32, #tpu.memory_space<vmem_shared>>
        tpu.enqueue_indirect_dma source(%arg6 : memref<512x48xf32, #tpu.memory_space<vmem>>) target(%dma_start3A_551 : memref<10240x48xf32, #tpu.memory_space<vmem_shared>>) offsets(%dma_start3A_548 : memref<512xi32, #tpu.memory_space<vmem>>) semaphore(%arg14 : memref<!tpu.dma_semaphore, #tpu.memory_space<semaphore_mem>>) {add = true}
      } else {
      }
      %add3A_478 = arith.constant 1 : i32
      %add3A_479 = arith.addi %add3A_473, %add3A_478 : i32
      %sub3A_480 = arith.constant 2 : i32
      %sub3A_481 = arith.subi %add3A_479, %sub3A_480 : i32
      %ge3A_482 = arith.constant 0 : i32
      %ge3A_483 = arith.cmpi sge, %sub3A_481, %ge3A_482 : i32
      %add3A_484 = arith.constant 1 : i32
      %add3A_485 = arith.addi %add3A_473, %add3A_484 : i32
      %sub3A_486 = arith.constant 2 : i32
      %sub3A_487 = arith.subi %add3A_485, %sub3A_486 : i32
      %lt3A_488 = arith.cmpi slt, %sub3A_487, %add3A_4 : i32
      %and3A_489 = arith.andi %ge3A_483, %lt3A_488 : i1
      %convert_element_type3A_490 = arith.extui %and3A_489 : i1 to i32
      %cond3A_491 = arith.constant 0 : i32
      %cond3A_492 = arith.cmpi ne, %convert_element_type3A_490, %cond3A_491 : i32
      scf.if %cond3A_492 {
        %dma_wait3A_538 = arith.constant 3 : i32
        %dma_wait3A_539 = arith.constant 0 : i32
        %dma_wait3A_540 = tpu.memref_slice %arg11[%dma_wait3A_538, %dma_wait3A_539] : memref<8x512xi32, #tpu.memory_space<vmem>> -> memref<1x512xi32, #tpu.memory_space<vmem>>
        %dma_wait3A_541 = tpu.memref_squeeze %dma_wait3A_540 : memref<1x512xi32, #tpu.memory_space<vmem>> -> memref<512xi32, #tpu.memory_space<vmem>>
        %dma_wait3A_542 = arith.constant 0 : i32
        %dma_wait3A_543 = arith.constant 0 : i32
        %dma_wait3A_544 = tpu.memref_slice %arg5[%dma_wait3A_542, %dma_wait3A_543] : memref<10240x48xf32, #tpu.memory_space<vmem_shared>> -> memref<10240x48xf32, #tpu.memory_space<vmem_shared>>
        tpu.wait_indirect_dma semaphore(%arg15 : memref<!tpu.dma_semaphore, #tpu.memory_space<semaphore_mem>>) src(%arg7 : memref<512x48xf32, #tpu.memory_space<vmem>>) dst(%dma_wait3A_544 : memref<10240x48xf32, #tpu.memory_space<vmem_shared>>)
      } else {
      }
      %add3A_493 = arith.constant 1 : i32
      %add3A_494 = arith.addi %add3A_473, %add3A_493 : i32
      %lt3A_495 = arith.cmpi slt, %add3A_494, %add3A_4 : i32
      %convert_element_type3A_496 = arith.extui %lt3A_495 : i1 to i32
      %cond3A_497 = arith.constant 0 : i32
      %cond3A_498 = arith.cmpi ne, %convert_element_type3A_496, %cond3A_497 : i32
      scf.if %cond3A_498 {
        %dma_start3A_538 = arith.constant 6 : i32
        %dma_start3A_539 = arith.constant 0 : i32
        %dma_start3A_540 = tpu.memref_slice %arg11[%dma_start3A_538, %dma_start3A_539] : memref<8x512xi32, #tpu.memory_space<vmem>> -> memref<1x512xi32, #tpu.memory_space<vmem>>
        %dma_start3A_541 = tpu.memref_squeeze %dma_start3A_540 : memref<1x512xi32, #tpu.memory_space<vmem>> -> memref<512xi32, #tpu.memory_space<vmem>>
        %dma_start3A_542 = arith.constant 0 : i32
        %dma_start3A_543 = arith.constant 0 : i32
        %dma_start3A_544 = tpu.memref_slice %arg2[%dma_start3A_542, %dma_start3A_543] : memref<10000x48xf32, #tpu.memory_space<hbm>> -> memref<10000x48xf32, #tpu.memory_space<hbm>>
        tpu.enqueue_indirect_dma source(%dma_start3A_544 : memref<10000x48xf32, #tpu.memory_space<hbm>>) target(%arg7 : memref<512x48xf32, #tpu.memory_space<vmem>>) offsets(%dma_start3A_541 : memref<512xi32, #tpu.memory_space<vmem>>) semaphore(%arg13 : memref<!tpu.dma_semaphore, #tpu.memory_space<semaphore_mem>>)
      } else {
      }
      %add3A_499 = arith.constant 15 : i32
      %add3A_500 = arith.addi %mul3A_62, %add3A_499 : i32
      %lt3A_501 = arith.cmpi slt, %add3A_500, %add3A_4 : i32
      %convert_element_type3A_502 = arith.extui %lt3A_501 : i1 to i32
      %cond3A_503 = arith.constant 0 : i32
      %cond3A_504 = arith.cmpi ne, %convert_element_type3A_502, %cond3A_503 : i32
      scf.if %cond3A_504 {
        %dma_wait3A_538 = arith.constant 6 : i32
        %dma_wait3A_539 = arith.constant 0 : i32
        %dma_wait3A_540 = tpu.memref_slice %arg11[%dma_wait3A_538, %dma_wait3A_539] : memref<8x512xi32, #tpu.memory_space<vmem>> -> memref<1x512xi32, #tpu.memory_space<vmem>>
        %dma_wait3A_541 = tpu.memref_squeeze %dma_wait3A_540 : memref<1x512xi32, #tpu.memory_space<vmem>> -> memref<512xi32, #tpu.memory_space<vmem>>
        %dma_wait3A_542 = arith.constant 0 : i32
        %dma_wait3A_543 = arith.constant 0 : i32
        %dma_wait3A_544 = tpu.memref_slice %arg2[%dma_wait3A_542, %dma_wait3A_543] : memref<10000x48xf32, #tpu.memory_space<hbm>> -> memref<10000x48xf32, #tpu.memory_space<hbm>>
        tpu.wait_indirect_dma semaphore(%arg13 : memref<!tpu.dma_semaphore, #tpu.memory_space<semaphore_mem>>) src(%dma_wait3A_544 : memref<10000x48xf32, #tpu.memory_space<hbm>>) dst(%arg7 : memref<512x48xf32, #tpu.memory_space<vmem>>)
        %dma_start3A_545 = arith.constant 7 : i32
        %dma_start3A_546 = arith.constant 0 : i32
        %dma_start3A_547 = tpu.memref_slice %arg11[%dma_start3A_545, %dma_start3A_546] : memref<8x512xi32, #tpu.memory_space<vmem>> -> memref<1x512xi32, #tpu.memory_space<vmem>>
        %dma_start3A_548 = tpu.memref_squeeze %dma_start3A_547 : memref<1x512xi32, #tpu.memory_space<vmem>> -> memref<512xi32, #tpu.memory_space<vmem>>
        %dma_start3A_549 = arith.constant 0 : i32
        %dma_start3A_550 = arith.constant 0 : i32
        %dma_start3A_551 = tpu.memref_slice %arg5[%dma_start3A_549, %dma_start3A_550] : memref<10240x48xf32, #tpu.memory_space<vmem_shared>> -> memref<10240x48xf32, #tpu.memory_space<vmem_shared>>
        tpu.enqueue_indirect_dma source(%arg7 : memref<512x48xf32, #tpu.memory_space<vmem>>) target(%dma_start3A_551 : memref<10240x48xf32, #tpu.memory_space<vmem_shared>>) offsets(%dma_start3A_548 : memref<512xi32, #tpu.memory_space<vmem>>) semaphore(%arg15 : memref<!tpu.dma_semaphore, #tpu.memory_space<semaphore_mem>>) {add = true}
      } else {
      }
      %add3A_505 = arith.constant 1 : i32
      %add3A_506 = arith.addi %add3A_500, %add3A_505 : i32
      %sub3A_507 = arith.constant 2 : i32
      %sub3A_508 = arith.subi %add3A_506, %sub3A_507 : i32
      %ge3A_509 = arith.constant 0 : i32
      %ge3A_510 = arith.cmpi sge, %sub3A_508, %ge3A_509 : i32
      %add3A_511 = arith.constant 1 : i32
      %add3A_512 = arith.addi %add3A_500, %add3A_511 : i32
      %sub3A_513 = arith.constant 2 : i32
      %sub3A_514 = arith.subi %add3A_512, %sub3A_513 : i32
      %lt3A_515 = arith.cmpi slt, %sub3A_514, %add3A_4 : i32
      %and3A_516 = arith.andi %ge3A_510, %lt3A_515 : i1
      %convert_element_type3A_517 = arith.extui %and3A_516 : i1 to i32
      %cond3A_518 = arith.constant 0 : i32
      %cond3A_519 = arith.cmpi ne, %convert_element_type3A_517, %cond3A_518 : i32
      scf.if %cond3A_519 {
        %dma_wait3A_538 = arith.constant 5 : i32
        %dma_wait3A_539 = arith.constant 0 : i32
        %dma_wait3A_540 = tpu.memref_slice %arg11[%dma_wait3A_538, %dma_wait3A_539] : memref<8x512xi32, #tpu.memory_space<vmem>> -> memref<1x512xi32, #tpu.memory_space<vmem>>
        %dma_wait3A_541 = tpu.memref_squeeze %dma_wait3A_540 : memref<1x512xi32, #tpu.memory_space<vmem>> -> memref<512xi32, #tpu.memory_space<vmem>>
        %dma_wait3A_542 = arith.constant 0 : i32
        %dma_wait3A_543 = arith.constant 0 : i32
        %dma_wait3A_544 = tpu.memref_slice %arg5[%dma_wait3A_542, %dma_wait3A_543] : memref<10240x48xf32, #tpu.memory_space<vmem_shared>> -> memref<10240x48xf32, #tpu.memory_space<vmem_shared>>
        tpu.wait_indirect_dma semaphore(%arg14 : memref<!tpu.dma_semaphore, #tpu.memory_space<semaphore_mem>>) src(%arg6 : memref<512x48xf32, #tpu.memory_space<vmem>>) dst(%dma_wait3A_544 : memref<10240x48xf32, #tpu.memory_space<vmem_shared>>)
      } else {
      }
      %add3A_520 = arith.constant 1 : i32
      %add3A_521 = arith.addi %add3A_500, %add3A_520 : i32
      %lt3A_522 = arith.cmpi slt, %add3A_521, %add3A_4 : i32
      %convert_element_type3A_523 = arith.extui %lt3A_522 : i1 to i32
      %cond3A_524 = arith.constant 0 : i32
      %cond3A_525 = arith.cmpi ne, %convert_element_type3A_523, %cond3A_524 : i32
      scf.if %cond3A_525 {
        %add3A_538 = arith.constant 1 : i32
        %add3A_539 = arith.addi %add3A_500, %add3A_538 : i32
        %add3A_540 = arith.addi %add3A_8, %add3A_539 : i32
        %mul3A_541 = arith.constant 2 : i32
        %mul3A_542 = arith.muli %mul3A_541, %add3A_540 : i32
        %dma_wait3A_543 = arith.constant 0 : i32
        %dma_wait3A_544 = tpu.memref_slice %arg3[%mul3A_542, %dma_wait3A_543] : memref<1258x512xi32, #tpu.memory_space<hbm>> -> memref<8x512xi32, #tpu.memory_space<hbm>>
        %dma_wait3A_545 = arith.constant 0 : i32
        %dma_wait3A_546 = tpu.memref_slice %arg3[%mul3A_542, %dma_wait3A_545] : memref<1258x512xi32, #tpu.memory_space<hbm>> -> memref<8x512xi32, #tpu.memory_space<hbm>>
        tpu.wait_dma2 semaphore(%arg16 : memref<!tpu.dma_semaphore, #tpu.memory_space<semaphore_mem>>) src(%dma_wait3A_546 : memref<8x512xi32, #tpu.memory_space<hbm>>) dst(%arg8 : memref<8x512xi32, #tpu.memory_space<vmem>>)
      } else {
      }
      %add3A_526 = arith.constant 5 : i32
      %add3A_527 = arith.addi %add3A_500, %add3A_526 : i32
      %lt3A_528 = arith.cmpi slt, %add3A_527, %add3A_4 : i32
      %convert_element_type3A_529 = arith.extui %lt3A_528 : i1 to i32
      %cond3A_530 = arith.constant 0 : i32
      %cond3A_531 = arith.cmpi ne, %convert_element_type3A_529, %cond3A_530 : i32
      scf.if %cond3A_531 {
        %add3A_538 = arith.constant 5 : i32
        %add3A_539 = arith.addi %add3A_500, %add3A_538 : i32
        %add3A_540 = arith.addi %add3A_8, %add3A_539 : i32
        %mul3A_541 = arith.constant 2 : i32
        %mul3A_542 = arith.muli %mul3A_541, %add3A_540 : i32
        %dma_start3A_543 = arith.constant 0 : i32
        %dma_start3A_544 = tpu.memref_slice %arg3[%mul3A_542, %dma_start3A_543] : memref<1258x512xi32, #tpu.memory_space<hbm>> -> memref<8x512xi32, #tpu.memory_space<hbm>>
        %dma_start3A_545 = arith.constant 0 : i32
        %dma_start3A_546 = tpu.memref_slice %arg3[%mul3A_542, %dma_start3A_545] : memref<1258x512xi32, #tpu.memory_space<hbm>> -> memref<8x512xi32, #tpu.memory_space<hbm>>
        tpu.enqueue_dma source(%dma_start3A_546 : memref<8x512xi32, #tpu.memory_space<hbm>>) target(%arg9 : memref<8x512xi32, #tpu.memory_space<vmem>>) target_semaphore(%arg17 : memref<!tpu.dma_semaphore, #tpu.memory_space<semaphore_mem>>)
      } else {
      }
      %add3A_532 = arith.constant 1 : i32
      %add3A_533 = arith.addi %add3A_500, %add3A_532 : i32
      %lt3A_534 = arith.cmpi slt, %add3A_533, %add3A_4 : i32
      %convert_element_type3A_535 = arith.extui %lt3A_534 : i1 to i32
      %cond3A_536 = arith.constant 0 : i32
      %cond3A_537 = arith.cmpi ne, %convert_element_type3A_535, %cond3A_536 : i32
      scf.if %cond3A_537 {
        %dma_start3A_538 = arith.constant 0 : i32
        %dma_start3A_539 = arith.constant 0 : i32
        %dma_start3A_540 = tpu.memref_slice %arg8[%dma_start3A_538, %dma_start3A_539] : memref<8x512xi32, #tpu.memory_space<vmem>> -> memref<1x512xi32, #tpu.memory_space<vmem>>
        %dma_start3A_541 = tpu.memref_squeeze %dma_start3A_540 : memref<1x512xi32, #tpu.memory_space<vmem>> -> memref<512xi32, #tpu.memory_space<vmem>>
        %dma_start3A_542 = arith.constant 0 : i32
        %dma_start3A_543 = arith.constant 0 : i32
        %dma_start3A_544 = tpu.memref_slice %arg2[%dma_start3A_542, %dma_start3A_543] : memref<10000x48xf32, #tpu.memory_space<hbm>> -> memref<10000x48xf32, #tpu.memory_space<hbm>>
        tpu.enqueue_indirect_dma source(%dma_start3A_544 : memref<10000x48xf32, #tpu.memory_space<hbm>>) target(%arg6 : memref<512x48xf32, #tpu.memory_space<vmem>>) offsets(%dma_start3A_541 : memref<512xi32, #tpu.memory_space<vmem>>) semaphore(%arg12 : memref<!tpu.dma_semaphore, #tpu.memory_space<semaphore_mem>>)
      } else {
      }
    }
    %scan3A_54 = arith.constant 2 : i32
    %barrier3A_55 = arith.constant 0 : index
    tpu.barrier barrier_id(%barrier3A_55)
    "tpu.region"() ({
      %run_scoped3A = tpu.sem_alloc : memref<!tpu.dma_semaphore, #tpu.memory_space<semaphore_mem>>
      %dma_start3A_56 = arith.constant 0 : i32
      %dma_start3A_57 = tpu.memref_slice %arg4[%arg0, %mul3A_15, %dma_start3A_56] : memref<2x10240x48xf32, #tpu.memory_space<hbm>> -> memref<1x640x48xf32, #tpu.memory_space<hbm>>
      %dma_start3A_58 = tpu.memref_squeeze %dma_start3A_57 : memref<1x640x48xf32, #tpu.memory_space<hbm>> -> memref<640x48xf32, #tpu.memory_space<hbm>>
      %dma_start3A_59 = arith.constant 0 : i32
      %dma_start3A_60 = tpu.memref_slice %arg5[%mul3A_15, %dma_start3A_59] : memref<10240x48xf32, #tpu.memory_space<vmem_shared>> -> memref<640x48xf32, #tpu.memory_space<vmem_shared>>
      tpu.enqueue_dma source(%dma_start3A_60 : memref<640x48xf32, #tpu.memory_space<vmem_shared>>) target(%dma_start3A_58 : memref<640x48xf32, #tpu.memory_space<hbm>>) target_semaphore(%run_scoped3A : memref<!tpu.dma_semaphore, #tpu.memory_space<semaphore_mem>>)
      %dma_wait3A_61 = arith.constant 0 : i32
      %dma_wait3A_62 = tpu.memref_slice %arg4[%arg0, %mul3A_15, %dma_wait3A_61] : memref<2x10240x48xf32, #tpu.memory_space<hbm>> -> memref<1x640x48xf32, #tpu.memory_space<hbm>>
      %dma_wait3A_63 = tpu.memref_squeeze %dma_wait3A_62 : memref<1x640x48xf32, #tpu.memory_space<hbm>> -> memref<640x48xf32, #tpu.memory_space<hbm>>
      %dma_wait3A_64 = arith.constant 0 : i32
      %dma_wait3A_65 = tpu.memref_slice %arg5[%mul3A_15, %dma_wait3A_64] : memref<10240x48xf32, #tpu.memory_space<vmem_shared>> -> memref<640x48xf32, #tpu.memory_space<vmem_shared>>
      tpu.wait_dma2 semaphore(%run_scoped3A : memref<!tpu.dma_semaphore, #tpu.memory_space<semaphore_mem>>) src(%dma_wait3A_65 : memref<640x48xf32, #tpu.memory_space<vmem_shared>>) dst(%dma_wait3A_63 : memref<640x48xf32, #tpu.memory_space<hbm>>)
      tpu.yield
    }) : () -> ()
    return
  }
}

#map = affine_map<(d0, d1) -> (0, 0)>
#map1 = affine_map<(d0, d1) -> (0, 0, 0)>
module attributes {stable_mosaic.version = 14 : i64} {
  func.func @body(%arg0: i32, %arg1: i32, %arg2: memref<1258x512xi32, #tpu.memory_space<hbm>>, %arg3: memref<2x10240x16xf32, #tpu.memory_space<hbm>>, %arg4: memref<10240x16xf32, #tpu.memory_space<vmem_shared>>, %arg5: memref<512x16xf32, #tpu.memory_space<vmem>>, %arg6: memref<512xi32, #tpu.memory_space<vmem>>, %arg7: memref<512xi32, #tpu.memory_space<vmem>>, %arg8: memref<512xi32, #tpu.memory_space<vmem>>, %arg9: memref<512xi32, #tpu.memory_space<vmem>>, %arg10: memref<512xi32, #tpu.memory_space<vmem>>, %arg11: memref<512xi32, #tpu.memory_space<vmem>>, %arg12: memref<512xi32, #tpu.memory_space<vmem>>, %arg13: memref<512xi32, #tpu.memory_space<vmem>>, %arg14: memref<!tpu.dma_semaphore, #tpu.memory_space<semaphore_mem>>, %arg15: memref<!tpu.dma_semaphore, #tpu.memory_space<semaphore_mem>>, %arg16: memref<!tpu.dma_semaphore, #tpu.memory_space<semaphore_mem>>, %arg17: memref<!tpu.dma_semaphore, #tpu.memory_space<semaphore_mem>>, %arg18: memref<!tpu.dma_semaphore, #tpu.memory_space<semaphore_mem>>, %arg19: memref<!tpu.dma_semaphore, #tpu.memory_space<semaphore_mem>>, %arg20: memref<!tpu.dma_semaphore, #tpu.memory_space<semaphore_mem>>, %arg21: memref<!tpu.dma_semaphore, #tpu.memory_space<semaphore_mem>>, %arg22: memref<!tpu.dma_semaphore, #tpu.memory_space<semaphore_mem>>, %arg23: memref<!tpu.dma_semaphore, #tpu.memory_space<semaphore_mem>>, %arg24: memref<!tpu.dma_semaphore, #tpu.memory_space<semaphore_mem>>, %arg25: memref<!tpu.dma_semaphore, #tpu.memory_space<semaphore_mem>>) attributes {dimension_semantics = [#tpu.dimension_semantics<core_parallel>, #tpu.dimension_semantics<subcore_parallel>], iteration_bounds = array<i64: 2, 16>, scalar_prefetch = 0 : i64, scratch_operands = 22 : i64, tpu.core_type = #tpu.core_type<sc_vector_subcore>, window_params = [{transform_indices = #map}, {transform_indices = #map1}]} {
    %mul3A = arith.constant 16 : i32
    %mul3A_0 = arith.muli %arg0, %mul3A : i32
    %add3A = arith.addi %mul3A_0, %arg1 : i32
    %lt3A = arith.constant 17 : i32
    %lt3A_1 = arith.cmpi slt, %add3A, %lt3A : i32
    %jit3A = arith.constant 1 : i32
    %jit3A_2 = arith.constant 0 : i32
    %select_n3A = arith.select %lt3A_1, %jit3A, %jit3A_2 : i32
    %add3A_3 = arith.constant 19 : i32
    %add3A_4 = arith.addi %add3A_3, %select_n3A : i32
    %mul3A_5 = arith.constant 19 : i32
    %mul3A_6 = arith.muli %add3A, %mul3A_5 : i32
    %min3A = arith.constant 17 : i32
    %min3A_7 = arith.minsi %add3A, %min3A : i32
    %add3A_8 = arith.addi %mul3A_6, %min3A_7 : i32
    %broadcast_in_dim3A = arith.constant 0.000000e+00 : f32
    %broadcast_in_dim3A_9 = vector.broadcast %broadcast_in_dim3A : f32 to vector<16xf32>
    %scan3A = arith.constant 0 : i32
    %scan3A_10 = arith.constant 128 : i32
    %scan3A_11 = arith.addi %scan3A, %scan3A_10 : i32
    %scan3A_12 = arith.constant 1 : i32
    scf.for %scan3A_60 = %scan3A to %scan3A_11 step %scan3A_12  : i32 {
      %mul3A_61 = arith.constant 1 : i32
      %mul3A_62 = arith.muli %scan3A_60, %mul3A_61 : i32
      %add3A_63 = arith.constant 0 : i32
      %add3A_64 = arith.addi %add3A_63, %mul3A_62 : i32
      %scan3A_65 = arith.constant 0 : i32
      %mul3A_66 = arith.constant 1 : i32
      %mul3A_67 = arith.muli %scan3A_65, %mul3A_66 : i32
      %add3A_68 = arith.constant 0 : i32
      %add3A_69 = arith.addi %add3A_68, %mul3A_67 : i32
      %mul3A_70 = arith.constant 16 : i32
      %mul3A_71 = arith.muli %add3A_69, %mul3A_70 : i32
      %swap3A = arith.index_cast %add3A_64 : i32 to index
      %swap3A_72 = arith.index_cast %mul3A_71 : i32 to index
      %swap3A_73 = tpu.vector_load %arg5[%swap3A, %swap3A_72] {strides = array<i32>} : memref<512x16xf32, #tpu.memory_space<vmem>>, vector<1x16xf32>,
      %swap3A_74 = vector.shape_cast %swap3A_73 : vector<1x16xf32> to vector<16xf32>
      %swap3A_75 = vector.shape_cast %broadcast_in_dim3A_9 : vector<16xf32> to vector<1x16xf32>
      tpu.vector_store %arg5[%swap3A, %swap3A_72], %swap3A_75 {strides = array<i32>} : memref<512x16xf32, #tpu.memory_space<vmem>>, vector<1x16xf32>,
      %scan3A_76 = arith.constant 1 : i32
    }
    %scan3A_13 = arith.constant 128 : i32
    %mul3A_14 = arith.constant 640 : i32
    %mul3A_15 = arith.muli %arg1, %mul3A_14 : i32
    %scan3A_16 = arith.constant 0 : i32
    %scan3A_17 = arith.constant 5 : i32
    %scan3A_18 = arith.addi %scan3A_16, %scan3A_17 : i32
    %scan3A_19 = arith.constant 1 : i32
    scf.for %scan3A_60 = %scan3A_16 to %scan3A_18 step %scan3A_19  : i32 {
      %mul3A_61 = arith.constant 1 : i32
      %mul3A_62 = arith.muli %scan3A_60, %mul3A_61 : i32
      %add3A_63 = arith.constant 0 : i32
      %add3A_64 = arith.addi %add3A_63, %mul3A_62 : i32
      %mul3A_65 = arith.constant 128 : i32
      %mul3A_66 = arith.muli %add3A_64, %mul3A_65 : i32
      %add3A_67 = arith.addi %mul3A_15, %mul3A_66 : i32
      "tpu.region"() ({
        %run_scoped3A = tpu.sem_alloc : memref<!tpu.dma_semaphore, #tpu.memory_space<semaphore_mem>>
        %dma_start3A_68 = arith.constant 0 : i32
        %dma_start3A_69 = arith.constant 0 : i32
        %dma_start3A_70 = tpu.memref_slice %arg5[%dma_start3A_68, %dma_start3A_69] : memref<512x16xf32, #tpu.memory_space<vmem>> -> memref<128x16xf32, #tpu.memory_space<vmem>>
        %dma_start3A_71 = arith.constant 0 : i32
        %dma_start3A_72 = tpu.memref_slice %arg4[%add3A_67, %dma_start3A_71] : memref<10240x16xf32, #tpu.memory_space<vmem_shared>> -> memref<128x16xf32, #tpu.memory_space<vmem_shared>>
        %dma_start3A_73 = arith.constant 0 : i32
        %dma_start3A_74 = tpu.memref_slice %arg4[%add3A_67, %dma_start3A_73] : memref<10240x16xf32, #tpu.memory_space<vmem_shared>> -> memref<128x16xf32, #tpu.memory_space<vmem_shared>>
        %dma_start3A_75 = arith.constant 0 : i32
        %dma_start3A_76 = arith.constant 0 : i32
        %dma_start3A_77 = tpu.memref_slice %arg5[%dma_start3A_75, %dma_start3A_76] : memref<512x16xf32, #tpu.memory_space<vmem>> -> memref<128x16xf32, #tpu.memory_space<vmem>>
        tpu.enqueue_dma source(%dma_start3A_77 : memref<128x16xf32, #tpu.memory_space<vmem>>) target(%dma_start3A_74 : memref<128x16xf32, #tpu.memory_space<vmem_shared>>) target_semaphore(%run_scoped3A : memref<!tpu.dma_semaphore, #tpu.memory_space<semaphore_mem>>)
        %dma_wait3A = arith.constant 0 : i32
        %dma_wait3A_78 = arith.constant 0 : i32
        %dma_wait3A_79 = tpu.memref_slice %arg5[%dma_wait3A, %dma_wait3A_78] : memref<512x16xf32, #tpu.memory_space<vmem>> -> memref<128x16xf32, #tpu.memory_space<vmem>>
        %dma_wait3A_80 = arith.constant 0 : i32
        %dma_wait3A_81 = tpu.memref_slice %arg4[%add3A_67, %dma_wait3A_80] : memref<10240x16xf32, #tpu.memory_space<vmem_shared>> -> memref<128x16xf32, #tpu.memory_space<vmem_shared>>
        %dma_wait3A_82 = arith.constant 0 : i32
        %dma_wait3A_83 = tpu.memref_slice %arg4[%add3A_67, %dma_wait3A_82] : memref<10240x16xf32, #tpu.memory_space<vmem_shared>> -> memref<128x16xf32, #tpu.memory_space<vmem_shared>>
        %dma_wait3A_84 = arith.constant 0 : i32
        %dma_wait3A_85 = arith.constant 0 : i32
        %dma_wait3A_86 = tpu.memref_slice %arg5[%dma_wait3A_84, %dma_wait3A_85] : memref<512x16xf32, #tpu.memory_space<vmem>> -> memref<128x16xf32, #tpu.memory_space<vmem>>
        tpu.wait_dma2 semaphore(%run_scoped3A : memref<!tpu.dma_semaphore, #tpu.memory_space<semaphore_mem>>) src(%dma_wait3A_86 : memref<128x16xf32, #tpu.memory_space<vmem>>) dst(%dma_wait3A_83 : memref<128x16xf32, #tpu.memory_space<vmem_shared>>)
        tpu.yield
      }) : () -> ()
    }
    %scan3A_20 = arith.constant 5 : i32
    %broadcast_in_dim3A_21 = arith.constant 0.000000e+00 : f32
    %broadcast_in_dim3A_22 = vector.broadcast %broadcast_in_dim3A_21 : f32 to vector<16xf32>
    %add3A_23 = arith.constant 1.000000e+00 : f32
    %add3A_24 = vector.broadcast %add3A_23 : f32 to vector<16xf32>
    %add3A_25 = arith.addf %broadcast_in_dim3A_22, %add3A_24 : vector<16xf32>
    %scan3A_26 = arith.constant 0 : i32
    %scan3A_27 = arith.constant 512 : i32
    %scan3A_28 = arith.addi %scan3A_26, %scan3A_27 : i32
    %scan3A_29 = arith.constant 1 : i32
    scf.for %scan3A_60 = %scan3A_26 to %scan3A_28 step %scan3A_29  : i32 {
      %mul3A_61 = arith.constant 1 : i32
      %mul3A_62 = arith.muli %scan3A_60, %mul3A_61 : i32
      %add3A_63 = arith.constant 0 : i32
      %add3A_64 = arith.addi %add3A_63, %mul3A_62 : i32
      %swap3A = arith.index_cast %add3A_64 : i32 to index
      %swap3A_65 = arith.constant 0 : index
      %swap3A_66 = tpu.vector_load %arg5[%swap3A, %swap3A_65] {strides = array<i32>} : memref<512x16xf32, #tpu.memory_space<vmem>>, vector<1x16xf32>,
      %swap3A_67 = vector.shape_cast %swap3A_66 : vector<1x16xf32> to vector<16xf32>
      %swap3A_68 = vector.shape_cast %add3A_25 : vector<16xf32> to vector<1x16xf32>
      tpu.vector_store %arg5[%swap3A, %swap3A_65], %swap3A_68 {strides = array<i32>} : memref<512x16xf32, #tpu.memory_space<vmem>>, vector<1x16xf32>,
    }
    %scan3A_30 = arith.constant 512 : i32
    %barrier3A = arith.constant 0 : index
    tpu.barrier barrier_id(%barrier3A)
    %add3A_31 = arith.constant 0 : i32
    %add3A_32 = arith.addi %add3A_8, %add3A_31 : i32
    %mul3A_33 = arith.constant 2 : i32
    %mul3A_34 = arith.muli %mul3A_33, %add3A_32 : i32
    %add3A_35 = arith.constant 1 : i32
    %add3A_36 = arith.addi %mul3A_34, %add3A_35 : i32
    %dma_start3A = arith.constant 0 : i32
    %dma_start3A_37 = tpu.memref_slice %arg2[%add3A_36, %dma_start3A] : memref<1258x512xi32, #tpu.memory_space<hbm>> -> memref<1x512xi32, #tpu.memory_space<hbm>>
    %dma_start3A_38 = tpu.memref_squeeze %dma_start3A_37 : memref<1x512xi32, #tpu.memory_space<hbm>> -> memref<512xi32, #tpu.memory_space<hbm>>
    %dma_start3A_39 = arith.constant 0 : i32
    %dma_start3A_40 = tpu.memref_slice %arg2[%add3A_36, %dma_start3A_39] : memref<1258x512xi32, #tpu.memory_space<hbm>> -> memref<1x512xi32, #tpu.memory_space<hbm>>
    %dma_start3A_41 = tpu.memref_squeeze %dma_start3A_40 : memref<1x512xi32, #tpu.memory_space<hbm>> -> memref<512xi32, #tpu.memory_space<hbm>>
    tpu.enqueue_dma source(%dma_start3A_41 : memref<512xi32, #tpu.memory_space<hbm>>) target(%arg6 : memref<512xi32, #tpu.memory_space<vmem>>) target_semaphore(%arg18 : memref<!tpu.dma_semaphore, #tpu.memory_space<semaphore_mem>>)
    %add3A_42 = arith.constant 1 : i32
    %add3A_43 = arith.addi %add3A_8, %add3A_42 : i32
    %mul3A_44 = arith.constant 2 : i32
    %mul3A_45 = arith.muli %mul3A_44, %add3A_43 : i32
    %add3A_46 = arith.constant 1 : i32
    %add3A_47 = arith.addi %mul3A_45, %add3A_46 : i32
    %dma_start3A_48 = arith.constant 0 : i32
    %dma_start3A_49 = tpu.memref_slice %arg2[%add3A_47, %dma_start3A_48] : memref<1258x512xi32, #tpu.memory_space<hbm>> -> memref<1x512xi32, #tpu.memory_space<hbm>>
    %dma_start3A_50 = tpu.memref_squeeze %dma_start3A_49 : memref<1x512xi32, #tpu.memory_space<hbm>> -> memref<512xi32, #tpu.memory_space<hbm>>
    %dma_start3A_51 = arith.constant 0 : i32
    %dma_start3A_52 = tpu.memref_slice %arg2[%add3A_47, %dma_start3A_51] : memref<1258x512xi32, #tpu.memory_space<hbm>> -> memref<1x512xi32, #tpu.memory_space<hbm>>
    %dma_start3A_53 = tpu.memref_squeeze %dma_start3A_52 : memref<1x512xi32, #tpu.memory_space<hbm>> -> memref<512xi32, #tpu.memory_space<hbm>>
    tpu.enqueue_dma source(%dma_start3A_53 : memref<512xi32, #tpu.memory_space<hbm>>) target(%arg7 : memref<512xi32, #tpu.memory_space<vmem>>) target_semaphore(%arg19 : memref<!tpu.dma_semaphore, #tpu.memory_space<semaphore_mem>>)
    %scan3A_54 = arith.constant 0 : i32
    %scan3A_55 = arith.constant 3 : i32
    %scan3A_56 = arith.addi %scan3A_54, %scan3A_55 : i32
    %scan3A_57 = arith.constant 1 : i32
    scf.for %scan3A_60 = %scan3A_54 to %scan3A_56 step %scan3A_57  : i32 {
      %mul3A_61 = arith.constant 1 : i32
      %mul3A_62 = arith.muli %scan3A_60, %mul3A_61 : i32
      %add3A_63 = arith.constant 0 : i32
      %add3A_64 = arith.addi %add3A_63, %mul3A_62 : i32
      %mul3A_65 = arith.constant 8 : i32
      %mul3A_66 = arith.muli %add3A_64, %mul3A_65 : i32
      %add3A_67 = arith.constant 0 : i32
      %add3A_68 = arith.addi %mul3A_66, %add3A_67 : i32
      %ge3A = arith.constant 4 : i32
      %ge3A_69 = arith.cmpi sge, %add3A_68, %ge3A : i32
      %sub3A = arith.constant 4 : i32
      %sub3A_70 = arith.subi %add3A_68, %sub3A : i32
      %lt3A_71 = arith.cmpi slt, %sub3A_70, %add3A_4 : i32
      %and3A = arith.andi %ge3A_69, %lt3A_71 : i1
      %convert_element_type3A = arith.extui %and3A : i1 to i32
      %cond3A = arith.constant 0 : i32
      %cond3A_72 = arith.cmpi ne, %convert_element_type3A, %cond3A : i32
      scf.if %cond3A_72 {
        %dma_wait3A = arith.constant 0 : i32
        %dma_wait3A_230 = arith.constant 0 : i32
        %dma_wait3A_231 = tpu.memref_slice %arg4[%dma_wait3A, %dma_wait3A_230] : memref<10240x16xf32, #tpu.memory_space<vmem_shared>> -> memref<10240x16xf32, #tpu.memory_space<vmem_shared>>
        tpu.wait_indirect_dma semaphore(%arg14 : memref<!tpu.dma_semaphore, #tpu.memory_space<semaphore_mem>>) src(%arg5 : memref<512x16xf32, #tpu.memory_space<vmem>>) dst(%dma_wait3A_231 : memref<10240x16xf32, #tpu.memory_space<vmem_shared>>)
      } else {
      }
      %lt3A_73 = arith.cmpi slt, %add3A_68, %add3A_4 : i32
      %convert_element_type3A_74 = arith.extui %lt3A_73 : i1 to i32
      %cond3A_75 = arith.constant 0 : i32
      %cond3A_76 = arith.cmpi ne, %convert_element_type3A_74, %cond3A_75 : i32
      scf.if %cond3A_76 {
        %add3A_230 = arith.addi %add3A_8, %add3A_68 : i32
        %mul3A_231 = arith.constant 2 : i32
        %mul3A_232 = arith.muli %mul3A_231, %add3A_230 : i32
        %add3A_233 = arith.constant 1 : i32
        %add3A_234 = arith.addi %mul3A_232, %add3A_233 : i32
        %dma_wait3A = arith.constant 0 : i32
        %dma_wait3A_235 = tpu.memref_slice %arg2[%add3A_234, %dma_wait3A] : memref<1258x512xi32, #tpu.memory_space<hbm>> -> memref<1x512xi32, #tpu.memory_space<hbm>>
        %dma_wait3A_236 = tpu.memref_squeeze %dma_wait3A_235 : memref<1x512xi32, #tpu.memory_space<hbm>> -> memref<512xi32, #tpu.memory_space<hbm>>
        %dma_wait3A_237 = arith.constant 0 : i32
        %dma_wait3A_238 = tpu.memref_slice %arg2[%add3A_234, %dma_wait3A_237] : memref<1258x512xi32, #tpu.memory_space<hbm>> -> memref<1x512xi32, #tpu.memory_space<hbm>>
        %dma_wait3A_239 = tpu.memref_squeeze %dma_wait3A_238 : memref<1x512xi32, #tpu.memory_space<hbm>> -> memref<512xi32, #tpu.memory_space<hbm>>
        tpu.wait_dma2 semaphore(%arg18 : memref<!tpu.dma_semaphore, #tpu.memory_space<semaphore_mem>>) src(%dma_wait3A_239 : memref<512xi32, #tpu.memory_space<hbm>>) dst(%arg6 : memref<512xi32, #tpu.memory_space<vmem>>)
        %dma_start3A_240 = arith.constant 0 : i32
        %dma_start3A_241 = arith.constant 0 : i32
        %dma_start3A_242 = tpu.memref_slice %arg4[%dma_start3A_240, %dma_start3A_241] : memref<10240x16xf32, #tpu.memory_space<vmem_shared>> -> memref<10240x16xf32, #tpu.memory_space<vmem_shared>>
        tpu.enqueue_indirect_dma source(%arg5 : memref<512x16xf32, #tpu.memory_space<vmem>>) target(%dma_start3A_242 : memref<10240x16xf32, #tpu.memory_space<vmem_shared>>) offsets(%arg6 : memref<512xi32, #tpu.memory_space<vmem>>) semaphore(%arg14 : memref<!tpu.dma_semaphore, #tpu.memory_space<semaphore_mem>>) {add = true}
      } else {
      }
      %add3A_77 = arith.constant 2 : i32
      %add3A_78 = arith.addi %add3A_68, %add3A_77 : i32
      %lt3A_79 = arith.cmpi slt, %add3A_78, %add3A_4 : i32
      %convert_element_type3A_80 = arith.extui %lt3A_79 : i1 to i32
      %cond3A_81 = arith.constant 0 : i32
      %cond3A_82 = arith.cmpi ne, %convert_element_type3A_80, %cond3A_81 : i32
      scf.if %cond3A_82 {
        %add3A_230 = arith.constant 2 : i32
        %add3A_231 = arith.addi %add3A_68, %add3A_230 : i32
        %add3A_232 = arith.addi %add3A_8, %add3A_231 : i32
        %mul3A_233 = arith.constant 2 : i32
        %mul3A_234 = arith.muli %mul3A_233, %add3A_232 : i32
        %add3A_235 = arith.constant 1 : i32
        %add3A_236 = arith.addi %mul3A_234, %add3A_235 : i32
        %dma_start3A_237 = arith.constant 0 : i32
        %dma_start3A_238 = tpu.memref_slice %arg2[%add3A_236, %dma_start3A_237] : memref<1258x512xi32, #tpu.memory_space<hbm>> -> memref<1x512xi32, #tpu.memory_space<hbm>>
        %dma_start3A_239 = tpu.memref_squeeze %dma_start3A_238 : memref<1x512xi32, #tpu.memory_space<hbm>> -> memref<512xi32, #tpu.memory_space<hbm>>
        %dma_start3A_240 = arith.constant 0 : i32
        %dma_start3A_241 = tpu.memref_slice %arg2[%add3A_236, %dma_start3A_240] : memref<1258x512xi32, #tpu.memory_space<hbm>> -> memref<1x512xi32, #tpu.memory_space<hbm>>
        %dma_start3A_242 = tpu.memref_squeeze %dma_start3A_241 : memref<1x512xi32, #tpu.memory_space<hbm>> -> memref<512xi32, #tpu.memory_space<hbm>>
        tpu.enqueue_dma source(%dma_start3A_242 : memref<512xi32, #tpu.memory_space<hbm>>) target(%arg8 : memref<512xi32, #tpu.memory_space<vmem>>) target_semaphore(%arg20 : memref<!tpu.dma_semaphore, #tpu.memory_space<semaphore_mem>>)
      } else {
      }
      %add3A_83 = arith.constant 1 : i32
      %add3A_84 = arith.addi %mul3A_66, %add3A_83 : i32
      %ge3A_85 = arith.constant 4 : i32
      %ge3A_86 = arith.cmpi sge, %add3A_84, %ge3A_85 : i32
      %sub3A_87 = arith.constant 4 : i32
      %sub3A_88 = arith.subi %add3A_84, %sub3A_87 : i32
      %lt3A_89 = arith.cmpi slt, %sub3A_88, %add3A_4 : i32
      %and3A_90 = arith.andi %ge3A_86, %lt3A_89 : i1
      %convert_element_type3A_91 = arith.extui %and3A_90 : i1 to i32
      %cond3A_92 = arith.constant 0 : i32
      %cond3A_93 = arith.cmpi ne, %convert_element_type3A_91, %cond3A_92 : i32
      scf.if %cond3A_93 {
        %dma_wait3A = arith.constant 0 : i32
        %dma_wait3A_230 = arith.constant 0 : i32
        %dma_wait3A_231 = tpu.memref_slice %arg4[%dma_wait3A, %dma_wait3A_230] : memref<10240x16xf32, #tpu.memory_space<vmem_shared>> -> memref<10240x16xf32, #tpu.memory_space<vmem_shared>>
        tpu.wait_indirect_dma semaphore(%arg15 : memref<!tpu.dma_semaphore, #tpu.memory_space<semaphore_mem>>) src(%arg5 : memref<512x16xf32, #tpu.memory_space<vmem>>) dst(%dma_wait3A_231 : memref<10240x16xf32, #tpu.memory_space<vmem_shared>>)
      } else {
      }
      %lt3A_94 = arith.cmpi slt, %add3A_84, %add3A_4 : i32
      %convert_element_type3A_95 = arith.extui %lt3A_94 : i1 to i32
      %cond3A_96 = arith.constant 0 : i32
      %cond3A_97 = arith.cmpi ne, %convert_element_type3A_95, %cond3A_96 : i32
      scf.if %cond3A_97 {
        %add3A_230 = arith.addi %add3A_8, %add3A_84 : i32
        %mul3A_231 = arith.constant 2 : i32
        %mul3A_232 = arith.muli %mul3A_231, %add3A_230 : i32
        %add3A_233 = arith.constant 1 : i32
        %add3A_234 = arith.addi %mul3A_232, %add3A_233 : i32
        %dma_wait3A = arith.constant 0 : i32
        %dma_wait3A_235 = tpu.memref_slice %arg2[%add3A_234, %dma_wait3A] : memref<1258x512xi32, #tpu.memory_space<hbm>> -> memref<1x512xi32, #tpu.memory_space<hbm>>
        %dma_wait3A_236 = tpu.memref_squeeze %dma_wait3A_235 : memref<1x512xi32, #tpu.memory_space<hbm>> -> memref<512xi32, #tpu.memory_space<hbm>>
        %dma_wait3A_237 = arith.constant 0 : i32
        %dma_wait3A_238 = tpu.memref_slice %arg2[%add3A_234, %dma_wait3A_237] : memref<1258x512xi32, #tpu.memory_space<hbm>> -> memref<1x512xi32, #tpu.memory_space<hbm>>
        %dma_wait3A_239 = tpu.memref_squeeze %dma_wait3A_238 : memref<1x512xi32, #tpu.memory_space<hbm>> -> memref<512xi32, #tpu.memory_space<hbm>>
        tpu.wait_dma2 semaphore(%arg19 : memref<!tpu.dma_semaphore, #tpu.memory_space<semaphore_mem>>) src(%dma_wait3A_239 : memref<512xi32, #tpu.memory_space<hbm>>) dst(%arg7 : memref<512xi32, #tpu.memory_space<vmem>>)
        %dma_start3A_240 = arith.constant 0 : i32
        %dma_start3A_241 = arith.constant 0 : i32
        %dma_start3A_242 = tpu.memref_slice %arg4[%dma_start3A_240, %dma_start3A_241] : memref<10240x16xf32, #tpu.memory_space<vmem_shared>> -> memref<10240x16xf32, #tpu.memory_space<vmem_shared>>
        tpu.enqueue_indirect_dma source(%arg5 : memref<512x16xf32, #tpu.memory_space<vmem>>) target(%dma_start3A_242 : memref<10240x16xf32, #tpu.memory_space<vmem_shared>>) offsets(%arg7 : memref<512xi32, #tpu.memory_space<vmem>>) semaphore(%arg15 : memref<!tpu.dma_semaphore, #tpu.memory_space<semaphore_mem>>) {add = true}
      } else {
      }
      %add3A_98 = arith.constant 2 : i32
      %add3A_99 = arith.addi %add3A_84, %add3A_98 : i32
      %lt3A_100 = arith.cmpi slt, %add3A_99, %add3A_4 : i32
      %convert_element_type3A_101 = arith.extui %lt3A_100 : i1 to i32
      %cond3A_102 = arith.constant 0 : i32
      %cond3A_103 = arith.cmpi ne, %convert_element_type3A_101, %cond3A_102 : i32
      scf.if %cond3A_103 {
        %add3A_230 = arith.constant 2 : i32
        %add3A_231 = arith.addi %add3A_84, %add3A_230 : i32
        %add3A_232 = arith.addi %add3A_8, %add3A_231 : i32
        %mul3A_233 = arith.constant 2 : i32
        %mul3A_234 = arith.muli %mul3A_233, %add3A_232 : i32
        %add3A_235 = arith.constant 1 : i32
        %add3A_236 = arith.addi %mul3A_234, %add3A_235 : i32
        %dma_start3A_237 = arith.constant 0 : i32
        %dma_start3A_238 = tpu.memref_slice %arg2[%add3A_236, %dma_start3A_237] : memref<1258x512xi32, #tpu.memory_space<hbm>> -> memref<1x512xi32, #tpu.memory_space<hbm>>
        %dma_start3A_239 = tpu.memref_squeeze %dma_start3A_238 : memref<1x512xi32, #tpu.memory_space<hbm>> -> memref<512xi32, #tpu.memory_space<hbm>>
        %dma_start3A_240 = arith.constant 0 : i32
        %dma_start3A_241 = tpu.memref_slice %arg2[%add3A_236, %dma_start3A_240] : memref<1258x512xi32, #tpu.memory_space<hbm>> -> memref<1x512xi32, #tpu.memory_space<hbm>>
        %dma_start3A_242 = tpu.memref_squeeze %dma_start3A_241 : memref<1x512xi32, #tpu.memory_space<hbm>> -> memref<512xi32, #tpu.memory_space<hbm>>
        tpu.enqueue_dma source(%dma_start3A_242 : memref<512xi32, #tpu.memory_space<hbm>>) target(%arg9 : memref<512xi32, #tpu.memory_space<vmem>>) target_semaphore(%arg21 : memref<!tpu.dma_semaphore, #tpu.memory_space<semaphore_mem>>)
      } else {
      }
      %add3A_104 = arith.constant 2 : i32
      %add3A_105 = arith.addi %mul3A_66, %add3A_104 : i32
      %ge3A_106 = arith.constant 4 : i32
      %ge3A_107 = arith.cmpi sge, %add3A_105, %ge3A_106 : i32
      %sub3A_108 = arith.constant 4 : i32
      %sub3A_109 = arith.subi %add3A_105, %sub3A_108 : i32
      %lt3A_110 = arith.cmpi slt, %sub3A_109, %add3A_4 : i32
      %and3A_111 = arith.andi %ge3A_107, %lt3A_110 : i1
      %convert_element_type3A_112 = arith.extui %and3A_111 : i1 to i32
      %cond3A_113 = arith.constant 0 : i32
      %cond3A_114 = arith.cmpi ne, %convert_element_type3A_112, %cond3A_113 : i32
      scf.if %cond3A_114 {
        %dma_wait3A = arith.constant 0 : i32
        %dma_wait3A_230 = arith.constant 0 : i32
        %dma_wait3A_231 = tpu.memref_slice %arg4[%dma_wait3A, %dma_wait3A_230] : memref<10240x16xf32, #tpu.memory_space<vmem_shared>> -> memref<10240x16xf32, #tpu.memory_space<vmem_shared>>
        tpu.wait_indirect_dma semaphore(%arg16 : memref<!tpu.dma_semaphore, #tpu.memory_space<semaphore_mem>>) src(%arg5 : memref<512x16xf32, #tpu.memory_space<vmem>>) dst(%dma_wait3A_231 : memref<10240x16xf32, #tpu.memory_space<vmem_shared>>)
      } else {
      }
      %lt3A_115 = arith.cmpi slt, %add3A_105, %add3A_4 : i32
      %convert_element_type3A_116 = arith.extui %lt3A_115 : i1 to i32
      %cond3A_117 = arith.constant 0 : i32
      %cond3A_118 = arith.cmpi ne, %convert_element_type3A_116, %cond3A_117 : i32
      scf.if %cond3A_118 {
        %add3A_230 = arith.addi %add3A_8, %add3A_105 : i32
        %mul3A_231 = arith.constant 2 : i32
        %mul3A_232 = arith.muli %mul3A_231, %add3A_230 : i32
        %add3A_233 = arith.constant 1 : i32
        %add3A_234 = arith.addi %mul3A_232, %add3A_233 : i32
        %dma_wait3A = arith.constant 0 : i32
        %dma_wait3A_235 = tpu.memref_slice %arg2[%add3A_234, %dma_wait3A] : memref<1258x512xi32, #tpu.memory_space<hbm>> -> memref<1x512xi32, #tpu.memory_space<hbm>>
        %dma_wait3A_236 = tpu.memref_squeeze %dma_wait3A_235 : memref<1x512xi32, #tpu.memory_space<hbm>> -> memref<512xi32, #tpu.memory_space<hbm>>
        %dma_wait3A_237 = arith.constant 0 : i32
        %dma_wait3A_238 = tpu.memref_slice %arg2[%add3A_234, %dma_wait3A_237] : memref<1258x512xi32, #tpu.memory_space<hbm>> -> memref<1x512xi32, #tpu.memory_space<hbm>>
        %dma_wait3A_239 = tpu.memref_squeeze %dma_wait3A_238 : memref<1x512xi32, #tpu.memory_space<hbm>> -> memref<512xi32, #tpu.memory_space<hbm>>
        tpu.wait_dma2 semaphore(%arg20 : memref<!tpu.dma_semaphore, #tpu.memory_space<semaphore_mem>>) src(%dma_wait3A_239 : memref<512xi32, #tpu.memory_space<hbm>>) dst(%arg8 : memref<512xi32, #tpu.memory_space<vmem>>)
        %dma_start3A_240 = arith.constant 0 : i32
        %dma_start3A_241 = arith.constant 0 : i32
        %dma_start3A_242 = tpu.memref_slice %arg4[%dma_start3A_240, %dma_start3A_241] : memref<10240x16xf32, #tpu.memory_space<vmem_shared>> -> memref<10240x16xf32, #tpu.memory_space<vmem_shared>>
        tpu.enqueue_indirect_dma source(%arg5 : memref<512x16xf32, #tpu.memory_space<vmem>>) target(%dma_start3A_242 : memref<10240x16xf32, #tpu.memory_space<vmem_shared>>) offsets(%arg8 : memref<512xi32, #tpu.memory_space<vmem>>) semaphore(%arg16 : memref<!tpu.dma_semaphore, #tpu.memory_space<semaphore_mem>>) {add = true}
      } else {
      }
      %add3A_119 = arith.constant 2 : i32
      %add3A_120 = arith.addi %add3A_105, %add3A_119 : i32
      %lt3A_121 = arith.cmpi slt, %add3A_120, %add3A_4 : i32
      %convert_element_type3A_122 = arith.extui %lt3A_121 : i1 to i32
      %cond3A_123 = arith.constant 0 : i32
      %cond3A_124 = arith.cmpi ne, %convert_element_type3A_122, %cond3A_123 : i32
      scf.if %cond3A_124 {
        %add3A_230 = arith.constant 2 : i32
        %add3A_231 = arith.addi %add3A_105, %add3A_230 : i32
        %add3A_232 = arith.addi %add3A_8, %add3A_231 : i32
        %mul3A_233 = arith.constant 2 : i32
        %mul3A_234 = arith.muli %mul3A_233, %add3A_232 : i32
        %add3A_235 = arith.constant 1 : i32
        %add3A_236 = arith.addi %mul3A_234, %add3A_235 : i32
        %dma_start3A_237 = arith.constant 0 : i32
        %dma_start3A_238 = tpu.memref_slice %arg2[%add3A_236, %dma_start3A_237] : memref<1258x512xi32, #tpu.memory_space<hbm>> -> memref<1x512xi32, #tpu.memory_space<hbm>>
        %dma_start3A_239 = tpu.memref_squeeze %dma_start3A_238 : memref<1x512xi32, #tpu.memory_space<hbm>> -> memref<512xi32, #tpu.memory_space<hbm>>
        %dma_start3A_240 = arith.constant 0 : i32
        %dma_start3A_241 = tpu.memref_slice %arg2[%add3A_236, %dma_start3A_240] : memref<1258x512xi32, #tpu.memory_space<hbm>> -> memref<1x512xi32, #tpu.memory_space<hbm>>
        %dma_start3A_242 = tpu.memref_squeeze %dma_start3A_241 : memref<1x512xi32, #tpu.memory_space<hbm>> -> memref<512xi32, #tpu.memory_space<hbm>>
        tpu.enqueue_dma source(%dma_start3A_242 : memref<512xi32, #tpu.memory_space<hbm>>) target(%arg10 : memref<512xi32, #tpu.memory_space<vmem>>) target_semaphore(%arg22 : memref<!tpu.dma_semaphore, #tpu.memory_space<semaphore_mem>>)
      } else {
      }
      %add3A_125 = arith.constant 3 : i32
      %add3A_126 = arith.addi %mul3A_66, %add3A_125 : i32
      %ge3A_127 = arith.constant 4 : i32
      %ge3A_128 = arith.cmpi sge, %add3A_126, %ge3A_127 : i32
      %sub3A_129 = arith.constant 4 : i32
      %sub3A_130 = arith.subi %add3A_126, %sub3A_129 : i32
      %lt3A_131 = arith.cmpi slt, %sub3A_130, %add3A_4 : i32
      %and3A_132 = arith.andi %ge3A_128, %lt3A_131 : i1
      %convert_element_type3A_133 = arith.extui %and3A_132 : i1 to i32
      %cond3A_134 = arith.constant 0 : i32
      %cond3A_135 = arith.cmpi ne, %convert_element_type3A_133, %cond3A_134 : i32
      scf.if %cond3A_135 {
        %dma_wait3A = arith.constant 0 : i32
        %dma_wait3A_230 = arith.constant 0 : i32
        %dma_wait3A_231 = tpu.memref_slice %arg4[%dma_wait3A, %dma_wait3A_230] : memref<10240x16xf32, #tpu.memory_space<vmem_shared>> -> memref<10240x16xf32, #tpu.memory_space<vmem_shared>>
        tpu.wait_indirect_dma semaphore(%arg17 : memref<!tpu.dma_semaphore, #tpu.memory_space<semaphore_mem>>) src(%arg5 : memref<512x16xf32, #tpu.memory_space<vmem>>) dst(%dma_wait3A_231 : memref<10240x16xf32, #tpu.memory_space<vmem_shared>>)
      } else {
      }
      %lt3A_136 = arith.cmpi slt, %add3A_126, %add3A_4 : i32
      %convert_element_type3A_137 = arith.extui %lt3A_136 : i1 to i32
      %cond3A_138 = arith.constant 0 : i32
      %cond3A_139 = arith.cmpi ne, %convert_element_type3A_137, %cond3A_138 : i32
      scf.if %cond3A_139 {
        %add3A_230 = arith.addi %add3A_8, %add3A_126 : i32
        %mul3A_231 = arith.constant 2 : i32
        %mul3A_232 = arith.muli %mul3A_231, %add3A_230 : i32
        %add3A_233 = arith.constant 1 : i32
        %add3A_234 = arith.addi %mul3A_232, %add3A_233 : i32
        %dma_wait3A = arith.constant 0 : i32
        %dma_wait3A_235 = tpu.memref_slice %arg2[%add3A_234, %dma_wait3A] : memref<1258x512xi32, #tpu.memory_space<hbm>> -> memref<1x512xi32, #tpu.memory_space<hbm>>
        %dma_wait3A_236 = tpu.memref_squeeze %dma_wait3A_235 : memref<1x512xi32, #tpu.memory_space<hbm>> -> memref<512xi32, #tpu.memory_space<hbm>>
        %dma_wait3A_237 = arith.constant 0 : i32
        %dma_wait3A_238 = tpu.memref_slice %arg2[%add3A_234, %dma_wait3A_237] : memref<1258x512xi32, #tpu.memory_space<hbm>> -> memref<1x512xi32, #tpu.memory_space<hbm>>
        %dma_wait3A_239 = tpu.memref_squeeze %dma_wait3A_238 : memref<1x512xi32, #tpu.memory_space<hbm>> -> memref<512xi32, #tpu.memory_space<hbm>>
        tpu.wait_dma2 semaphore(%arg21 : memref<!tpu.dma_semaphore, #tpu.memory_space<semaphore_mem>>) src(%dma_wait3A_239 : memref<512xi32, #tpu.memory_space<hbm>>) dst(%arg9 : memref<512xi32, #tpu.memory_space<vmem>>)
        %dma_start3A_240 = arith.constant 0 : i32
        %dma_start3A_241 = arith.constant 0 : i32
        %dma_start3A_242 = tpu.memref_slice %arg4[%dma_start3A_240, %dma_start3A_241] : memref<10240x16xf32, #tpu.memory_space<vmem_shared>> -> memref<10240x16xf32, #tpu.memory_space<vmem_shared>>
        tpu.enqueue_indirect_dma source(%arg5 : memref<512x16xf32, #tpu.memory_space<vmem>>) target(%dma_start3A_242 : memref<10240x16xf32, #tpu.memory_space<vmem_shared>>) offsets(%arg9 : memref<512xi32, #tpu.memory_space<vmem>>) semaphore(%arg17 : memref<!tpu.dma_semaphore, #tpu.memory_space<semaphore_mem>>) {add = true}
      } else {
      }
      %add3A_140 = arith.constant 2 : i32
      %add3A_141 = arith.addi %add3A_126, %add3A_140 : i32
      %lt3A_142 = arith.cmpi slt, %add3A_141, %add3A_4 : i32
      %convert_element_type3A_143 = arith.extui %lt3A_142 : i1 to i32
      %cond3A_144 = arith.constant 0 : i32
      %cond3A_145 = arith.cmpi ne, %convert_element_type3A_143, %cond3A_144 : i32
      scf.if %cond3A_145 {
        %add3A_230 = arith.constant 2 : i32
        %add3A_231 = arith.addi %add3A_126, %add3A_230 : i32
        %add3A_232 = arith.addi %add3A_8, %add3A_231 : i32
        %mul3A_233 = arith.constant 2 : i32
        %mul3A_234 = arith.muli %mul3A_233, %add3A_232 : i32
        %add3A_235 = arith.constant 1 : i32
        %add3A_236 = arith.addi %mul3A_234, %add3A_235 : i32
        %dma_start3A_237 = arith.constant 0 : i32
        %dma_start3A_238 = tpu.memref_slice %arg2[%add3A_236, %dma_start3A_237] : memref<1258x512xi32, #tpu.memory_space<hbm>> -> memref<1x512xi32, #tpu.memory_space<hbm>>
        %dma_start3A_239 = tpu.memref_squeeze %dma_start3A_238 : memref<1x512xi32, #tpu.memory_space<hbm>> -> memref<512xi32, #tpu.memory_space<hbm>>
        %dma_start3A_240 = arith.constant 0 : i32
        %dma_start3A_241 = tpu.memref_slice %arg2[%add3A_236, %dma_start3A_240] : memref<1258x512xi32, #tpu.memory_space<hbm>> -> memref<1x512xi32, #tpu.memory_space<hbm>>
        %dma_start3A_242 = tpu.memref_squeeze %dma_start3A_241 : memref<1x512xi32, #tpu.memory_space<hbm>> -> memref<512xi32, #tpu.memory_space<hbm>>
        tpu.enqueue_dma source(%dma_start3A_242 : memref<512xi32, #tpu.memory_space<hbm>>) target(%arg11 : memref<512xi32, #tpu.memory_space<vmem>>) target_semaphore(%arg23 : memref<!tpu.dma_semaphore, #tpu.memory_space<semaphore_mem>>)
      } else {
      }
      %add3A_146 = arith.constant 4 : i32
      %add3A_147 = arith.addi %mul3A_66, %add3A_146 : i32
      %ge3A_148 = arith.constant 4 : i32
      %ge3A_149 = arith.cmpi sge, %add3A_147, %ge3A_148 : i32
      %sub3A_150 = arith.constant 4 : i32
      %sub3A_151 = arith.subi %add3A_147, %sub3A_150 : i32
      %lt3A_152 = arith.cmpi slt, %sub3A_151, %add3A_4 : i32
      %and3A_153 = arith.andi %ge3A_149, %lt3A_152 : i1
      %convert_element_type3A_154 = arith.extui %and3A_153 : i1 to i32
      %cond3A_155 = arith.constant 0 : i32
      %cond3A_156 = arith.cmpi ne, %convert_element_type3A_154, %cond3A_155 : i32
      scf.if %cond3A_156 {
        %dma_wait3A = arith.constant 0 : i32
        %dma_wait3A_230 = arith.constant 0 : i32
        %dma_wait3A_231 = tpu.memref_slice %arg4[%dma_wait3A, %dma_wait3A_230] : memref<10240x16xf32, #tpu.memory_space<vmem_shared>> -> memref<10240x16xf32, #tpu.memory_space<vmem_shared>>
        tpu.wait_indirect_dma semaphore(%arg14 : memref<!tpu.dma_semaphore, #tpu.memory_space<semaphore_mem>>) src(%arg5 : memref<512x16xf32, #tpu.memory_space<vmem>>) dst(%dma_wait3A_231 : memref<10240x16xf32, #tpu.memory_space<vmem_shared>>)
      } else {
      }
      %lt3A_157 = arith.cmpi slt, %add3A_147, %add3A_4 : i32
      %convert_element_type3A_158 = arith.extui %lt3A_157 : i1 to i32
      %cond3A_159 = arith.constant 0 : i32
      %cond3A_160 = arith.cmpi ne, %convert_element_type3A_158, %cond3A_159 : i32
      scf.if %cond3A_160 {
        %add3A_230 = arith.addi %add3A_8, %add3A_147 : i32
        %mul3A_231 = arith.constant 2 : i32
        %mul3A_232 = arith.muli %mul3A_231, %add3A_230 : i32
        %add3A_233 = arith.constant 1 : i32
        %add3A_234 = arith.addi %mul3A_232, %add3A_233 : i32
        %dma_wait3A = arith.constant 0 : i32
        %dma_wait3A_235 = tpu.memref_slice %arg2[%add3A_234, %dma_wait3A] : memref<1258x512xi32, #tpu.memory_space<hbm>> -> memref<1x512xi32, #tpu.memory_space<hbm>>
        %dma_wait3A_236 = tpu.memref_squeeze %dma_wait3A_235 : memref<1x512xi32, #tpu.memory_space<hbm>> -> memref<512xi32, #tpu.memory_space<hbm>>
        %dma_wait3A_237 = arith.constant 0 : i32
        %dma_wait3A_238 = tpu.memref_slice %arg2[%add3A_234, %dma_wait3A_237] : memref<1258x512xi32, #tpu.memory_space<hbm>> -> memref<1x512xi32, #tpu.memory_space<hbm>>
        %dma_wait3A_239 = tpu.memref_squeeze %dma_wait3A_238 : memref<1x512xi32, #tpu.memory_space<hbm>> -> memref<512xi32, #tpu.memory_space<hbm>>
        tpu.wait_dma2 semaphore(%arg22 : memref<!tpu.dma_semaphore, #tpu.memory_space<semaphore_mem>>) src(%dma_wait3A_239 : memref<512xi32, #tpu.memory_space<hbm>>) dst(%arg10 : memref<512xi32, #tpu.memory_space<vmem>>)
        %dma_start3A_240 = arith.constant 0 : i32
        %dma_start3A_241 = arith.constant 0 : i32
        %dma_start3A_242 = tpu.memref_slice %arg4[%dma_start3A_240, %dma_start3A_241] : memref<10240x16xf32, #tpu.memory_space<vmem_shared>> -> memref<10240x16xf32, #tpu.memory_space<vmem_shared>>
        tpu.enqueue_indirect_dma source(%arg5 : memref<512x16xf32, #tpu.memory_space<vmem>>) target(%dma_start3A_242 : memref<10240x16xf32, #tpu.memory_space<vmem_shared>>) offsets(%arg10 : memref<512xi32, #tpu.memory_space<vmem>>) semaphore(%arg14 : memref<!tpu.dma_semaphore, #tpu.memory_space<semaphore_mem>>) {add = true}
      } else {
      }
      %add3A_161 = arith.constant 2 : i32
      %add3A_162 = arith.addi %add3A_147, %add3A_161 : i32
      %lt3A_163 = arith.cmpi slt, %add3A_162, %add3A_4 : i32
      %convert_element_type3A_164 = arith.extui %lt3A_163 : i1 to i32
      %cond3A_165 = arith.constant 0 : i32
      %cond3A_166 = arith.cmpi ne, %convert_element_type3A_164, %cond3A_165 : i32
      scf.if %cond3A_166 {
        %add3A_230 = arith.constant 2 : i32
        %add3A_231 = arith.addi %add3A_147, %add3A_230 : i32
        %add3A_232 = arith.addi %add3A_8, %add3A_231 : i32
        %mul3A_233 = arith.constant 2 : i32
        %mul3A_234 = arith.muli %mul3A_233, %add3A_232 : i32
        %add3A_235 = arith.constant 1 : i32
        %add3A_236 = arith.addi %mul3A_234, %add3A_235 : i32
        %dma_start3A_237 = arith.constant 0 : i32
        %dma_start3A_238 = tpu.memref_slice %arg2[%add3A_236, %dma_start3A_237] : memref<1258x512xi32, #tpu.memory_space<hbm>> -> memref<1x512xi32, #tpu.memory_space<hbm>>
        %dma_start3A_239 = tpu.memref_squeeze %dma_start3A_238 : memref<1x512xi32, #tpu.memory_space<hbm>> -> memref<512xi32, #tpu.memory_space<hbm>>
        %dma_start3A_240 = arith.constant 0 : i32
        %dma_start3A_241 = tpu.memref_slice %arg2[%add3A_236, %dma_start3A_240] : memref<1258x512xi32, #tpu.memory_space<hbm>> -> memref<1x512xi32, #tpu.memory_space<hbm>>
        %dma_start3A_242 = tpu.memref_squeeze %dma_start3A_241 : memref<1x512xi32, #tpu.memory_space<hbm>> -> memref<512xi32, #tpu.memory_space<hbm>>
        tpu.enqueue_dma source(%dma_start3A_242 : memref<512xi32, #tpu.memory_space<hbm>>) target(%arg12 : memref<512xi32, #tpu.memory_space<vmem>>) target_semaphore(%arg24 : memref<!tpu.dma_semaphore, #tpu.memory_space<semaphore_mem>>)
      } else {
      }
      %add3A_167 = arith.constant 5 : i32
      %add3A_168 = arith.addi %mul3A_66, %add3A_167 : i32
      %ge3A_169 = arith.constant 4 : i32
      %ge3A_170 = arith.cmpi sge, %add3A_168, %ge3A_169 : i32
      %sub3A_171 = arith.constant 4 : i32
      %sub3A_172 = arith.subi %add3A_168, %sub3A_171 : i32
      %lt3A_173 = arith.cmpi slt, %sub3A_172, %add3A_4 : i32
      %and3A_174 = arith.andi %ge3A_170, %lt3A_173 : i1
      %convert_element_type3A_175 = arith.extui %and3A_174 : i1 to i32
      %cond3A_176 = arith.constant 0 : i32
      %cond3A_177 = arith.cmpi ne, %convert_element_type3A_175, %cond3A_176 : i32
      scf.if %cond3A_177 {
        %dma_wait3A = arith.constant 0 : i32
        %dma_wait3A_230 = arith.constant 0 : i32
        %dma_wait3A_231 = tpu.memref_slice %arg4[%dma_wait3A, %dma_wait3A_230] : memref<10240x16xf32, #tpu.memory_space<vmem_shared>> -> memref<10240x16xf32, #tpu.memory_space<vmem_shared>>
        tpu.wait_indirect_dma semaphore(%arg15 : memref<!tpu.dma_semaphore, #tpu.memory_space<semaphore_mem>>) src(%arg5 : memref<512x16xf32, #tpu.memory_space<vmem>>) dst(%dma_wait3A_231 : memref<10240x16xf32, #tpu.memory_space<vmem_shared>>)
      } else {
      }
      %lt3A_178 = arith.cmpi slt, %add3A_168, %add3A_4 : i32
      %convert_element_type3A_179 = arith.extui %lt3A_178 : i1 to i32
      %cond3A_180 = arith.constant 0 : i32
      %cond3A_181 = arith.cmpi ne, %convert_element_type3A_179, %cond3A_180 : i32
      scf.if %cond3A_181 {
        %add3A_230 = arith.addi %add3A_8, %add3A_168 : i32
        %mul3A_231 = arith.constant 2 : i32
        %mul3A_232 = arith.muli %mul3A_231, %add3A_230 : i32
        %add3A_233 = arith.constant 1 : i32
        %add3A_234 = arith.addi %mul3A_232, %add3A_233 : i32
        %dma_wait3A = arith.constant 0 : i32
        %dma_wait3A_235 = tpu.memref_slice %arg2[%add3A_234, %dma_wait3A] : memref<1258x512xi32, #tpu.memory_space<hbm>> -> memref<1x512xi32, #tpu.memory_space<hbm>>
        %dma_wait3A_236 = tpu.memref_squeeze %dma_wait3A_235 : memref<1x512xi32, #tpu.memory_space<hbm>> -> memref<512xi32, #tpu.memory_space<hbm>>
        %dma_wait3A_237 = arith.constant 0 : i32
        %dma_wait3A_238 = tpu.memref_slice %arg2[%add3A_234, %dma_wait3A_237] : memref<1258x512xi32, #tpu.memory_space<hbm>> -> memref<1x512xi32, #tpu.memory_space<hbm>>
        %dma_wait3A_239 = tpu.memref_squeeze %dma_wait3A_238 : memref<1x512xi32, #tpu.memory_space<hbm>> -> memref<512xi32, #tpu.memory_space<hbm>>
        tpu.wait_dma2 semaphore(%arg23 : memref<!tpu.dma_semaphore, #tpu.memory_space<semaphore_mem>>) src(%dma_wait3A_239 : memref<512xi32, #tpu.memory_space<hbm>>) dst(%arg11 : memref<512xi32, #tpu.memory_space<vmem>>)
        %dma_start3A_240 = arith.constant 0 : i32
        %dma_start3A_241 = arith.constant 0 : i32
        %dma_start3A_242 = tpu.memref_slice %arg4[%dma_start3A_240, %dma_start3A_241] : memref<10240x16xf32, #tpu.memory_space<vmem_shared>> -> memref<10240x16xf32, #tpu.memory_space<vmem_shared>>
        tpu.enqueue_indirect_dma source(%arg5 : memref<512x16xf32, #tpu.memory_space<vmem>>) target(%dma_start3A_242 : memref<10240x16xf32, #tpu.memory_space<vmem_shared>>) offsets(%arg11 : memref<512xi32, #tpu.memory_space<vmem>>) semaphore(%arg15 : memref<!tpu.dma_semaphore, #tpu.memory_space<semaphore_mem>>) {add = true}
      } else {
      }
      %add3A_182 = arith.constant 2 : i32
      %add3A_183 = arith.addi %add3A_168, %add3A_182 : i32
      %lt3A_184 = arith.cmpi slt, %add3A_183, %add3A_4 : i32
      %convert_element_type3A_185 = arith.extui %lt3A_184 : i1 to i32
      %cond3A_186 = arith.constant 0 : i32
      %cond3A_187 = arith.cmpi ne, %convert_element_type3A_185, %cond3A_186 : i32
      scf.if %cond3A_187 {
        %add3A_230 = arith.constant 2 : i32
        %add3A_231 = arith.addi %add3A_168, %add3A_230 : i32
        %add3A_232 = arith.addi %add3A_8, %add3A_231 : i32
        %mul3A_233 = arith.constant 2 : i32
        %mul3A_234 = arith.muli %mul3A_233, %add3A_232 : i32
        %add3A_235 = arith.constant 1 : i32
        %add3A_236 = arith.addi %mul3A_234, %add3A_235 : i32
        %dma_start3A_237 = arith.constant 0 : i32
        %dma_start3A_238 = tpu.memref_slice %arg2[%add3A_236, %dma_start3A_237] : memref<1258x512xi32, #tpu.memory_space<hbm>> -> memref<1x512xi32, #tpu.memory_space<hbm>>
        %dma_start3A_239 = tpu.memref_squeeze %dma_start3A_238 : memref<1x512xi32, #tpu.memory_space<hbm>> -> memref<512xi32, #tpu.memory_space<hbm>>
        %dma_start3A_240 = arith.constant 0 : i32
        %dma_start3A_241 = tpu.memref_slice %arg2[%add3A_236, %dma_start3A_240] : memref<1258x512xi32, #tpu.memory_space<hbm>> -> memref<1x512xi32, #tpu.memory_space<hbm>>
        %dma_start3A_242 = tpu.memref_squeeze %dma_start3A_241 : memref<1x512xi32, #tpu.memory_space<hbm>> -> memref<512xi32, #tpu.memory_space<hbm>>
        tpu.enqueue_dma source(%dma_start3A_242 : memref<512xi32, #tpu.memory_space<hbm>>) target(%arg13 : memref<512xi32, #tpu.memory_space<vmem>>) target_semaphore(%arg25 : memref<!tpu.dma_semaphore, #tpu.memory_space<semaphore_mem>>)
      } else {
      }
      %add3A_188 = arith.constant 6 : i32
      %add3A_189 = arith.addi %mul3A_66, %add3A_188 : i32
      %ge3A_190 = arith.constant 4 : i32
      %ge3A_191 = arith.cmpi sge, %add3A_189, %ge3A_190 : i32
      %sub3A_192 = arith.constant 4 : i32
      %sub3A_193 = arith.subi %add3A_189, %sub3A_192 : i32
      %lt3A_194 = arith.cmpi slt, %sub3A_193, %add3A_4 : i32
      %and3A_195 = arith.andi %ge3A_191, %lt3A_194 : i1
      %convert_element_type3A_196 = arith.extui %and3A_195 : i1 to i32
      %cond3A_197 = arith.constant 0 : i32
      %cond3A_198 = arith.cmpi ne, %convert_element_type3A_196, %cond3A_197 : i32
      scf.if %cond3A_198 {
        %dma_wait3A = arith.constant 0 : i32
        %dma_wait3A_230 = arith.constant 0 : i32
        %dma_wait3A_231 = tpu.memref_slice %arg4[%dma_wait3A, %dma_wait3A_230] : memref<10240x16xf32, #tpu.memory_space<vmem_shared>> -> memref<10240x16xf32, #tpu.memory_space<vmem_shared>>
        tpu.wait_indirect_dma semaphore(%arg16 : memref<!tpu.dma_semaphore, #tpu.memory_space<semaphore_mem>>) src(%arg5 : memref<512x16xf32, #tpu.memory_space<vmem>>) dst(%dma_wait3A_231 : memref<10240x16xf32, #tpu.memory_space<vmem_shared>>)
      } else {
      }
      %lt3A_199 = arith.cmpi slt, %add3A_189, %add3A_4 : i32
      %convert_element_type3A_200 = arith.extui %lt3A_199 : i1 to i32
      %cond3A_201 = arith.constant 0 : i32
      %cond3A_202 = arith.cmpi ne, %convert_element_type3A_200, %cond3A_201 : i32
      scf.if %cond3A_202 {
        %add3A_230 = arith.addi %add3A_8, %add3A_189 : i32
        %mul3A_231 = arith.constant 2 : i32
        %mul3A_232 = arith.muli %mul3A_231, %add3A_230 : i32
        %add3A_233 = arith.constant 1 : i32
        %add3A_234 = arith.addi %mul3A_232, %add3A_233 : i32
        %dma_wait3A = arith.constant 0 : i32
        %dma_wait3A_235 = tpu.memref_slice %arg2[%add3A_234, %dma_wait3A] : memref<1258x512xi32, #tpu.memory_space<hbm>> -> memref<1x512xi32, #tpu.memory_space<hbm>>
        %dma_wait3A_236 = tpu.memref_squeeze %dma_wait3A_235 : memref<1x512xi32, #tpu.memory_space<hbm>> -> memref<512xi32, #tpu.memory_space<hbm>>
        %dma_wait3A_237 = arith.constant 0 : i32
        %dma_wait3A_238 = tpu.memref_slice %arg2[%add3A_234, %dma_wait3A_237] : memref<1258x512xi32, #tpu.memory_space<hbm>> -> memref<1x512xi32, #tpu.memory_space<hbm>>
        %dma_wait3A_239 = tpu.memref_squeeze %dma_wait3A_238 : memref<1x512xi32, #tpu.memory_space<hbm>> -> memref<512xi32, #tpu.memory_space<hbm>>
        tpu.wait_dma2 semaphore(%arg24 : memref<!tpu.dma_semaphore, #tpu.memory_space<semaphore_mem>>) src(%dma_wait3A_239 : memref<512xi32, #tpu.memory_space<hbm>>) dst(%arg12 : memref<512xi32, #tpu.memory_space<vmem>>)
        %dma_start3A_240 = arith.constant 0 : i32
        %dma_start3A_241 = arith.constant 0 : i32
        %dma_start3A_242 = tpu.memref_slice %arg4[%dma_start3A_240, %dma_start3A_241] : memref<10240x16xf32, #tpu.memory_space<vmem_shared>> -> memref<10240x16xf32, #tpu.memory_space<vmem_shared>>
        tpu.enqueue_indirect_dma source(%arg5 : memref<512x16xf32, #tpu.memory_space<vmem>>) target(%dma_start3A_242 : memref<10240x16xf32, #tpu.memory_space<vmem_shared>>) offsets(%arg12 : memref<512xi32, #tpu.memory_space<vmem>>) semaphore(%arg16 : memref<!tpu.dma_semaphore, #tpu.memory_space<semaphore_mem>>) {add = true}
      } else {
      }
      %add3A_203 = arith.constant 2 : i32
      %add3A_204 = arith.addi %add3A_189, %add3A_203 : i32
      %lt3A_205 = arith.cmpi slt, %add3A_204, %add3A_4 : i32
      %convert_element_type3A_206 = arith.extui %lt3A_205 : i1 to i32
      %cond3A_207 = arith.constant 0 : i32
      %cond3A_208 = arith.cmpi ne, %convert_element_type3A_206, %cond3A_207 : i32
      scf.if %cond3A_208 {
        %add3A_230 = arith.constant 2 : i32
        %add3A_231 = arith.addi %add3A_189, %add3A_230 : i32
        %add3A_232 = arith.addi %add3A_8, %add3A_231 : i32
        %mul3A_233 = arith.constant 2 : i32
        %mul3A_234 = arith.muli %mul3A_233, %add3A_232 : i32
        %add3A_235 = arith.constant 1 : i32
        %add3A_236 = arith.addi %mul3A_234, %add3A_235 : i32
        %dma_start3A_237 = arith.constant 0 : i32
        %dma_start3A_238 = tpu.memref_slice %arg2[%add3A_236, %dma_start3A_237] : memref<1258x512xi32, #tpu.memory_space<hbm>> -> memref<1x512xi32, #tpu.memory_space<hbm>>
        %dma_start3A_239 = tpu.memref_squeeze %dma_start3A_238 : memref<1x512xi32, #tpu.memory_space<hbm>> -> memref<512xi32, #tpu.memory_space<hbm>>
        %dma_start3A_240 = arith.constant 0 : i32
        %dma_start3A_241 = tpu.memref_slice %arg2[%add3A_236, %dma_start3A_240] : memref<1258x512xi32, #tpu.memory_space<hbm>> -> memref<1x512xi32, #tpu.memory_space<hbm>>
        %dma_start3A_242 = tpu.memref_squeeze %dma_start3A_241 : memref<1x512xi32, #tpu.memory_space<hbm>> -> memref<512xi32, #tpu.memory_space<hbm>>
        tpu.enqueue_dma source(%dma_start3A_242 : memref<512xi32, #tpu.memory_space<hbm>>) target(%arg6 : memref<512xi32, #tpu.memory_space<vmem>>) target_semaphore(%arg18 : memref<!tpu.dma_semaphore, #tpu.memory_space<semaphore_mem>>)
      } else {
      }
      %add3A_209 = arith.constant 7 : i32
      %add3A_210 = arith.addi %mul3A_66, %add3A_209 : i32
      %ge3A_211 = arith.constant 4 : i32
      %ge3A_212 = arith.cmpi sge, %add3A_210, %ge3A_211 : i32
      %sub3A_213 = arith.constant 4 : i32
      %sub3A_214 = arith.subi %add3A_210, %sub3A_213 : i32
      %lt3A_215 = arith.cmpi slt, %sub3A_214, %add3A_4 : i32
      %and3A_216 = arith.andi %ge3A_212, %lt3A_215 : i1
      %convert_element_type3A_217 = arith.extui %and3A_216 : i1 to i32
      %cond3A_218 = arith.constant 0 : i32
      %cond3A_219 = arith.cmpi ne, %convert_element_type3A_217, %cond3A_218 : i32
      scf.if %cond3A_219 {
        %dma_wait3A = arith.constant 0 : i32
        %dma_wait3A_230 = arith.constant 0 : i32
        %dma_wait3A_231 = tpu.memref_slice %arg4[%dma_wait3A, %dma_wait3A_230] : memref<10240x16xf32, #tpu.memory_space<vmem_shared>> -> memref<10240x16xf32, #tpu.memory_space<vmem_shared>>
        tpu.wait_indirect_dma semaphore(%arg17 : memref<!tpu.dma_semaphore, #tpu.memory_space<semaphore_mem>>) src(%arg5 : memref<512x16xf32, #tpu.memory_space<vmem>>) dst(%dma_wait3A_231 : memref<10240x16xf32, #tpu.memory_space<vmem_shared>>)
      } else {
      }
      %lt3A_220 = arith.cmpi slt, %add3A_210, %add3A_4 : i32
      %convert_element_type3A_221 = arith.extui %lt3A_220 : i1 to i32
      %cond3A_222 = arith.constant 0 : i32
      %cond3A_223 = arith.cmpi ne, %convert_element_type3A_221, %cond3A_222 : i32
      scf.if %cond3A_223 {
        %add3A_230 = arith.addi %add3A_8, %add3A_210 : i32
        %mul3A_231 = arith.constant 2 : i32
        %mul3A_232 = arith.muli %mul3A_231, %add3A_230 : i32
        %add3A_233 = arith.constant 1 : i32
        %add3A_234 = arith.addi %mul3A_232, %add3A_233 : i32
        %dma_wait3A = arith.constant 0 : i32
        %dma_wait3A_235 = tpu.memref_slice %arg2[%add3A_234, %dma_wait3A] : memref<1258x512xi32, #tpu.memory_space<hbm>> -> memref<1x512xi32, #tpu.memory_space<hbm>>
        %dma_wait3A_236 = tpu.memref_squeeze %dma_wait3A_235 : memref<1x512xi32, #tpu.memory_space<hbm>> -> memref<512xi32, #tpu.memory_space<hbm>>
        %dma_wait3A_237 = arith.constant 0 : i32
        %dma_wait3A_238 = tpu.memref_slice %arg2[%add3A_234, %dma_wait3A_237] : memref<1258x512xi32, #tpu.memory_space<hbm>> -> memref<1x512xi32, #tpu.memory_space<hbm>>
        %dma_wait3A_239 = tpu.memref_squeeze %dma_wait3A_238 : memref<1x512xi32, #tpu.memory_space<hbm>> -> memref<512xi32, #tpu.memory_space<hbm>>
        tpu.wait_dma2 semaphore(%arg25 : memref<!tpu.dma_semaphore, #tpu.memory_space<semaphore_mem>>) src(%dma_wait3A_239 : memref<512xi32, #tpu.memory_space<hbm>>) dst(%arg13 : memref<512xi32, #tpu.memory_space<vmem>>)
        %dma_start3A_240 = arith.constant 0 : i32
        %dma_start3A_241 = arith.constant 0 : i32
        %dma_start3A_242 = tpu.memref_slice %arg4[%dma_start3A_240, %dma_start3A_241] : memref<10240x16xf32, #tpu.memory_space<vmem_shared>> -> memref<10240x16xf32, #tpu.memory_space<vmem_shared>>
        tpu.enqueue_indirect_dma source(%arg5 : memref<512x16xf32, #tpu.memory_space<vmem>>) target(%dma_start3A_242 : memref<10240x16xf32, #tpu.memory_space<vmem_shared>>) offsets(%arg13 : memref<512xi32, #tpu.memory_space<vmem>>) semaphore(%arg17 : memref<!tpu.dma_semaphore, #tpu.memory_space<semaphore_mem>>) {add = true}
      } else {
      }
      %add3A_224 = arith.constant 2 : i32
      %add3A_225 = arith.addi %add3A_210, %add3A_224 : i32
      %lt3A_226 = arith.cmpi slt, %add3A_225, %add3A_4 : i32
      %convert_element_type3A_227 = arith.extui %lt3A_226 : i1 to i32
      %cond3A_228 = arith.constant 0 : i32
      %cond3A_229 = arith.cmpi ne, %convert_element_type3A_227, %cond3A_228 : i32
      scf.if %cond3A_229 {
        %add3A_230 = arith.constant 2 : i32
        %add3A_231 = arith.addi %add3A_210, %add3A_230 : i32
        %add3A_232 = arith.addi %add3A_8, %add3A_231 : i32
        %mul3A_233 = arith.constant 2 : i32
        %mul3A_234 = arith.muli %mul3A_233, %add3A_232 : i32
        %add3A_235 = arith.constant 1 : i32
        %add3A_236 = arith.addi %mul3A_234, %add3A_235 : i32
        %dma_start3A_237 = arith.constant 0 : i32
        %dma_start3A_238 = tpu.memref_slice %arg2[%add3A_236, %dma_start3A_237] : memref<1258x512xi32, #tpu.memory_space<hbm>> -> memref<1x512xi32, #tpu.memory_space<hbm>>
        %dma_start3A_239 = tpu.memref_squeeze %dma_start3A_238 : memref<1x512xi32, #tpu.memory_space<hbm>> -> memref<512xi32, #tpu.memory_space<hbm>>
        %dma_start3A_240 = arith.constant 0 : i32
        %dma_start3A_241 = tpu.memref_slice %arg2[%add3A_236, %dma_start3A_240] : memref<1258x512xi32, #tpu.memory_space<hbm>> -> memref<1x512xi32, #tpu.memory_space<hbm>>
        %dma_start3A_242 = tpu.memref_squeeze %dma_start3A_241 : memref<1x512xi32, #tpu.memory_space<hbm>> -> memref<512xi32, #tpu.memory_space<hbm>>
        tpu.enqueue_dma source(%dma_start3A_242 : memref<512xi32, #tpu.memory_space<hbm>>) target(%arg7 : memref<512xi32, #tpu.memory_space<vmem>>) target_semaphore(%arg19 : memref<!tpu.dma_semaphore, #tpu.memory_space<semaphore_mem>>)
      } else {
      }
    }
    %scan3A_58 = arith.constant 3 : i32
    %barrier3A_59 = arith.constant 0 : index
    tpu.barrier barrier_id(%barrier3A_59)
    "tpu.region"() ({
      %run_scoped3A = tpu.sem_alloc : memref<!tpu.dma_semaphore, #tpu.memory_space<semaphore_mem>>
      %dma_start3A_60 = arith.constant 0 : i32
      %dma_start3A_61 = tpu.memref_slice %arg3[%arg0, %mul3A_15, %dma_start3A_60] : memref<2x10240x16xf32, #tpu.memory_space<hbm>> -> memref<1x640x16xf32, #tpu.memory_space<hbm>>
      %dma_start3A_62 = tpu.memref_squeeze %dma_start3A_61 : memref<1x640x16xf32, #tpu.memory_space<hbm>> -> memref<640x16xf32, #tpu.memory_space<hbm>>
      %dma_start3A_63 = arith.constant 0 : i32
      %dma_start3A_64 = tpu.memref_slice %arg4[%mul3A_15, %dma_start3A_63] : memref<10240x16xf32, #tpu.memory_space<vmem_shared>> -> memref<640x16xf32, #tpu.memory_space<vmem_shared>>
      tpu.enqueue_dma source(%dma_start3A_64 : memref<640x16xf32, #tpu.memory_space<vmem_shared>>) target(%dma_start3A_62 : memref<640x16xf32, #tpu.memory_space<hbm>>) target_semaphore(%run_scoped3A : memref<!tpu.dma_semaphore, #tpu.memory_space<semaphore_mem>>)
      %dma_wait3A = arith.constant 0 : i32
      %dma_wait3A_65 = tpu.memref_slice %arg3[%arg0, %mul3A_15, %dma_wait3A] : memref<2x10240x16xf32, #tpu.memory_space<hbm>> -> memref<1x640x16xf32, #tpu.memory_space<hbm>>
      %dma_wait3A_66 = tpu.memref_squeeze %dma_wait3A_65 : memref<1x640x16xf32, #tpu.memory_space<hbm>> -> memref<640x16xf32, #tpu.memory_space<hbm>>
      %dma_wait3A_67 = arith.constant 0 : i32
      %dma_wait3A_68 = tpu.memref_slice %arg4[%mul3A_15, %dma_wait3A_67] : memref<10240x16xf32, #tpu.memory_space<vmem_shared>> -> memref<640x16xf32, #tpu.memory_space<vmem_shared>>
      tpu.wait_dma2 semaphore(%run_scoped3A : memref<!tpu.dma_semaphore, #tpu.memory_space<semaphore_mem>>) src(%dma_wait3A_68 : memref<640x16xf32, #tpu.memory_space<vmem_shared>>) dst(%dma_wait3A_66 : memref<640x16xf32, #tpu.memory_space<hbm>>)
      tpu.yield
    }) : () -> ()
    return
  }
}

module attributes {stable_mosaic.version = 14 : i64} {
  func.func @_lin2_body(%arg0: i32, %arg1: memref<2000x128xf32, #tpu.memory_space<vmem>>, %arg2: memref<128x128xf32, #tpu.memory_space<vmem>>, %arg3: memref<128x128xf32, #tpu.memory_space<vmem>>, %arg4: memref<1x128xf32, #tpu.memory_space<vmem>>, %arg5: memref<2000x128xf32, #tpu.memory_space<vmem>>, %arg6: memref<2000x128xf32, #tpu.memory_space<vmem>>) attributes {dimension_semantics = [#tpu.dimension_semantics<arbitrary>], iteration_bounds = array<i64: 5>, scalar_prefetch = 0 : i64, scratch_operands = 0 : i64, tpu.core_type = #tpu.core_type<tc>, window_params = [{transform_indices = @transform_0, window_bounds = array<i64: 2000, 128>}, {pipeline_mode = #tpu.pipeline_mode<synchronous>, transform_indices = @transform_1, window_bounds = array<i64: 128, 128>}, {pipeline_mode = #tpu.pipeline_mode<synchronous>, transform_indices = @transform_2, window_bounds = array<i64: 128, 128>}, {pipeline_mode = #tpu.pipeline_mode<synchronous>, transform_indices = @transform_3, window_bounds = array<i64: 1, 128>}, {transform_indices = @transform_4, window_bounds = array<i64: 2000, 128>}, {transform_indices = @transform_5, window_bounds = array<i64: 2000, 128>}]} {
    %get3A = arith.constant 0 : index
    %get3A_0 = arith.constant 0 : index
    %get3A_1 = vector.load %arg1[%get3A, %get3A_0] : memref<2000x128xf32, #tpu.memory_space<vmem>>, vector<2000x128xf32>
    %get3A_2 = arith.constant 0 : index
    %get3A_3 = arith.constant 0 : index
    %get3A_4 = vector.load %arg2[%get3A_2, %get3A_3] : memref<128x128xf32, #tpu.memory_space<vmem>>, vector<128x128xf32>
    %dot_general3A = arith.constant dense<0.000000e+00> : vector<2000x128xf32>
    %dot_general3A_5 = tpu.matmul %get3A_1, %get3A_4, %dot_general3A {dimension_numbers = #tpu.dot_dimension_numbers<[1], [0], [0], [1], [0, 0, 1, 1], [], []>, transpose_lhs_hint = false} : vector<2000x128xf32>, vector<128x128xf32>, vector<2000x128xf32> -> vector<2000x128xf32>
    %swap3A = arith.constant 0 : index
    %swap3A_6 = arith.constant 0 : index
    %swap3A_7 = vector.load %arg5[%swap3A, %swap3A_6] : memref<2000x128xf32, #tpu.memory_space<vmem>>, vector<2000x128xf32>
    tpu.vector_store %arg5[%swap3A, %swap3A_6], %dot_general3A_5 {strides = array<i32>} : memref<2000x128xf32, #tpu.memory_space<vmem>>, vector<2000x128xf32>,
    %get3A_8 = arith.constant 0 : index
    %get3A_9 = arith.constant 0 : index
    %get3A_10 = vector.load %arg3[%get3A_8, %get3A_9] : memref<128x128xf32, #tpu.memory_space<vmem>>, vector<128x128xf32>
    %dot_general3A_11 = arith.constant dense<0.000000e+00> : vector<2000x128xf32>
    %dot_general3A_12 = tpu.matmul %get3A_1, %get3A_10, %dot_general3A_11 {dimension_numbers = #tpu.dot_dimension_numbers<[1], [0], [0], [1], [0, 0, 1, 1], [], []>, transpose_lhs_hint = false} : vector<2000x128xf32>, vector<128x128xf32>, vector<2000x128xf32> -> vector<2000x128xf32>
    %get3A_13 = arith.constant 0 : index
    %get3A_14 = arith.constant 0 : index
    %get3A_15 = vector.load %arg4[%get3A_13, %get3A_14] : memref<1x128xf32, #tpu.memory_space<vmem>>, vector<1x128xf32>
    %add3A = vector.broadcast %get3A_15 : vector<1x128xf32> to vector<2000x128xf32>
    %add3A_16 = arith.addf %dot_general3A_12, %add3A : vector<2000x128xf32>
    %swap3A_17 = arith.constant 0 : index
    %swap3A_18 = arith.constant 0 : index
    %swap3A_19 = vector.load %arg6[%swap3A_17, %swap3A_18] : memref<2000x128xf32, #tpu.memory_space<vmem>>, vector<2000x128xf32>
    tpu.vector_store %arg6[%swap3A_17, %swap3A_18], %add3A_16 {strides = array<i32>} : memref<2000x128xf32, #tpu.memory_space<vmem>>, vector<2000x128xf32>,
    return
  }
  func.func @transform_0(%arg0: i32) -> (i32, i32) {
    %c0_i32 = arith.constant 0 : i32
    %c0_i32_0 = arith.constant 0 : i32
    return %arg0, %c0_i32 : i32, i32
  }
  func.func @transform_1(%arg0: i32) -> (i32, i32) {
    %c0_i32 = arith.constant 0 : i32
    %c0_i32_0 = arith.constant 0 : i32
    %c0_i32_1 = arith.constant 0 : i32
    return %c0_i32, %c0_i32_0 : i32, i32
  }
  func.func @transform_2(%arg0: i32) -> (i32, i32) {
    %c0_i32 = arith.constant 0 : i32
    %c0_i32_0 = arith.constant 0 : i32
    %c0_i32_1 = arith.constant 0 : i32
    return %c0_i32, %c0_i32_0 : i32, i32
  }
  func.func @transform_3(%arg0: i32) -> (i32, i32) {
    %c0_i32 = arith.constant 0 : i32
    %c0_i32_0 = arith.constant 0 : i32
    %c0_i32_1 = arith.constant 0 : i32
    return %c0_i32, %c0_i32_0 : i32, i32
  }
  func.func @transform_4(%arg0: i32) -> (i32, i32) {
    %c0_i32 = arith.constant 0 : i32
    %c0_i32_0 = arith.constant 0 : i32
    return %arg0, %c0_i32 : i32, i32
  }
  func.func @transform_5(%arg0: i32) -> (i32, i32) {
    %c0_i32 = arith.constant 0 : i32
    %c0_i32_0 = arith.constant 0 : i32
    return %arg0, %c0_i32 : i32, i32
  }
}

module attributes {stable_mosaic.version = 14 : i64} {
  func.func @_mid_body(%arg0: i32, %arg1: memref<2x2000x128xf32, #tpu.memory_space<vmem>>, %arg2: memref<2x2000x16xf32, #tpu.memory_space<vmem>>, %arg3: memref<2000x128xf32, #tpu.memory_space<vmem>>, %arg4: memref<128x47xf32, #tpu.memory_space<vmem>>, %arg5: memref<128x47xf32, #tpu.memory_space<vmem>>, %arg6: memref<1x47xf32, #tpu.memory_space<vmem>>, %arg7: memref<2000x48xf32, #tpu.memory_space<vmem>>, %arg8: memref<2000x48xf32, #tpu.memory_space<vmem>>) attributes {dimension_semantics = [#tpu.dimension_semantics<arbitrary>], iteration_bounds = array<i64: 5>, scalar_prefetch = 0 : i64, scratch_operands = 0 : i64, tpu.core_type = #tpu.core_type<tc>, window_params = [{transform_indices = @transform_0, window_bounds = array<i64: 2, 2000, 128>}, {transform_indices = @transform_1, window_bounds = array<i64: 2, 2000, 16>}, {transform_indices = @transform_2, window_bounds = array<i64: 2000, 128>}, {pipeline_mode = #tpu.pipeline_mode<synchronous>, transform_indices = @transform_3, window_bounds = array<i64: 128, 47>}, {pipeline_mode = #tpu.pipeline_mode<synchronous>, transform_indices = @transform_4, window_bounds = array<i64: 128, 47>}, {pipeline_mode = #tpu.pipeline_mode<synchronous>, transform_indices = @transform_5, window_bounds = array<i64: 1, 47>}, {transform_indices = @transform_6, window_bounds = array<i64: 2000, 48>}, {transform_indices = @transform_7, window_bounds = array<i64: 2000, 48>}]} {
    %get3A = arith.constant 0 : index
    %get3A_0 = arith.constant 0 : index
    %get3A_1 = arith.constant 0 : index
    %get3A_2 = vector.load %arg1[%get3A, %get3A_0, %get3A_1] : memref<2x2000x128xf32, #tpu.memory_space<vmem>>, vector<1x2000x128xf32>
    %get3A_3 = vector.shape_cast %get3A_2 : vector<1x2000x128xf32> to vector<2000x128xf32>
    %get3A_4 = arith.constant 1 : index
    %get3A_5 = arith.constant 0 : index
    %get3A_6 = arith.constant 0 : index
    %get3A_7 = vector.load %arg1[%get3A_4, %get3A_5, %get3A_6] : memref<2x2000x128xf32, #tpu.memory_space<vmem>>, vector<1x2000x128xf32>
    %get3A_8 = vector.shape_cast %get3A_7 : vector<1x2000x128xf32> to vector<2000x128xf32>
    %add3A = arith.addf %get3A_3, %get3A_8 : vector<2000x128xf32>
    %get3A_9 = arith.constant 0 : index
    %get3A_10 = arith.constant 0 : index
    %get3A_11 = arith.constant 0 : index
    %get3A_12 = vector.load %arg2[%get3A_9, %get3A_10, %get3A_11] : memref<2x2000x16xf32, #tpu.memory_space<vmem>>, vector<1x2000x1xf32>
    %get3A_13 = vector.shape_cast %get3A_12 : vector<1x2000x1xf32> to vector<2000x1xf32>
    %get3A_14 = arith.constant 1 : index
    %get3A_15 = arith.constant 0 : index
    %get3A_16 = arith.constant 0 : index
    %get3A_17 = vector.load %arg2[%get3A_14, %get3A_15, %get3A_16] : memref<2x2000x16xf32, #tpu.memory_space<vmem>>, vector<1x2000x1xf32>
    %get3A_18 = vector.shape_cast %get3A_17 : vector<1x2000x1xf32> to vector<2000x1xf32>
    %add3A_19 = arith.addf %get3A_13, %get3A_18 : vector<2000x1xf32>
    %max3A = arith.constant 1.000000e+00 : f32
    %max3A_20 = vector.broadcast %max3A : f32 to vector<2000x1xf32>
    %max3A_21 = arith.maximumf %add3A_19, %max3A_20 : vector<2000x1xf32>
    %div3A = vector.broadcast %max3A_21 : vector<2000x1xf32> to vector<2000x128xf32>
    %div3A_22 = arith.divf %add3A, %div3A : vector<2000x128xf32>
    %get3A_23 = arith.constant 0 : index
    %get3A_24 = arith.constant 0 : index
    %get3A_25 = vector.load %arg3[%get3A_23, %get3A_24] : memref<2000x128xf32, #tpu.memory_space<vmem>>, vector<2000x128xf32>
    %add3A_26 = arith.addf %div3A_22, %get3A_25 : vector<2000x128xf32>
    %max3A_27 = arith.constant 0.000000e+00 : f32
    %max3A_28 = vector.broadcast %max3A_27 : f32 to vector<2000x128xf32>
    %max3A_29 = arith.maximumf %add3A_26, %max3A_28 : vector<2000x128xf32>
    %broadcast_in_dim3A = arith.constant 0.000000e+00 : f32
    %broadcast_in_dim3A_30 = vector.broadcast %broadcast_in_dim3A : f32 to vector<128x1xf32>
    %get3A_31 = arith.constant 0 : index
    %get3A_32 = arith.constant 0 : index
    %get3A_33 = vector.load %arg4[%get3A_31, %get3A_32] : memref<128x47xf32, #tpu.memory_space<vmem>>, vector<128x47xf32>
    %concatenate3A = tpu.concatenate %get3A_33, %broadcast_in_dim3A_30 in 1 : vector<128x47xf32>, vector<128x1xf32> -> vector<128x48xf32>
    %get3A_34 = arith.constant 0 : index
    %get3A_35 = arith.constant 0 : index
    %get3A_36 = vector.load %arg5[%get3A_34, %get3A_35] : memref<128x47xf32, #tpu.memory_space<vmem>>, vector<128x47xf32>
    %concatenate3A_37 = tpu.concatenate %get3A_36, %broadcast_in_dim3A_30 in 1 : vector<128x47xf32>, vector<128x1xf32> -> vector<128x48xf32>
    %get3A_38 = arith.constant 0 : index
    %get3A_39 = arith.constant 0 : index
    %get3A_40 = vector.load %arg6[%get3A_38, %get3A_39] : memref<1x47xf32, #tpu.memory_space<vmem>>, vector<1x47xf32>
    %broadcast_in_dim3A_41 = arith.constant 0.000000e+00 : f32
    %broadcast_in_dim3A_42 = vector.broadcast %broadcast_in_dim3A_41 : f32 to vector<1x1xf32>
    %concatenate3A_43 = tpu.concatenate %get3A_40, %broadcast_in_dim3A_42 in 1 : vector<1x47xf32>, vector<1x1xf32> -> vector<1x48xf32>
    %dot_general3A = arith.constant dense<0.000000e+00> : vector<2000x48xf32>
    %dot_general3A_44 = tpu.matmul %max3A_29, %concatenate3A, %dot_general3A {dimension_numbers = #tpu.dot_dimension_numbers<[1], [0], [0], [1], [0, 0, 1, 1], [], []>, transpose_lhs_hint = false} : vector<2000x128xf32>, vector<128x48xf32>, vector<2000x48xf32> -> vector<2000x48xf32>
    %swap3A = arith.constant 0 : index
    %swap3A_45 = arith.constant 0 : index
    %swap3A_46 = vector.load %arg7[%swap3A, %swap3A_45] : memref<2000x48xf32, #tpu.memory_space<vmem>>, vector<2000x48xf32>
    tpu.vector_store %arg7[%swap3A, %swap3A_45], %dot_general3A_44 {strides = array<i32>} : memref<2000x48xf32, #tpu.memory_space<vmem>>, vector<2000x48xf32>,
    %dot_general3A_47 = arith.constant dense<0.000000e+00> : vector<2000x48xf32>
    %dot_general3A_48 = tpu.matmul %max3A_29, %concatenate3A_37, %dot_general3A_47 {dimension_numbers = #tpu.dot_dimension_numbers<[1], [0], [0], [1], [0, 0, 1, 1], [], []>, transpose_lhs_hint = false} : vector<2000x128xf32>, vector<128x48xf32>, vector<2000x48xf32> -> vector<2000x48xf32>
    %add3A_49 = vector.broadcast %concatenate3A_43 : vector<1x48xf32> to vector<2000x48xf32>
    %add3A_50 = arith.addf %dot_general3A_48, %add3A_49 : vector<2000x48xf32>
    %swap3A_51 = arith.constant 0 : index
    %swap3A_52 = arith.constant 0 : index
    %swap3A_53 = vector.load %arg8[%swap3A_51, %swap3A_52] : memref<2000x48xf32, #tpu.memory_space<vmem>>, vector<2000x48xf32>
    tpu.vector_store %arg8[%swap3A_51, %swap3A_52], %add3A_50 {strides = array<i32>} : memref<2000x48xf32, #tpu.memory_space<vmem>>, vector<2000x48xf32>,
    return
  }
  func.func @transform_0(%arg0: i32) -> (i32, i32, i32) {
    %c0_i32 = arith.constant 0 : i32
    %c0_i32_0 = arith.constant 0 : i32
    %c0_i32_1 = arith.constant 0 : i32
    return %c0_i32, %arg0, %c0_i32_0 : i32, i32, i32
  }
  func.func @transform_1(%arg0: i32) -> (i32, i32, i32) {
    %c0_i32 = arith.constant 0 : i32
    %c0_i32_0 = arith.constant 0 : i32
    %c0_i32_1 = arith.constant 0 : i32
    return %c0_i32, %arg0, %c0_i32_0 : i32, i32, i32
  }
  func.func @transform_2(%arg0: i32) -> (i32, i32) {
    %c0_i32 = arith.constant 0 : i32
    %c0_i32_0 = arith.constant 0 : i32
    return %arg0, %c0_i32 : i32, i32
  }
  func.func @transform_3(%arg0: i32) -> (i32, i32) {
    %c0_i32 = arith.constant 0 : i32
    %c0_i32_0 = arith.constant 0 : i32
    %c0_i32_1 = arith.constant 0 : i32
    return %c0_i32, %c0_i32_0 : i32, i32
  }
  func.func @transform_4(%arg0: i32) -> (i32, i32) {
    %c0_i32 = arith.constant 0 : i32
    %c0_i32_0 = arith.constant 0 : i32
    %c0_i32_1 = arith.constant 0 : i32
    return %c0_i32, %c0_i32_0 : i32, i32
  }
  func.func @transform_5(%arg0: i32) -> (i32, i32) {
    %c0_i32 = arith.constant 0 : i32
    %c0_i32_0 = arith.constant 0 : i32
    %c0_i32_1 = arith.constant 0 : i32
    return %c0_i32, %c0_i32_0 : i32, i32
  }
  func.func @transform_6(%arg0: i32) -> (i32, i32) {
    %c0_i32 = arith.constant 0 : i32
    %c0_i32_0 = arith.constant 0 : i32
    return %arg0, %c0_i32 : i32, i32
  }
  func.func @transform_7(%arg0: i32) -> (i32, i32) {
    %c0_i32 = arith.constant 0 : i32
    %c0_i32_0 = arith.constant 0 : i32
    return %arg0, %c0_i32 : i32, i32
  }
}

module attributes {stable_mosaic.version = 14 : i64} {
  func.func @_out_body(%arg0: i32, %arg1: memref<2x2000x48xf32, #tpu.memory_space<vmem>>, %arg2: memref<2x2000x16xf32, #tpu.memory_space<vmem>>, %arg3: memref<2000x48xf32, #tpu.memory_space<vmem>>, %arg4: memref<2000x47xf32, #tpu.memory_space<vmem>>) attributes {dimension_semantics = [#tpu.dimension_semantics<arbitrary>], iteration_bounds = array<i64: 5>, scalar_prefetch = 0 : i64, scratch_operands = 0 : i64, tpu.core_type = #tpu.core_type<tc>, window_params = [{transform_indices = @transform_0, window_bounds = array<i64: 2, 2000, 48>}, {transform_indices = @transform_1, window_bounds = array<i64: 2, 2000, 16>}, {transform_indices = @transform_2, window_bounds = array<i64: 2000, 48>}, {transform_indices = @transform_3, window_bounds = array<i64: 2000, 47>}]} {
    %get3A = arith.constant 0 : index
    %get3A_0 = arith.constant 0 : index
    %get3A_1 = arith.constant 0 : index
    %get3A_2 = vector.load %arg1[%get3A, %get3A_0, %get3A_1] : memref<2x2000x48xf32, #tpu.memory_space<vmem>>, vector<1x2000x48xf32>
    %get3A_3 = vector.shape_cast %get3A_2 : vector<1x2000x48xf32> to vector<2000x48xf32>
    %get3A_4 = arith.constant 1 : index
    %get3A_5 = arith.constant 0 : index
    %get3A_6 = arith.constant 0 : index
    %get3A_7 = vector.load %arg1[%get3A_4, %get3A_5, %get3A_6] : memref<2x2000x48xf32, #tpu.memory_space<vmem>>, vector<1x2000x48xf32>
    %get3A_8 = vector.shape_cast %get3A_7 : vector<1x2000x48xf32> to vector<2000x48xf32>
    %add3A = arith.addf %get3A_3, %get3A_8 : vector<2000x48xf32>
    %get3A_9 = arith.constant 0 : index
    %get3A_10 = arith.constant 0 : index
    %get3A_11 = arith.constant 0 : index
    %get3A_12 = vector.load %arg2[%get3A_9, %get3A_10, %get3A_11] : memref<2x2000x16xf32, #tpu.memory_space<vmem>>, vector<1x2000x1xf32>
    %get3A_13 = vector.shape_cast %get3A_12 : vector<1x2000x1xf32> to vector<2000x1xf32>
    %get3A_14 = arith.constant 1 : index
    %get3A_15 = arith.constant 0 : index
    %get3A_16 = arith.constant 0 : index
    %get3A_17 = vector.load %arg2[%get3A_14, %get3A_15, %get3A_16] : memref<2x2000x16xf32, #tpu.memory_space<vmem>>, vector<1x2000x1xf32>
    %get3A_18 = vector.shape_cast %get3A_17 : vector<1x2000x1xf32> to vector<2000x1xf32>
    %add3A_19 = arith.addf %get3A_13, %get3A_18 : vector<2000x1xf32>
    %max3A = arith.constant 1.000000e+00 : f32
    %max3A_20 = vector.broadcast %max3A : f32 to vector<2000x1xf32>
    %max3A_21 = arith.maximumf %add3A_19, %max3A_20 : vector<2000x1xf32>
    %div3A = vector.broadcast %max3A_21 : vector<2000x1xf32> to vector<2000x48xf32>
    %div3A_22 = arith.divf %add3A, %div3A : vector<2000x48xf32>
    %get3A_23 = arith.constant 0 : index
    %get3A_24 = arith.constant 0 : index
    %get3A_25 = vector.load %arg3[%get3A_23, %get3A_24] : memref<2000x48xf32, #tpu.memory_space<vmem>>, vector<2000x48xf32>
    %add3A_26 = arith.addf %div3A_22, %get3A_25 : vector<2000x48xf32>
    %slice3A = vector.extract_strided_slice %add3A_26 {offsets = [0, 0], sizes = [2000, 47], strides = [1, 1]} : vector<2000x48xf32> to vector<2000x47xf32>
    %swap3A = arith.constant 0 : index
    %swap3A_27 = arith.constant 0 : index
    %swap3A_28 = vector.load %arg4[%swap3A, %swap3A_27] : memref<2000x47xf32, #tpu.memory_space<vmem>>, vector<2000x47xf32>
    tpu.vector_store %arg4[%swap3A, %swap3A_27], %slice3A {strides = array<i32>} : memref<2000x47xf32, #tpu.memory_space<vmem>>, vector<2000x47xf32>,
    return
  }
  func.func @transform_0(%arg0: i32) -> (i32, i32, i32) {
    %c0_i32 = arith.constant 0 : i32
    %c0_i32_0 = arith.constant 0 : i32
    %c0_i32_1 = arith.constant 0 : i32
    return %c0_i32, %arg0, %c0_i32_0 : i32, i32, i32
  }
  func.func @transform_1(%arg0: i32) -> (i32, i32, i32) {
    %c0_i32 = arith.constant 0 : i32
    %c0_i32_0 = arith.constant 0 : i32
    %c0_i32_1 = arith.constant 0 : i32
    return %c0_i32, %arg0, %c0_i32_0 : i32, i32, i32
  }
  func.func @transform_2(%arg0: i32) -> (i32, i32) {
    %c0_i32 = arith.constant 0 : i32
    %c0_i32_0 = arith.constant 0 : i32
    return %arg0, %c0_i32 : i32, i32
  }
  func.func @transform_3(%arg0: i32) -> (i32, i32) {
    %c0_i32 = arith.constant 0 : i32
    %c0_i32_0 = arith.constant 0 : i32
    return %arg0, %c0_i32 : i32, i32
  }
}

</mosaic_0001>

<sc_bundles>
// kernel: kernel.11.cloned.1.call-start
scs
__scs_entry_jumppad:
0x0: {  	(pc) =	sbr.rel $0x88, $3  }
0x1: {  	(tag) =	ssettag $0x0;
	lr =	simm.s32 $0x1  }
0x2: {  	[smem:$0x3F99] =	sst lr;
	_ =	strace $0xD0000000  }
0x3: {  	_ = 	snop  }
0x4: {  	_ = 	snop  }
0x5: {  	_ = 	snop  }
0x6: {  	_ = 	snop  }
0x7: {  	_ = 	snop  }
__scs_overlays_trampoline_lowered:
0x8: {  	[smem:$0x3FA8] =	sst s0  }
0x9: {  	[smem:$0x3FA9] =	sst s1  }
0xa: {  	[smem:$0x3FAA] =	sst s2  }
0xb: {  	[smem:$0x3FAB] =	sst s3  }
0xc: {  	[smem:$0x3FAC] =	sst s4  }
0xd: {  	[smem:$0x3FAD] =	sst s5  }
0xe: {  	[smem:$0x3FAE] =	sst s6  }
0xf: {  	[smem:$0x3FAF] =	sst s7  }
0x10: {  	[smem:$0x3FB0] =	sst s8  }
0x11: {  	[smem:$0x3FB1] =	sst s9;
	s0 =	simm.s32 @!p0 $0x0  }
0x12: {  	s1 =	sld [smem:$0x3F97];
	s0 =	simm.s32 @p0 $0x1  }
0x13: {  	[smem:$0x3FB2] =	sst s0;
	s0 =	simm.s32 @!p1 $0x0  }
0x14: {  	s2 =	sld [smem:$0x3F96];
	s0 =	simm.s32 @p1 $0x1  }
0x15: {  	[smem:$0x3FB3] =	sst s0;
	s0 =	simm.s32 @!p2 $0x0  }
0x16: {  	s3 =	sld [smem:$0x3FDB];
	s0 =	simm.s32 @p2 $0x1  }
0x17: {  	s4 =	simm.s32 $0x1BF5;
	[smem:$0x3FB5] =	sst s0  }
0x18: {  	s0 =	sld [smem:$0x3F98];
	_ =	swait.ge [sflag:s4], $0x0  }
0x19: {  	s7 =	sld [smem:$0x3F99]  }
0x1a: {  	s8 =	sadd.s32 $0xFFFFE003, lr  }
0x1b: {  	s9 =	sadd.s32 $0xFFFFFEF7, lr;
	s5 =	simm.s32 $0xFFFFFFFF;
	p2 =	slt.u32 s8, $0xFFFFF086  }
0x1c: {  	p1 =	slt.u32 s9, $0xF7A;
	s5 =	simm.s32 @!p2 $0x0  }
0x1d: {  	s5 =	simm.s32 @p1 $0x1;
	p0 =	seq.s32 s7, s2  }
0x1e: {  	s7 =	smul.u32 @!p0 $0xF7A, s2;
	p2 =	seq.s32 @!p0 s5, $0x0  }
0x1f: {  	s9 =	smul.u32 $0xF7A, s1;
	s8 =	simm.s32 @!p0 $0x1BF5;
	p2 =	por !p2, p0  }
0x20: {  	[sflag:s8] =	ssyncset.s32 @!p0 $0xFFFFF086;
	s6 =	sadd.s32 @!p0 s3, s7;
	s7 =	simm.s32 @!p0 $0x108  }
0x21: {  	s3 =	sadd.s32 s3, s9;
	s6 =	sadd.s32 @!p0 $0x88, s6;
	s7 =	simm.s32 @p2 $0x1082  }
0x22: {  	[simem:s7], [sflag:s8] =	dma.local @!p0 [hbm:s6], $0xF7A  }
0x23: {  	s9 =	sor.u32 $0xD0000000, s2;
	s6 =	simm.s32 $0x108;
	_ =	swait.ge @!p0 [sflag:s8], $0x0  }
0x24: {  	s3 =	sadd.s32 $0x88, s3;
	s6 =	simm.s32 @!p1 $0x1082;
	[sflag:s4] =	ssyncset.s32 $0xFFFFF086  }
0x25: {  	[simem:s6], [sflag:s4] =	dma.local [hbm:s3], $0xF7A  }
0x26: {  	[smem:$0x3F99] =	sst s1;
	(tag) =	ssettag s2;
	_ =	strace s9  }
0x27: {  	s1 =	sld [smem:$0x3FA9]  }
0x28: {  	s2 =	sld [smem:$0x3FAA]  }
0x29: {  	s4 =	sld [smem:$0x3FAC]  }
0x2a: {  	p0 =	seq.s32 s5, $0x0;
	s5 =	sld [smem:$0x3FAD]  }
0x2b: {  	s6 =	sld [smem:$0x3FAE]  }
0x2c: {  	s7 =	sld [smem:$0x3FAF]  }
0x2d: {  	s3 =	simm.s32 $0x108;
	s8 =	sld [smem:$0x3FB0]  }
0x2e: {  	s3 =	simm.s32 @!p0 $0x1082;
	s9 =	sld [smem:$0x3FB1]  }
0x2f: {  	lr =	sadd.s32 s0, s3;
	s0 =	sld [smem:$0x3FA8]  }
0x30: {  	s3 =	sld [smem:$0x3FAB]  }
0x31: {  	[smem:$0x3FB4] =	sst s10  }
0x32: {  	s10 =	sld [smem:$0x3FB2];
	_ =	sdelay $0x3  }
0x33: {  	p0 =	seq.s32 s10, $0x1;
	s10 =	sld [smem:$0x3FB4];
	_ =	sdelay $0x3  }
0x34: {  	[smem:$0x3FB4] =	sst s10  }
0x35: {  	s10 =	sld [smem:$0x3FB3];
	_ =	sdelay $0x3  }
0x36: {  	p1 =	seq.s32 s10, $0x1;
	s10 =	sld [smem:$0x3FB4];
	_ =	sdelay $0x3  }
0x37: {  	[smem:$0x3FB4] =	sst s10  }
0x38: {  	s10 =	sld [smem:$0x3FB5]  }
0x39: {  	_ = 	snop;
	(pc) =	sbr.ind lr, $3  }
0x3a: {  	_ = 	snop  }
0x3b: {  	_ = 	snop  }
0x3c: {  	p2 =	seq.s32 s10, $0x1;
	s10 =	sld [smem:$0x3FB4]  }
0x3d: {  	_ =	shalt  }
0x3e: {  	_ =	shalt  }
0x3f: {  	_ =	shalt  }
0x40: {  	_ =	shalt  }
0x41: {  	_ =	shalt  }
0x42: {  	_ =	shalt  }
0x43: {  	_ =	shalt  }
0x44: {  	_ =	shalt  }
0x45: {  	_ =	shalt  }
0x46: {  	_ =	shalt  }
0x47: {  	_ =	shalt  }
0x48: {  	_ =	shalt  }
0x49: {  	_ =	shalt  }
0x4a: {  	_ =	shalt  }
0x4b: {  	_ =	shalt  }
0x4c: {  	_ =	shalt  }
0x4d: {  	_ =	shalt  }
0x4e: {  	_ =	shalt  }
0x4f: {  	_ =	shalt  }
0x50: {  	_ =	shalt  }
0x51: {  	_ =	shalt  }
0x52: {  	_ =	shalt  }
0x53: {  	_ =	shalt  }
0x54: {  	_ =	shalt  }
0x55: {  	_ =	shalt  }
0x56: {  	_ =	shalt  }
0x57: {  	_ =	shalt  }
0x58: {  	_ =	shalt  }
0x59: {  	_ =	shalt  }
0x5a: {  	_ =	shalt  }
0x5b: {  	_ =	shalt  }
0x5c: {  	_ =	shalt  }
0x5d: {  	_ =	shalt  }
0x5e: {  	_ =	shalt  }
0x5f: {  	_ =	shalt  }
0x60: {  	_ =	shalt  }
0x61: {  	_ =	shalt  }
0x62: {  	_ =	shalt  }
0x63: {  	_ =	shalt  }
0x64: {  	_ =	shalt  }
0x65: {  	_ =	shalt  }
0x66: {  	_ =	shalt  }
0x67: {  	_ =	shalt  }
0x68: {  	_ =	shalt  }
0x69: {  	_ =	shalt  }
0x6a: {  	_ =	shalt  }
0x6b: {  	_ =	shalt  }
0x6c: {  	_ =	shalt  }
0x6d: {  	_ =	shalt  }
0x6e: {  	_ =	shalt  }
0x6f: {  	_ =	shalt  }
0x70: {  	_ =	shalt  }
0x71: {  	_ =	shalt  }
0x72: {  	_ =	shalt  }
0x73: {  	_ =	shalt  }
0x74: {  	_ =	shalt  }
0x75: {  	_ =	shalt  }
0x76: {  	_ =	shalt  }
0x77: {  	_ =	shalt  }
0x78: {  	_ =	shalt  }
0x79: {  	_ =	shalt  }
0x7a: {  	_ =	shalt  }
0x7b: {  	_ =	shalt  }
0x7c: {  	_ =	shalt  }
0x7d: {  	_ =	shalt  }
0x7e: {  	_ =	shalt  }
0x7f: {  	_ =	shalt  }
0x80: {  	_ =	shalt  }
0x81: {  	_ =	shalt  }
0x82: {  	_ =	shalt  }
0x83: {  	_ =	shalt  }
0x84: {  	_ =	shalt  }
0x85: {  	_ =	shalt  }
0x86: {  	_ =	shalt  }
0x87: {  	_ =	shalt  }
.Lfunc_end0:
.L_simem_size_0:
called_computation.1_lowered:
.L_overlay_start_0:
0x88: {  	s2 =	sld [smem:$0x3FD9]  }
0x89: {  	s3 =	sld [smem:$0x3FFE];
	_ =	sdelay $0x1  }
0x8a: {  	s1 =	srdreg.scid  }
0x8b: {  	s0 =	sand.u32 $0x1, s1  }
0x8c: {  	s17 =	sshll.u32 s0, $0xA;
	s2 =	sadd.s32 s3, s2  }
0x8d: {  	s2 =	sadd.s32 s2, s17  }
0x8e: {  	[smem:$0x3FC0] =	sst s2  }
0x8f: {  	_ = 	snop  }
0x90: {  	(tm) =	ssettm $0x1  }
0x91: {  	s18 =	sld [smem:$0x3FFB];
	_ =	sdelay $0x3  }
0x92: {  	_ =	strace s18  }
0x93: {  	s2 =	sld [smem:$0x3FFC];
	_ =	sdelay $0x3  }
0x94: {  	_ =	strace s2  }
0x95: {  	s2 =	sld [smem:$0x3FFD];
	_ =	sdelay $0x3  }
0x96: {  	_ =	strace s2  }
0x97: {  	_ =	strace $0x8FFFFFFF  }
0x98: {  	s19 =	sld [smem:$0x3FDB];
	_ =	sdelay $0x1  }
0x99: {  	s20 =	simm.s32 $_scs_section_size  }
0x9a: {  	s4 =	simm.s32 $_size__tile_overlayer_lowered;
	s5 =	simm.s32 $_tile_overlayer_lowered  }
0x9b: {  	s6 =	simm.s32 $0x1BFF;
	s21 =	sshll.u32 s5, $0x1;
	s3 =	sadd.s32 s20, s19  }
0x9c: {  	s22 =	simm.s32 $0x0;
	s4 =	sshll.u32 s4, $0x1;
	s5 =	sadd.s32 s21, s3  }
0x9d: {  	[timem:s22], [sflag:s6] =	dma.local [hbm:s5], s4  }
0x9e: {  	_ =	swait.ge [sflag:s6], s4  }
0x9f: {  	s4 =	ssub.s32 $0x0, s4;
	[sflag:s6] =	ssyncset.done $0x0  }
0xa0: {  	[sflag:s6] =	ssyncadd.s32 s4;
	_ =	sdelay $0x1  }
0xa1: {  	s23 =	simm.s32 $0x1B8B  }
0xa2: {  	_ =	swait.ge [sflag:s23], $0x1  }
0xa3: {  	[sflag:s23] =	ssyncset.done $0x0  }
0xa4: {  	[sflag:s23] =	ssyncadd.s32 $0xFFFFFFFF  }
0xa5: {  	s4 =	sld [smem:$0x0]  }
0xa6: {  	s5 =	sand.u32 $0xFFFFFFFE, s1  }
0xa7: {  	p0 =	sne.s32 s1, s5  }
0xa8: {  	s5 =	sshll.u32 @p0 s5, $0xE  }
0xa9: {  	s5 =	sadd.s32 @p0 $0x11B8D, s5;
	s6 =	sshll.u32 @p0 s4, $0x11  }
0xaa: {  	s5 =	sor.u32 @p0 s6, s5  }
0xab: {  	[sflag:s5] =	ssyncadd.remote.s32 @p0 $0x1;
	_ =	sdelay $0x1  }
0xac: {  	s5 =	simm.s32 @p0 $0x1B8D  }
0xad: {  	_ =	swait.eq @p0 [sflag:s5], $0x1  }
0xae: {  	[sflag:s5] =	ssyncadd.s32 @p0 $0xFFFFFFFF  }
0xaf: {  	s6 =	sshll.u32 @!p0 s1, $0xE  }
0xb0: {  	s6 =	sor.u32 @!p0 $0x4000, s6;
	s5 =	simm.s32 @!p0 $0x1B8D  }
0xb1: {  	s4 =	sshll.u32 @!p0 s4, $0x11;
	s6 =	sadd.s32 @!p0 $0x11B8D, s6;
	_ =	swait.eq @!p0 [sflag:s5], $0x1  }
0xb2: {  	s4 =	sor.u32 @!p0 s4, s6;
	[sflag:s5] =	ssyncadd.s32 @!p0 $0xFFFFFFFF  }
0xb3: {  	s25 =	simm.s32 $0x1B8E;
	s24 =	sld [smem:$0x3FFE];
	[sflag:s4] =	ssyncadd.remote.s32 @!p0 $0x1  }
0xb4: {  	s26 =	simm.s32 $execute0_lowered;
	[smem:$0x3FD2] =	sst s25  }
0xb5: {  	s5 =	sshll.u32 s26, $0x1;
	_ =	strace $0x80000049;
	[dreg:$0x1] =	wrdreg $0xFFFFFFFF  }
0xb6: {  	s28 =	simm.s32 $_size_execute0_lowered;
	s3 =	sadd.s32 s3, s5;
	[dreg:$0x0] =	wrdreg $0x0  }
0xb7: {  	s5 =	sshll.u32 s28, $0x1;
	[dreg:$0x2] =	wrdreg s3  }
0xb8: {  	[dreg:$0x3] =	wrdreg s5  }
0xb9: {  	[dreg:$0x4] =	wrdreg $0xC0  }
0xba: {  	_ =	task [dreg:s22], $0x5FFFF  }
0xbb: {  	[dreg:$0x1] =	wrdreg $0xFFFFFFFF  }
0xbc: {  	[dreg:$0x0] =	wrdreg $0x60  }
0xbd: {  	[dreg:$0x2] =	wrdreg s24  }
0xbe: {  	[dreg:$0x3] =	wrdreg $0x0  }
0xbf: {  	[dreg:$0x4] =	wrdreg $0xA  }
0xc0: {  	_ =	task.clear_ibuf [dreg:s22], $0x5FFFF;
	_ =	strace $0x90000049  }
0xc1: {  	s29 =	simm.s32 $0xA;
	_ =	strace $0x8000004B  }
0xc2: {  	_ =	swait.ge [sflag:s29], $0x1  }
0xc3: {  	[sflag:s29] =	ssyncadd.s32 $0xFFFFFFFF  }
0xc4: {  	_ =	strace $0x9000004B  }
0xc5: {  	_ =	sfence  }
0xc6: {  	s30 =	sld [smem:$0x0];
	_ =	sdelay $0x2  }
0xc7: {  	s31 =	sshll.u32 s1, $0xD;
	s1 =	sshrl.u32 s1, $0x2  }
0xc8: {  	s4 =	sand.u32 $0x4000, s31;
	s1 =	sadd.s32 s1, s30  }
0xc9: {  	s0 =	sor.u32 s4, s0;
	s1 =	sshll.u32 s1, $0x11  }
0xca: {  	s0 =	sor.u32 s1, s0  }
0xcb: {  	s0 =	sadd.s32 $0x8F2B, s0  }
0xcc: {  	[sflag:s0] =	ssyncadd.remote.s32 $0x1  }
0xcd: {  	_ =	sfence.sel $0xFFFF  }
0xce: {  	[dreg:$0x0] =	wrdreg $0xFFFFFFFF;
	(pc) =	sbr.abs _section_cstart, $3  }
0xcf: {  	[dreg:$0x1] =	wrdreg $0xFFFFFFFF  }
0xd0: {  	_ =	task.clear_ibuf [dreg:s22], $0x2FFFF;
	_ =	strace $0x9FFFFFFF  }
0xd1: {  	(tm) =	ssettm $0x7FFFFFFF  }
tec
execute0_lowered:
.L_overlay_start_1:
0x0: {  	(tag) =	ssettag $0x1  }
0x1: {  	s0 =	rddreg [dreg:$0x0]  }
0x2: {  	s1 =	rddreg [dreg:$0x1];
	s2 =	srdreg.scid  }
0x3: {  	s3 =	simm.s32 $0x0;
	s13 =	stileid.u32;
	s2 =	sand.u32 $0x1, s2  }
0x4: {  	[smem:$0x7FF] =	sst s3;
	s10 =	smul.u32 $0x14000, s13;
	s4 =	sadd.s32 $0x29E00, s0  }
0x5: {  	s14 =	sadd.s32 $0x16400, s0;
	s5 =	smul.u32 $0x140000, s2;
	s6 =	sshll.u32 s2, $0x4  }
0x6: {  	s21 =	smul.u32 $0x50000, s13;
	_ =	strace $0x8000004A;
	s6 =	sor.u32 s13, s6  }
0x7: {  	s7 =	sadd.s32 s10, s5;
	p0 =	slt.u32 s6, $0x4;
	s5 =	simm.s32 $0x4F  }
0x8: {  	s15 =	ssub.s32 $0x2, s2;
	s2 =	smul.u32 $0x4E0, s2;
	s5 =	simm.s32 @!p0 $0x4E  }
0x9: {  	s9 =	sshrl.u32 s15, $0x1;
	s13 =	smul.u32 $0x4E, s13;
	s8 =	sadd.s32 $0xFFFFFFFF, s5  }
0xa: {  	s31 =	sadd.s32 s10, s1;
	s16 =	sadd.s32 $0xFFFFFFFE, s5;
	[dreg:$0x3] =	wrdreg s8  }
0xb: {  	s11 =	ssub.s32 s15, s9;
	s17 =	sadd.s32 $0xFFFFFFFD, s5;
	[dreg:$0x4] =	wrdreg s16  }
0xc: {  	s18 =	smul.u32 $0x4E, s6;
	s19 =	sadd.s32 $0xFFFFFFFC, s5;
	[dreg:$0x5] =	wrdreg s17  }
0xd: {  	s12 =	smin.u32 s6, $0x4;
	s20 =	sadd.s32 $0xFFFFFFFB, s5;
	[dreg:$0x6] =	wrdreg s19  }
0xe: {  	s7 =	sshrl.u32 s7, $0x3;
	s22 =	sadd.s32 $0xFFFFFFFA, s5;
	[dreg:$0x7] =	wrdreg s20  }
0xf: {  	s2 =	sadd.s32 s13, s2;
	s23 =	sadd.s32 $0xFFFFFFF9, s5;
	[dreg:$0x8] =	wrdreg s22  }
0x10: {  	s10 =	smax.u32 s11, $0x1;
	s24 =	sadd.s32 $0xFFFFFFF7, s5;
	[dreg:$0x9] =	wrdreg s23  }
0x11: {  	s0 =	sadd.s32 s7, s0;
	s25 =	sadd.s32 $0xFFFFFFF6, s5;
	[dreg:$0xa] =	wrdreg s24  }
0x12: {  	s7 =	sshrl.u32 s21, $0x2;
	s26 =	sadd.s32 $0xFFFFFFF5, s5;
	[dreg:$0xb] =	wrdreg s25  }
0x13: {  	s28 =	sadd.s32 $0xFFFFFFF3, s5;
	s29 =	sadd.s32 $0xFFFFFFF2, s5;
	[dreg:$0xc] =	wrdreg s26  }
0x14: {  	s30 =	sadd.s32 $0xFFFFFFF1, s5;
	s2 =	sadd.s32 s12, s2;
	[dreg:$0xd] =	wrdreg s28  }
0x15: {  	s21 =	simm.s32 $0x1C000;
	s8 =	sadd.s32 s12, s18;
	[dreg:$0xe] =	wrdreg s29  }
0x16: {  	s6 =	sadd.s32 s7, s1;
	[dreg:$0xf] =	wrdreg s30;
	s9 =	sadd.s32 $0x51000, s0  }
0x17: {  	s2 =	sshll.u32 s2, $0x5;
	s19 =	simm.s32 $0x14000;
	s20 =	simm.s32 $0x9  }
0x18: {  	s23 =	simm.s32 $0x5;
	s25 =	sshrl.u32 s31, $0x3;
	s8 =	sshll.u32 s8, $0x5  }
0x19: {  	s11 =	sadd.s32 $0x4000, s6;
	s12 =	sadd.s32 $0x8000, s6;
	s13 =	sadd.s32 $0xC000, s6  }
0x1a: {  	s2 =	sadd.s32 s2, s14;
	s7 =	sadd.s32 s14, s8;
	s14 =	sadd.s32 $0x10000, s6  }
0x1b: {  	s15 =	sadd.s32 $0x180, s2;
	s16 =	sadd.s32 $0x100, s2;
	s8 =	sadd.s32 $0x80, s7  }
0x1c: {  	v0 =	vimm.f32 $0.0e+00;
	s17 =	sadd.s32 $0x200, s2;
	s18 =	sadd.s32 $0x280, s2;
	[dreg:$0x10] =	wrdreg s8  }
.LBB2_1:
0x1d: {  	s0 =	simm.s32 $0x0;
	s2 =	simm.s32 $0x200  }
.LBB2_2:
0x1e: {  	p0 =	sne.s32 s2, $0xFE00;
	[tilespmem:s0+$0x14070] =	vst v0  }
0x1f: {  	[tilespmem:s0+$0x14000] =	vst v0  }
0x20: {  	[tilespmem:s0+$0x14010] =	vst v0  }
.Ltmp0:
0x21: {  	[tilespmem:s0+$0x14020] =	vst v0;
	(pc) =	sbr.rel @p0 .LBB2_2-.Ltmp0, $4  }
0x22: {  	[tilespmem:s0+$0x14030] =	vst v0  }
0x23: {  	[tilespmem:s0+$0x14040] =	vst v0  }
0x24: {  	[tilespmem:s0+$0x14050] =	vst v0  }
0x25: {  	[tilespmem:s0+$0x14060] =	vst v0;
	s0 =	sshra.s32 s2, $0x2;
	s2 =	sadd.s32 $0x200, s2  }
0x26: {  	[tilespmem:s0+$0x14070] =	vst v0  }
0x27: {  	[tilespmem:s0+$0x14000] =	vst v0  }
0x28: {  	[tilespmem:s0+$0x14010] =	vst v0  }
0x29: {  	[tilespmem:s0+$0x14020] =	vst v0  }
0x2a: {  	[tilespmem:s0+$0x14030] =	vst v0  }
0x2b: {  	[tilespmem:s0+$0x14040] =	vst v0  }
0x2c: {  	[tilespmem:s0+$0x14050] =	vst v0  }
0x2d: {  	[tilespmem:s0+$0x14060] =	vst v0  }
0x2e: {  	[spmem:s6] =	stream.linear.scatter [tilespmem:s19], [sflag:$0x9], $0x4000, $0x38;
	[tilespmem:$0x1D000] =	vst v63  }
0x2f: {  	_ =	swait.ge [sflag:s20], $0x4000  }
0x30: {  	[sflag:s20] =	ssyncset.done $0x0  }
0x31: {  	[sflag:s20] =	ssyncadd.s32 $0xFFFFC000  }
0x32: {  	[spmem:s11] =	stream.linear.scatter [tilespmem:s19], [sflag:$0x9], $0x4000, $0x38;
	[tilespmem:$0x1D000] =	vst v63  }
0x33: {  	_ =	swait.ge [sflag:s20], $0x4000  }
0x34: {  	[sflag:s20] =	ssyncset.done $0x0  }
0x35: {  	[sflag:s20] =	ssyncadd.s32 $0xFFFFC000  }
0x36: {  	[spmem:s12] =	stream.linear.scatter [tilespmem:s19], [sflag:$0x9], $0x4000, $0x38;
	[tilespmem:$0x1D000] =	vst v63  }
0x37: {  	_ =	swait.ge [sflag:s20], $0x4000  }
0x38: {  	[sflag:s20] =	ssyncset.done $0x0  }
0x39: {  	[sflag:s20] =	ssyncadd.s32 $0xFFFFC000  }
0x3a: {  	[spmem:s13] =	stream.linear.scatter [tilespmem:s19], [sflag:$0x9], $0x4000, $0x38;
	[tilespmem:$0x1D000] =	vst v63  }
0x3b: {  	_ =	swait.ge [sflag:s20], $0x4000  }
0x3c: {  	[sflag:s20] =	ssyncset.done $0x0  }
0x3d: {  	[sflag:s20] =	ssyncadd.s32 $0xFFFFC000  }
0x3e: {  	[spmem:s14] =	stream.linear.scatter [tilespmem:s19], [sflag:$0x9], $0x4000, $0x38;
	[tilespmem:$0x1D000] =	vst v63  }
0x3f: {  	_ =	swait.ge [sflag:s20], $0x4000  }
0x40: {  	[sflag:s20] =	ssyncset.done $0x0  }
0x41: {  	[sflag:s20] =	ssyncadd.s32 $0xFFFFC000  }
0x42: {  	s31 =	simm.s32 $0x0;
	[bflag:$0x0] =	sbarrier.arrive $0xFFFF  }
0x43: {  	[tilespmem:s21], [sflag:$0x5] =	stream.linear.gather [hbm4b:s7+s31], $0x400, $0x38;
	[tilespmem:$0x1D000] =	vst v63  }
0x44: {  	s2 =	simm.s32 $0x1C400;
	s24 =	rddreg [dreg:$0x10]  }
0x45: {  	[tilespmem:s2], [sflag:$0x6] =	stream.linear.gather [hbm4b:s24+s31], $0x400, $0x38;
	[tilespmem:$0x1D000] =	vst v63  }
0x46: {  	_ =	swait.ge [sflag:s23], $0x400  }
0x47: {  	[sflag:s23] =	ssyncset.done $0x0  }
0x48: {  	s26 =	simm.s32 $0x80;
	s28 =	smov.u32 s17;
	[sflag:s23] =	ssyncadd.s32 $0xFFFFFC00  }
0x49: {  	[tilespmem:s19], [sflag:$0x1] =	stream.indirect.gather [hbm4b:s4+s26], $0x80, s21, s26, $0xb8;
	[tilespmem:$0x1D000] =	vst v63  }
0x4a: {  	s29 =	smov.u32 s16;
	s30 =	smov.u32 s15;
	s26 =	smov.u32 s18  }
.LBB2_4:
0x4b: {  	p0 =	sge.u32 s31, s5  }
0x4c: {  	s0 =	simm.s32 @!p0 $0x1  }
0x4d: {  	s8 =	sadd.s32 $0xFFFFFFFF, s31;
	_ =	swait.ge @!p0 [sflag:s0], $0x4000  }
0x4e: {  	s2 =	simm.s32 @!p0 $0x1C080;
	s22 =	simm.s32 @!p0 $0x14000;
	[sflag:s0] =	ssyncset.done @!p0 $0x0  }
0x4f: {  	p1 =	sge.u32 s8, s5;
	[sflag:s0] =	ssyncadd.s32 @!p0 $0xFFFFC000;
	s0 =	simm.s32 @!p0 $0x80  }
0x50: {  	[spmem:s1] =	stream.indirect.scatter.add.f32 @!p0 [tilespmem:s22], [sflag:$0x3], $0x80, s2, s0, $0xb8;
	[tilespmem:$0x1D000] =	vst v63  }
0x51: {  	s0 =	simm.s32 @!p1 $0x4  }
0x52: {  	_ =	swait.ge @!p1 [sflag:s0], $0x4000  }
0x53: {  	s22 =	rddreg [dreg:$0x3];
	[sflag:s0] =	ssyncset.done @!p1 $0x0  }
0x54: {  	[sflag:s0] =	ssyncadd.s32 @!p1 $0xFFFFC000;
	p1 =	sge.u32 s31, s22  }
0x55: {  	s0 =	simm.s32 @!p1 $0x80;
	s2 =	simm.s32 @!p1 $0x1C100;
	s22 =	simm.s32 @!p1 $0x18000  }
0x56: {  	[tilespmem:s22], [sflag:$0x2] =	stream.indirect.gather @!p1 [hbm4b:s4+s0], $0x80, s2, s0, $0xb8;
	[tilespmem:$0x1D000] =	vst v63  }
0x57: {  	s2 =	simm.s32 @!p1 $0x2  }
0x58: {  	_ =	swait.ge @!p1 [sflag:s2], $0x4000  }
0x59: {  	[sflag:s2] =	ssyncset.done @!p1 $0x0  }
0x5a: {  	[sflag:s2] =	ssyncadd.s32 @!p1 $0xFFFFC000;
	s2 =	simm.s32 @!p1 $0x1C180  }
0x5b: {  	[spmem:s1] =	stream.indirect.scatter.add.f32 @!p1 [tilespmem:s22], [sflag:$0x4], $0x80, s2, s0, $0xb8;
	[tilespmem:$0x1D000] =	vst v63  }
0x5c: {  	s0 =	simm.s32 @!p0 $0x3  }
0x5d: {  	_ =	swait.ge @!p0 [sflag:s0], $0x4000  }
0x5e: {  	s24 =	rddreg [dreg:$0x4];
	[sflag:s0] =	ssyncset.done @!p0 $0x0  }
0x5f: {  	[sflag:s0] =	ssyncadd.s32 @!p0 $0xFFFFC000;
	p0 =	sge.u32 s31, s24  }
0x60: {  	s0 =	simm.s32 @!p0 $0x80;
	s2 =	simm.s32 @!p0 $0x1C200;
	s22 =	simm.s32 @!p0 $0x14000  }
0x61: {  	[tilespmem:s22], [sflag:$0x1] =	stream.indirect.gather @!p0 [hbm4b:s4+s0], $0x80, s2, s0, $0xb8;
	[tilespmem:$0x1D000] =	vst v63  }
0x62: {  	s2 =	simm.s32 @!p0 $0x1  }
0x63: {  	_ =	swait.ge @!p0 [sflag:s2], $0x4000  }
0x64: {  	[sflag:s2] =	ssyncset.done @!p0 $0x0  }
0x65: {  	[sflag:s2] =	ssyncadd.s32 @!p0 $0xFFFFC000;
	s2 =	simm.s32 @!p0 $0x1C280  }
0x66: {  	[spmem:s1] =	stream.indirect.scatter.add.f32 @!p0 [tilespmem:s22], [sflag:$0x3], $0x80, s2, s0, $0xb8;
	[tilespmem:$0x1D000] =	vst v63  }
0x67: {  	s0 =	simm.s32 @!p1 $0x4  }
0x68: {  	_ =	swait.ge @!p1 [sflag:s0], $0x4000  }
0x69: {  	s8 =	rddreg [dreg:$0x5];
	[sflag:s0] =	ssyncset.done @!p1 $0x0  }
0x6a: {  	[sflag:s0] =	ssyncadd.s32 @!p1 $0xFFFFC000;
	p2 =	sge.u32 s31, s8  }
0x6b: {  	s0 =	simm.s32 @!p2 $0x80;
	s2 =	simm.s32 @!p2 $0x1C300;
	s22 =	simm.s32 @!p2 $0x18000  }
0x6c: {  	[tilespmem:s22], [sflag:$0x2] =	stream.indirect.gather @!p2 [hbm4b:s4+s0], $0x80, s2, s0, $0xb8;
	[tilespmem:$0x1D000] =	vst v63  }
0x6d: {  	s2 =	simm.s32 @!p2 $0x2  }
0x6e: {  	_ =	swait.ge @!p2 [sflag:s2], $0x4000  }
0x6f: {  	[sflag:s2] =	ssyncset.done @!p2 $0x0  }
0x70: {  	[sflag:s2] =	ssyncadd.s32 @!p2 $0xFFFFC000;
	s2 =	simm.s32 @!p2 $0x1C380  }
0x71: {  	[spmem:s1] =	stream.indirect.scatter.add.f32 @!p2 [tilespmem:s22], [sflag:$0x4], $0x80, s2, s0, $0xb8;
	[tilespmem:$0x1D000] =	vst v63  }
0x72: {  	s0 =	simm.s32 @!p0 $0x3  }
0x73: {  	_ =	swait.ge @!p0 [sflag:s0], $0x4000  }
0x74: {  	s22 =	rddreg [dreg:$0x6]  }
0x75: {  	[sflag:s0] =	ssyncset.done @!p0 $0x0;
	p1 =	sge.u32 s31, s22  }
0x76: {  	[sflag:s0] =	ssyncadd.s32 @!p0 $0xFFFFC000;
	s0 =	simm.s32 @!p1 $0x6  }
0x77: {  	s24 =	sadd.s32 $0x8, s31;
	_ =	swait.ge @!p1 [sflag:s0], $0x400  }
0x78: {  	p0 =	sge.u32 s24, s5;
	[sflag:s0] =	ssyncset.done @!p1 $0x0  }
0x79: {  	s2 =	simm.s32 @!p0 $0x0;
	[sflag:s0] =	ssyncadd.s32 @!p1 $0xFFFFFC00;
	s0 =	simm.s32 @!p0 $0x1C800  }
0x7a: {  	[tilespmem:s0], [sflag:$0x7] =	stream.linear.gather @!p0 [hbm4b:s29+s2], $0x400, $0x38;
	[tilespmem:$0x1D000] =	vst v63  }
0x7b: {  	s22 =	simm.s32 @!p1 $0x1C400;
	s24 =	simm.s32 @!p1 $0x14000;
	s2 =	simm.s32 @!p1 $0x80  }
0x7c: {  	[tilespmem:s24], [sflag:$0x1] =	stream.indirect.gather @!p1 [hbm4b:s4+s2], $0x80, s22, s2, $0xb8;
	[tilespmem:$0x1D000] =	vst v63  }
0x7d: {  	s22 =	simm.s32 @!p1 $0x1  }
0x7e: {  	_ =	swait.ge @!p1 [sflag:s22], $0x4000  }
0x7f: {  	[sflag:s22] =	ssyncset.done @!p1 $0x0  }
0x80: {  	[sflag:s22] =	ssyncadd.s32 @!p1 $0xFFFFC000;
	s22 =	simm.s32 @!p1 $0x1C480  }
0x81: {  	[spmem:s1] =	stream.indirect.scatter.add.f32 @!p1 [tilespmem:s24], [sflag:$0x3], $0x80, s22, s2, $0xb8;
	[tilespmem:$0x1D000] =	vst v63  }
0x82: {  	s2 =	simm.s32 @!p2 $0x4  }
0x83: {  	_ =	swait.ge @!p2 [sflag:s2], $0x4000  }
0x84: {  	s8 =	rddreg [dreg:$0x7];
	[sflag:s2] =	ssyncset.done @!p2 $0x0  }
0x85: {  	[sflag:s2] =	ssyncadd.s32 @!p2 $0xFFFFC000;
	p2 =	sge.u32 s31, s8  }
0x86: {  	s2 =	simm.s32 @!p2 $0x80;
	s22 =	simm.s32 @!p2 $0x1C500;
	s24 =	simm.s32 @!p2 $0x18000  }
0x87: {  	[tilespmem:s24], [sflag:$0x2] =	stream.indirect.gather @!p2 [hbm4b:s4+s2], $0x80, s22, s2, $0xb8;
	[tilespmem:$0x1D000] =	vst v63  }
0x88: {  	s22 =	simm.s32 @!p2 $0x2  }
0x89: {  	_ =	swait.ge @!p2 [sflag:s22], $0x4000  }
0x8a: {  	[sflag:s22] =	ssyncset.done @!p2 $0x0  }
0x8b: {  	[sflag:s22] =	ssyncadd.s32 @!p2 $0xFFFFC000;
	s22 =	simm.s32 @!p2 $0x1C580  }
0x8c: {  	[spmem:s1] =	stream.indirect.scatter.add.f32 @!p2 [tilespmem:s24], [sflag:$0x4], $0x80, s22, s2, $0xb8;
	[tilespmem:$0x1D000] =	vst v63  }
0x8d: {  	s2 =	simm.s32 @!p1 $0x3  }
0x8e: {  	_ =	swait.ge @!p1 [sflag:s2], $0x4000  }
0x8f: {  	s24 =	rddreg [dreg:$0x8];
	[sflag:s2] =	ssyncset.done @!p1 $0x0  }
0x90: {  	[sflag:s2] =	ssyncadd.s32 @!p1 $0xFFFFC000;
	p1 =	sge.u32 s31, s24  }
0x91: {  	s2 =	simm.s32 @!p1 $0x80;
	s22 =	simm.s32 @!p1 $0x1C600;
	s24 =	simm.s32 @!p1 $0x14000  }
0x92: {  	[tilespmem:s24], [sflag:$0x1] =	stream.indirect.gather @!p1 [hbm4b:s4+s2], $0x80, s22, s2, $0xb8;
	[tilespmem:$0x1D000] =	vst v63  }
0x93: {  	s22 =	simm.s32 @!p1 $0x1  }
0x94: {  	_ =	swait.ge @!p1 [sflag:s22], $0x4000  }
0x95: {  	[sflag:s22] =	ssyncset.done @!p1 $0x0  }
0x96: {  	[sflag:s22] =	ssyncadd.s32 @!p1 $0xFFFFC000;
	s22 =	simm.s32 @!p1 $0x1C680  }
0x97: {  	[spmem:s1] =	stream.indirect.scatter.add.f32 @!p1 [tilespmem:s24], [sflag:$0x3], $0x80, s22, s2, $0xb8;
	[tilespmem:$0x1D000] =	vst v63  }
0x98: {  	s2 =	simm.s32 @!p2 $0x4  }
0x99: {  	_ =	swait.ge @!p2 [sflag:s2], $0x4000  }
0x9a: {  	s8 =	rddreg [dreg:$0x9];
	[sflag:s2] =	ssyncset.done @!p2 $0x0  }
0x9b: {  	[sflag:s2] =	ssyncadd.s32 @!p2 $0xFFFFC000;
	p2 =	sge.u32 s31, s8  }
0x9c: {  	s2 =	simm.s32 @!p2 $0x80;
	s22 =	simm.s32 @!p2 $0x1C700;
	s24 =	simm.s32 @!p2 $0x18000  }
0x9d: {  	[tilespmem:s24], [sflag:$0x2] =	stream.indirect.gather @!p2 [hbm4b:s4+s2], $0x80, s22, s2, $0xb8;
	[tilespmem:$0x1D000] =	vst v63  }
0x9e: {  	s22 =	simm.s32 @!p2 $0x2  }
0x9f: {  	_ =	swait.ge @!p2 [sflag:s22], $0x4000  }
0xa0: {  	[sflag:s22] =	ssyncset.done @!p2 $0x0  }
0xa1: {  	[sflag:s22] =	ssyncadd.s32 @!p2 $0xFFFFC000;
	s22 =	simm.s32 @!p2 $0x1C780  }
0xa2: {  	[spmem:s1] =	stream.indirect.scatter.add.f32 @!p2 [tilespmem:s24], [sflag:$0x4], $0x80, s22, s2, $0xb8;
	[tilespmem:$0x1D000] =	vst v63  }
0xa3: {  	s2 =	simm.s32 @!p1 $0x3  }
0xa4: {  	_ =	swait.ge @!p1 [sflag:s2], $0x4000  }
0xa5: {  	[sflag:s2] =	ssyncset.done @!p1 $0x0  }
0xa6: {  	[sflag:s2] =	ssyncadd.s32 @!p1 $0xFFFFC000;
	s2 =	simm.s32 @!p0 $0x7  }
0xa7: {  	s24 =	sadd.s32 $0xC, s31;
	_ =	swait.ge @!p0 [sflag:s2], $0x400  }
0xa8: {  	p1 =	sge.u32 s24, s5;
	[sflag:s2] =	ssyncset.done @!p0 $0x0  }
0xa9: {  	s22 =	simm.s32 @!p1 $0x0;
	[sflag:s2] =	ssyncadd.s32 @!p0 $0xFFFFFC00;
	s2 =	simm.s32 @!p1 $0x1CC00  }
0xaa: {  	[tilespmem:s2], [sflag:$0x8] =	stream.linear.gather @!p1 [hbm4b:s30+s22], $0x400, $0x38;
	[tilespmem:$0x1D000] =	vst v63  }
0xab: {  	s24 =	simm.s32 @!p0 $0x14000;
	s22 =	simm.s32 @!p0 $0x80  }
0xac: {  	[tilespmem:s24], [sflag:$0x1] =	stream.indirect.gather @!p0 [hbm4b:s4+s22], $0x80, s0, s22, $0xb8;
	[tilespmem:$0x1D000] =	vst v63  }
0xad: {  	s0 =	simm.s32 @!p0 $0x1  }
0xae: {  	_ =	swait.ge @!p0 [sflag:s0], $0x4000  }
0xaf: {  	[sflag:s0] =	ssyncset.done @!p0 $0x0  }
0xb0: {  	[sflag:s0] =	ssyncadd.s32 @!p0 $0xFFFFC000;
	s0 =	simm.s32 @!p0 $0x1C880  }
0xb1: {  	[spmem:s1] =	stream.indirect.scatter.add.f32 @!p0 [tilespmem:s24], [sflag:$0x3], $0x80, s0, s22, $0xb8;
	[tilespmem:$0x1D000] =	vst v63  }
0xb2: {  	s0 =	simm.s32 @!p2 $0x4  }
0xb3: {  	_ =	swait.ge @!p2 [sflag:s0], $0x4000  }
0xb4: {  	s8 =	rddreg [dreg:$0xa];
	[sflag:s0] =	ssyncset.done @!p2 $0x0  }
0xb5: {  	[sflag:s0] =	ssyncadd.s32 @!p2 $0xFFFFC000;
	p2 =	sge.u32 s31, s8  }
0xb6: {  	s0 =	simm.s32 @!p2 $0x80;
	s22 =	simm.s32 @!p2 $0x1C900;
	s24 =	simm.s32 @!p2 $0x18000  }
0xb7: {  	[tilespmem:s24], [sflag:$0x2] =	stream.indirect.gather @!p2 [hbm4b:s4+s0], $0x80, s22, s0, $0xb8;
	[tilespmem:$0x1D000] =	vst v63  }
0xb8: {  	s22 =	simm.s32 @!p2 $0x2  }
0xb9: {  	_ =	swait.ge @!p2 [sflag:s22], $0x4000  }
0xba: {  	[sflag:s22] =	ssyncset.done @!p2 $0x0  }
0xbb: {  	[sflag:s22] =	ssyncadd.s32 @!p2 $0xFFFFC000;
	s22 =	simm.s32 @!p2 $0x1C980  }
0xbc: {  	[spmem:s1] =	stream.indirect.scatter.add.f32 @!p2 [tilespmem:s24], [sflag:$0x4], $0x80, s22, s0, $0xb8;
	[tilespmem:$0x1D000] =	vst v63  }
0xbd: {  	s0 =	simm.s32 @!p0 $0x3  }
0xbe: {  	_ =	swait.ge @!p0 [sflag:s0], $0x4000  }
0xbf: {  	s24 =	rddreg [dreg:$0xb];
	[sflag:s0] =	ssyncset.done @!p0 $0x0  }
0xc0: {  	[sflag:s0] =	ssyncadd.s32 @!p0 $0xFFFFC000;
	p0 =	sge.u32 s31, s24  }
0xc1: {  	s0 =	simm.s32 @!p0 $0x80;
	s22 =	simm.s32 @!p0 $0x1CA00;
	s24 =	simm.s32 @!p0 $0x14000  }
0xc2: {  	[tilespmem:s24], [sflag:$0x1] =	stream.indirect.gather @!p0 [hbm4b:s4+s0], $0x80, s22, s0, $0xb8;
	[tilespmem:$0x1D000] =	vst v63  }
0xc3: {  	s22 =	simm.s32 @!p0 $0x1  }
0xc4: {  	_ =	swait.ge @!p0 [sflag:s22], $0x4000  }
0xc5: {  	[sflag:s22] =	ssyncset.done @!p0 $0x0  }
0xc6: {  	[sflag:s22] =	ssyncadd.s32 @!p0 $0xFFFFC000;
	s22 =	simm.s32 @!p0 $0x1CA80  }
0xc7: {  	[spmem:s1] =	stream.indirect.scatter.add.f32 @!p0 [tilespmem:s24], [sflag:$0x3], $0x80, s22, s0, $0xb8;
	[tilespmem:$0x1D000] =	vst v63  }
0xc8: {  	s0 =	simm.s32 @!p2 $0x4  }
0xc9: {  	_ =	swait.ge @!p2 [sflag:s0], $0x4000  }
0xca: {  	s8 =	rddreg [dreg:$0xc];
	[sflag:s0] =	ssyncset.done @!p2 $0x0  }
0xcb: {  	[sflag:s0] =	ssyncadd.s32 @!p2 $0xFFFFC000;
	p2 =	sge.u32 s31, s8  }
0xcc: {  	s0 =	simm.s32 @!p2 $0x80;
	s22 =	simm.s32 @!p2 $0x1CB00;
	s24 =	simm.s32 @!p2 $0x18000  }
0xcd: {  	[tilespmem:s24], [sflag:$0x2] =	stream.indirect.gather @!p2 [hbm4b:s4+s0], $0x80, s22, s0, $0xb8;
	[tilespmem:$0x1D000] =	vst v63  }
0xce: {  	s22 =	simm.s32 @!p2 $0x2  }
0xcf: {  	_ =	swait.ge @!p2 [sflag:s22], $0x4000  }
0xd0: {  	[sflag:s22] =	ssyncset.done @!p2 $0x0  }
0xd1: {  	[sflag:s22] =	ssyncadd.s32 @!p2 $0xFFFFC000;
	s22 =	simm.s32 @!p2 $0x1CB80  }
0xd2: {  	[spmem:s1] =	stream.indirect.scatter.add.f32 @!p2 [tilespmem:s24], [sflag:$0x4], $0x80, s22, s0, $0xb8;
	[tilespmem:$0x1D000] =	vst v63  }
0xd3: {  	s0 =	simm.s32 @!p0 $0x3  }
0xd4: {  	_ =	swait.ge @!p0 [sflag:s0], $0x4000  }
0xd5: {  	[sflag:s0] =	ssyncset.done @!p0 $0x0  }
0xd6: {  	s22 =	simm.s32 @!p1 $0x8;
	[sflag:s0] =	ssyncadd.s32 @!p0 $0xFFFFC000  }
0xd7: {  	s0 =	sadd.s32 $0x10, s31;
	_ =	swait.ge @!p1 [sflag:s22], $0x400  }
0xd8: {  	p0 =	sge.u32 s0, s5;
	[sflag:s22] =	ssyncset.done @!p1 $0x0  }
0xd9: {  	s24 =	simm.s32 @!p0 $0x0;
	[sflag:s22] =	ssyncadd.s32 @!p1 $0xFFFFFC00;
	s22 =	simm.s32 @!p0 $0x1C000  }
0xda: {  	[tilespmem:s22], [sflag:$0x5] =	stream.linear.gather @!p0 [hbm4b:s28+s24], $0x400, $0x38;
	[tilespmem:$0x1D000] =	vst v63  }
0xdb: {  	s8 =	simm.s32 @!p1 $0x14000;
	s24 =	simm.s32 @!p1 $0x80  }
0xdc: {  	[tilespmem:s8], [sflag:$0x1] =	stream.indirect.gather @!p1 [hbm4b:s4+s24], $0x80, s2, s24, $0xb8;
	[tilespmem:$0x1D000] =	vst v63  }
0xdd: {  	s2 =	simm.s32 @!p1 $0x1  }
0xde: {  	_ =	swait.ge @!p1 [sflag:s2], $0x4000  }
0xdf: {  	[sflag:s2] =	ssyncset.done @!p1 $0x0  }
0xe0: {  	[sflag:s2] =	ssyncadd.s32 @!p1 $0xFFFFC000;
	s2 =	simm.s32 @!p1 $0x1CC80  }
0xe1: {  	[spmem:s1] =	stream.indirect.scatter.add.f32 @!p1 [tilespmem:s8], [sflag:$0x3], $0x80, s2, s24, $0xb8;
	[tilespmem:$0x1D000] =	vst v63  }
0xe2: {  	s2 =	simm.s32 @!p2 $0x4  }
0xe3: {  	_ =	swait.ge @!p2 [sflag:s2], $0x4000  }
0xe4: {  	s24 =	rddreg [dreg:$0xd];
	[sflag:s2] =	ssyncset.done @!p2 $0x0  }
0xe5: {  	[sflag:s2] =	ssyncadd.s32 @!p2 $0xFFFFC000;
	p2 =	sge.u32 s31, s24  }
0xe6: {  	s2 =	simm.s32 @!p2 $0x80;
	s8 =	simm.s32 @!p2 $0x1CD00;
	s24 =	simm.s32 @!p2 $0x18000  }
0xe7: {  	[tilespmem:s24], [sflag:$0x2] =	stream.indirect.gather @!p2 [hbm4b:s4+s2], $0x80, s8, s2, $0xb8;
	[tilespmem:$0x1D000] =	vst v63  }
0xe8: {  	s8 =	simm.s32 @!p2 $0x2  }
0xe9: {  	_ =	swait.ge @!p2 [sflag:s8], $0x4000  }
0xea: {  	[sflag:s8] =	ssyncset.done @!p2 $0x0  }
0xeb: {  	[sflag:s8] =	ssyncadd.s32 @!p2 $0xFFFFC000;
	s8 =	simm.s32 @!p2 $0x1CD80  }
0xec: {  	[spmem:s1] =	stream.indirect.scatter.add.f32 @!p2 [tilespmem:s24], [sflag:$0x4], $0x80, s8, s2, $0xb8;
	[tilespmem:$0x1D000] =	vst v63  }
0xed: {  	s2 =	simm.s32 @!p1 $0x3  }
0xee: {  	_ =	swait.ge @!p1 [sflag:s2], $0x4000  }
0xef: {  	s24 =	rddreg [dreg:$0xe];
	[sflag:s2] =	ssyncset.done @!p1 $0x0  }
0xf0: {  	[sflag:s2] =	ssyncadd.s32 @!p1 $0xFFFFC000;
	p1 =	sge.u32 s31, s24  }
0xf1: {  	s2 =	simm.s32 @!p1 $0x80;
	s8 =	simm.s32 @!p1 $0x1CE00;
	s24 =	simm.s32 @!p1 $0x14000  }
0xf2: {  	[tilespmem:s24], [sflag:$0x1] =	stream.indirect.gather @!p1 [hbm4b:s4+s2], $0x80, s8, s2, $0xb8;
	[tilespmem:$0x1D000] =	vst v63  }
0xf3: {  	s8 =	simm.s32 @!p1 $0x1  }
0xf4: {  	_ =	swait.ge @!p1 [sflag:s8], $0x4000  }
0xf5: {  	[sflag:s8] =	ssyncset.done @!p1 $0x0  }
0xf6: {  	[sflag:s8] =	ssyncadd.s32 @!p1 $0xFFFFC000;
	s8 =	simm.s32 @!p1 $0x1CE80  }
0xf7: {  	[spmem:s1] =	stream.indirect.scatter.add.f32 @!p1 [tilespmem:s24], [sflag:$0x3], $0x80, s8, s2, $0xb8;
	[tilespmem:$0x1D000] =	vst v63  }
0xf8: {  	s2 =	simm.s32 @!p2 $0x4  }
0xf9: {  	_ =	swait.ge @!p2 [sflag:s2], $0x4000  }
0xfa: {  	s24 =	rddreg [dreg:$0xf];
	[sflag:s2] =	ssyncset.done @!p2 $0x0  }
0xfb: {  	[sflag:s2] =	ssyncadd.s32 @!p2 $0xFFFFC000;
	p2 =	sge.u32 s31, s24  }
0xfc: {  	s2 =	simm.s32 @!p2 $0x80;
	s8 =	simm.s32 @!p2 $0x1CF00;
	s24 =	simm.s32 @!p2 $0x18000  }
0xfd: {  	[tilespmem:s24], [sflag:$0x2] =	stream.indirect.gather @!p2 [hbm4b:s4+s2], $0x80, s8, s2, $0xb8;
	[tilespmem:$0x1D000] =	vst v63  }
0xfe: {  	s8 =	simm.s32 @!p2 $0x2  }
0xff: {  	_ =	swait.ge @!p2 [sflag:s8], $0x4000  }
0x100: {  	[sflag:s8] =	ssyncset.done @!p2 $0x0  }
0x101: {  	[sflag:s8] =	ssyncadd.s32 @!p2 $0xFFFFC000;
	s8 =	simm.s32 @!p2 $0x1CF80  }
0x102: {  	[spmem:s1] =	stream.indirect.scatter.add.f32 @!p2 [tilespmem:s24], [sflag:$0x4], $0x80, s8, s2, $0xb8;
	[tilespmem:$0x1D000] =	vst v63  }
0x103: {  	s2 =	simm.s32 @!p1 $0x3  }
0x104: {  	_ =	swait.ge @!p1 [sflag:s2], $0x4000  }
0x105: {  	[sflag:s2] =	ssyncset.done @!p1 $0x0  }
0x106: {  	[sflag:s2] =	ssyncadd.s32 @!p1 $0xFFFFC000;
	s2 =	simm.s32 @!p0 $0x5  }
0x107: {  	s24 =	sadd.s32 $0x14, s31;
	_ =	swait.ge @!p0 [sflag:s2], $0x400  }
0x108: {  	p1 =	sge.u32 s24, s5;
	[sflag:s2] =	ssyncset.done @!p0 $0x0  }
0x109: {  	s8 =	simm.s32 @!p1 $0x1C400;
	[sflag:s2] =	ssyncadd.s32 @!p0 $0xFFFFFC00;
	s2 =	simm.s32 @!p1 $0x0  }
0x10a: {  	[tilespmem:s8], [sflag:$0x6] =	stream.linear.gather @!p1 [hbm4b:s26+s2], $0x400, $0x38;
	[tilespmem:$0x1D000] =	vst v63  }
0x10b: {  	s2 =	simm.s32 @!p0 $0x80;
	s8 =	simm.s32 @!p0 $0x14000  }
0x10c: {  	[tilespmem:s8], [sflag:$0x1] =	stream.indirect.gather @!p0 [hbm4b:s4+s2], $0x80, s22, s2, $0xb8;
	[tilespmem:$0x1D000] =	vst v63  }
0x10d: {  	p0 =	sne.s32 s0, $0x60  }
.Ltmp1:
0x10e: {  	_ = 	snop;
	(pc) =	sbr.rel @p0 .LBB2_4-.Ltmp1, $3  }
0x10f: {  	_ =	sdelay $0x1  }
0x110: {  	s29 =	sadd.s32 $0x200, s29;
	s30 =	sadd.s32 $0x200, s30  }
0x111: {  	s28 =	sadd.s32 $0x200, s28;
	s31 =	smov.u32 s0;
	s26 =	sadd.s32 $0x200, s26  }
0x112: {  	s0 =	stileid.u32;
	s3 =	sadd.s32 $0x1, s3  }
0x113: {  	s0 =	sshll.u32 s0, $0x6;
	p0 =	sne.s32 s3, s10  }
.Ltmp2:
0x114: {  	[bflag:$0x0] =	sbarrier.arrive $0xFFFF;
	s0 =	sor.u32 $0x1C09, s0;
	(pc) =	sbr.rel @p0 .LBB2_1-.Ltmp2, $4  }
0x115: {  	[hbm:s9], [sflag:s0] =	dma.local [spmem:s25], $0x2800  }
0x116: {  	_ =	swait.ge [sflag:s20], $0x2800  }
0x117: {  	[sflag:s20] =	ssyncset.done $0x0  }
0x118: {  	[sflag:s20] =	ssyncadd.s32 $0xFFFFD800  }
0x119: {  	_ =	sfence.sel $0x180000  }
0x11a: {  	[bflag:$0x0] =	sbarrier.arrive $0xFFFF  }
0x11b: {  	_ =	strace $0x9000004A  }
0x11c: {  	s0 =	stileid.u32;
	[bflag:$0x2] =	sbarrier.arrive $0xFFFF  }
0x11d: {  	p0 =	sne.s32 s0, $0x0;
	s0 =	rddreg [dreg:$0x2]  }
0x11e: {  	s0 =	sadd.s32 @!p0 $0x100000, s0  }
0x11f: {  	[sflag:s0] =	ssyncadd.tile.s32 @!p0 $0x1;
	_ =	shalt  }
.Lfunc_end2:
_tile_overlayer_lowered:
.L_overlay_start_2:
0x120: {  	(tag) =	ssettag $0x2  }
0x121: {  	s0 =	rddreg [dreg:$0x0];
	s2 =	stileid.u32  }
0x122: {  	s1 =	rddreg [dreg:$0x1];
	p0 =	sne.s32 s2, $0x0  }
0x123: {  	s3 =	rddreg [dreg:$0x2];
	[bflag:$0x3] =	sbarrier.arrive $0xFFFF;
	s2 =	simm.s32 @!p0 $0x1C09  }
0x124: {  	[timem:s3], [sflag:s2] =	dma.local @!p0 [hbm:s0], s1  }
0x125: {  	s0 =	simm.s32 @!p0 $0x9  }
0x126: {  	_ =	swait.ge @!p0 [sflag:s0], s1  }
0x127: {  	s1 =	ssub.s32 @!p0 $0x0, s1;
	[sflag:s0] =	ssyncset.done @!p0 $0x0  }
0x128: {  	[sflag:s0] =	ssyncadd.s32 @!p0 s1  }
0x129: {  	[bflag:$0x3] =	sbarrier.arrive $0xFFFF  }
0x12a: {  	_ =	shalt  }

// kernel: kernel.14.cloned.1.call-start
scs
__scs_entry_jumppad:
0x0: {  	(pc) =	sbr.rel $0x88, $3  }
0x1: {  	(tag) =	ssettag $0x0;
	lr =	simm.s32 $0x1  }
0x2: {  	[smem:$0x3F99] =	sst lr;
	_ =	strace $0xD0000000  }
0x3: {  	_ = 	snop  }
0x4: {  	_ = 	snop  }
0x5: {  	_ = 	snop  }
0x6: {  	_ = 	snop  }
0x7: {  	_ = 	snop  }
__scs_overlays_trampoline_lowered:
0x8: {  	[smem:$0x3FA8] =	sst s0  }
0x9: {  	[smem:$0x3FA9] =	sst s1  }
0xa: {  	[smem:$0x3FAA] =	sst s2  }
0xb: {  	[smem:$0x3FAB] =	sst s3  }
0xc: {  	[smem:$0x3FAC] =	sst s4  }
0xd: {  	[smem:$0x3FAD] =	sst s5  }
0xe: {  	[smem:$0x3FAE] =	sst s6  }
0xf: {  	[smem:$0x3FAF] =	sst s7  }
0x10: {  	[smem:$0x3FB0] =	sst s8  }
0x11: {  	[smem:$0x3FB1] =	sst s9;
	s0 =	simm.s32 @!p0 $0x0  }
0x12: {  	s1 =	sld [smem:$0x3F97];
	s0 =	simm.s32 @p0 $0x1  }
0x13: {  	[smem:$0x3FB2] =	sst s0;
	s0 =	simm.s32 @!p1 $0x0  }
0x14: {  	s2 =	sld [smem:$0x3F96];
	s0 =	simm.s32 @p1 $0x1  }
0x15: {  	[smem:$0x3FB3] =	sst s0;
	s0 =	simm.s32 @!p2 $0x0  }
0x16: {  	s3 =	sld [smem:$0x3FDB];
	s0 =	simm.s32 @p2 $0x1  }
0x17: {  	s4 =	simm.s32 $0x1BF5;
	[smem:$0x3FB5] =	sst s0  }
0x18: {  	s0 =	sld [smem:$0x3F98];
	_ =	swait.ge [sflag:s4], $0x0  }
0x19: {  	s7 =	sld [smem:$0x3F99]  }
0x1a: {  	s8 =	sadd.s32 $0xFFFFE003, lr  }
0x1b: {  	s9 =	sadd.s32 $0xFFFFFEF7, lr;
	s5 =	simm.s32 $0xFFFFFFFF;
	p2 =	slt.u32 s8, $0xFFFFF086  }
0x1c: {  	p1 =	slt.u32 s9, $0xF7A;
	s5 =	simm.s32 @!p2 $0x0  }
0x1d: {  	s5 =	simm.s32 @p1 $0x1;
	p0 =	seq.s32 s7, s2  }
0x1e: {  	s7 =	smul.u32 @!p0 $0xF7A, s2;
	p2 =	seq.s32 @!p0 s5, $0x0  }
0x1f: {  	s9 =	smul.u32 $0xF7A, s1;
	s8 =	simm.s32 @!p0 $0x1BF5;
	p2 =	por !p2, p0  }
0x20: {  	[sflag:s8] =	ssyncset.s32 @!p0 $0xFFFFF086;
	s6 =	sadd.s32 @!p0 s3, s7;
	s7 =	simm.s32 @!p0 $0x108  }
0x21: {  	s3 =	sadd.s32 s3, s9;
	s6 =	sadd.s32 @!p0 $0x88, s6;
	s7 =	simm.s32 @p2 $0x1082  }
0x22: {  	[simem:s7], [sflag:s8] =	dma.local @!p0 [hbm:s6], $0xF7A  }
0x23: {  	s9 =	sor.u32 $0xD0000000, s2;
	s6 =	simm.s32 $0x108;
	_ =	swait.ge @!p0 [sflag:s8], $0x0  }
0x24: {  	s3 =	sadd.s32 $0x88, s3;
	s6 =	simm.s32 @!p1 $0x1082;
	[sflag:s4] =	ssyncset.s32 $0xFFFFF086  }
0x25: {  	[simem:s6], [sflag:s4] =	dma.local [hbm:s3], $0xF7A  }
0x26: {  	[smem:$0x3F99] =	sst s1;
	(tag) =	ssettag s2;
	_ =	strace s9  }
0x27: {  	s1 =	sld [smem:$0x3FA9]  }
0x28: {  	s2 =	sld [smem:$0x3FAA]  }
0x29: {  	s4 =	sld [smem:$0x3FAC]  }
0x2a: {  	p0 =	seq.s32 s5, $0x0;
	s5 =	sld [smem:$0x3FAD]  }
0x2b: {  	s6 =	sld [smem:$0x3FAE]  }
0x2c: {  	s7 =	sld [smem:$0x3FAF]  }
0x2d: {  	s3 =	simm.s32 $0x108;
	s8 =	sld [smem:$0x3FB0]  }
0x2e: {  	s3 =	simm.s32 @!p0 $0x1082;
	s9 =	sld [smem:$0x3FB1]  }
0x2f: {  	lr =	sadd.s32 s0, s3;
	s0 =	sld [smem:$0x3FA8]  }
0x30: {  	s3 =	sld [smem:$0x3FAB]  }
0x31: {  	[smem:$0x3FB4] =	sst s10  }
0x32: {  	s10 =	sld [smem:$0x3FB2];
	_ =	sdelay $0x3  }
0x33: {  	p0 =	seq.s32 s10, $0x1;
	s10 =	sld [smem:$0x3FB4];
	_ =	sdelay $0x3  }
0x34: {  	[smem:$0x3FB4] =	sst s10  }
0x35: {  	s10 =	sld [smem:$0x3FB3];
	_ =	sdelay $0x3  }
0x36: {  	p1 =	seq.s32 s10, $0x1;
	s10 =	sld [smem:$0x3FB4];
	_ =	sdelay $0x3  }
0x37: {  	[smem:$0x3FB4] =	sst s10  }
0x38: {  	s10 =	sld [smem:$0x3FB5]  }
0x39: {  	_ = 	snop;
	(pc) =	sbr.ind lr, $3  }
0x3a: {  	_ = 	snop  }
0x3b: {  	_ = 	snop  }
0x3c: {  	p2 =	seq.s32 s10, $0x1;
	s10 =	sld [smem:$0x3FB4]  }
0x3d: {  	_ =	shalt  }
0x3e: {  	_ =	shalt  }
0x3f: {  	_ =	shalt  }
0x40: {  	_ =	shalt  }
0x41: {  	_ =	shalt  }
0x42: {  	_ =	shalt  }
0x43: {  	_ =	shalt  }
0x44: {  	_ =	shalt  }
0x45: {  	_ =	shalt  }
0x46: {  	_ =	shalt  }
0x47: {  	_ =	shalt  }
0x48: {  	_ =	shalt  }
0x49: {  	_ =	shalt  }
0x4a: {  	_ =	shalt  }
0x4b: {  	_ =	shalt  }
0x4c: {  	_ =	shalt  }
0x4d: {  	_ =	shalt  }
0x4e: {  	_ =	shalt  }
0x4f: {  	_ =	shalt  }
0x50: {  	_ =	shalt  }
0x51: {  	_ =	shalt  }
0x52: {  	_ =	shalt  }
0x53: {  	_ =	shalt  }
0x54: {  	_ =	shalt  }
0x55: {  	_ =	shalt  }
0x56: {  	_ =	shalt  }
0x57: {  	_ =	shalt  }
0x58: {  	_ =	shalt  }
0x59: {  	_ =	shalt  }
0x5a: {  	_ =	shalt  }
0x5b: {  	_ =	shalt  }
0x5c: {  	_ =	shalt  }
0x5d: {  	_ =	shalt  }
0x5e: {  	_ =	shalt  }
0x5f: {  	_ =	shalt  }
0x60: {  	_ =	shalt  }
0x61: {  	_ =	shalt  }
0x62: {  	_ =	shalt  }
0x63: {  	_ =	shalt  }
0x64: {  	_ =	shalt  }
0x65: {  	_ =	shalt  }
0x66: {  	_ =	shalt  }
0x67: {  	_ =	shalt  }
0x68: {  	_ =	shalt  }
0x69: {  	_ =	shalt  }
0x6a: {  	_ =	shalt  }
0x6b: {  	_ =	shalt  }
0x6c: {  	_ =	shalt  }
0x6d: {  	_ =	shalt  }
0x6e: {  	_ =	shalt  }
0x6f: {  	_ =	shalt  }
0x70: {  	_ =	shalt  }
0x71: {  	_ =	shalt  }
0x72: {  	_ =	shalt  }
0x73: {  	_ =	shalt  }
0x74: {  	_ =	shalt  }
0x75: {  	_ =	shalt  }
0x76: {  	_ =	shalt  }
0x77: {  	_ =	shalt  }
0x78: {  	_ =	shalt  }
0x79: {  	_ =	shalt  }
0x7a: {  	_ =	shalt  }
0x7b: {  	_ =	shalt  }
0x7c: {  	_ =	shalt  }
0x7d: {  	_ =	shalt  }
0x7e: {  	_ =	shalt  }
0x7f: {  	_ =	shalt  }
0x80: {  	_ =	shalt  }
0x81: {  	_ =	shalt  }
0x82: {  	_ =	shalt  }
0x83: {  	_ =	shalt  }
0x84: {  	_ =	shalt  }
0x85: {  	_ =	shalt  }
0x86: {  	_ =	shalt  }
0x87: {  	_ =	shalt  }
.Lfunc_end0:
.L_simem_size_0:
called_computation.2_lowered:
.L_overlay_start_0:
0x88: {  	s2 =	sld [smem:$0x3FD9]  }
0x89: {  	s3 =	sld [smem:$0x3FFE];
	_ =	sdelay $0x1  }
0x8a: {  	s1 =	srdreg.scid  }
0x8b: {  	s0 =	sand.u32 $0x1, s1  }
0x8c: {  	s17 =	sshll.u32 s0, $0xA;
	s2 =	sadd.s32 s3, s2  }
0x8d: {  	s2 =	sadd.s32 s2, s17  }
0x8e: {  	[smem:$0x3FC0] =	sst s2  }
0x8f: {  	_ = 	snop  }
0x90: {  	s2 =	sld [smem:$0x3FD0];
	(tm) =	ssettm $0x1  }
0x91: {  	s18 =	sld [smem:$0x3FFB];
	_ =	sdelay $0x3  }
0x92: {  	_ =	strace s18  }
0x93: {  	s3 =	sld [smem:$0x3FFC];
	_ =	sdelay $0x3  }
0x94: {  	_ =	strace s3  }
0x95: {  	s3 =	sld [smem:$0x3FFD];
	_ =	sdelay $0x3  }
0x96: {  	_ =	strace s3  }
0x97: {  	_ =	strace $0x8FFFFFFF  }
0x98: {  	s19 =	sld [smem:$0x3FDB];
	_ =	sdelay $0x1  }
0x99: {  	s4 =	simm.s32 $_scs_section_size  }
0x9a: {  	s5 =	simm.s32 $_size__tile_overlayer_lowered;
	s6 =	simm.s32 $_tile_overlayer_lowered  }
0x9b: {  	s22 =	simm.s32 $0x1BFF;
	s21 =	sshll.u32 s6, $0x1;
	s3 =	sadd.s32 s4, s19  }
0x9c: {  	s7 =	simm.s32 $0x0;
	s20 =	sshll.u32 s5, $0x1;
	s5 =	sadd.s32 s21, s3  }
0x9d: {  	[timem:s7], [sflag:s22] =	dma.local [hbm:s5], s20  }
0x9e: {  	_ =	swait.ge [sflag:s22], s20  }
0x9f: {  	s4 =	ssub.s32 $0x0, s20;
	[sflag:s22] =	ssyncset.done $0x0  }
0xa0: {  	[sflag:s22] =	ssyncadd.s32 s4;
	_ =	sdelay $0x1  }
0xa1: {  	s23 =	simm.s32 $0x1B8B  }
0xa2: {  	_ =	swait.ge [sflag:s23], $0x1  }
0xa3: {  	[sflag:s23] =	ssyncset.done $0x0  }
0xa4: {  	s25 =	simm.s32 $0x1B8E;
	s24 =	sld [smem:$0x3FFE];
	[sflag:s23] =	ssyncadd.s32 $0xFFFFFFFF  }
0xa5: {  	s26 =	simm.s32 $execute0_lowered;
	[smem:$0x3FD2] =	sst s25  }
0xa6: {  	s5 =	sshll.u32 s26, $0x1;
	_ =	strace $0x8000004C;
	[dreg:$0x1] =	wrdreg $0xFFFFFFFF  }
0xa7: {  	s28 =	simm.s32 $_size_execute0_lowered;
	s3 =	sadd.s32 s3, s5;
	[dreg:$0x0] =	wrdreg $0x0  }
0xa8: {  	s5 =	sshll.u32 s28, $0x1;
	[dreg:$0x2] =	wrdreg s3  }
0xa9: {  	[dreg:$0x3] =	wrdreg s5  }
0xaa: {  	[dreg:$0x4] =	wrdreg $0xC0  }
0xab: {  	_ =	task [dreg:s7], $0x5FFFF  }
0xac: {  	[dreg:$0x1] =	wrdreg $0xFFFFFFFF  }
0xad: {  	[dreg:$0x0] =	wrdreg $0x60  }
0xae: {  	[dreg:$0x2] =	wrdreg s2  }
0xaf: {  	[dreg:$0x3] =	wrdreg s24  }
0xb0: {  	[dreg:$0x4] =	wrdreg $0x0  }
0xb1: {  	[dreg:$0x5] =	wrdreg $0x9  }
0xb2: {  	_ =	task.clear_ibuf [dreg:s7], $0x6FFFF;
	_ =	strace $0x9000004C  }
0xb3: {  	s29 =	simm.s32 $0x9;
	_ =	strace $0x8000004E  }
0xb4: {  	_ =	swait.ge [sflag:s29], $0x1  }
0xb5: {  	[sflag:s29] =	ssyncadd.s32 $0xFFFFFFFF  }
0xb6: {  	_ =	strace $0x9000004E  }
0xb7: {  	_ =	sfence  }
0xb8: {  	s30 =	sld [smem:$0x0];
	_ =	sdelay $0x2  }
0xb9: {  	s31 =	sshll.u32 s1, $0xD;
	s1 =	sshrl.u32 s1, $0x2  }
0xba: {  	s3 =	sand.u32 $0x4000, s31;
	s1 =	sadd.s32 s1, s30  }
0xbb: {  	s0 =	sor.u32 s3, s0;
	s1 =	sshll.u32 s1, $0x11  }
0xbc: {  	s0 =	sor.u32 s1, s0  }
0xbd: {  	s0 =	sadd.s32 $0x8F2B, s0  }
0xbe: {  	[sflag:s0] =	ssyncadd.remote.s32 $0x1  }
0xbf: {  	_ =	sfence.sel $0xFFFF  }
0xc0: {  	[dreg:$0x0] =	wrdreg $0xFFFFFFFF;
	(pc) =	sbr.abs _section_cstart, $3  }
0xc1: {  	[dreg:$0x1] =	wrdreg $0xFFFFFFFF  }
0xc2: {  	_ =	task.clear_ibuf [dreg:s7], $0x2FFFF;
	_ =	strace $0x9FFFFFFF  }
0xc3: {  	(tm) =	ssettm $0x7FFFFFFF  }
tec
execute0_lowered:
.L_overlay_start_1:
0x0: {  	(tag) =	ssettag $0x1  }
0x1: {  	s1 =	rddreg [dreg:$0x0]  }
0x2: {  	s0 =	rddreg [dreg:$0x1]  }
0x3: {  	s3 =	rddreg [dreg:$0x2]  }
0x4: {  	s2 =	srdreg.scid;
	s19 =	stileid.u32  }
0x5: {  	s23 =	simm.s32 $0x0;
	s29 =	simm.s32 $0x3;
	s30 =	simm.s32 $0x4  }
0x6: {  	s28 =	simm.s32 $0x13C00;
	s31 =	simm.s32 $0x13E00;
	s8 =	smul.u32 $0x7800, s19  }
0x7: {  	s2 =	sand.u32 $0x1, s2;
	[smem:$0x7FF] =	sst s23;
	s26 =	smul.u32 $0x1E000, s19  }
0x8: {  	s4 =	smul.u32 $0x78000, s2;
	s5 =	sshll.u32 s2, $0x4;
	_ =	strace $0x8000004D  }
0x9: {  	s2 =	ssub.s32 $0x2, s2;
	s7 =	sor.u32 s19, s5;
	s5 =	sadd.s32 $0x2800, s0  }
0xa: {  	s25 =	sshrl.u32 s2, $0x1;
	s4 =	sadd.s32 s8, s4;
	s6 =	smul.u32 $0x13, s7  }
0xb: {  	s9 =	smin.u32 s7, $0x11;
	p0 =	slt.u32 s7, $0x11;
	s7 =	simm.s32 $0x14  }
0xc: {  	s2 =	ssub.s32 s2, s25;
	s8 =	sadd.s32 s8, s3;
	s4 =	sshrl.u32 s4, $0x3  }
0xd: {  	s7 =	simm.s32 @!p0 $0x13;
	s2 =	smax.u32 s2, $0x1;
	s0 =	sadd.s32 s4, s0  }
0xe: {  	s6 =	sadd.s32 s9, s6;
	s10 =	sadd.s32 $0xFFFFFFFE, s7;
	s11 =	sadd.s32 $0xFFFFFFFD, s7  }
0xf: {  	s12 =	sadd.s32 $0xFFFFFFFC, s7;
	s13 =	sadd.s32 $0xFFFFFFFB, s7;
	s14 =	sadd.s32 $0xFFFFFFFA, s7  }
0x10: {  	[dreg:$0x8] =	wrdreg s2;
	s24 =	sshll.u32 s6, $0x7;
	s0 =	sadd.s32 $0x16400, s0  }
0x11: {  	s15 =	sadd.s32 $0xFFFFFFF9, s7;
	s4 =	sadd.s32 s5, s24;
	[dreg:$0x7] =	wrdreg s0  }
0x12: {  	s16 =	sadd.s32 $0xFFFFFFF7, s7;
	[dreg:$0x5] =	wrdreg s4;
	s4 =	sadd.s32 $0x200, s4  }
0x13: {  	s0 =	sshrl.u32 s8, $0x3;
	[dreg:$0x6] =	wrdreg s4;
	s4 =	sshrl.u32 s26, $0x2  }
0x14: {  	s17 =	sadd.s32 $0xFFFFFFF6, s7;
	[dreg:$0xa] =	wrdreg s0;
	s9 =	sadd.s32 s4, s3  }
0x15: {  	s18 =	sadd.s32 $0xFFFFFFF5, s7;
	s22 =	sadd.s32 $0x1800, s9;
	[dreg:$0x9] =	wrdreg s9  }
0x16: {  	s19 =	sadd.s32 $0xFFFFFFF3, s7;
	s24 =	sadd.s32 $0x3000, s9;
	[dreg:$0xb] =	wrdreg s22  }
0x17: {  	s20 =	sadd.s32 $0xFFFFFFF2, s7;
	s25 =	sadd.s32 $0x4800, s9;
	[dreg:$0xc] =	wrdreg s24  }
0x18: {  	s21 =	sadd.s32 $0xFFFFFFF1, s7;
	s26 =	sadd.s32 $0x6000, s9;
	[dreg:$0xd] =	wrdreg s25  }
0x19: {  	s2 =	simm.s32 $0x2;
	s8 =	simm.s32 $0x200;
	[dreg:$0xe] =	wrdreg s26  }
0x1a: {  	v0 =	vimm.f32 $0.0e+00;
	s25 =	simm.s32 $0x7800;
	s22 =	simm.s32 $0x1;
	s26 =	simm.s32 $0xD800  }
.LBB2_1:
0x1b: {  	[dreg:$0x4] =	wrdreg s23;
	s4 =	simm.s32 $0xC0;
	s9 =	simm.s32 $0x0  }
.LBB2_2:
0x1c: {  	p0 =	sne.s32 s4, $0x5F40;
	[tilespmem:s9+$0x7820] =	vst v0;
	s24 =	smov.u32 s4;
	s4 =	sadd.s32 $0xC0, s4  }
.Ltmp0:
0x1d: {  	[tilespmem:s9+$0x7800] =	vst v0;
	(pc) =	sbr.rel @p0 .LBB2_2-.Ltmp0, $2  }
0x1e: {  	[tilespmem:s9+$0x7810] =	vst v0;
	_ =	sdelay $0x2  }
0x1f: {  	s9 =	sshra.s32 s24, $0x2  }
0x20: {  	[tilespmem:s9+$0x7820] =	vst v0  }
0x21: {  	[tilespmem:s9+$0x7800] =	vst v0  }
0x22: {  	[tilespmem:s9+$0x7810] =	vst v0;
	s0 =	rddreg [dreg:$0x9];
	s4 =	simm.s32 $0x9  }
0x23: {  	[spmem:s0] =	stream.linear.scatter [tilespmem:s25], [sflag:$0x9], $0x1800, $0x38;
	[tilespmem:$0x17800] =	vst v63  }
0x24: {  	_ =	swait.ge [sflag:s4], $0x1800  }
0x25: {  	[sflag:s4] =	ssyncset.done $0x0  }
0x26: {  	s9 =	rddreg [dreg:$0xb];
	[sflag:s4] =	ssyncadd.s32 $0xFFFFE800  }
0x27: {  	[spmem:s9] =	stream.linear.scatter [tilespmem:s25], [sflag:$0x9], $0x1800, $0x38;
	[tilespmem:$0x17800] =	vst v63  }
0x28: {  	_ =	swait.ge [sflag:s4], $0x1800  }
0x29: {  	[sflag:s4] =	ssyncset.done $0x0  }
0x2a: {  	s23 =	rddreg [dreg:$0xc];
	[sflag:s4] =	ssyncadd.s32 $0xFFFFE800  }
0x2b: {  	[spmem:s23] =	stream.linear.scatter [tilespmem:s25], [sflag:$0x9], $0x1800, $0x38;
	[tilespmem:$0x17800] =	vst v63  }
0x2c: {  	_ =	swait.ge [sflag:s4], $0x1800  }
0x2d: {  	[sflag:s4] =	ssyncset.done $0x0  }
0x2e: {  	s24 =	rddreg [dreg:$0xd];
	[sflag:s4] =	ssyncadd.s32 $0xFFFFE800  }
0x2f: {  	[spmem:s24] =	stream.linear.scatter [tilespmem:s25], [sflag:$0x9], $0x1800, $0x38;
	[tilespmem:$0x17800] =	vst v63  }
0x30: {  	_ =	swait.ge [sflag:s4], $0x1800  }
0x31: {  	[sflag:s4] =	ssyncset.done $0x0  }
0x32: {  	s9 =	rddreg [dreg:$0xe];
	[sflag:s4] =	ssyncadd.s32 $0xFFFFE800  }
0x33: {  	[spmem:s9] =	stream.linear.scatter [tilespmem:s25], [sflag:$0x9], $0x1800, $0x38;
	[tilespmem:$0x17800] =	vst v63  }
0x34: {  	_ =	swait.ge [sflag:s4], $0x1800  }
0x35: {  	[sflag:s4] =	ssyncset.done $0x0  }
0x36: {  	[sflag:s4] =	ssyncadd.s32 $0xFFFFE800  }
0x37: {  	[bflag:$0x0] =	sbarrier.arrive $0xFFFF  }
0x38: {  	s24 =	simm.s32 $0x0;
	s4 =	simm.s32 $0x13800;
	s23 =	rddreg [dreg:$0x5]  }
0x39: {  	[tilespmem:s4], [sflag:$0x5] =	stream.linear.gather [hbm4b:s23+s24], $0x1000, $0x38;
	[tilespmem:$0x17800] =	vst v63  }
0x3a: {  	s9 =	rddreg [dreg:$0x6];
	s23 =	simm.s32 $0x14800  }
0x3b: {  	[tilespmem:s23], [sflag:$0x6] =	stream.linear.gather [hbm4b:s9+s24], $0x1000, $0x38;
	[tilespmem:$0x17800] =	vst v63  }
0x3c: {  	s23 =	simm.s32 $0x5  }
0x3d: {  	_ =	swait.ge [sflag:s23], $0x1000  }
0x3e: {  	[sflag:s23] =	ssyncset.done $0x0  }
0x3f: {  	[sflag:s23] =	ssyncadd.s32 $0xFFFFF000  }
0x40: {  	[tilespmem:s25], [sflag:$0x1] =	stream.indirect.gather [hbm4b:s1+s8], $0x30, s4, s8, $0xb8;
	[tilespmem:$0x17800] =	vst v63  }
0x41: {  	p0 =	por $0x1, $0x1;
	s25 =	simm.s32 $0x13A00  }
.LBB2_4:
0x42: {  	_ =	swait.ge [sflag:s22], $0x6000;
	s4 =	sadd.s32 $0xFFFFFFFF, s24  }
0x43: {  	[sflag:s22] =	ssyncset.done $0x0;
	p1 =	sge.u32 s4, s7  }
0x44: {  	s0 =	simm.s32 $0x7800;
	[sflag:s22] =	ssyncadd.s32 $0xFFFFA000;
	s4 =	simm.s32 @!p1 $0x4  }
0x45: {  	[spmem:s3] =	stream.indirect.scatter.add.f32 [tilespmem:s0], [sflag:$0x3], $0x30, s25, s8, $0xb8;
	[tilespmem:$0x17800] =	vst v63  }
0x46: {  	_ =	swait.ge @!p1 [sflag:s4], $0x6000  }
0x47: {  	[sflag:s4] =	ssyncset.done @!p1 $0x0  }
0x48: {  	[sflag:s4] =	ssyncadd.s32 @!p1 $0xFFFFA000  }
0x49: {  	[tilespmem:s26], [sflag:$0x2] =	stream.indirect.gather [hbm4b:s1+s8], $0x30, s28, s8, $0xb8;
	[tilespmem:$0x17800] =	vst v63  }
0x4a: {  	_ =	swait.ge [sflag:s2], $0x6000  }
0x4b: {  	[sflag:s2] =	ssyncset.done $0x0  }
0x4c: {  	[sflag:s2] =	ssyncadd.s32 $0xFFFFA000  }
0x4d: {  	[spmem:s3] =	stream.indirect.scatter.add.f32 [tilespmem:s26], [sflag:$0x4], $0x30, s31, s8, $0xb8;
	[tilespmem:$0x17800] =	vst v63  }
0x4e: {  	p1 =	sge.u32 s24, s10;
	_ =	swait.ge [sflag:s29], $0x6000  }
0x4f: {  	s4 =	simm.s32 @!p1 $0x200;
	[sflag:s29] =	ssyncset.done $0x0  }
0x50: {  	s9 =	simm.s32 @!p1 $0x14000;
	s0 =	simm.s32 @!p1 $0x7800;
	[sflag:s29] =	ssyncadd.s32 $0xFFFFA000  }
0x51: {  	[tilespmem:s0], [sflag:$0x1] =	stream.indirect.gather @!p1 [hbm4b:s1+s4], $0x30, s9, s4, $0xb8;
	[tilespmem:$0x17800] =	vst v63  }
0x52: {  	s9 =	simm.s32 @!p1 $0x1  }
0x53: {  	_ =	swait.ge @!p1 [sflag:s9], $0x6000  }
0x54: {  	[sflag:s9] =	ssyncset.done @!p1 $0x0  }
0x55: {  	[sflag:s9] =	ssyncadd.s32 @!p1 $0xFFFFA000;
	s9 =	simm.s32 @!p1 $0x14200  }
0x56: {  	[spmem:s3] =	stream.indirect.scatter.add.f32 @!p1 [tilespmem:s0], [sflag:$0x3], $0x30, s9, s4, $0xb8;
	[tilespmem:$0x17800] =	vst v63  }
0x57: {  	p3 =	sge.u32 s24, s11;
	_ =	swait.ge [sflag:s30], $0x6000  }
0x58: {  	s0 =	simm.s32 @!p3 $0x200;
	[sflag:s30] =	ssyncset.done $0x0  }
0x59: {  	s4 =	simm.s32 @!p3 $0x14400;
	s9 =	simm.s32 @!p3 $0xD800;
	[sflag:s30] =	ssyncadd.s32 $0xFFFFA000  }
0x5a: {  	[tilespmem:s9], [sflag:$0x2] =	stream.indirect.gather @!p3 [hbm4b:s1+s0], $0x30, s4, s0, $0xb8;
	[tilespmem:$0x17800] =	vst v63  }
0x5b: {  	s4 =	simm.s32 @!p3 $0x2  }
0x5c: {  	_ =	swait.ge @!p3 [sflag:s4], $0x6000  }
0x5d: {  	[sflag:s4] =	ssyncset.done @!p3 $0x0  }
0x5e: {  	[sflag:s4] =	ssyncadd.s32 @!p3 $0xFFFFA000;
	s4 =	simm.s32 @!p3 $0x14600  }
0x5f: {  	[spmem:s3] =	stream.indirect.scatter.add.f32 @!p3 [tilespmem:s9], [sflag:$0x4], $0x30, s4, s0, $0xb8;
	[tilespmem:$0x17800] =	vst v63  }
0x60: {  	s0 =	simm.s32 @!p1 $0x3  }
0x61: {  	_ =	swait.ge @!p1 [sflag:s0], $0x6000  }
0x62: {  	p2 =	sge.u32 s24, s12;
	s4 =	sor.u32 $0x8, s24;
	[sflag:s0] =	ssyncset.done @!p1 $0x0  }
0x63: {  	[sflag:s0] =	ssyncadd.s32 @!p1 $0xFFFFA000;
	s0 =	simm.s32 @!p2 $0x6;
	p1 =	sge.u32 s4, s7  }
0x64: {  	_ =	swait.ge @!p2 [sflag:s0], $0x1000;
	s4 =	sadd.s32 @!p1 s6, s4  }
0x65: {  	[sflag:s0] =	ssyncset.done @!p2 $0x0;
	s4 =	sshll.u32 @!p1 s4, $0x7  }
0x66: {  	[sflag:s0] =	ssyncadd.s32 @!p2 $0xFFFFF000;
	s0 =	sand.u32 @!p1 $0x1FFFFF80, s4  }
0x67: {  	s9 =	simm.s32 @!p1 $0x15800;
	s4 =	simm.s32 @!p1 $0x0;
	s0 =	sadd.s32 @!p1 s5, s0  }
0x68: {  	[tilespmem:s9], [sflag:$0x7] =	stream.linear.gather @!p1 [hbm4b:s0+s4], $0x1000, $0x38;
	[tilespmem:$0x17800] =	vst v63  }
0x69: {  	s23 =	simm.s32 @!p2 $0x7800;
	s0 =	simm.s32 @!p2 $0x200;
	s4 =	simm.s32 @!p2 $0x14800  }
0x6a: {  	[tilespmem:s23], [sflag:$0x1] =	stream.indirect.gather @!p2 [hbm4b:s1+s0], $0x30, s4, s0, $0xb8;
	[tilespmem:$0x17800] =	vst v63  }
0x6b: {  	s4 =	simm.s32 @!p2 $0x1  }
0x6c: {  	_ =	swait.ge @!p2 [sflag:s4], $0x6000  }
0x6d: {  	[sflag:s4] =	ssyncset.done @!p2 $0x0  }
0x6e: {  	[sflag:s4] =	ssyncadd.s32 @!p2 $0xFFFFA000;
	s4 =	simm.s32 @!p2 $0x14A00  }
0x6f: {  	[spmem:s3] =	stream.indirect.scatter.add.f32 @!p2 [tilespmem:s23], [sflag:$0x3], $0x30, s4, s0, $0xb8;
	[tilespmem:$0x17800] =	vst v63  }
0x70: {  	s0 =	simm.s32 @!p3 $0x4  }
0x71: {  	_ =	swait.ge @!p3 [sflag:s0], $0x6000  }
0x72: {  	[sflag:s0] =	ssyncset.done @!p3 $0x0  }
0x73: {  	[sflag:s0] =	ssyncadd.s32 @!p3 $0xFFFFA000;
	p3 =	sge.u32 s24, s13  }
0x74: {  	s0 =	simm.s32 @!p3 $0x200;
	s4 =	simm.s32 @!p3 $0x14C00;
	s23 =	simm.s32 @!p3 $0xD800  }
0x75: {  	[tilespmem:s23], [sflag:$0x2] =	stream.indirect.gather @!p3 [hbm4b:s1+s0], $0x30, s4, s0, $0xb8;
	[tilespmem:$0x17800] =	vst v63  }
0x76: {  	s4 =	simm.s32 @!p3 $0x2  }
0x77: {  	_ =	swait.ge @!p3 [sflag:s4], $0x6000  }
0x78: {  	[sflag:s4] =	ssyncset.done @!p3 $0x0  }
0x79: {  	[sflag:s4] =	ssyncadd.s32 @!p3 $0xFFFFA000;
	s4 =	simm.s32 @!p3 $0x14E00  }
0x7a: {  	[spmem:s3] =	stream.indirect.scatter.add.f32 @!p3 [tilespmem:s23], [sflag:$0x4], $0x30, s4, s0, $0xb8;
	[tilespmem:$0x17800] =	vst v63  }
0x7b: {  	s0 =	simm.s32 @!p2 $0x3  }
0x7c: {  	_ =	swait.ge @!p2 [sflag:s0], $0x6000  }
0x7d: {  	[sflag:s0] =	ssyncset.done @!p2 $0x0  }
0x7e: {  	[sflag:s0] =	ssyncadd.s32 @!p2 $0xFFFFA000;
	p2 =	sge.u32 s24, s14  }
0x7f: {  	s0 =	simm.s32 @!p2 $0x200;
	s4 =	simm.s32 @!p2 $0x15000;
	s23 =	simm.s32 @!p2 $0x7800  }
0x80: {  	[tilespmem:s23], [sflag:$0x1] =	stream.indirect.gather @!p2 [hbm4b:s1+s0], $0x30, s4, s0, $0xb8;
	[tilespmem:$0x17800] =	vst v63  }
0x81: {  	s4 =	simm.s32 @!p2 $0x1  }
0x82: {  	_ =	swait.ge @!p2 [sflag:s4], $0x6000  }
0x83: {  	[sflag:s4] =	ssyncset.done @!p2 $0x0  }
0x84: {  	[sflag:s4] =	ssyncadd.s32 @!p2 $0xFFFFA000;
	s4 =	simm.s32 @!p2 $0x15200  }
0x85: {  	[spmem:s3] =	stream.indirect.scatter.add.f32 @!p2 [tilespmem:s23], [sflag:$0x3], $0x30, s4, s0, $0xb8;
	[tilespmem:$0x17800] =	vst v63  }
0x86: {  	s0 =	simm.s32 @!p3 $0x4  }
0x87: {  	_ =	swait.ge @!p3 [sflag:s0], $0x6000  }
0x88: {  	[sflag:s0] =	ssyncset.done @!p3 $0x0  }
0x89: {  	[sflag:s0] =	ssyncadd.s32 @!p3 $0xFFFFA000;
	p3 =	sge.u32 s24, s15  }
0x8a: {  	s0 =	simm.s32 @!p3 $0x200;
	s4 =	simm.s32 @!p3 $0x15400;
	s23 =	simm.s32 @!p3 $0xD800  }
0x8b: {  	[tilespmem:s23], [sflag:$0x2] =	stream.indirect.gather @!p3 [hbm4b:s1+s0], $0x30, s4, s0, $0xb8;
	[tilespmem:$0x17800] =	vst v63  }
0x8c: {  	s4 =	simm.s32 @!p3 $0x2  }
0x8d: {  	_ =	swait.ge @!p3 [sflag:s4], $0x6000  }
0x8e: {  	[sflag:s4] =	ssyncset.done @!p3 $0x0  }
0x8f: {  	[sflag:s4] =	ssyncadd.s32 @!p3 $0xFFFFA000;
	s4 =	simm.s32 @!p3 $0x15600  }
0x90: {  	[spmem:s3] =	stream.indirect.scatter.add.f32 @!p3 [tilespmem:s23], [sflag:$0x4], $0x30, s4, s0, $0xb8;
	[tilespmem:$0x17800] =	vst v63  }
0x91: {  	s0 =	simm.s32 @!p2 $0x3  }
0x92: {  	_ =	swait.ge @!p2 [sflag:s0], $0x6000  }
0x93: {  	s4 =	sor.u32 $0xC, s24;
	[sflag:s0] =	ssyncset.done @!p2 $0x0  }
0x94: {  	[sflag:s0] =	ssyncadd.s32 @!p2 $0xFFFFA000;
	s0 =	simm.s32 @!p1 $0x7;
	p2 =	sge.u32 s4, s7  }
0x95: {  	_ =	swait.ge @!p1 [sflag:s0], $0x1000;
	s4 =	sadd.s32 @!p2 s6, s4  }
0x96: {  	[sflag:s0] =	ssyncset.done @!p1 $0x0;
	s4 =	sshll.u32 @!p2 s4, $0x7  }
0x97: {  	[sflag:s0] =	ssyncadd.s32 @!p1 $0xFFFFF000;
	s0 =	sand.u32 @!p2 $0x1FFFFF80, s4  }
0x98: {  	s23 =	simm.s32 @!p2 $0x0;
	s4 =	simm.s32 @!p2 $0x16800;
	s0 =	sadd.s32 @!p2 s5, s0  }
0x99: {  	[tilespmem:s4], [sflag:$0x8] =	stream.linear.gather @!p2 [hbm4b:s0+s23], $0x1000, $0x38;
	[tilespmem:$0x17800] =	vst v63  }
0x9a: {  	s0 =	simm.s32 @!p1 $0x200;
	s23 =	simm.s32 @!p1 $0x7800  }
0x9b: {  	[tilespmem:s23], [sflag:$0x1] =	stream.indirect.gather @!p1 [hbm4b:s1+s0], $0x30, s9, s0, $0xb8;
	[tilespmem:$0x17800] =	vst v63  }
0x9c: {  	s9 =	simm.s32 @!p1 $0x1  }
0x9d: {  	_ =	swait.ge @!p1 [sflag:s9], $0x6000  }
0x9e: {  	[sflag:s9] =	ssyncset.done @!p1 $0x0  }
0x9f: {  	[sflag:s9] =	ssyncadd.s32 @!p1 $0xFFFFA000;
	s9 =	simm.s32 @!p1 $0x15A00  }
0xa0: {  	[spmem:s3] =	stream.indirect.scatter.add.f32 @!p1 [tilespmem:s23], [sflag:$0x3], $0x30, s9, s0, $0xb8;
	[tilespmem:$0x17800] =	vst v63  }
0xa1: {  	s0 =	simm.s32 @!p3 $0x4  }
0xa2: {  	_ =	swait.ge @!p3 [sflag:s0], $0x6000  }
0xa3: {  	[sflag:s0] =	ssyncset.done @!p3 $0x0  }
0xa4: {  	[sflag:s0] =	ssyncadd.s32 @!p3 $0xFFFFA000;
	p3 =	sge.u32 s24, s16  }
0xa5: {  	s0 =	simm.s32 @!p3 $0x200;
	s9 =	simm.s32 @!p3 $0x15C00;
	s23 =	simm.s32 @!p3 $0xD800  }
0xa6: {  	[tilespmem:s23], [sflag:$0x2] =	stream.indirect.gather @!p3 [hbm4b:s1+s0], $0x30, s9, s0, $0xb8;
	[tilespmem:$0x17800] =	vst v63  }
0xa7: {  	s9 =	simm.s32 @!p3 $0x2  }
0xa8: {  	_ =	swait.ge @!p3 [sflag:s9], $0x6000  }
0xa9: {  	[sflag:s9] =	ssyncset.done @!p3 $0x0  }
0xaa: {  	[sflag:s9] =	ssyncadd.s32 @!p3 $0xFFFFA000;
	s9 =	simm.s32 @!p3 $0x15E00  }
0xab: {  	[spmem:s3] =	stream.indirect.scatter.add.f32 @!p3 [tilespmem:s23], [sflag:$0x4], $0x30, s9, s0, $0xb8;
	[tilespmem:$0x17800] =	vst v63  }
0xac: {  	s0 =	simm.s32 @!p1 $0x3  }
0xad: {  	_ =	swait.ge @!p1 [sflag:s0], $0x6000  }
0xae: {  	[sflag:s0] =	ssyncset.done @!p1 $0x0  }
0xaf: {  	[sflag:s0] =	ssyncadd.s32 @!p1 $0xFFFFA000;
	p1 =	sge.u32 s24, s17  }
0xb0: {  	s0 =	simm.s32 @!p1 $0x200;
	s9 =	simm.s32 @!p1 $0x16000;
	s23 =	simm.s32 @!p1 $0x7800  }
0xb1: {  	[tilespmem:s23], [sflag:$0x1] =	stream.indirect.gather @!p1 [hbm4b:s1+s0], $0x30, s9, s0, $0xb8;
	[tilespmem:$0x17800] =	vst v63  }
0xb2: {  	s9 =	simm.s32 @!p1 $0x1  }
0xb3: {  	_ =	swait.ge @!p1 [sflag:s9], $0x6000  }
0xb4: {  	[sflag:s9] =	ssyncset.done @!p1 $0x0  }
0xb5: {  	[sflag:s9] =	ssyncadd.s32 @!p1 $0xFFFFA000;
	s9 =	simm.s32 @!p1 $0x16200  }
0xb6: {  	[spmem:s3] =	stream.indirect.scatter.add.f32 @!p1 [tilespmem:s23], [sflag:$0x3], $0x30, s9, s0, $0xb8;
	[tilespmem:$0x17800] =	vst v63  }
0xb7: {  	s0 =	simm.s32 @!p3 $0x4  }
0xb8: {  	_ =	swait.ge @!p3 [sflag:s0], $0x6000  }
0xb9: {  	[sflag:s0] =	ssyncset.done @!p3 $0x0  }
0xba: {  	[sflag:s0] =	ssyncadd.s32 @!p3 $0xFFFFA000;
	p3 =	sge.u32 s24, s18  }
0xbb: {  	s0 =	simm.s32 @!p3 $0x200;
	s9 =	simm.s32 @!p3 $0x16400;
	s23 =	simm.s32 @!p3 $0xD800  }
0xbc: {  	[tilespmem:s23], [sflag:$0x2] =	stream.indirect.gather @!p3 [hbm4b:s1+s0], $0x30, s9, s0, $0xb8;
	[tilespmem:$0x17800] =	vst v63  }
0xbd: {  	s9 =	simm.s32 @!p3 $0x2  }
0xbe: {  	_ =	swait.ge @!p3 [sflag:s9], $0x6000  }
0xbf: {  	[sflag:s9] =	ssyncset.done @!p3 $0x0  }
0xc0: {  	[sflag:s9] =	ssyncadd.s32 @!p3 $0xFFFFA000;
	s9 =	simm.s32 @!p3 $0x16600  }
0xc1: {  	[spmem:s3] =	stream.indirect.scatter.add.f32 @!p3 [tilespmem:s23], [sflag:$0x4], $0x30, s9, s0, $0xb8;
	[tilespmem:$0x17800] =	vst v63  }
0xc2: {  	s0 =	simm.s32 @!p1 $0x3  }
0xc3: {  	_ =	swait.ge @!p1 [sflag:s0], $0x6000  }
0xc4: {  	s9 =	sadd.s32 $0x10, s24;
	[sflag:s0] =	ssyncset.done @!p1 $0x0  }
0xc5: {  	[sflag:s0] =	ssyncadd.s32 @!p1 $0xFFFFA000;
	s0 =	simm.s32 @!p2 $0x8;
	p1 =	sge.u32 s9, s7  }
0xc6: {  	_ =	swait.ge @!p2 [sflag:s0], $0x1000;
	s9 =	sadd.s32 @!p1 s6, s9  }
0xc7: {  	[sflag:s0] =	ssyncset.done @!p2 $0x0;
	s9 =	sshll.u32 @!p1 s9, $0x7  }
0xc8: {  	[sflag:s0] =	ssyncadd.s32 @!p2 $0xFFFFF000;
	s0 =	sand.u32 @!p1 $0x1FFFFF80, s9  }
0xc9: {  	s23 =	simm.s32 @!p1 $0x0;
	s9 =	simm.s32 @!p1 $0x13800;
	s0 =	sadd.s32 @!p1 s5, s0  }
0xca: {  	[tilespmem:s9], [sflag:$0x5] =	stream.linear.gather @!p1 [hbm4b:s0+s23], $0x1000, $0x38;
	[tilespmem:$0x17800] =	vst v63  }
0xcb: {  	s0 =	simm.s32 @!p2 $0x200;
	s23 =	simm.s32 @!p2 $0x7800  }
0xcc: {  	[tilespmem:s23], [sflag:$0x1] =	stream.indirect.gather @!p2 [hbm4b:s1+s0], $0x30, s4, s0, $0xb8;
	[tilespmem:$0x17800] =	vst v63  }
0xcd: {  	s4 =	simm.s32 @!p2 $0x1  }
0xce: {  	_ =	swait.ge @!p2 [sflag:s4], $0x6000  }
0xcf: {  	[sflag:s4] =	ssyncset.done @!p2 $0x0  }
0xd0: {  	[sflag:s4] =	ssyncadd.s32 @!p2 $0xFFFFA000;
	s4 =	simm.s32 @!p2 $0x16A00  }
0xd1: {  	[spmem:s3] =	stream.indirect.scatter.add.f32 @!p2 [tilespmem:s23], [sflag:$0x3], $0x30, s4, s0, $0xb8;
	[tilespmem:$0x17800] =	vst v63  }
0xd2: {  	s0 =	simm.s32 @!p3 $0x4  }
0xd3: {  	_ =	swait.ge @!p3 [sflag:s0], $0x6000  }
0xd4: {  	[sflag:s0] =	ssyncset.done @!p3 $0x0  }
0xd5: {  	[sflag:s0] =	ssyncadd.s32 @!p3 $0xFFFFA000;
	p3 =	sge.u32 s24, s19  }
0xd6: {  	s0 =	simm.s32 @!p3 $0x200;
	s4 =	simm.s32 @!p3 $0x16C00;
	s23 =	simm.s32 @!p3 $0xD800  }
0xd7: {  	[tilespmem:s23], [sflag:$0x2] =	stream.indirect.gather @!p3 [hbm4b:s1+s0], $0x30, s4, s0, $0xb8;
	[tilespmem:$0x17800] =	vst v63  }
0xd8: {  	s4 =	simm.s32 @!p3 $0x2  }
0xd9: {  	_ =	swait.ge @!p3 [sflag:s4], $0x6000  }
0xda: {  	[sflag:s4] =	ssyncset.done @!p3 $0x0  }
0xdb: {  	[sflag:s4] =	ssyncadd.s32 @!p3 $0xFFFFA000;
	s4 =	simm.s32 @!p3 $0x16E00  }
0xdc: {  	[spmem:s3] =	stream.indirect.scatter.add.f32 @!p3 [tilespmem:s23], [sflag:$0x4], $0x30, s4, s0, $0xb8;
	[tilespmem:$0x17800] =	vst v63  }
0xdd: {  	s0 =	simm.s32 @!p2 $0x3  }
0xde: {  	_ =	swait.ge @!p2 [sflag:s0], $0x6000  }
0xdf: {  	[sflag:s0] =	ssyncset.done @!p2 $0x0  }
0xe0: {  	[sflag:s0] =	ssyncadd.s32 @!p2 $0xFFFFA000;
	p2 =	sge.u32 s24, s20  }
0xe1: {  	s0 =	simm.s32 @!p2 $0x200;
	s4 =	simm.s32 @!p2 $0x17000;
	s23 =	simm.s32 @!p2 $0x7800  }
0xe2: {  	[tilespmem:s23], [sflag:$0x1] =	stream.indirect.gather @!p2 [hbm4b:s1+s0], $0x30, s4, s0, $0xb8;
	[tilespmem:$0x17800] =	vst v63  }
0xe3: {  	s4 =	simm.s32 @!p2 $0x1  }
0xe4: {  	_ =	swait.ge @!p2 [sflag:s4], $0x6000  }
0xe5: {  	[sflag:s4] =	ssyncset.done @!p2 $0x0  }
0xe6: {  	[sflag:s4] =	ssyncadd.s32 @!p2 $0xFFFFA000;
	s4 =	simm.s32 @!p2 $0x17200  }
0xe7: {  	[spmem:s3] =	stream.indirect.scatter.add.f32 @!p2 [tilespmem:s23], [sflag:$0x3], $0x30, s4, s0, $0xb8;
	[tilespmem:$0x17800] =	vst v63  }
0xe8: {  	s0 =	simm.s32 @!p3 $0x4  }
0xe9: {  	_ =	swait.ge @!p3 [sflag:s0], $0x6000  }
0xea: {  	[sflag:s0] =	ssyncset.done @!p3 $0x0  }
0xeb: {  	[sflag:s0] =	ssyncadd.s32 @!p3 $0xFFFFA000;
	p3 =	sge.u32 s24, s21  }
0xec: {  	s0 =	simm.s32 @!p3 $0x200;
	s4 =	simm.s32 @!p3 $0x17400;
	s23 =	simm.s32 @!p3 $0xD800  }
0xed: {  	[tilespmem:s23], [sflag:$0x2] =	stream.indirect.gather @!p3 [hbm4b:s1+s0], $0x30, s4, s0, $0xb8;
	[tilespmem:$0x17800] =	vst v63  }
0xee: {  	s4 =	simm.s32 @!p3 $0x2  }
0xef: {  	_ =	swait.ge @!p3 [sflag:s4], $0x6000  }
0xf0: {  	[sflag:s4] =	ssyncset.done @!p3 $0x0  }
0xf1: {  	[sflag:s4] =	ssyncadd.s32 @!p3 $0xFFFFA000;
	s4 =	simm.s32 @!p3 $0x17600  }
0xf2: {  	[spmem:s3] =	stream.indirect.scatter.add.f32 @!p3 [tilespmem:s23], [sflag:$0x4], $0x30, s4, s0, $0xb8;
	[tilespmem:$0x17800] =	vst v63  }
0xf3: {  	s0 =	simm.s32 @!p2 $0x3  }
0xf4: {  	_ =	swait.ge @!p2 [sflag:s0], $0x6000  }
0xf5: {  	[sflag:s0] =	ssyncset.done @!p2 $0x0  }
0xf6: {  	[sflag:s0] =	ssyncadd.s32 @!p2 $0xFFFFA000;
	s0 =	simm.s32 @!p1 $0x5  }
0xf7: {  	_ =	swait.ge @!p1 [sflag:s0], $0x1000  }
0xf8: {  	[sflag:s0] =	ssyncset.done @!p1 $0x0  }
0xf9: {  	s4 =	simm.s32 @!p1 $0x7800;
	[sflag:s0] =	ssyncadd.s32 @!p1 $0xFFFFF000;
	s0 =	simm.s32 @!p1 $0x200  }
0xfa: {  	[tilespmem:s4], [sflag:$0x1] =	stream.indirect.gather @!p1 [hbm4b:s1+s0], $0x30, s9, s0, $0xb8;
	[tilespmem:$0x17800] =	vst v63  }
0xfb: {  	p1 =	por p0, p0  }
.Ltmp1:
0xfc: {  	_ = 	snop;
	(pc) =	sbr.rel @p1 .LBB2_4-.Ltmp1, $2  }
0xfd: {  	_ =	sdelay $0x2  }
0xfe: {  	s24 =	simm.s32 $0x10;
	p0 =	por $0x0, $0x0  }
0xff: {  	s0 =	stileid.u32;
	[bflag:$0x0] =	sbarrier.arrive $0xFFFF  }
0x100: {  	s0 =	sshll.u32 s0, $0x6;
	s4 =	rddreg [dreg:$0x7]  }
0x101: {  	s24 =	simm.s32 $0x9;
	s9 =	rddreg [dreg:$0xa];
	s0 =	sor.u32 $0x1C09, s0  }
0x102: {  	[hbm:s4], [sflag:s0] =	dma.local [spmem:s9], $0xF00  }
0x103: {  	_ =	swait.ge [sflag:s24], $0xF00  }
0x104: {  	s23 =	rddreg [dreg:$0x4]  }
0x105: {  	s25 =	rddreg [dreg:$0x8];
	s23 =	sadd.s32 $0x1, s23  }
0x106: {  	p0 =	sne.s32 s23, s25  }
.Ltmp2:
0x107: {  	_ = 	snop;
	(pc) =	sbr.rel @p0 .LBB2_1-.Ltmp2, $3  }
0x108: {  	_ =	sdelay $0x1  }
0x109: {  	[sflag:s24] =	ssyncset.done $0x0  }
0x10a: {  	[sflag:s24] =	ssyncadd.s32 $0xFFFFF100;
	s25 =	simm.s32 $0x7800  }
0x10b: {  	_ =	sfence.sel $0x180000  }
0x10c: {  	[bflag:$0x0] =	sbarrier.arrive $0xFFFF  }
0x10d: {  	_ =	strace $0x9000004D  }
0x10e: {  	s0 =	stileid.u32;
	[bflag:$0x2] =	sbarrier.arrive $0xFFFF  }
0x10f: {  	p0 =	sne.s32 s0, $0x0;
	s0 =	rddreg [dreg:$0x3]  }
0x110: {  	s0 =	sadd.s32 @!p0 $0x100000, s0  }
0x111: {  	[sflag:s0] =	ssyncadd.tile.s32 @!p0 $0x1;
	_ =	shalt  }
.Lfunc_end2:
_tile_overlayer_lowered:
.L_overlay_start_2:
0x112: {  	(tag) =	ssettag $0x2  }
0x113: {  	s0 =	rddreg [dreg:$0x0];
	s2 =	stileid.u32  }
0x114: {  	s1 =	rddreg [dreg:$0x1];
	p0 =	sne.s32 s2, $0x0  }
0x115: {  	s3 =	rddreg [dreg:$0x2];
	[bflag:$0x3] =	sbarrier.arrive $0xFFFF;
	s2 =	simm.s32 @!p0 $0x1C09  }
0x116: {  	[timem:s3], [sflag:s2] =	dma.local @!p0 [hbm:s0], s1  }
0x117: {  	s0 =	simm.s32 @!p0 $0x9  }
0x118: {  	_ =	swait.ge @!p0 [sflag:s0], s1  }
0x119: {  	s1 =	ssub.s32 @!p0 $0x0, s1;
	[sflag:s0] =	ssyncset.done @!p0 $0x0  }
0x11a: {  	[sflag:s0] =	ssyncadd.s32 @!p0 s1  }
0x11b: {  	[bflag:$0x3] =	sbarrier.arrive $0xFFFF  }
0x11c: {  	_ =	shalt  }

// kernel: kernel.8.cloned.1.call-start
scs
__scs_entry_jumppad:
0x0: {  	(pc) =	sbr.rel $0x88, $3  }
0x1: {  	(tag) =	ssettag $0x0;
	lr =	simm.s32 $0x1  }
0x2: {  	[smem:$0x3F99] =	sst lr;
	_ =	strace $0xD0000000  }
0x3: {  	_ = 	snop  }
0x4: {  	_ = 	snop  }
0x5: {  	_ = 	snop  }
0x6: {  	_ = 	snop  }
0x7: {  	_ = 	snop  }
__scs_overlays_trampoline_lowered:
0x8: {  	[smem:$0x3FA8] =	sst s0  }
0x9: {  	[smem:$0x3FA9] =	sst s1  }
0xa: {  	[smem:$0x3FAA] =	sst s2  }
0xb: {  	[smem:$0x3FAB] =	sst s3  }
0xc: {  	[smem:$0x3FAC] =	sst s4  }
0xd: {  	[smem:$0x3FAD] =	sst s5  }
0xe: {  	[smem:$0x3FAE] =	sst s6  }
0xf: {  	[smem:$0x3FAF] =	sst s7  }
0x10: {  	[smem:$0x3FB0] =	sst s8  }
0x11: {  	[smem:$0x3FB1] =	sst s9;
	s0 =	simm.s32 @!p0 $0x0  }
0x12: {  	s1 =	sld [smem:$0x3F97];
	s0 =	simm.s32 @p0 $0x1  }
0x13: {  	[smem:$0x3FB2] =	sst s0;
	s0 =	simm.s32 @!p1 $0x0  }
0x14: {  	s2 =	sld [smem:$0x3F96];
	s0 =	simm.s32 @p1 $0x1  }
0x15: {  	[smem:$0x3FB3] =	sst s0;
	s0 =	simm.s32 @!p2 $0x0  }
0x16: {  	s3 =	sld [smem:$0x3FDB];
	s0 =	simm.s32 @p2 $0x1  }
0x17: {  	s4 =	simm.s32 $0x1BF5;
	[smem:$0x3FB5] =	sst s0  }
0x18: {  	s0 =	sld [smem:$0x3F98];
	_ =	swait.ge [sflag:s4], $0x0  }
0x19: {  	s7 =	sld [smem:$0x3F99]  }
0x1a: {  	s8 =	sadd.s32 $0xFFFFE003, lr  }
0x1b: {  	s9 =	sadd.s32 $0xFFFFFEF7, lr;
	s5 =	simm.s32 $0xFFFFFFFF;
	p2 =	slt.u32 s8, $0xFFFFF086  }
0x1c: {  	p1 =	slt.u32 s9, $0xF7A;
	s5 =	simm.s32 @!p2 $0x0  }
0x1d: {  	s5 =	simm.s32 @p1 $0x1;
	p0 =	seq.s32 s7, s2  }
0x1e: {  	s7 =	smul.u32 @!p0 $0xF7A, s2;
	p2 =	seq.s32 @!p0 s5, $0x0  }
0x1f: {  	s9 =	smul.u32 $0xF7A, s1;
	s8 =	simm.s32 @!p0 $0x1BF5;
	p2 =	por !p2, p0  }
0x20: {  	[sflag:s8] =	ssyncset.s32 @!p0 $0xFFFFF086;
	s6 =	sadd.s32 @!p0 s3, s7;
	s7 =	simm.s32 @!p0 $0x108  }
0x21: {  	s3 =	sadd.s32 s3, s9;
	s6 =	sadd.s32 @!p0 $0x88, s6;
	s7 =	simm.s32 @p2 $0x1082  }
0x22: {  	[simem:s7], [sflag:s8] =	dma.local @!p0 [hbm:s6], $0xF7A  }
0x23: {  	s9 =	sor.u32 $0xD0000000, s2;
	s6 =	simm.s32 $0x108;
	_ =	swait.ge @!p0 [sflag:s8], $0x0  }
0x24: {  	s3 =	sadd.s32 $0x88, s3;
	s6 =	simm.s32 @!p1 $0x1082;
	[sflag:s4] =	ssyncset.s32 $0xFFFFF086  }
0x25: {  	[simem:s6], [sflag:s4] =	dma.local [hbm:s3], $0xF7A  }
0x26: {  	[smem:$0x3F99] =	sst s1;
	(tag) =	ssettag s2;
	_ =	strace s9  }
0x27: {  	s1 =	sld [smem:$0x3FA9]  }
0x28: {  	s2 =	sld [smem:$0x3FAA]  }
0x29: {  	s4 =	sld [smem:$0x3FAC]  }
0x2a: {  	p0 =	seq.s32 s5, $0x0;
	s5 =	sld [smem:$0x3FAD]  }
0x2b: {  	s6 =	sld [smem:$0x3FAE]  }
0x2c: {  	s7 =	sld [smem:$0x3FAF]  }
0x2d: {  	s3 =	simm.s32 $0x108;
	s8 =	sld [smem:$0x3FB0]  }
0x2e: {  	s3 =	simm.s32 @!p0 $0x1082;
	s9 =	sld [smem:$0x3FB1]  }
0x2f: {  	lr =	sadd.s32 s0, s3;
	s0 =	sld [smem:$0x3FA8]  }
0x30: {  	s3 =	sld [smem:$0x3FAB]  }
0x31: {  	[smem:$0x3FB4] =	sst s10  }
0x32: {  	s10 =	sld [smem:$0x3FB2];
	_ =	sdelay $0x3  }
0x33: {  	p0 =	seq.s32 s10, $0x1;
	s10 =	sld [smem:$0x3FB4];
	_ =	sdelay $0x3  }
0x34: {  	[smem:$0x3FB4] =	sst s10  }
0x35: {  	s10 =	sld [smem:$0x3FB3];
	_ =	sdelay $0x3  }
0x36: {  	p1 =	seq.s32 s10, $0x1;
	s10 =	sld [smem:$0x3FB4];
	_ =	sdelay $0x3  }
0x37: {  	[smem:$0x3FB4] =	sst s10  }
0x38: {  	s10 =	sld [smem:$0x3FB5]  }
0x39: {  	_ = 	snop;
	(pc) =	sbr.ind lr, $3  }
0x3a: {  	_ = 	snop  }
0x3b: {  	_ = 	snop  }
0x3c: {  	p2 =	seq.s32 s10, $0x1;
	s10 =	sld [smem:$0x3FB4]  }
0x3d: {  	_ =	shalt  }
0x3e: {  	_ =	shalt  }
0x3f: {  	_ =	shalt  }
0x40: {  	_ =	shalt  }
0x41: {  	_ =	shalt  }
0x42: {  	_ =	shalt  }
0x43: {  	_ =	shalt  }
0x44: {  	_ =	shalt  }
0x45: {  	_ =	shalt  }
0x46: {  	_ =	shalt  }
0x47: {  	_ =	shalt  }
0x48: {  	_ =	shalt  }
0x49: {  	_ =	shalt  }
0x4a: {  	_ =	shalt  }
0x4b: {  	_ =	shalt  }
0x4c: {  	_ =	shalt  }
0x4d: {  	_ =	shalt  }
0x4e: {  	_ =	shalt  }
0x4f: {  	_ =	shalt  }
0x50: {  	_ =	shalt  }
0x51: {  	_ =	shalt  }
0x52: {  	_ =	shalt  }
0x53: {  	_ =	shalt  }
0x54: {  	_ =	shalt  }
0x55: {  	_ =	shalt  }
0x56: {  	_ =	shalt  }
0x57: {  	_ =	shalt  }
0x58: {  	_ =	shalt  }
0x59: {  	_ =	shalt  }
0x5a: {  	_ =	shalt  }
0x5b: {  	_ =	shalt  }
0x5c: {  	_ =	shalt  }
0x5d: {  	_ =	shalt  }
0x5e: {  	_ =	shalt  }
0x5f: {  	_ =	shalt  }
0x60: {  	_ =	shalt  }
0x61: {  	_ =	shalt  }
0x62: {  	_ =	shalt  }
0x63: {  	_ =	shalt  }
0x64: {  	_ =	shalt  }
0x65: {  	_ =	shalt  }
0x66: {  	_ =	shalt  }
0x67: {  	_ =	shalt  }
0x68: {  	_ =	shalt  }
0x69: {  	_ =	shalt  }
0x6a: {  	_ =	shalt  }
0x6b: {  	_ =	shalt  }
0x6c: {  	_ =	shalt  }
0x6d: {  	_ =	shalt  }
0x6e: {  	_ =	shalt  }
0x6f: {  	_ =	shalt  }
0x70: {  	_ =	shalt  }
0x71: {  	_ =	shalt  }
0x72: {  	_ =	shalt  }
0x73: {  	_ =	shalt  }
0x74: {  	_ =	shalt  }
0x75: {  	_ =	shalt  }
0x76: {  	_ =	shalt  }
0x77: {  	_ =	shalt  }
0x78: {  	_ =	shalt  }
0x79: {  	_ =	shalt  }
0x7a: {  	_ =	shalt  }
0x7b: {  	_ =	shalt  }
0x7c: {  	_ =	shalt  }
0x7d: {  	_ =	shalt  }
0x7e: {  	_ =	shalt  }
0x7f: {  	_ =	shalt  }
0x80: {  	_ =	shalt  }
0x81: {  	_ =	shalt  }
0x82: {  	_ =	shalt  }
0x83: {  	_ =	shalt  }
0x84: {  	_ =	shalt  }
0x85: {  	_ =	shalt  }
0x86: {  	_ =	shalt  }
0x87: {  	_ =	shalt  }
.Lfunc_end0:
.L_simem_size_0:
called_computation_lowered:
.L_overlay_start_0:
0x88: {  	s2 =	sld [smem:$0x3FD9]  }
0x89: {  	s3 =	sld [smem:$0x3FFE];
	_ =	sdelay $0x1  }
0x8a: {  	s1 =	srdreg.scid  }
0x8b: {  	s0 =	sand.u32 $0x1, s1  }
0x8c: {  	s17 =	sshll.u32 s0, $0xA;
	s2 =	sadd.s32 s3, s2  }
0x8d: {  	s2 =	sadd.s32 s2, s17  }
0x8e: {  	[smem:$0x3FC0] =	sst s2  }
0x8f: {  	_ = 	snop  }
0x90: {  	s2 =	sld [smem:$0x3FD0];
	(tm) =	ssettm $0x1  }
0x91: {  	s18 =	sld [smem:$0x3FFB];
	_ =	sdelay $0x3  }
0x92: {  	_ =	strace s18  }
0x93: {  	s3 =	sld [smem:$0x3FFC];
	_ =	sdelay $0x3  }
0x94: {  	_ =	strace s3  }
0x95: {  	s3 =	sld [smem:$0x3FFD];
	_ =	sdelay $0x3  }
0x96: {  	_ =	strace s3  }
0x97: {  	_ =	strace $0x8FFFFFFF  }
0x98: {  	s19 =	sld [smem:$0x3FDB];
	_ =	sdelay $0x1  }
0x99: {  	s4 =	simm.s32 $_scs_section_size  }
0x9a: {  	s5 =	simm.s32 $_size__tile_overlayer_lowered;
	s6 =	simm.s32 $_tile_overlayer_lowered  }
0x9b: {  	s22 =	simm.s32 $0x1BFF;
	s21 =	sshll.u32 s6, $0x1;
	s3 =	sadd.s32 s4, s19  }
0x9c: {  	s7 =	simm.s32 $0x0;
	s20 =	sshll.u32 s5, $0x1;
	s5 =	sadd.s32 s21, s3  }
0x9d: {  	[timem:s7], [sflag:s22] =	dma.local [hbm:s5], s20  }
0x9e: {  	_ =	swait.ge [sflag:s22], s20  }
0x9f: {  	s4 =	ssub.s32 $0x0, s20;
	[sflag:s22] =	ssyncset.done $0x0  }
0xa0: {  	[sflag:s22] =	ssyncadd.s32 s4;
	_ =	sdelay $0x1  }
0xa1: {  	s23 =	simm.s32 $0x1B8B  }
0xa2: {  	_ =	swait.ge [sflag:s23], $0x1  }
0xa3: {  	[sflag:s23] =	ssyncset.done $0x0  }
0xa4: {  	s25 =	simm.s32 $0x1B8E;
	s24 =	sld [smem:$0x3FFE];
	[sflag:s23] =	ssyncadd.s32 $0xFFFFFFFF  }
0xa5: {  	s26 =	simm.s32 $execute0_lowered;
	[smem:$0x3FD2] =	sst s25  }
0xa6: {  	s5 =	sshll.u32 s26, $0x1;
	_ =	strace $0x80000046;
	[dreg:$0x1] =	wrdreg $0xFFFFFFFF  }
0xa7: {  	s28 =	simm.s32 $_size_execute0_lowered;
	s3 =	sadd.s32 s3, s5;
	[dreg:$0x0] =	wrdreg $0x0  }
0xa8: {  	s5 =	sshll.u32 s28, $0x1;
	[dreg:$0x2] =	wrdreg s3  }
0xa9: {  	[dreg:$0x3] =	wrdreg s5  }
0xaa: {  	[dreg:$0x4] =	wrdreg $0xC0  }
0xab: {  	_ =	task [dreg:s7], $0x5FFFF  }
0xac: {  	[dreg:$0x1] =	wrdreg $0xFFFFFFFF  }
0xad: {  	[dreg:$0x0] =	wrdreg $0x60  }
0xae: {  	[dreg:$0x2] =	wrdreg s24  }
0xaf: {  	[dreg:$0x3] =	wrdreg s2  }
0xb0: {  	[dreg:$0x4] =	wrdreg $0x0  }
0xb1: {  	[dreg:$0x5] =	wrdreg $0x9  }
0xb2: {  	_ =	task.clear_ibuf [dreg:s7], $0x6FFFF;
	_ =	strace $0x90000046  }
0xb3: {  	s29 =	simm.s32 $0x9;
	_ =	strace $0x80000048  }
0xb4: {  	_ =	swait.ge [sflag:s29], $0x1  }
0xb5: {  	[sflag:s29] =	ssyncadd.s32 $0xFFFFFFFF  }
0xb6: {  	_ =	strace $0x90000048  }
0xb7: {  	_ =	sfence  }
0xb8: {  	s30 =	sld [smem:$0x0];
	_ =	sdelay $0x2  }
0xb9: {  	s31 =	sshll.u32 s1, $0xD;
	s1 =	sshrl.u32 s1, $0x2  }
0xba: {  	s3 =	sand.u32 $0x4000, s31;
	s1 =	sadd.s32 s1, s30  }
0xbb: {  	s0 =	sor.u32 s3, s0;
	s1 =	sshll.u32 s1, $0x11  }
0xbc: {  	s0 =	sor.u32 s1, s0  }
0xbd: {  	s0 =	sadd.s32 $0x8F2B, s0  }
0xbe: {  	[sflag:s0] =	ssyncadd.remote.s32 $0x1  }
0xbf: {  	_ =	sfence.sel $0xFFFF  }
0xc0: {  	[dreg:$0x0] =	wrdreg $0xFFFFFFFF;
	(pc) =	sbr.abs _section_cstart, $3  }
0xc1: {  	[dreg:$0x1] =	wrdreg $0xFFFFFFFF  }
0xc2: {  	_ =	task.clear_ibuf [dreg:s7], $0x2FFFF;
	_ =	strace $0x9FFFFFFF  }
0xc3: {  	(tm) =	ssettm $0x7FFFFFFF  }
tec
execute0_lowered:
.L_overlay_start_1:
0x0: {  	(tag) =	ssettag $0x1  }
0x1: {  	s0 =	rddreg [dreg:$0x0]  }
0x2: {  	s2 =	rddreg [dreg:$0x1]  }
0x3: {  	s1 =	rddreg [dreg:$0x2]  }
0x4: {  	s3 =	srdreg.scid;
	s5 =	simm.s32 $0x0;
	s11 =	stileid.u32  }
0x5: {  	s15 =	simm.s32 $0x2800;
	s16 =	simm.s32 $0xD;
	s26 =	smul.u32 $0xA000, s11  }
0x6: {  	s17 =	simm.s32 $0x4800;
	s3 =	sand.u32 $0x1, s3;
	s28 =	smul.u32 $0x13, s11  }
0x7: {  	s18 =	simm.s32 $0x4A00;
	[smem:$0x7FF] =	sst s5;
	s9 =	smul.u32 $0x130, s3  }
0x8: {  	s4 =	sshll.u32 s3, $0x4;
	s24 =	ssub.s32 $0x2, s3;
	s3 =	smul.u32 $0x28000, s3  }
0x9: {  	_ =	strace $0x80000047;
	s6 =	sor.u32 s11, s4;
	s11 =	smul.u32 $0x2800, s11  }
0xa: {  	s7 =	sshrl.u32 s24, $0x1;
	s4 =	sadd.s32 $0x2800, s0;
	s8 =	smul.u32 $0x13, s6  }
0xb: {  	s25 =	ssub.s32 s24, s7;
	p0 =	slt.u32 s6, $0x11;
	s7 =	sshrl.u32 s26, $0x2  }
0xc: {  	s10 =	smin.u32 s6, $0x11;
	s9 =	sadd.s32 s28, s9;
	s6 =	sadd.s32 s7, s1  }
0xd: {  	s3 =	sadd.s32 s11, s3;
	s0 =	smax.u32 s25, $0x1;
	s8 =	sadd.s32 s10, s8  }
0xe: {  	s3 =	sshrl.u32 s3, $0x3;
	[dreg:$0xf] =	wrdreg s0;
	s24 =	sadd.s32 $0x800, s6  }
0xf: {  	s26 =	sadd.s32 $0x1000, s6;
	s8 =	sshll.u32 s8, $0x7;
	[dreg:$0x10] =	wrdreg s24  }
0x10: {  	s2 =	sadd.s32 s2, s3;
	[dreg:$0x11] =	wrdreg s26;
	s29 =	sadd.s32 s8, s4  }
0x11: {  	s30 =	sadd.s32 s10, s9;
	[dreg:$0xe] =	wrdreg s2;
	s31 =	sadd.s32 $0x40, s29  }
0x12: {  	s8 =	sshll.u32 s30, $0x7;
	s7 =	sadd.s32 $0xC0, s29;
	[dreg:$0xc] =	wrdreg s31  }
0x13: {  	s19 =	simm.s32 $0x5;
	s10 =	sadd.s32 $0x3C0, s8;
	[dreg:$0xd] =	wrdreg s7  }
0x14: {  	s20 =	simm.s32 $0x200;
	s12 =	sadd.s32 $0x340, s8;
	[dreg:$0x4] =	wrdreg s10  }
0x15: {  	s21 =	simm.s32 $0x6;
	s22 =	sadd.s32 $0x2C0, s8;
	[dreg:$0x5] =	wrdreg s12  }
0x16: {  	s5 =	simm.s32 $0x14;
	s23 =	sadd.s32 $0x240, s8;
	[dreg:$0x6] =	wrdreg s22  }
0x17: {  	s5 =	simm.s32 @!p0 $0x13;
	s25 =	sadd.s32 $0x1C0, s8;
	[dreg:$0x7] =	wrdreg s23  }
0x18: {  	s13 =	sadd.s32 s11, s1;
	s29 =	sadd.s32 $0x1800, s6;
	[dreg:$0x8] =	wrdreg s25  }
0x19: {  	s14 =	sadd.s32 $0x2000, s6;
	s28 =	sadd.s32 $0x140, s8;
	[dreg:$0x12] =	wrdreg s29  }
0x1a: {  	s24 =	sshrl.u32 s13, $0x3;
	s30 =	sadd.s32 $0x440, s8;
	[dreg:$0x9] =	wrdreg s28  }
0x1b: {  	[dreg:$0xa] =	wrdreg s30;
	s31 =	sadd.s32 $0x4C0, s8;
	s22 =	simm.s32 $0x1  }
0x1c: {  	v0 =	vimm.f32 $0.0e+00;
	v1 =	vimm.f32 $1.000000000e+00;
	s23 =	simm.s32 $0x2;
	s25 =	simm.s32 $0x0;
	[dreg:$0xb] =	wrdreg s31  }
.LBB2_1:
0x1d: {  	s0 =	simm.s32 $0x40;
	s2 =	simm.s32 $0x0  }
.LBB2_2:
0x1e: {  	p0 =	sne.s32 s0, $0x1FC0;
	[tilespmem:s2+$0x2800] =	vst v0;
	s2 =	smov.u32 s0;
	s0 =	sadd.s32 $0x40, s0  }
.Ltmp0:
0x1f: {  	(pc) =	sbr.rel @p0 .LBB2_2-.Ltmp0, $2  }
0x20: {  	_ =	sdelay $0x2  }
0x21: {  	s2 =	sshra.s32 s2, $0x2  }
0x22: {  	[tilespmem:s2+$0x2800] =	vst v0  }
0x23: {  	[spmem:s6] =	stream.linear.scatter [tilespmem:s15], [sflag:$0xD], $0x800, $0x38;
	[tilespmem:$0x5800] =	vst v63  }
0x24: {  	_ =	swait.ge [sflag:s16], $0x800  }
0x25: {  	[sflag:s16] =	ssyncset.done $0x0  }
0x26: {  	s0 =	rddreg [dreg:$0x10];
	[sflag:s16] =	ssyncadd.s32 $0xFFFFF800  }
0x27: {  	[spmem:s0] =	stream.linear.scatter [tilespmem:s15], [sflag:$0xD], $0x800, $0x38;
	[tilespmem:$0x5800] =	vst v63  }
0x28: {  	_ =	swait.ge [sflag:s16], $0x800  }
0x29: {  	[sflag:s16] =	ssyncset.done $0x0  }
0x2a: {  	s30 =	rddreg [dreg:$0x11];
	[sflag:s16] =	ssyncadd.s32 $0xFFFFF800  }
0x2b: {  	[spmem:s30] =	stream.linear.scatter [tilespmem:s15], [sflag:$0xD], $0x800, $0x38;
	[tilespmem:$0x5800] =	vst v63  }
0x2c: {  	_ =	swait.ge [sflag:s16], $0x800  }
0x2d: {  	[sflag:s16] =	ssyncset.done $0x0  }
0x2e: {  	s31 =	rddreg [dreg:$0x12];
	[sflag:s16] =	ssyncadd.s32 $0xFFFFF800  }
0x2f: {  	[spmem:s31] =	stream.linear.scatter [tilespmem:s15], [sflag:$0xD], $0x800, $0x38;
	[tilespmem:$0x5800] =	vst v63  }
0x30: {  	_ =	swait.ge [sflag:s16], $0x800  }
0x31: {  	[sflag:s16] =	ssyncset.done $0x0  }
0x32: {  	[sflag:s16] =	ssyncadd.s32 $0xFFFFF800  }
0x33: {  	[spmem:s14] =	stream.linear.scatter [tilespmem:s15], [sflag:$0xD], $0x800, $0x38;
	[tilespmem:$0x5800] =	vst v63  }
0x34: {  	_ =	swait.ge [sflag:s16], $0x800  }
0x35: {  	[sflag:s16] =	ssyncset.done $0x0  }
0x36: {  	s2 =	simm.s32 $0x0;
	s0 =	simm.s32 $0x40;
	[sflag:s16] =	ssyncadd.s32 $0xFFFFF800  }
.LBB2_4:
0x37: {  	p0 =	sne.s32 s0, $0x7FC0;
	[tilespmem:s2+$0x2800] =	vst v1;
	s2 =	smov.u32 s0;
	s0 =	sadd.s32 $0x40, s0  }
.Ltmp1:
0x38: {  	(pc) =	sbr.rel @p0 .LBB2_4-.Ltmp1, $2  }
0x39: {  	_ =	sdelay $0x2  }
0x3a: {  	s2 =	sshra.s32 s2, $0x2  }
0x3b: {  	[tilespmem:s2+$0x2800] =	vst v1  }
0x3c: {  	[bflag:$0x0] =	sbarrier.arrive $0xFFFF  }
0x3d: {  	s0 =	simm.s32 $0x0;
	p0 =	por $0x1, $0x1;
	s26 =	rddreg [dreg:$0xc]  }
0x3e: {  	[tilespmem:s17], [sflag:$0x5] =	stream.linear.gather [hbm4b:s26+s0], $0x200, $0x38;
	[tilespmem:$0x5800] =	vst v63  }
0x3f: {  	p2 =	por p0, p0;
	s31 =	rddreg [dreg:$0xd]  }
0x40: {  	[tilespmem:s18], [sflag:$0x6] =	stream.linear.gather [hbm4b:s31+s0], $0x200, $0x38;
	[tilespmem:$0x5800] =	vst v63  }
0x41: {  	s0 =	simm.s32 @!p2 $0x1  }
0x42: {  	_ =	swait.ge @!p2 [sflag:s0], $0x2000  }
0x43: {  	[sflag:s0] =	ssyncset.done @!p2 $0x0  }
0x44: {  	[sflag:s0] =	ssyncadd.s32 @!p2 $0xFFFFE000  }
0x45: {  	_ =	swait.ge [sflag:s19], $0x200  }
0x46: {  	p0 =	sle.u32 s5, $0x2;
	[sflag:s19] =	ssyncset.done $0x0  }
0x47: {  	s2 =	simm.s32 @!p2 $0x2;
	s0 =	rddreg [dreg:$0x9];
	[sflag:s19] =	ssyncadd.s32 $0xFFFFFE00  }
0x48: {  	[spmem:s1] =	stream.indirect.scatter.add.f32 [tilespmem:s15], [sflag:$0x1], $0x10, s17, s20, $0xb8;
	[tilespmem:$0x5800] =	vst v63  }
0x49: {  	s3 =	simm.s32 @!p0 $0x0;
	s7 =	simm.s32 @!p0 $0x4C00;
	s0 =	sadd.s32 @!p0 s4, s0  }
0x4a: {  	[tilespmem:s7], [sflag:$0x7] =	stream.linear.gather @!p0 [hbm4b:s0+s3], $0x200, $0x38;
	[tilespmem:$0x5800] =	vst v63  }
0x4b: {  	_ =	swait.ge @!p2 [sflag:s2], $0x2000  }
0x4c: {  	[sflag:s2] =	ssyncset.done @!p2 $0x0  }
0x4d: {  	[sflag:s2] =	ssyncadd.s32 @!p2 $0xFFFFE000  }
0x4e: {  	_ =	swait.ge [sflag:s21], $0x200  }
0x4f: {  	p1 =	sle.u32 s5, $0x3;
	[sflag:s21] =	ssyncset.done $0x0  }
0x50: {  	s8 =	simm.s32 @!p2 $0x3;
	s0 =	rddreg [dreg:$0x8];
	[sflag:s21] =	ssyncadd.s32 $0xFFFFFE00  }
0x51: {  	[spmem:s1] =	stream.indirect.scatter.add.f32 [tilespmem:s15], [sflag:$0x2], $0x10, s18, s20, $0xb8;
	[tilespmem:$0x5800] =	vst v63  }
0x52: {  	s3 =	simm.s32 @!p1 $0x4E00;
	s2 =	simm.s32 @!p1 $0x0;
	s0 =	sadd.s32 @!p1 s4, s0  }
0x53: {  	[tilespmem:s3], [sflag:$0x8] =	stream.linear.gather @!p1 [hbm4b:s0+s2], $0x200, $0x38;
	[tilespmem:$0x5800] =	vst v63  }
0x54: {  	_ =	swait.ge @!p2 [sflag:s8], $0x2000  }
0x55: {  	[sflag:s8] =	ssyncset.done @!p2 $0x0  }
0x56: {  	s0 =	simm.s32 @!p0 $0x7;
	[sflag:s8] =	ssyncadd.s32 @!p2 $0xFFFFE000  }
0x57: {  	p3 =	sle.u32 s5, $0x4;
	_ =	swait.ge @!p0 [sflag:s0], $0x200  }
0x58: {  	s28 =	simm.s32 @!p3 $0x5000;
	s26 =	simm.s32 @!p0 $0x200;
	[sflag:s0] =	ssyncset.done @!p0 $0x0  }
0x59: {  	s2 =	simm.s32 @!p0 $0x2800;
	s8 =	rddreg [dreg:$0x7];
	[sflag:s0] =	ssyncadd.s32 @!p0 $0xFFFFFE00  }
0x5a: {  	[spmem:s1] =	stream.indirect.scatter.add.f32 @!p0 [tilespmem:s2], [sflag:$0x3], $0x10, s7, s26, $0xb8;
	[tilespmem:$0x5800] =	vst v63  }
0x5b: {  	s0 =	sadd.s32 @!p3 s4, s8;
	s2 =	simm.s32 @!p3 $0x0;
	s7 =	simm.s32 @!p2 $0x4  }
0x5c: {  	[tilespmem:s28], [sflag:$0x9] =	stream.linear.gather @!p3 [hbm4b:s0+s2], $0x200, $0x38;
	[tilespmem:$0x5800] =	vst v63  }
0x5d: {  	_ =	swait.ge @!p2 [sflag:s7], $0x2000  }
0x5e: {  	[sflag:s7] =	ssyncset.done @!p2 $0x0  }
0x5f: {  	s0 =	simm.s32 @!p1 $0x8;
	[sflag:s7] =	ssyncadd.s32 @!p2 $0xFFFFE000  }
0x60: {  	_ =	swait.ge @!p1 [sflag:s0], $0x200  }
0x61: {  	p5 =	sle.u32 s5, $0x5;
	s8 =	simm.s32 @!p1 $0x200;
	[sflag:s0] =	ssyncset.done @!p1 $0x0  }
0x62: {  	s2 =	simm.s32 @!p1 $0x2800;
	s7 =	rddreg [dreg:$0x6];
	[sflag:s0] =	ssyncadd.s32 @!p1 $0xFFFFFE00  }
0x63: {  	[spmem:s1] =	stream.indirect.scatter.add.f32 @!p1 [tilespmem:s2], [sflag:$0x4], $0x10, s3, s8, $0xb8;
	[tilespmem:$0x5800] =	vst v63  }
0x64: {  	s0 =	sadd.s32 @!p5 s4, s7;
	s2 =	simm.s32 @!p5 $0x0;
	s3 =	simm.s32 @!p5 $0x5200  }
0x65: {  	[tilespmem:s3], [sflag:$0xA] =	stream.linear.gather @!p5 [hbm4b:s0+s2], $0x200, $0x38;
	[tilespmem:$0x5800] =	vst v63  }
0x66: {  	_ =	swait.ge [sflag:s22], $0x2000  }
0x67: {  	[sflag:s22] =	ssyncset.done $0x0  }
0x68: {  	s0 =	simm.s32 @!p3 $0x9;
	[sflag:s22] =	ssyncadd.s32 $0xFFFFE000  }
0x69: {  	_ =	swait.ge @!p3 [sflag:s0], $0x200  }
0x6a: {  	p2 =	sle.u32 s5, $0x6;
	s8 =	simm.s32 @!p3 $0x2800;
	[sflag:s0] =	ssyncset.done @!p3 $0x0  }
0x6b: {  	s2 =	simm.s32 @!p3 $0x200;
	s7 =	rddreg [dreg:$0x5];
	[sflag:s0] =	ssyncadd.s32 @!p3 $0xFFFFFE00  }
0x6c: {  	[spmem:s1] =	stream.indirect.scatter.add.f32 @!p3 [tilespmem:s8], [sflag:$0x1], $0x10, s28, s2, $0xb8;
	[tilespmem:$0x5800] =	vst v63  }
0x6d: {  	s0 =	simm.s32 @!p2 $0x0;
	s7 =	sadd.s32 @!p2 s4, s7;
	s2 =	simm.s32 @!p2 $0x5400  }
0x6e: {  	[tilespmem:s2], [sflag:$0xB] =	stream.linear.gather @!p2 [hbm4b:s7+s0], $0x200, $0x38;
	[tilespmem:$0x5800] =	vst v63  }
0x6f: {  	_ =	swait.ge [sflag:s23], $0x2000  }
0x70: {  	[sflag:s23] =	ssyncset.done $0x0  }
0x71: {  	s0 =	simm.s32 @!p5 $0xA;
	[sflag:s23] =	ssyncadd.s32 $0xFFFFE000  }
0x72: {  	p4 =	sle.u32 s5, $0x7;
	_ =	swait.ge @!p5 [sflag:s0], $0x200  }
0x73: {  	s8 =	simm.s32 @!p5 $0x200;
	s28 =	simm.s32 @!p0 $0x3;
	[sflag:s0] =	ssyncset.done @!p5 $0x0  }
0x74: {  	s7 =	simm.s32 @!p5 $0x2800;
	s26 =	rddreg [dreg:$0x4];
	[sflag:s0] =	ssyncadd.s32 @!p5 $0xFFFFFE00  }
0x75: {  	[spmem:s1] =	stream.indirect.scatter.add.f32 @!p5 [tilespmem:s7], [sflag:$0x2], $0x10, s3, s8, $0xb8;
	[tilespmem:$0x5800] =	vst v63  }
0x76: {  	s0 =	simm.s32 @!p4 $0x5600;
	s3 =	simm.s32 @!p4 $0x0;
	s7 =	sadd.s32 @!p4 s4, s26  }
0x77: {  	[tilespmem:s0], [sflag:$0xC] =	stream.linear.gather @!p4 [hbm4b:s7+s3], $0x200, $0x38;
	[tilespmem:$0x5800] =	vst v63  }
0x78: {  	p6 =	por $0x0, $0x0;
	_ =	swait.ge @!p0 [sflag:s28], $0x2000  }
0x79: {  	s29 =	simm.s32 $0x19;
	s30 =	simm.s32 @!p1 $0x4;
	[sflag:s28] =	ssyncset.done @!p0 $0x0  }
0x7a: {  	p3 =	sle.u32 s5, $0x8;
	s3 =	simm.s32 @!p2 $0xB;
	[sflag:s28] =	ssyncadd.s32 @!p0 $0xFFFFE000  }
0x7b: {  	s26 =	simm.s32 $0x11;
	s8 =	simm.s32 @!p2 $0x200;
	_ =	swait.ge @!p2 [sflag:s3], $0x200  }
0x7c: {  	s7 =	simm.s32 @!p2 $0x2800;
	p0 =	por p6, p6;
	[sflag:s3] =	ssyncset.done @!p2 $0x0  }
0x7d: {  	s28 =	rddreg [dreg:$0xa];
	[sflag:s3] =	ssyncadd.s32 @!p2 $0xFFFFFE00;
	s3 =	simm.s32 @!p3 $0x4800  }
0x7e: {  	[spmem:s1] =	stream.indirect.scatter.add.f32 @!p2 [tilespmem:s7], [sflag:$0x3], $0x10, s2, s8, $0xb8;
	[tilespmem:$0x5800] =	vst v63  }
0x7f: {  	s2 =	simm.s32 @!p3 $0x0;
	s7 =	sadd.s32 @!p3 s4, s28;
	s8 =	simm.s32 @!p4 $0xC  }
0x80: {  	[tilespmem:s3], [sflag:$0x5] =	stream.linear.gather @!p3 [hbm4b:s7+s2], $0x200, $0x38;
	[tilespmem:$0x5800] =	vst v63  }
0x81: {  	p2 =	sle.u32 s5, $0x9;
	s28 =	sadd.s32 $0x400, s4;
	_ =	swait.ge @!p1 [sflag:s30], $0x2000  }
0x82: {  	s2 =	simm.s32 @!p4 $0x200;
	s3 =	simm.s32 @!p4 $0x2800;
	[sflag:s30] =	ssyncset.done @!p1 $0x0  }
0x83: {  	s7 =	simm.s32 @!p0 $0x1;
	[sflag:s30] =	ssyncadd.s32 @!p1 $0xFFFFE000;
	s30 =	smov.u32 s4  }
.LBB2_6:
0x84: {  	_ =	swait.ge @!p4 [sflag:s8], $0x200  }
0x85: {  	[sflag:s8] =	ssyncset.done @!p4 $0x0  }
0x86: {  	s9 =	rddreg [dreg:$0xb];
	[sflag:s8] =	ssyncadd.s32 @!p4 $0xFFFFFE00  }
0x87: {  	[spmem:s1] =	stream.indirect.scatter.add.f32 @!p4 [tilespmem:s3], [sflag:$0x4], $0x10, s0, s2, $0xb8;
	[tilespmem:$0x5800] =	vst v63  }
0x88: {  	s10 =	simm.s32 @!p2 $0x4A00;
	s8 =	simm.s32 @!p2 $0x0;
	s0 =	sadd.s32 @!p2 s30, s9  }
0x89: {  	[tilespmem:s10], [sflag:$0x6] =	stream.linear.gather @!p2 [hbm4b:s0+s8], $0x200, $0x38;
	[tilespmem:$0x5800] =	vst v63  }
0x8a: {  	_ =	swait.ge @!p0 [sflag:s7], $0x2000  }
0x8b: {  	[sflag:s7] =	ssyncset.done @!p0 $0x0  }
0x8c: {  	[sflag:s7] =	ssyncadd.s32 @!p0 $0xFFFFE000  }
0x8d: {  	s31 =	smov.u32 s26;
	_ =	swait.ge [sflag:s19], $0x200  }
0x8e: {  	s10 =	sadd.s32 $0xFFFFFFF9, s31;
	s0 =	simm.s32 @!p0 $0x2;
	[sflag:s19] =	ssyncset.done $0x0  }
0x8f: {  	p3 =	sge.u32 s10, s5;
	s2 =	rddreg [dreg:$0x9];
	[sflag:s19] =	ssyncadd.s32 $0xFFFFFE00  }
0x90: {  	[spmem:s1] =	stream.indirect.scatter.add.f32 [tilespmem:s15], [sflag:$0x1], $0x10, s17, s20, $0xb8;
	[tilespmem:$0x5800] =	vst v63  }
0x91: {  	s3 =	simm.s32 @!p3 $0x0;
	s7 =	simm.s32 @!p3 $0x4C00;
	s2 =	sadd.s32 @!p3 s28, s2  }
0x92: {  	[tilespmem:s7], [sflag:$0x7] =	stream.linear.gather @!p3 [hbm4b:s2+s3], $0x200, $0x38;
	[tilespmem:$0x5800] =	vst v63  }
0x93: {  	_ =	swait.ge @!p0 [sflag:s0], $0x2000  }
0x94: {  	[sflag:s0] =	ssyncset.done @!p0 $0x0  }
0x95: {  	[sflag:s0] =	ssyncadd.s32 @!p0 $0xFFFFE000  }
0x96: {  	s11 =	sadd.s32 $0xFFFFFFFA, s31;
	_ =	swait.ge [sflag:s21], $0x200  }
0x97: {  	p2 =	sge.u32 s11, s5;
	[sflag:s21] =	ssyncset.done $0x0  }
0x98: {  	s8 =	simm.s32 @!p0 $0x3;
	s3 =	rddreg [dreg:$0x8];
	[sflag:s21] =	ssyncadd.s32 $0xFFFFFE00  }
0x99: {  	[spmem:s1] =	stream.indirect.scatter.add.f32 [tilespmem:s15], [sflag:$0x2], $0x10, s18, s20, $0xb8;
	[tilespmem:$0x5800] =	vst v63  }
0x9a: {  	s2 =	simm.s32 @!p2 $0x4E00;
	s0 =	simm.s32 @!p2 $0x0;
	s3 =	sadd.s32 @!p2 s28, s3  }
0x9b: {  	[tilespmem:s2], [sflag:$0x8] =	stream.linear.gather @!p2 [hbm4b:s3+s0], $0x200, $0x38;
	[tilespmem:$0x5800] =	vst v63  }
0x9c: {  	_ =	swait.ge @!p0 [sflag:s8], $0x2000  }
0x9d: {  	[sflag:s8] =	ssyncset.done @!p0 $0x0  }
0x9e: {  	s12 =	sadd.s32 $0xFFFFFFFB, s31;
	s9 =	simm.s32 @!p3 $0x7;
	[sflag:s8] =	ssyncadd.s32 @!p0 $0xFFFFE000  }
0x9f: {  	p4 =	sge.u32 s12, s5;
	_ =	swait.ge @!p3 [sflag:s9], $0x200  }
0xa0: {  	s10 =	simm.s32 @!p4 $0x5000;
	s0 =	simm.s32 @!p3 $0x2800;
	[sflag:s9] =	ssyncset.done @!p3 $0x0  }
0xa1: {  	s3 =	simm.s32 @!p3 $0x200;
	s8 =	rddreg [dreg:$0x7];
	[sflag:s9] =	ssyncadd.s32 @!p3 $0xFFFFFE00  }
0xa2: {  	[spmem:s1] =	stream.indirect.scatter.add.f32 @!p3 [tilespmem:s0], [sflag:$0x3], $0x10, s7, s3, $0xb8;
	[tilespmem:$0x5800] =	vst v63  }
0xa3: {  	s0 =	sadd.s32 @!p4 s28, s8;
	s3 =	simm.s32 @!p4 $0x0;
	s7 =	simm.s32 @!p0 $0x4  }
0xa4: {  	[tilespmem:s10], [sflag:$0x9] =	stream.linear.gather @!p4 [hbm4b:s0+s3], $0x200, $0x38;
	[tilespmem:$0x5800] =	vst v63  }
0xa5: {  	_ =	swait.ge @!p0 [sflag:s7], $0x2000  }
0xa6: {  	[sflag:s7] =	ssyncset.done @!p0 $0x0  }
0xa7: {  	s3 =	simm.s32 @!p2 $0x8;
	[sflag:s7] =	ssyncadd.s32 @!p0 $0xFFFFE000  }
0xa8: {  	s13 =	sadd.s32 $0xFFFFFFFC, s31;
	_ =	swait.ge @!p2 [sflag:s3], $0x200  }
0xa9: {  	p6 =	sge.u32 s13, s5;
	s0 =	simm.s32 @!p2 $0x2800;
	[sflag:s3] =	ssyncset.done @!p2 $0x0  }
0xaa: {  	s7 =	simm.s32 @!p2 $0x200;
	s9 =	rddreg [dreg:$0x6];
	[sflag:s3] =	ssyncadd.s32 @!p2 $0xFFFFFE00  }
0xab: {  	[spmem:s1] =	stream.indirect.scatter.add.f32 @!p2 [tilespmem:s0], [sflag:$0x4], $0x10, s2, s7, $0xb8;
	[tilespmem:$0x5800] =	vst v63  }
0xac: {  	s3 =	simm.s32 @!p6 $0x5200;
	s0 =	sadd.s32 @!p6 s28, s9;
	s2 =	simm.s32 @!p6 $0x0  }
0xad: {  	[tilespmem:s3], [sflag:$0xA] =	stream.linear.gather @!p6 [hbm4b:s0+s2], $0x200, $0x38;
	[tilespmem:$0x5800] =	vst v63  }
0xae: {  	_ =	swait.ge [sflag:s22], $0x2000  }
0xaf: {  	[sflag:s22] =	ssyncset.done $0x0  }
0xb0: {  	p5 =	seq.s32 s29, $0x9;
	s0 =	simm.s32 @!p4 $0x9;
	[sflag:s22] =	ssyncadd.s32 $0xFFFFE000  }
0xb1: {  	s11 =	sadd.s32 $0xFFFFFFFD, s31;
	s8 =	simm.s32 @!p4 $0x2800;
	_ =	swait.ge @!p4 [sflag:s0], $0x200  }
0xb2: {  	p0 =	por p5, p5;
	p5 =	sge.u32 s11, s5;
	[sflag:s0] =	ssyncset.done @!p4 $0x0  }
0xb3: {  	s7 =	simm.s32 @!p4 $0x200;
	[sflag:s0] =	ssyncadd.s32 @!p4 $0xFFFFFE00;
	s0 =	rddreg [dreg:$0x5]  }
0xb4: {  	[spmem:s1] =	stream.indirect.scatter.add.f32 @!p4 [tilespmem:s8], [sflag:$0x1], $0x10, s10, s7, $0xb8;
	[tilespmem:$0x5800] =	vst v63  }
0xb5: {  	s9 =	simm.s32 @!p5 $0x5400;
	s2 =	simm.s32 @!p5 $0x0;
	s0 =	sadd.s32 @!p5 s28, s0  }
0xb6: {  	[tilespmem:s9], [sflag:$0xB] =	stream.linear.gather @!p5 [hbm4b:s0+s2], $0x200, $0x38;
	[tilespmem:$0x5800] =	vst v63  }
0xb7: {  	_ =	swait.ge [sflag:s23], $0x2000  }
0xb8: {  	[sflag:s23] =	ssyncset.done $0x0  }
0xb9: {  	s0 =	simm.s32 @!p6 $0xA;
	[sflag:s23] =	ssyncadd.s32 $0xFFFFE000  }
0xba: {  	s12 =	sadd.s32 $0xFFFFFFFE, s31;
	s8 =	simm.s32 @!p6 $0x200;
	_ =	swait.ge @!p6 [sflag:s0], $0x200  }
0xbb: {  	s10 =	simm.s32 @!p3 $0x3;
	p4 =	sge.u32 s12, s5;
	[sflag:s0] =	ssyncset.done @!p6 $0x0  }
0xbc: {  	s2 =	simm.s32 @!p6 $0x2800;
	s7 =	rddreg [dreg:$0x4];
	[sflag:s0] =	ssyncadd.s32 @!p6 $0xFFFFFE00  }
0xbd: {  	[spmem:s1] =	stream.indirect.scatter.add.f32 @!p6 [tilespmem:s2], [sflag:$0x2], $0x10, s3, s8, $0xb8;
	[tilespmem:$0x5800] =	vst v63  }
0xbe: {  	s11 =	simm.s32 @!p4 $0x0;
	s0 =	simm.s32 @!p4 $0x5600;
	s7 =	sadd.s32 @!p4 s28, s7  }
0xbf: {  	[tilespmem:s0], [sflag:$0xC] =	stream.linear.gather @!p4 [hbm4b:s7+s11], $0x200, $0x38;
	[tilespmem:$0x5800] =	vst v63  }
0xc0: {  	s26 =	smov.u32 s29;
	s29 =	sadd.s32 $0x8, s29;
	_ =	swait.ge @!p3 [sflag:s10], $0x2000  }
0xc1: {  	p1 =	sne.s32 s29, $0x21;
	s13 =	sadd.s32 $0xFFFFFFFF, s31;
	[sflag:s10] =	ssyncset.done @!p3 $0x0  }
0xc2: {  	s30 =	smov.u32 s28;
	s7 =	simm.s32 @!p5 $0xB;
	[sflag:s10] =	ssyncadd.s32 @!p3 $0xFFFFE000  }
0xc3: {  	s12 =	simm.s32 @!p2 $0x4;
	s8 =	simm.s32 @!p5 $0x2800;
	_ =	swait.ge @!p5 [sflag:s7], $0x200  }
0xc4: {  	s11 =	simm.s32 @!p5 $0x200;
	p3 =	sge.u32 s13, s5;
	[sflag:s7] =	ssyncset.done @!p5 $0x0  }
0xc5: {  	s13 =	simm.s32 @!p3 $0x4800;
	s10 =	rddreg [dreg:$0xa];
	[sflag:s7] =	ssyncadd.s32 @!p5 $0xFFFFFE00  }
0xc6: {  	[spmem:s1] =	stream.indirect.scatter.add.f32 @!p5 [tilespmem:s8], [sflag:$0x3], $0x10, s9, s11, $0xb8;
	[tilespmem:$0x5800] =	vst v63  }
.Ltmp2:
0xc7: {  	s7 =	simm.s32 @!p3 $0x0;
	s8 =	sadd.s32 @!p3 s28, s10;
	(pc) =	sbr.rel @p1 .LBB2_6-.Ltmp2, $4  }
0xc8: {  	[tilespmem:s13], [sflag:$0x5] =	stream.linear.gather @!p3 [hbm4b:s8+s7], $0x200, $0x38;
	[tilespmem:$0x5800] =	vst v63  }
0xc9: {  	s2 =	simm.s32 @!p4 $0x200;
	s3 =	simm.s32 @!p4 $0x2800;
	_ =	swait.ge @!p2 [sflag:s12], $0x2000  }
0xca: {  	s28 =	sadd.s32 $0x400, s28;
	s8 =	simm.s32 @!p4 $0xC;
	[sflag:s12] =	ssyncset.done @!p2 $0x0  }
0xcb: {  	s7 =	simm.s32 @!p0 $0x1;
	[sflag:s12] =	ssyncadd.s32 @!p2 $0xFFFFE000;
	p2 =	sge.u32 s31, s5  }
0xcc: {  	_ =	swait.ge @!p4 [sflag:s8], $0x200  }
0xcd: {  	[sflag:s8] =	ssyncset.done @!p4 $0x0  }
0xce: {  	s9 =	rddreg [dreg:$0xb];
	[sflag:s8] =	ssyncadd.s32 @!p4 $0xFFFFFE00  }
0xcf: {  	[spmem:s1] =	stream.indirect.scatter.add.f32 @!p4 [tilespmem:s3], [sflag:$0x4], $0x10, s0, s2, $0xb8;
	[tilespmem:$0x5800] =	vst v63  }
0xd0: {  	s0 =	simm.s32 @!p2 $0x0;
	s2 =	sadd.s32 @!p2 s30, s9;
	s3 =	simm.s32 @!p2 $0x4A00  }
0xd1: {  	[tilespmem:s3], [sflag:$0x6] =	stream.linear.gather @!p2 [hbm4b:s2+s0], $0x200, $0x38;
	[tilespmem:$0x5800] =	vst v63  }
0xd2: {  	_ =	swait.ge @!p0 [sflag:s7], $0x2000  }
0xd3: {  	[sflag:s7] =	ssyncset.done @!p0 $0x0  }
0xd4: {  	[sflag:s7] =	ssyncadd.s32 @!p0 $0xFFFFE000  }
0xd5: {  	_ =	swait.ge [sflag:s19], $0x200  }
0xd6: {  	s0 =	simm.s32 @!p0 $0x2;
	s7 =	sadd.s32 $0xFFFFFFF9, s26;
	[sflag:s19] =	ssyncset.done $0x0  }
0xd7: {  	p2 =	sge.u32 s7, s5;
	s2 =	rddreg [dreg:$0x9];
	[sflag:s19] =	ssyncadd.s32 $0xFFFFFE00  }
0xd8: {  	[spmem:s1] =	stream.indirect.scatter.add.f32 [tilespmem:s15], [sflag:$0x1], $0x10, s17, s20, $0xb8;
	[tilespmem:$0x5800] =	vst v63  }
0xd9: {  	s3 =	simm.s32 @!p2 $0x0;
	s7 =	simm.s32 @!p2 $0x4C00;
	s2 =	sadd.s32 @!p2 s28, s2  }
0xda: {  	[tilespmem:s7], [sflag:$0x7] =	stream.linear.gather @!p2 [hbm4b:s2+s3], $0x200, $0x38;
	[tilespmem:$0x5800] =	vst v63  }
0xdb: {  	_ =	swait.ge @!p0 [sflag:s0], $0x2000  }
0xdc: {  	[sflag:s0] =	ssyncset.done @!p0 $0x0  }
0xdd: {  	[sflag:s0] =	ssyncadd.s32 @!p0 $0xFFFFE000  }
0xde: {  	_ =	swait.ge [sflag:s21], $0x200  }
0xdf: {  	s8 =	sadd.s32 $0xFFFFFFFA, s26;
	[sflag:s21] =	ssyncset.done $0x0  }
0xe0: {  	p1 =	sge.u32 s8, s5;
	s2 =	rddreg [dreg:$0x8];
	[sflag:s21] =	ssyncadd.s32 $0xFFFFFE00  }
0xe1: {  	[spmem:s1] =	stream.indirect.scatter.add.f32 [tilespmem:s15], [sflag:$0x2], $0x10, s18, s20, $0xb8;
	[tilespmem:$0x5800] =	vst v63  }
0xe2: {  	s3 =	simm.s32 @!p1 $0x4E00;
	s0 =	simm.s32 @!p1 $0x0;
	s2 =	sadd.s32 @!p1 s28, s2  }
0xe3: {  	[tilespmem:s3], [sflag:$0x8] =	stream.linear.gather @!p1 [hbm4b:s2+s0], $0x200, $0x38;
	[tilespmem:$0x5800] =	vst v63  }
0xe4: {  	s0 =	simm.s32 @!p0 $0x3  }
0xe5: {  	_ =	swait.ge @!p0 [sflag:s0], $0x2000  }
0xe6: {  	[sflag:s0] =	ssyncset.done @!p0 $0x0  }
0xe7: {  	s2 =	simm.s32 @!p2 $0x7;
	[sflag:s0] =	ssyncadd.s32 @!p0 $0xFFFFE000  }
0xe8: {  	_ =	swait.ge @!p2 [sflag:s2], $0x200  }
0xe9: {  	s9 =	sadd.s32 $0xFFFFFFFB, s26;
	[sflag:s2] =	ssyncset.done @!p2 $0x0  }
0xea: {  	s0 =	simm.s32 @!p2 $0x2800;
	[sflag:s2] =	ssyncadd.s32 @!p2 $0xFFFFFE00;
	s2 =	simm.s32 @!p2 $0x200  }
0xeb: {  	[spmem:s1] =	stream.indirect.scatter.add.f32 @!p2 [tilespmem:s0], [sflag:$0x3], $0x10, s7, s2, $0xb8;
	[tilespmem:$0x5800] =	vst v63  }
0xec: {  	p3 =	sge.u32 s9, s5;
	s0 =	rddreg [dreg:$0x7]  }
0xed: {  	s2 =	simm.s32 @!p3 $0x5000;
	s7 =	simm.s32 @!p3 $0x0;
	s0 =	sadd.s32 @!p3 s28, s0  }
0xee: {  	[tilespmem:s2], [sflag:$0x9] =	stream.linear.gather @!p3 [hbm4b:s0+s7], $0x200, $0x38;
	[tilespmem:$0x5800] =	vst v63  }
0xef: {  	s0 =	simm.s32 @!p0 $0x4  }
0xf0: {  	_ =	swait.ge @!p0 [sflag:s0], $0x2000  }
0xf1: {  	[sflag:s0] =	ssyncset.done @!p0 $0x0  }
0xf2: {  	[sflag:s0] =	ssyncadd.s32 @!p0 $0xFFFFE000;
	s0 =	simm.s32 @!p1 $0x8  }
0xf3: {  	_ =	swait.ge @!p1 [sflag:s0], $0x200  }
0xf4: {  	s10 =	sadd.s32 $0xFFFFFFFC, s26;
	[sflag:s0] =	ssyncset.done @!p1 $0x0  }
0xf5: {  	s7 =	simm.s32 @!p1 $0x2800;
	[sflag:s0] =	ssyncadd.s32 @!p1 $0xFFFFFE00;
	s0 =	simm.s32 @!p1 $0x200  }
0xf6: {  	[spmem:s1] =	stream.indirect.scatter.add.f32 @!p1 [tilespmem:s7], [sflag:$0x4], $0x10, s3, s0, $0xb8;
	[tilespmem:$0x5800] =	vst v63  }
0xf7: {  	p0 =	sge.u32 s10, s5;
	s0 =	rddreg [dreg:$0x6]  }
0xf8: {  	s3 =	simm.s32 @!p0 $0x0;
	s7 =	simm.s32 @!p0 $0x5200;
	s0 =	sadd.s32 @!p0 s28, s0  }
0xf9: {  	[tilespmem:s7], [sflag:$0xA] =	stream.linear.gather @!p0 [hbm4b:s0+s3], $0x200, $0x38;
	[tilespmem:$0x5800] =	vst v63  }
0xfa: {  	_ =	swait.ge [sflag:s22], $0x2000  }
0xfb: {  	[sflag:s22] =	ssyncset.done $0x0  }
0xfc: {  	s0 =	simm.s32 @!p3 $0x9;
	[sflag:s22] =	ssyncadd.s32 $0xFFFFE000  }
0xfd: {  	_ =	swait.ge @!p3 [sflag:s0], $0x200  }
0xfe: {  	s11 =	sadd.s32 $0xFFFFFFFD, s26;
	[sflag:s0] =	ssyncset.done @!p3 $0x0  }
0xff: {  	s3 =	simm.s32 @!p3 $0x200;
	[sflag:s0] =	ssyncadd.s32 @!p3 $0xFFFFFE00;
	s0 =	simm.s32 @!p3 $0x2800  }
0x100: {  	[spmem:s1] =	stream.indirect.scatter.add.f32 @!p3 [tilespmem:s0], [sflag:$0x1], $0x10, s2, s3, $0xb8;
	[tilespmem:$0x5800] =	vst v63  }
0x101: {  	s0 =	rddreg [dreg:$0x5];
	p3 =	sge.u32 s11, s5  }
0x102: {  	s2 =	simm.s32 @!p3 $0x0;
	s3 =	simm.s32 @!p3 $0x5400;
	s0 =	sadd.s32 @!p3 s28, s0  }
0x103: {  	[tilespmem:s3], [sflag:$0xB] =	stream.linear.gather @!p3 [hbm4b:s0+s2], $0x200, $0x38;
	[tilespmem:$0x5800] =	vst v63  }
0x104: {  	_ =	swait.ge [sflag:s23], $0x2000  }
0x105: {  	[sflag:s23] =	ssyncset.done $0x0  }
0x106: {  	s0 =	simm.s32 @!p0 $0xA;
	[sflag:s23] =	ssyncadd.s32 $0xFFFFE000  }
0x107: {  	_ =	swait.ge @!p0 [sflag:s0], $0x200  }
0x108: {  	s12 =	sadd.s32 $0xFFFFFFFE, s26;
	[sflag:s0] =	ssyncset.done @!p0 $0x0  }
0x109: {  	s2 =	simm.s32 @!p0 $0x2800;
	[sflag:s0] =	ssyncadd.s32 @!p0 $0xFFFFFE00;
	s0 =	simm.s32 @!p0 $0x200  }
0x10a: {  	[spmem:s1] =	stream.indirect.scatter.add.f32 @!p0 [tilespmem:s2], [sflag:$0x2], $0x10, s7, s0, $0xb8;
	[tilespmem:$0x5800] =	vst v63  }
0x10b: {  	s0 =	rddreg [dreg:$0x4];
	p0 =	sge.u32 s12, s5  }
0x10c: {  	s2 =	simm.s32 @!p0 $0x0;
	s7 =	simm.s32 @!p0 $0x5600;
	s0 =	sadd.s32 @!p0 s28, s0  }
0x10d: {  	[tilespmem:s7], [sflag:$0xC] =	stream.linear.gather @!p0 [hbm4b:s0+s2], $0x200, $0x38;
	[tilespmem:$0x5800] =	vst v63  }
0x10e: {  	s0 =	simm.s32 @!p2 $0x3  }
0x10f: {  	_ =	swait.ge @!p2 [sflag:s0], $0x2000  }
0x110: {  	[sflag:s0] =	ssyncset.done @!p2 $0x0  }
0x111: {  	s2 =	simm.s32 @!p3 $0xB;
	[sflag:s0] =	ssyncadd.s32 @!p2 $0xFFFFE000  }
0x112: {  	_ =	swait.ge @!p3 [sflag:s2], $0x200  }
0x113: {  	s13 =	sadd.s32 $0xFFFFFFFF, s26;
	[sflag:s2] =	ssyncset.done @!p3 $0x0  }
0x114: {  	s0 =	simm.s32 @!p3 $0x2800;
	[sflag:s2] =	ssyncadd.s32 @!p3 $0xFFFFFE00;
	s2 =	simm.s32 @!p3 $0x200  }
0x115: {  	[spmem:s1] =	stream.indirect.scatter.add.f32 @!p3 [tilespmem:s0], [sflag:$0x3], $0x10, s3, s2, $0xb8;
	[tilespmem:$0x5800] =	vst v63  }
0x116: {  	p2 =	sge.u32 s13, s5;
	s0 =	rddreg [dreg:$0xa]  }
0x117: {  	s2 =	simm.s32 @!p2 $0x0;
	s3 =	simm.s32 @!p2 $0x4800;
	s0 =	sadd.s32 @!p2 s28, s0  }
0x118: {  	[tilespmem:s3], [sflag:$0x5] =	stream.linear.gather @!p2 [hbm4b:s0+s2], $0x200, $0x38;
	[tilespmem:$0x5800] =	vst v63  }
0x119: {  	s0 =	simm.s32 @!p1 $0x4  }
0x11a: {  	_ =	swait.ge @!p1 [sflag:s0], $0x2000  }
0x11b: {  	[sflag:s0] =	ssyncset.done @!p1 $0x0  }
0x11c: {  	s2 =	simm.s32 @!p0 $0xC;
	[sflag:s0] =	ssyncadd.s32 @!p1 $0xFFFFE000  }
0x11d: {  	_ =	swait.ge @!p0 [sflag:s2], $0x200  }
0x11e: {  	[sflag:s2] =	ssyncset.done @!p0 $0x0  }
0x11f: {  	s3 =	simm.s32 @!p0 $0x2800;
	s0 =	simm.s32 @!p0 $0x200;
	[sflag:s2] =	ssyncadd.s32 @!p0 $0xFFFFFE00  }
0x120: {  	[spmem:s1] =	stream.indirect.scatter.add.f32 @!p0 [tilespmem:s3], [sflag:$0x4], $0x10, s7, s0, $0xb8;
	[tilespmem:$0x5800] =	vst v63  }
0x121: {  	s29 =	stileid.u32;
	s2 =	rddreg [dreg:$0xb];
	p0 =	sge.u32 s26, s5  }
0x122: {  	s0 =	simm.s32 @!p0 $0x0;
	s2 =	sadd.s32 @!p0 s28, s2;
	s3 =	simm.s32 @!p0 $0x4A00  }
0x123: {  	[tilespmem:s3], [sflag:$0x6] =	stream.linear.gather @!p0 [hbm4b:s2+s0], $0x200, $0x38;
	[tilespmem:$0x5800] =	vst v63  }
0x124: {  	s0 =	sshll.u32 s29, $0x6;
	[bflag:$0x0] =	sbarrier.arrive $0xFFFF  }
0x125: {  	s0 =	sor.u32 $0x1C0D, s0;
	s30 =	rddreg [dreg:$0xe]  }
0x126: {  	[hbm:s30], [sflag:s0] =	dma.local [spmem:s24], $0x500  }
0x127: {  	_ =	swait.ge [sflag:s16], $0x500  }
0x128: {  	s25 =	sadd.s32 $0x1, s25;
	s31 =	rddreg [dreg:$0xf]  }
0x129: {  	p0 =	sne.s32 s25, s31  }
.Ltmp3:
0x12a: {  	_ = 	snop;
	(pc) =	sbr.rel @p0 .LBB2_1-.Ltmp3, $3  }
0x12b: {  	_ =	sdelay $0x1  }
0x12c: {  	[sflag:s16] =	ssyncset.done $0x0  }
0x12d: {  	[sflag:s16] =	ssyncadd.s32 $0xFFFFFB00  }
0x12e: {  	_ =	sfence.sel $0x180000  }
0x12f: {  	[bflag:$0x0] =	sbarrier.arrive $0xFFFF  }
0x130: {  	_ =	strace $0x90000047  }
0x131: {  	s0 =	stileid.u32;
	[bflag:$0x2] =	sbarrier.arrive $0xFFFF  }
0x132: {  	p0 =	sne.s32 s0, $0x0;
	s0 =	rddreg [dreg:$0x3]  }
0x133: {  	s0 =	sadd.s32 @!p0 $0x100000, s0  }
0x134: {  	[sflag:s0] =	ssyncadd.tile.s32 @!p0 $0x1;
	_ =	shalt  }
.Lfunc_end2:
_tile_overlayer_lowered:
.L_overlay_start_2:
0x135: {  	(tag) =	ssettag $0x2  }
0x136: {  	s0 =	rddreg [dreg:$0x0];
	s2 =	stileid.u32  }
0x137: {  	s1 =	rddreg [dreg:$0x1];
	p0 =	sne.s32 s2, $0x0  }
0x138: {  	s3 =	rddreg [dreg:$0x2];
	[bflag:$0x3] =	sbarrier.arrive $0xFFFF;
	s2 =	simm.s32 @!p0 $0x1C0D  }
0x139: {  	[timem:s3], [sflag:s2] =	dma.local @!p0 [hbm:s0], s1  }
0x13a: {  	s0 =	simm.s32 @!p0 $0xD  }
0x13b: {  	_ =	swait.ge @!p0 [sflag:s0], s1  }
0x13c: {  	s1 =	ssub.s32 @!p0 $0x0, s1;
	[sflag:s0] =	ssyncset.done @!p0 $0x0  }
0x13d: {  	[sflag:s0] =	ssyncadd.s32 @!p0 s1  }
0x13e: {  	[bflag:$0x3] =	sbarrier.arrive $0xFFFF  }
0x13f: {  	_ =	shalt  }

</sc_bundles>
